<compile_context>
chip_gen: v7x
topology: tpu7x:2x2x1
jax: 0.10.2.dev20260603
libtpu: 0.0.44.dev20260713+nightly
codegen_flags: <defaults>
</compile_context>

<pallas_src>
import functools

import jax
import jax.numpy as jnp
from jax import lax
from jax.experimental import pallas as pl
from jax.experimental.pallas import tpu as pltpu
from jax.experimental.pallas import tpu_sc as plsc

N = 10000
E = 320000
D = 128

NC = 2
NS = 16
NW = NC * NS
EPT = E // NW
B = 80
NB = EPT // B
NPAD = 10240
RPT = NPAD // NS

_MESH = plsc.VectorSubcoreMesh(core_axis_name="c", subcore_axis_name="s")




@functools.partial(
    pl.kernel,
    out_type=jax.ShapeDtypeStruct((NW, NPAD), jnp.float32),
    mesh=_MESH,
    scratch_types=[
        pltpu.VMEM((NB, B), jnp.int32),
        pltpu.VMEM((NPAD,), jnp.float32),
    ],
    compiler_params=pltpu.CompilerParams(needs_layout_passes=False),
)
def _sc_degree(dst_hbm, zeros_hbm, out_hbm, dst_v, acc):
    c = lax.axis_index("c")
    s = lax.axis_index("s")
    wid = s * NC + c
    pltpu.sync_copy(zeros_hbm, acc)
    pltpu.sync_copy(dst_hbm.at[wid], dst_v)
    ones16 = jnp.full((16,), 1.0, jnp.float32)

    def body(m, carry):
        for r in range(B // 16):
            d16 = dst_v[m, pl.ds(r * 16, 16)]
            plsc.addupdate_scatter(acc, [d16], ones16)
        return carry

    lax.fori_loop(0, NB, body, 0)
    pltpu.sync_copy(acc, out_hbm.at[wid])


_NRING = 3


NCH = 5
CHB = NB // NCH


@functools.partial(
    pl.kernel,
    out_type=jax.ShapeDtypeStruct((NC, NPAD, D), jnp.float32),
    mesh=_MESH,
    scratch_types=(
        [pltpu.VMEM((CHB, B), jnp.int32) for _ in range(2)]
        + [pltpu.VMEM((B, D), jnp.float32) for _ in range(_NRING)]
        + [pltpu.SemaphoreType.DMA for _ in range(_NRING)]
        + [pltpu.VMEM_SHARED((NPAD, D), jnp.float32)]
    ),
)
def _sc_prop_rows(src_hbm, dst_hbm, tab_hbm, zeros_hbm, out_hbm, *refs):
    src_v, dst_v = refs[0], refs[1]
    bufs = refs[2:2 + _NRING]
    gsem = refs[2 + _NRING:2 + 2 * _NRING]
    acc = refs[2 + 2 * _NRING]
    c = lax.axis_index("c")
    s = lax.axis_index("s")
    wid = s * NC + c
    rows = pl.ds(s * RPT, RPT)

    @pl.when(c == 0)
    def _():
        pltpu.sync_copy(tab_hbm.at[rows], acc.at[rows])

    @pl.when(c != 0)
    def _():
        pltpu.sync_copy(zeros_hbm, acc.at[rows])

    plsc.subcore_barrier()

    dummy = tab_hbm.at[pl.ds(0, B)]

    def wait_g(r):
        pltpu.make_async_copy(dummy, bufs[r], gsem[r]).wait()

    def gath(j, r):
        pltpu.async_copy(tab_hbm.at[src_v.at[j]], bufs[r], gsem[r])

    def scat(j, r):
        pltpu.sync_copy(bufs[r], acc.at[dst_v.at[j]], add=True)

    for ch in range(NCH):
        pltpu.sync_copy(src_hbm.at[wid, ch], src_v)
        pltpu.sync_copy(dst_hbm.at[wid, ch], dst_v)
        gath(0, 0)
        gath(1, 1)

        def triple(m, carry):
            for r in range(3):
                j = 3 * m + r
                gath(j + 2, (r + 2) % 3)
                wait_g(r)
                scat(j, r)
            return carry

        lax.fori_loop(0, (CHB - 4) // 3, triple, 0)
        for j in range(CHB - 4, CHB):
            if j + 2 < CHB:
                gath(j + 2, (j + 2) % 3)
            wait_g(j % 3)
            scat(j, j % 3)
    plsc.subcore_barrier()
    pltpu.sync_copy(acc.at[rows], out_hbm.at[c, rows])


@functools.partial(
    pl.kernel,
    out_type=jax.ShapeDtypeStruct((NW, NPAD), jnp.float32),
    mesh=_MESH,
    scratch_types=[
        pltpu.VMEM((NB, B), jnp.int32),
        pltpu.VMEM((NB, B), jnp.int32),
        pltpu.VMEM((NPAD,), jnp.float32),
        pltpu.VMEM((NPAD,), jnp.float32),
    ],
    compiler_params=pltpu.CompilerParams(needs_layout_passes=False),
)
def _sc_prop_scalar(src_hbm, dst_hbm, tab_hbm, zeros_hbm, out_hbm,
                    src_v, dst_v, tab_v, acc):
    c = lax.axis_index("c")
    s = lax.axis_index("s")
    wid = s * NC + c
    pltpu.sync_copy(zeros_hbm, acc)
    pltpu.sync_copy(tab_hbm, tab_v)
    pltpu.sync_copy(src_hbm.at[wid], src_v)
    pltpu.sync_copy(dst_hbm.at[wid], dst_v)

    def body(m, carry):
        for r in range(B // 16):
            s16 = src_v[m, pl.ds(r * 16, 16)]
            d16 = dst_v[m, pl.ds(r * 16, 16)]
            vals = plsc.load_gather(tab_v, [s16])
            plsc.addupdate_scatter(acc, [d16], vals)
        return carry

    lax.fori_loop(0, NB, body, 0)
    pltpu.sync_copy(acc, out_hbm.at[wid])



_GRID = 20
_BR = NPAD // _GRID


def _col_sum(parts):
    ones = jnp.ones((NW, 1), jnp.float32)
    return lax.dot_general(parts, ones, (((0,), (0,)), ((), ())),
                           preferred_element_type=jnp.float32)


def _tc_mm1(x_ref, w1_ref, degp_ref, hn_ref, dinv_ref):
    deg = _col_sum(degp_ref[...]) + 1.0
    dinv = lax.rsqrt(deg)
    h = jnp.dot(x_ref[...], w1_ref[...], preferred_element_type=jnp.float32)
    hn_ref[...] = h * dinv
    dinv_ref[...] = dinv


def _tc_mid(accp_ref, dinv_ref, b1_ref, w2_ref, pn_ref):
    ssum = accp_ref[0] + accp_ref[1]
    out1 = jnp.maximum(ssum * dinv_ref[...] + b1_ref[...][None, :], 0.0)
    q = jnp.dot(out1, w2_ref[...], preferred_element_type=jnp.float32)
    pn_ref[...] = q * dinv_ref[...]


def _tc_out(acc2p_ref, pn_ref, dinv_ref, b2_ref, out_ref):
    s2 = _col_sum(acc2p_ref[...]) + pn_ref[...]
    out_ref[...] = jax.nn.sigmoid(s2 * dinv_ref[...] + b2_ref[...])


def kernel(x, edge_index, W1, b1, W2, b2):
    src = edge_index[0].astype(jnp.int32).reshape(NW, NB, B)
    dst = edge_index[1].astype(jnp.int32).reshape(NW, NB, B)
    x_pad = jnp.zeros((NPAD, D), jnp.float32).at[:N].set(x)
    zeros_big = jnp.zeros((RPT, D), jnp.float32)
    zeros_small = jnp.zeros((NPAD,), jnp.float32)

    degp = _sc_degree(dst, zeros_small)

    hn, dinv = pl.pallas_call(
        _tc_mm1,
        grid=(_GRID,),
        in_specs=[
            pl.BlockSpec((_BR, D), lambda i: (i, 0)),
            pl.BlockSpec((D, D), lambda i: (0, 0)),
            pl.BlockSpec((NW, _BR), lambda i: (0, i)),
        ],
        out_specs=[
            pl.BlockSpec((_BR, D), lambda i: (i, 0)),
            pl.BlockSpec((_BR, 1), lambda i: (i, 0)),
        ],
        out_shape=[
            jax.ShapeDtypeStruct((NPAD, D), jnp.float32),
            jax.ShapeDtypeStruct((NPAD, 1), jnp.float32),
        ],
    )(x_pad, W1, degp)

    accp = _sc_prop_rows(src.reshape(NW, NCH, CHB, B),
                         dst.reshape(NW, NCH, CHB, B), hn, zeros_big)

    pn = pl.pallas_call(
        _tc_mid,
        grid=(_GRID,),
        in_specs=[
            pl.BlockSpec((NC, _BR, D), lambda i: (0, i, 0)),
            pl.BlockSpec((_BR, 1), lambda i: (i, 0)),
            pl.BlockSpec((D,), lambda i: (0,)),
            pl.BlockSpec((D, 1), lambda i: (0, 0)),
        ],
        out_specs=pl.BlockSpec((_BR, 1), lambda i: (i, 0)),
        out_shape=jax.ShapeDtypeStruct((NPAD, 1), jnp.float32),
    )(accp, dinv, b1, W2)

    acc2p = _sc_prop_scalar(src, dst, pn.reshape(NPAD), zeros_small)

    out = pl.pallas_call(
        _tc_out,
        grid=(_GRID,),
        in_specs=[
            pl.BlockSpec((NW, _BR), lambda i: (0, i)),
            pl.BlockSpec((_BR, 1), lambda i: (i, 0)),
            pl.BlockSpec((_BR, 1), lambda i: (i, 0)),
            pl.BlockSpec((1,), lambda i: (0,)),
        ],
        out_specs=pl.BlockSpec((_BR, 1), lambda i: (i, 0)),
        out_shape=jax.ShapeDtypeStruct((NPAD, 1), jnp.float32),
    )(acc2p, pn, dinv, b2)

    return out[:N]

# --- scband reference (transcript-rebuilt; emitter-appended) ---
"""Pipeline reference for scband-gcn-41583873360051 (READ-ONLY COPY).

The authoritative reference and input builder live on the scoring server;
editing this copy changes nothing except your own understanding.
"""

import jax, jax.numpy as jnp
import numpy as np

N_NODES = 10000
N_EDGES = 320000
D_IN = 128
D_HID = 128
D_OUT = 1


def setup_inputs(seed: int = 0) -> dict:
    key = jax.random.key(seed)
    k1, k2, k3, k4, k5, k6 = jax.random.split(key, 6)
    x = jax.random.normal(k1, (N_NODES, D_IN), dtype=jnp.float32)
    edge_index = jax.random.randint(k2, (2, N_EDGES), 0, N_NODES, dtype=jnp.int64)
    # GCNConv layer 1 params (glorot-like init)
    W1 = jax.random.normal(k3, (D_IN, D_HID), dtype=jnp.float32) * (1.0 / np.sqrt(D_IN))
    b1 = jnp.zeros((D_HID,), dtype=jnp.float32)
    # GCNConv layer 2 params
    W2 = jax.random.normal(k4, (D_HID, D_OUT), dtype=jnp.float32) * (1.0 / np.sqrt(D_HID))
    b2 = jnp.zeros((D_OUT,), dtype=jnp.float32)
    return {"x": x, "edge_index": edge_index, "W1": W1, "b1": b1, "W2": W2, "b2": b2}


def gcn_conv(x, edge_index, W, b):
    # Faithful PyG GCNConv: add self-loops, symmetric normalization D^-1/2 A D^-1/2
    n = x.shape[0]
    loop = jnp.arange(n, dtype=edge_index.dtype)
    src = jnp.concatenate([edge_index[0], loop])
    dst = jnp.concatenate([edge_index[1], loop])
    deg = jnp.zeros((n,), dtype=x.dtype).at[dst].add(1.0)
    deg_inv_sqrt = jnp.where(deg > 0, 1.0 / jnp.sqrt(deg), 0.0)
    norm = deg_inv_sqrt[src] * deg_inv_sqrt[dst]
    h = x @ W
    msg = jnp.take(h, src, axis=0) * norm[:, None]
    out = jnp.zeros((n, W.shape[1]), dtype=x.dtype).at[dst].add(msg)
    return out + b


def reference(x, edge_index, W1, b1, W2, b2):
    h = gcn_conv(x, edge_index, W1, b1)
    h = jax.nn.relu(h)
    # nn.Dropout in eval mode is identity
    h = gcn_conv(h, edge_index, W2, b2)
    return jax.nn.sigmoid(h)

if __name__ == "__main__":
    import jax
    _d = setup_inputs()
    print(jax.jit(kernel)(*tuple(_d.values())))

</pallas_src>

<mosaic_0001>
#map = affine_map<(d0, d1) -> (0, 0, 0, 0)>
#map1 = affine_map<(d0, d1) -> (0, 0)>
#map2 = affine_map<(d0, d1) -> (0, 0, 0)>
module attributes {stable_mosaic.version = 14 : i64} {
  func.func @_sc_prop_rows(%arg0: i32, %arg1: i32, %arg2: memref<32x5x25x80xi32, #tpu.memory_space<hbm>>, %arg3: memref<32x5x25x80xi32, #tpu.memory_space<hbm>>, %arg4: memref<10240x128xf32, #tpu.memory_space<hbm>>, %arg5: memref<640x128xf32, #tpu.memory_space<hbm>>, %arg6: memref<2x10240x128xf32, #tpu.memory_space<hbm>>, %arg7: memref<25x80xi32, #tpu.memory_space<vmem>>, %arg8: memref<25x80xi32, #tpu.memory_space<vmem>>, %arg9: memref<80x128xf32, #tpu.memory_space<vmem>>, %arg10: memref<80x128xf32, #tpu.memory_space<vmem>>, %arg11: memref<80x128xf32, #tpu.memory_space<vmem>>, %arg12: memref<!tpu.dma_semaphore, #tpu.memory_space<semaphore_mem>>, %arg13: memref<!tpu.dma_semaphore, #tpu.memory_space<semaphore_mem>>, %arg14: memref<!tpu.dma_semaphore, #tpu.memory_space<semaphore_mem>>, %arg15: memref<10240x128xf32, #tpu.memory_space<vmem_shared>>) attributes {dimension_semantics = [#tpu.dimension_semantics<core_parallel>, #tpu.dimension_semantics<subcore_parallel>], iteration_bounds = array<i64: 2, 16>, scalar_prefetch = 0 : i64, scratch_operands = 9 : i64, tpu.core_type = #tpu.core_type<sc_vector_subcore>, window_params = [{transform_indices = #map}, {transform_indices = #map}, {transform_indices = #map1}, {transform_indices = #map1}, {transform_indices = #map2}]} {
    %mul3A = arith.constant 2 : i32
    %mul3A_0 = arith.muli %arg1, %mul3A : i32
    %add3A = arith.addi %mul3A_0, %arg0 : i32
    %mul3A_1 = arith.constant 640 : i32
    %mul3A_2 = arith.muli %arg1, %mul3A_1 : i32
    %eq3A = arith.constant 0 : i32
    %eq3A_3 = arith.cmpi eq, %arg0, %eq3A : i32
    %convert_element_type3A = arith.extui %eq3A_3 : i1 to i32
    %cond3A = arith.constant 0 : i32
    %cond3A_4 = arith.cmpi ne, %convert_element_type3A, %cond3A : i32
    scf.if %cond3A_4 {
      "tpu.region"() ({
        %run_scoped3A_326 = tpu.sem_alloc : memref<!tpu.dma_semaphore, #tpu.memory_space<semaphore_mem>>
        %dma_start3A_327 = arith.constant 0 : i32
        %dma_start3A_328 = tpu.memref_slice %arg15[%mul3A_2, %dma_start3A_327] : memref<10240x128xf32, #tpu.memory_space<vmem_shared>> -> memref<640x128xf32, #tpu.memory_space<vmem_shared>>
        %dma_start3A_329 = arith.constant 0 : i32
        %dma_start3A_330 = tpu.memref_slice %arg4[%mul3A_2, %dma_start3A_329] : memref<10240x128xf32, #tpu.memory_space<hbm>> -> memref<640x128xf32, #tpu.memory_space<hbm>>
        tpu.enqueue_dma source(%dma_start3A_330 : memref<640x128xf32, #tpu.memory_space<hbm>>) target(%dma_start3A_328 : memref<640x128xf32, #tpu.memory_space<vmem_shared>>) target_semaphore(%run_scoped3A_326 : memref<!tpu.dma_semaphore, #tpu.memory_space<semaphore_mem>>)
        %dma_wait3A_331 = arith.constant 0 : i32
        %dma_wait3A_332 = tpu.memref_slice %arg15[%mul3A_2, %dma_wait3A_331] : memref<10240x128xf32, #tpu.memory_space<vmem_shared>> -> memref<640x128xf32, #tpu.memory_space<vmem_shared>>
        %dma_wait3A_333 = arith.constant 0 : i32
        %dma_wait3A_334 = tpu.memref_slice %arg4[%mul3A_2, %dma_wait3A_333] : memref<10240x128xf32, #tpu.memory_space<hbm>> -> memref<640x128xf32, #tpu.memory_space<hbm>>
        tpu.wait_dma2 semaphore(%run_scoped3A_326 : memref<!tpu.dma_semaphore, #tpu.memory_space<semaphore_mem>>) src(%dma_wait3A_334 : memref<640x128xf32, #tpu.memory_space<hbm>>) dst(%dma_wait3A_332 : memref<640x128xf32, #tpu.memory_space<vmem_shared>>)
        tpu.yield
      }) : () -> ()
    } else {
    }
    %ne3A = arith.constant 0 : i32
    %ne3A_5 = arith.cmpi ne, %arg0, %ne3A : i32
    %convert_element_type3A_6 = arith.extui %ne3A_5 : i1 to i32
    %cond3A_7 = arith.constant 0 : i32
    %cond3A_8 = arith.cmpi ne, %convert_element_type3A_6, %cond3A_7 : i32
    scf.if %cond3A_8 {
      "tpu.region"() ({
        %run_scoped3A_326 = tpu.sem_alloc : memref<!tpu.dma_semaphore, #tpu.memory_space<semaphore_mem>>
        %dma_start3A_327 = arith.constant 0 : i32
        %dma_start3A_328 = tpu.memref_slice %arg15[%mul3A_2, %dma_start3A_327] : memref<10240x128xf32, #tpu.memory_space<vmem_shared>> -> memref<640x128xf32, #tpu.memory_space<vmem_shared>>
        tpu.enqueue_dma source(%arg5 : memref<640x128xf32, #tpu.memory_space<hbm>>) target(%dma_start3A_328 : memref<640x128xf32, #tpu.memory_space<vmem_shared>>) target_semaphore(%run_scoped3A_326 : memref<!tpu.dma_semaphore, #tpu.memory_space<semaphore_mem>>)
        %dma_wait3A_329 = arith.constant 0 : i32
        %dma_wait3A_330 = tpu.memref_slice %arg15[%mul3A_2, %dma_wait3A_329] : memref<10240x128xf32, #tpu.memory_space<vmem_shared>> -> memref<640x128xf32, #tpu.memory_space<vmem_shared>>
        tpu.wait_dma2 semaphore(%run_scoped3A_326 : memref<!tpu.dma_semaphore, #tpu.memory_space<semaphore_mem>>) src(%arg5 : memref<640x128xf32, #tpu.memory_space<hbm>>) dst(%dma_wait3A_330 : memref<640x128xf32, #tpu.memory_space<vmem_shared>>)
        tpu.yield
      }) : () -> ()
    } else {
    }
    %barrier3A = arith.constant 0 : index
    tpu.barrier barrier_id(%barrier3A)
    %run_scoped3A = arith.constant 0 : i32
    "tpu.region"() ({
      %run_scoped3A_326 = tpu.sem_alloc : memref<!tpu.dma_semaphore, #tpu.memory_space<semaphore_mem>>
      %dma_start3A_327 = arith.constant 0 : i32
      %dma_start3A_328 = arith.constant 0 : i32
      %dma_start3A_329 = tpu.memref_slice %arg2[%add3A, %run_scoped3A, %dma_start3A_327, %dma_start3A_328] : memref<32x5x25x80xi32, #tpu.memory_space<hbm>> -> memref<1x1x25x80xi32, #tpu.memory_space<hbm>>
      %dma_start3A_330 = tpu.memref_squeeze %dma_start3A_329 : memref<1x1x25x80xi32, #tpu.memory_space<hbm>> -> memref<25x80xi32, #tpu.memory_space<hbm>>
      %dma_start3A_331 = arith.constant 0 : i32
      %dma_start3A_332 = arith.constant 0 : i32
      %dma_start3A_333 = tpu.memref_slice %arg2[%add3A, %run_scoped3A, %dma_start3A_331, %dma_start3A_332] : memref<32x5x25x80xi32, #tpu.memory_space<hbm>> -> memref<1x1x25x80xi32, #tpu.memory_space<hbm>>
      %dma_start3A_334 = tpu.memref_squeeze %dma_start3A_333 : memref<1x1x25x80xi32, #tpu.memory_space<hbm>> -> memref<25x80xi32, #tpu.memory_space<hbm>>
      tpu.enqueue_dma source(%dma_start3A_334 : memref<25x80xi32, #tpu.memory_space<hbm>>) target(%arg7 : memref<25x80xi32, #tpu.memory_space<vmem>>) target_semaphore(%run_scoped3A_326 : memref<!tpu.dma_semaphore, #tpu.memory_space<semaphore_mem>>)
      %dma_wait3A_335 = arith.constant 0 : i32
      %dma_wait3A_336 = arith.constant 0 : i32
      %dma_wait3A_337 = tpu.memref_slice %arg2[%add3A, %run_scoped3A, %dma_wait3A_335, %dma_wait3A_336] : memref<32x5x25x80xi32, #tpu.memory_space<hbm>> -> memref<1x1x25x80xi32, #tpu.memory_space<hbm>>
      %dma_wait3A_338 = tpu.memref_squeeze %dma_wait3A_337 : memref<1x1x25x80xi32, #tpu.memory_space<hbm>> -> memref<25x80xi32, #tpu.memory_space<hbm>>
      %dma_wait3A_339 = arith.constant 0 : i32
      %dma_wait3A_340 = arith.constant 0 : i32
      %dma_wait3A_341 = tpu.memref_slice %arg2[%add3A, %run_scoped3A, %dma_wait3A_339, %dma_wait3A_340] : memref<32x5x25x80xi32, #tpu.memory_space<hbm>> -> memref<1x1x25x80xi32, #tpu.memory_space<hbm>>
      %dma_wait3A_342 = tpu.memref_squeeze %dma_wait3A_341 : memref<1x1x25x80xi32, #tpu.memory_space<hbm>> -> memref<25x80xi32, #tpu.memory_space<hbm>>
      tpu.wait_dma2 semaphore(%run_scoped3A_326 : memref<!tpu.dma_semaphore, #tpu.memory_space<semaphore_mem>>) src(%dma_wait3A_342 : memref<25x80xi32, #tpu.memory_space<hbm>>) dst(%arg7 : memref<25x80xi32, #tpu.memory_space<vmem>>)
      tpu.yield
    }) : () -> ()
    %run_scoped3A_9 = arith.constant 0 : i32
    "tpu.region"() ({
      %run_scoped3A_326 = tpu.sem_alloc : memref<!tpu.dma_semaphore, #tpu.memory_space<semaphore_mem>>
      %dma_start3A_327 = arith.constant 0 : i32
      %dma_start3A_328 = arith.constant 0 : i32
      %dma_start3A_329 = tpu.memref_slice %arg3[%add3A, %run_scoped3A_9, %dma_start3A_327, %dma_start3A_328] : memref<32x5x25x80xi32, #tpu.memory_space<hbm>> -> memref<1x1x25x80xi32, #tpu.memory_space<hbm>>
      %dma_start3A_330 = tpu.memref_squeeze %dma_start3A_329 : memref<1x1x25x80xi32, #tpu.memory_space<hbm>> -> memref<25x80xi32, #tpu.memory_space<hbm>>
      %dma_start3A_331 = arith.constant 0 : i32
      %dma_start3A_332 = arith.constant 0 : i32
      %dma_start3A_333 = tpu.memref_slice %arg3[%add3A, %run_scoped3A_9, %dma_start3A_331, %dma_start3A_332] : memref<32x5x25x80xi32, #tpu.memory_space<hbm>> -> memref<1x1x25x80xi32, #tpu.memory_space<hbm>>
      %dma_start3A_334 = tpu.memref_squeeze %dma_start3A_333 : memref<1x1x25x80xi32, #tpu.memory_space<hbm>> -> memref<25x80xi32, #tpu.memory_space<hbm>>
      tpu.enqueue_dma source(%dma_start3A_334 : memref<25x80xi32, #tpu.memory_space<hbm>>) target(%arg8 : memref<25x80xi32, #tpu.memory_space<vmem>>) target_semaphore(%run_scoped3A_326 : memref<!tpu.dma_semaphore, #tpu.memory_space<semaphore_mem>>)
      %dma_wait3A_335 = arith.constant 0 : i32
      %dma_wait3A_336 = arith.constant 0 : i32
      %dma_wait3A_337 = tpu.memref_slice %arg3[%add3A, %run_scoped3A_9, %dma_wait3A_335, %dma_wait3A_336] : memref<32x5x25x80xi32, #tpu.memory_space<hbm>> -> memref<1x1x25x80xi32, #tpu.memory_space<hbm>>
      %dma_wait3A_338 = tpu.memref_squeeze %dma_wait3A_337 : memref<1x1x25x80xi32, #tpu.memory_space<hbm>> -> memref<25x80xi32, #tpu.memory_space<hbm>>
      %dma_wait3A_339 = arith.constant 0 : i32
      %dma_wait3A_340 = arith.constant 0 : i32
      %dma_wait3A_341 = tpu.memref_slice %arg3[%add3A, %run_scoped3A_9, %dma_wait3A_339, %dma_wait3A_340] : memref<32x5x25x80xi32, #tpu.memory_space<hbm>> -> memref<1x1x25x80xi32, #tpu.memory_space<hbm>>
      %dma_wait3A_342 = tpu.memref_squeeze %dma_wait3A_341 : memref<1x1x25x80xi32, #tpu.memory_space<hbm>> -> memref<25x80xi32, #tpu.memory_space<hbm>>
      tpu.wait_dma2 semaphore(%run_scoped3A_326 : memref<!tpu.dma_semaphore, #tpu.memory_space<semaphore_mem>>) src(%dma_wait3A_342 : memref<25x80xi32, #tpu.memory_space<hbm>>) dst(%arg8 : memref<25x80xi32, #tpu.memory_space<vmem>>)
      tpu.yield
    }) : () -> ()
    %dma_start3A = arith.constant 0 : i32
    %dma_start3A_10 = arith.constant 0 : i32
    %dma_start3A_11 = tpu.memref_slice %arg7[%dma_start3A, %dma_start3A_10] : memref<25x80xi32, #tpu.memory_space<vmem>> -> memref<1x80xi32, #tpu.memory_space<vmem>>
    %dma_start3A_12 = tpu.memref_squeeze %dma_start3A_11 : memref<1x80xi32, #tpu.memory_space<vmem>> -> memref<80xi32, #tpu.memory_space<vmem>>
    %dma_start3A_13 = arith.constant 0 : i32
    %dma_start3A_14 = arith.constant 0 : i32
    %dma_start3A_15 = tpu.memref_slice %arg4[%dma_start3A_13, %dma_start3A_14] : memref<10240x128xf32, #tpu.memory_space<hbm>> -> memref<10240x128xf32, #tpu.memory_space<hbm>>
    tpu.enqueue_indirect_dma source(%dma_start3A_15 : memref<10240x128xf32, #tpu.memory_space<hbm>>) target(%arg9 : memref<80x128xf32, #tpu.memory_space<vmem>>) offsets(%dma_start3A_12 : memref<80xi32, #tpu.memory_space<vmem>>) semaphore(%arg12 : memref<!tpu.dma_semaphore, #tpu.memory_space<semaphore_mem>>)
    %dma_start3A_16 = arith.constant 1 : i32
    %dma_start3A_17 = arith.constant 0 : i32
    %dma_start3A_18 = tpu.memref_slice %arg7[%dma_start3A_16, %dma_start3A_17] : memref<25x80xi32, #tpu.memory_space<vmem>> -> memref<1x80xi32, #tpu.memory_space<vmem>>
    %dma_start3A_19 = tpu.memref_squeeze %dma_start3A_18 : memref<1x80xi32, #tpu.memory_space<vmem>> -> memref<80xi32, #tpu.memory_space<vmem>>
    %dma_start3A_20 = arith.constant 0 : i32
    %dma_start3A_21 = arith.constant 0 : i32
    %dma_start3A_22 = tpu.memref_slice %arg4[%dma_start3A_20, %dma_start3A_21] : memref<10240x128xf32, #tpu.memory_space<hbm>> -> memref<10240x128xf32, #tpu.memory_space<hbm>>
    tpu.enqueue_indirect_dma source(%dma_start3A_22 : memref<10240x128xf32, #tpu.memory_space<hbm>>) target(%arg10 : memref<80x128xf32, #tpu.memory_space<vmem>>) offsets(%dma_start3A_19 : memref<80xi32, #tpu.memory_space<vmem>>) semaphore(%arg13 : memref<!tpu.dma_semaphore, #tpu.memory_space<semaphore_mem>>)
    %scan3A = arith.constant 0 : i32
    %scan3A_23 = arith.constant 0 : i32
    %scan3A_24 = arith.constant 7 : i32
    %scan3A_25 = arith.addi %scan3A_23, %scan3A_24 : i32
    %scan3A_26 = arith.constant 1 : i32
    scf.for %scan3A_326 = %scan3A_23 to %scan3A_25 step %scan3A_26  : i32 {
      %mul3A_327 = arith.constant 3 : i32
      %mul3A_328 = arith.muli %mul3A_327, %scan3A_326 : i32
      %add3A_329 = arith.constant 0 : i32
      %add3A_330 = arith.addi %mul3A_328, %add3A_329 : i32
      %add3A_331 = arith.constant 2 : i32
      %add3A_332 = arith.addi %add3A_330, %add3A_331 : i32
      %dma_start3A_333 = arith.constant 0 : i32
      %dma_start3A_334 = tpu.memref_slice %arg7[%add3A_332, %dma_start3A_333] : memref<25x80xi32, #tpu.memory_space<vmem>> -> memref<1x80xi32, #tpu.memory_space<vmem>>
      %dma_start3A_335 = tpu.memref_squeeze %dma_start3A_334 : memref<1x80xi32, #tpu.memory_space<vmem>> -> memref<80xi32, #tpu.memory_space<vmem>>
      %dma_start3A_336 = arith.constant 0 : i32
      %dma_start3A_337 = arith.constant 0 : i32
      %dma_start3A_338 = tpu.memref_slice %arg4[%dma_start3A_336, %dma_start3A_337] : memref<10240x128xf32, #tpu.memory_space<hbm>> -> memref<10240x128xf32, #tpu.memory_space<hbm>>
      tpu.enqueue_indirect_dma source(%dma_start3A_338 : memref<10240x128xf32, #tpu.memory_space<hbm>>) target(%arg11 : memref<80x128xf32, #tpu.memory_space<vmem>>) offsets(%dma_start3A_335 : memref<80xi32, #tpu.memory_space<vmem>>) semaphore(%arg14 : memref<!tpu.dma_semaphore, #tpu.memory_space<semaphore_mem>>)
      %dma_wait3A_339 = arith.constant 0 : i32
      %dma_wait3A_340 = arith.constant 0 : i32
      %dma_wait3A_341 = tpu.memref_slice %arg4[%dma_wait3A_339, %dma_wait3A_340] : memref<10240x128xf32, #tpu.memory_space<hbm>> -> memref<80x128xf32, #tpu.memory_space<hbm>>
      %dma_wait3A_342 = arith.constant 0 : i32
      %dma_wait3A_343 = arith.constant 0 : i32
      %dma_wait3A_344 = tpu.memref_slice %arg4[%dma_wait3A_342, %dma_wait3A_343] : memref<10240x128xf32, #tpu.memory_space<hbm>> -> memref<80x128xf32, #tpu.memory_space<hbm>>
      tpu.wait_dma2 semaphore(%arg12 : memref<!tpu.dma_semaphore, #tpu.memory_space<semaphore_mem>>) src(%dma_wait3A_344 : memref<80x128xf32, #tpu.memory_space<hbm>>) dst(%arg9 : memref<80x128xf32, #tpu.memory_space<vmem>>)
      "tpu.region"() ({
        %run_scoped3A_381 = tpu.sem_alloc : memref<!tpu.dma_semaphore, #tpu.memory_space<semaphore_mem>>
        %dma_start3A_382 = arith.constant 0 : i32
        %dma_start3A_383 = tpu.memref_slice %arg8[%add3A_330, %dma_start3A_382] : memref<25x80xi32, #tpu.memory_space<vmem>> -> memref<1x80xi32, #tpu.memory_space<vmem>>
        %dma_start3A_384 = tpu.memref_squeeze %dma_start3A_383 : memref<1x80xi32, #tpu.memory_space<vmem>> -> memref<80xi32, #tpu.memory_space<vmem>>
        %dma_start3A_385 = arith.constant 0 : i32
        %dma_start3A_386 = arith.constant 0 : i32
        %dma_start3A_387 = tpu.memref_slice %arg15[%dma_start3A_385, %dma_start3A_386] : memref<10240x128xf32, #tpu.memory_space<vmem_shared>> -> memref<10240x128xf32, #tpu.memory_space<vmem_shared>>
        tpu.enqueue_indirect_dma source(%arg9 : memref<80x128xf32, #tpu.memory_space<vmem>>) target(%dma_start3A_387 : memref<10240x128xf32, #tpu.memory_space<vmem_shared>>) offsets(%dma_start3A_384 : memref<80xi32, #tpu.memory_space<vmem>>) semaphore(%run_scoped3A_381 : memref<!tpu.dma_semaphore, #tpu.memory_space<semaphore_mem>>) {add = true}
        %dma_wait3A_388 = arith.constant 0 : i32
        %dma_wait3A_389 = tpu.memref_slice %arg8[%add3A_330, %dma_wait3A_388] : memref<25x80xi32, #tpu.memory_space<vmem>> -> memref<1x80xi32, #tpu.memory_space<vmem>>
        %dma_wait3A_390 = tpu.memref_squeeze %dma_wait3A_389 : memref<1x80xi32, #tpu.memory_space<vmem>> -> memref<80xi32, #tpu.memory_space<vmem>>
        %dma_wait3A_391 = arith.constant 0 : i32
        %dma_wait3A_392 = arith.constant 0 : i32
        %dma_wait3A_393 = tpu.memref_slice %arg15[%dma_wait3A_391, %dma_wait3A_392] : memref<10240x128xf32, #tpu.memory_space<vmem_shared>> -> memref<10240x128xf32, #tpu.memory_space<vmem_shared>>
        tpu.wait_indirect_dma semaphore(%run_scoped3A_381 : memref<!tpu.dma_semaphore, #tpu.memory_space<semaphore_mem>>) src(%arg9 : memref<80x128xf32, #tpu.memory_space<vmem>>) dst(%dma_wait3A_393 : memref<10240x128xf32, #tpu.memory_space<vmem_shared>>)
        tpu.yield
      }) : () -> ()
      %mul3A_345 = arith.constant 3 : i32
      %mul3A_346 = arith.muli %mul3A_345, %scan3A_326 : i32
      %add3A_347 = arith.constant 1 : i32
      %add3A_348 = arith.addi %mul3A_346, %add3A_347 : i32
      %add3A_349 = arith.constant 2 : i32
      %add3A_350 = arith.addi %add3A_348, %add3A_349 : i32
      %dma_start3A_351 = arith.constant 0 : i32
      %dma_start3A_352 = tpu.memref_slice %arg7[%add3A_350, %dma_start3A_351] : memref<25x80xi32, #tpu.memory_space<vmem>> -> memref<1x80xi32, #tpu.memory_space<vmem>>
      %dma_start3A_353 = tpu.memref_squeeze %dma_start3A_352 : memref<1x80xi32, #tpu.memory_space<vmem>> -> memref<80xi32, #tpu.memory_space<vmem>>
      %dma_start3A_354 = arith.constant 0 : i32
      %dma_start3A_355 = arith.constant 0 : i32
      %dma_start3A_356 = tpu.memref_slice %arg4[%dma_start3A_354, %dma_start3A_355] : memref<10240x128xf32, #tpu.memory_space<hbm>> -> memref<10240x128xf32, #tpu.memory_space<hbm>>
      tpu.enqueue_indirect_dma source(%dma_start3A_356 : memref<10240x128xf32, #tpu.memory_space<hbm>>) target(%arg9 : memref<80x128xf32, #tpu.memory_space<vmem>>) offsets(%dma_start3A_353 : memref<80xi32, #tpu.memory_space<vmem>>) semaphore(%arg12 : memref<!tpu.dma_semaphore, #tpu.memory_space<semaphore_mem>>)
      %dma_wait3A_357 = arith.constant 0 : i32
      %dma_wait3A_358 = arith.constant 0 : i32
      %dma_wait3A_359 = tpu.memref_slice %arg4[%dma_wait3A_357, %dma_wait3A_358] : memref<10240x128xf32, #tpu.memory_space<hbm>> -> memref<80x128xf32, #tpu.memory_space<hbm>>
      %dma_wait3A_360 = arith.constant 0 : i32
      %dma_wait3A_361 = arith.constant 0 : i32
      %dma_wait3A_362 = tpu.memref_slice %arg4[%dma_wait3A_360, %dma_wait3A_361] : memref<10240x128xf32, #tpu.memory_space<hbm>> -> memref<80x128xf32, #tpu.memory_space<hbm>>
      tpu.wait_dma2 semaphore(%arg13 : memref<!tpu.dma_semaphore, #tpu.memory_space<semaphore_mem>>) src(%dma_wait3A_362 : memref<80x128xf32, #tpu.memory_space<hbm>>) dst(%arg10 : memref<80x128xf32, #tpu.memory_space<vmem>>)
      "tpu.region"() ({
        %run_scoped3A_381 = tpu.sem_alloc : memref<!tpu.dma_semaphore, #tpu.memory_space<semaphore_mem>>
        %dma_start3A_382 = arith.constant 0 : i32
        %dma_start3A_383 = tpu.memref_slice %arg8[%add3A_348, %dma_start3A_382] : memref<25x80xi32, #tpu.memory_space<vmem>> -> memref<1x80xi32, #tpu.memory_space<vmem>>
        %dma_start3A_384 = tpu.memref_squeeze %dma_start3A_383 : memref<1x80xi32, #tpu.memory_space<vmem>> -> memref<80xi32, #tpu.memory_space<vmem>>
        %dma_start3A_385 = arith.constant 0 : i32
        %dma_start3A_386 = arith.constant 0 : i32
        %dma_start3A_387 = tpu.memref_slice %arg15[%dma_start3A_385, %dma_start3A_386] : memref<10240x128xf32, #tpu.memory_space<vmem_shared>> -> memref<10240x128xf32, #tpu.memory_space<vmem_shared>>
        tpu.enqueue_indirect_dma source(%arg10 : memref<80x128xf32, #tpu.memory_space<vmem>>) target(%dma_start3A_387 : memref<10240x128xf32, #tpu.memory_space<vmem_shared>>) offsets(%dma_start3A_384 : memref<80xi32, #tpu.memory_space<vmem>>) semaphore(%run_scoped3A_381 : memref<!tpu.dma_semaphore, #tpu.memory_space<semaphore_mem>>) {add = true}
        %dma_wait3A_388 = arith.constant 0 : i32
        %dma_wait3A_389 = tpu.memref_slice %arg8[%add3A_348, %dma_wait3A_388] : memref<25x80xi32, #tpu.memory_space<vmem>> -> memref<1x80xi32, #tpu.memory_space<vmem>>
        %dma_wait3A_390 = tpu.memref_squeeze %dma_wait3A_389 : memref<1x80xi32, #tpu.memory_space<vmem>> -> memref<80xi32, #tpu.memory_space<vmem>>
        %dma_wait3A_391 = arith.constant 0 : i32
        %dma_wait3A_392 = arith.constant 0 : i32
        %dma_wait3A_393 = tpu.memref_slice %arg15[%dma_wait3A_391, %dma_wait3A_392] : memref<10240x128xf32, #tpu.memory_space<vmem_shared>> -> memref<10240x128xf32, #tpu.memory_space<vmem_shared>>
        tpu.wait_indirect_dma semaphore(%run_scoped3A_381 : memref<!tpu.dma_semaphore, #tpu.memory_space<semaphore_mem>>) src(%arg10 : memref<80x128xf32, #tpu.memory_space<vmem>>) dst(%dma_wait3A_393 : memref<10240x128xf32, #tpu.memory_space<vmem_shared>>)
        tpu.yield
      }) : () -> ()
      %mul3A_363 = arith.constant 3 : i32
      %mul3A_364 = arith.muli %mul3A_363, %scan3A_326 : i32
      %add3A_365 = arith.constant 2 : i32
      %add3A_366 = arith.addi %mul3A_364, %add3A_365 : i32
      %add3A_367 = arith.constant 2 : i32
      %add3A_368 = arith.addi %add3A_366, %add3A_367 : i32
      %dma_start3A_369 = arith.constant 0 : i32
      %dma_start3A_370 = tpu.memref_slice %arg7[%add3A_368, %dma_start3A_369] : memref<25x80xi32, #tpu.memory_space<vmem>> -> memref<1x80xi32, #tpu.memory_space<vmem>>
      %dma_start3A_371 = tpu.memref_squeeze %dma_start3A_370 : memref<1x80xi32, #tpu.memory_space<vmem>> -> memref<80xi32, #tpu.memory_space<vmem>>
      %dma_start3A_372 = arith.constant 0 : i32
      %dma_start3A_373 = arith.constant 0 : i32
      %dma_start3A_374 = tpu.memref_slice %arg4[%dma_start3A_372, %dma_start3A_373] : memref<10240x128xf32, #tpu.memory_space<hbm>> -> memref<10240x128xf32, #tpu.memory_space<hbm>>
      tpu.enqueue_indirect_dma source(%dma_start3A_374 : memref<10240x128xf32, #tpu.memory_space<hbm>>) target(%arg10 : memref<80x128xf32, #tpu.memory_space<vmem>>) offsets(%dma_start3A_371 : memref<80xi32, #tpu.memory_space<vmem>>) semaphore(%arg13 : memref<!tpu.dma_semaphore, #tpu.memory_space<semaphore_mem>>)
      %dma_wait3A_375 = arith.constant 0 : i32
      %dma_wait3A_376 = arith.constant 0 : i32
      %dma_wait3A_377 = tpu.memref_slice %arg4[%dma_wait3A_375, %dma_wait3A_376] : memref<10240x128xf32, #tpu.memory_space<hbm>> -> memref<80x128xf32, #tpu.memory_space<hbm>>
      %dma_wait3A_378 = arith.constant 0 : i32
      %dma_wait3A_379 = arith.constant 0 : i32
      %dma_wait3A_380 = tpu.memref_slice %arg4[%dma_wait3A_378, %dma_wait3A_379] : memref<10240x128xf32, #tpu.memory_space<hbm>> -> memref<80x128xf32, #tpu.memory_space<hbm>>
      tpu.wait_dma2 semaphore(%arg14 : memref<!tpu.dma_semaphore, #tpu.memory_space<semaphore_mem>>) src(%dma_wait3A_380 : memref<80x128xf32, #tpu.memory_space<hbm>>) dst(%arg11 : memref<80x128xf32, #tpu.memory_space<vmem>>)
      "tpu.region"() ({
        %run_scoped3A_381 = tpu.sem_alloc : memref<!tpu.dma_semaphore, #tpu.memory_space<semaphore_mem>>
        %dma_start3A_382 = arith.constant 0 : i32
        %dma_start3A_383 = tpu.memref_slice %arg8[%add3A_366, %dma_start3A_382] : memref<25x80xi32, #tpu.memory_space<vmem>> -> memref<1x80xi32, #tpu.memory_space<vmem>>
        %dma_start3A_384 = tpu.memref_squeeze %dma_start3A_383 : memref<1x80xi32, #tpu.memory_space<vmem>> -> memref<80xi32, #tpu.memory_space<vmem>>
        %dma_start3A_385 = arith.constant 0 : i32
        %dma_start3A_386 = arith.constant 0 : i32
        %dma_start3A_387 = tpu.memref_slice %arg15[%dma_start3A_385, %dma_start3A_386] : memref<10240x128xf32, #tpu.memory_space<vmem_shared>> -> memref<10240x128xf32, #tpu.memory_space<vmem_shared>>
        tpu.enqueue_indirect_dma source(%arg11 : memref<80x128xf32, #tpu.memory_space<vmem>>) target(%dma_start3A_387 : memref<10240x128xf32, #tpu.memory_space<vmem_shared>>) offsets(%dma_start3A_384 : memref<80xi32, #tpu.memory_space<vmem>>) semaphore(%run_scoped3A_381 : memref<!tpu.dma_semaphore, #tpu.memory_space<semaphore_mem>>) {add = true}
        %dma_wait3A_388 = arith.constant 0 : i32
        %dma_wait3A_389 = tpu.memref_slice %arg8[%add3A_366, %dma_wait3A_388] : memref<25x80xi32, #tpu.memory_space<vmem>> -> memref<1x80xi32, #tpu.memory_space<vmem>>
        %dma_wait3A_390 = tpu.memref_squeeze %dma_wait3A_389 : memref<1x80xi32, #tpu.memory_space<vmem>> -> memref<80xi32, #tpu.memory_space<vmem>>
        %dma_wait3A_391 = arith.constant 0 : i32
        %dma_wait3A_392 = arith.constant 0 : i32
        %dma_wait3A_393 = tpu.memref_slice %arg15[%dma_wait3A_391, %dma_wait3A_392] : memref<10240x128xf32, #tpu.memory_space<vmem_shared>> -> memref<10240x128xf32, #tpu.memory_space<vmem_shared>>
        tpu.wait_indirect_dma semaphore(%run_scoped3A_381 : memref<!tpu.dma_semaphore, #tpu.memory_space<semaphore_mem>>) src(%arg11 : memref<80x128xf32, #tpu.memory_space<vmem>>) dst(%dma_wait3A_393 : memref<10240x128xf32, #tpu.memory_space<vmem_shared>>)
        tpu.yield
      }) : () -> ()
    }
    %scan3A_27 = arith.constant 7 : i32
    %dma_start3A_28 = arith.constant 23 : i32
    %dma_start3A_29 = arith.constant 0 : i32
    %dma_start3A_30 = tpu.memref_slice %arg7[%dma_start3A_28, %dma_start3A_29] : memref<25x80xi32, #tpu.memory_space<vmem>> -> memref<1x80xi32, #tpu.memory_space<vmem>>
    %dma_start3A_31 = tpu.memref_squeeze %dma_start3A_30 : memref<1x80xi32, #tpu.memory_space<vmem>> -> memref<80xi32, #tpu.memory_space<vmem>>
    %dma_start3A_32 = arith.constant 0 : i32
    %dma_start3A_33 = arith.constant 0 : i32
    %dma_start3A_34 = tpu.memref_slice %arg4[%dma_start3A_32, %dma_start3A_33] : memref<10240x128xf32, #tpu.memory_space<hbm>> -> memref<10240x128xf32, #tpu.memory_space<hbm>>
    tpu.enqueue_indirect_dma source(%dma_start3A_34 : memref<10240x128xf32, #tpu.memory_space<hbm>>) target(%arg11 : memref<80x128xf32, #tpu.memory_space<vmem>>) offsets(%dma_start3A_31 : memref<80xi32, #tpu.memory_space<vmem>>) semaphore(%arg14 : memref<!tpu.dma_semaphore, #tpu.memory_space<semaphore_mem>>)
    %dma_wait3A = arith.constant 0 : i32
    %dma_wait3A_35 = arith.constant 0 : i32
    %dma_wait3A_36 = tpu.memref_slice %arg4[%dma_wait3A, %dma_wait3A_35] : memref<10240x128xf32, #tpu.memory_space<hbm>> -> memref<80x128xf32, #tpu.memory_space<hbm>>
    %dma_wait3A_37 = arith.constant 0 : i32
    %dma_wait3A_38 = arith.constant 0 : i32
    %dma_wait3A_39 = tpu.memref_slice %arg4[%dma_wait3A_37, %dma_wait3A_38] : memref<10240x128xf32, #tpu.memory_space<hbm>> -> memref<80x128xf32, #tpu.memory_space<hbm>>
    tpu.wait_dma2 semaphore(%arg12 : memref<!tpu.dma_semaphore, #tpu.memory_space<semaphore_mem>>) src(%dma_wait3A_39 : memref<80x128xf32, #tpu.memory_space<hbm>>) dst(%arg9 : memref<80x128xf32, #tpu.memory_space<vmem>>)
    %run_scoped3A_40 = arith.constant 21 : i32
    "tpu.region"() ({
      %run_scoped3A_326 = tpu.sem_alloc : memref<!tpu.dma_semaphore, #tpu.memory_space<semaphore_mem>>
      %dma_start3A_327 = arith.constant 0 : i32
      %dma_start3A_328 = tpu.memref_slice %arg8[%run_scoped3A_40, %dma_start3A_327] : memref<25x80xi32, #tpu.memory_space<vmem>> -> memref<1x80xi32, #tpu.memory_space<vmem>>
      %dma_start3A_329 = tpu.memref_squeeze %dma_start3A_328 : memref<1x80xi32, #tpu.memory_space<vmem>> -> memref<80xi32, #tpu.memory_space<vmem>>
      %dma_start3A_330 = arith.constant 0 : i32
      %dma_start3A_331 = arith.constant 0 : i32
      %dma_start3A_332 = tpu.memref_slice %arg15[%dma_start3A_330, %dma_start3A_331] : memref<10240x128xf32, #tpu.memory_space<vmem_shared>> -> memref<10240x128xf32, #tpu.memory_space<vmem_shared>>
      tpu.enqueue_indirect_dma source(%arg9 : memref<80x128xf32, #tpu.memory_space<vmem>>) target(%dma_start3A_332 : memref<10240x128xf32, #tpu.memory_space<vmem_shared>>) offsets(%dma_start3A_329 : memref<80xi32, #tpu.memory_space<vmem>>) semaphore(%run_scoped3A_326 : memref<!tpu.dma_semaphore, #tpu.memory_space<semaphore_mem>>) {add = true}
      %dma_wait3A_333 = arith.constant 0 : i32
      %dma_wait3A_334 = tpu.memref_slice %arg8[%run_scoped3A_40, %dma_wait3A_333] : memref<25x80xi32, #tpu.memory_space<vmem>> -> memref<1x80xi32, #tpu.memory_space<vmem>>
      %dma_wait3A_335 = tpu.memref_squeeze %dma_wait3A_334 : memref<1x80xi32, #tpu.memory_space<vmem>> -> memref<80xi32, #tpu.memory_space<vmem>>
      %dma_wait3A_336 = arith.constant 0 : i32
      %dma_wait3A_337 = arith.constant 0 : i32
      %dma_wait3A_338 = tpu.memref_slice %arg15[%dma_wait3A_336, %dma_wait3A_337] : memref<10240x128xf32, #tpu.memory_space<vmem_shared>> -> memref<10240x128xf32, #tpu.memory_space<vmem_shared>>
      tpu.wait_indirect_dma semaphore(%run_scoped3A_326 : memref<!tpu.dma_semaphore, #tpu.memory_space<semaphore_mem>>) src(%arg9 : memref<80x128xf32, #tpu.memory_space<vmem>>) dst(%dma_wait3A_338 : memref<10240x128xf32, #tpu.memory_space<vmem_shared>>)
      tpu.yield
    }) : () -> ()
    %dma_start3A_41 = arith.constant 24 : i32
    %dma_start3A_42 = arith.constant 0 : i32
    %dma_start3A_43 = tpu.memref_slice %arg7[%dma_start3A_41, %dma_start3A_42] : memref<25x80xi32, #tpu.memory_space<vmem>> -> memref<1x80xi32, #tpu.memory_space<vmem>>
    %dma_start3A_44 = tpu.memref_squeeze %dma_start3A_43 : memref<1x80xi32, #tpu.memory_space<vmem>> -> memref<80xi32, #tpu.memory_space<vmem>>
    %dma_start3A_45 = arith.constant 0 : i32
    %dma_start3A_46 = arith.constant 0 : i32
    %dma_start3A_47 = tpu.memref_slice %arg4[%dma_start3A_45, %dma_start3A_46] : memref<10240x128xf32, #tpu.memory_space<hbm>> -> memref<10240x128xf32, #tpu.memory_space<hbm>>
    tpu.enqueue_indirect_dma source(%dma_start3A_47 : memref<10240x128xf32, #tpu.memory_space<hbm>>) target(%arg9 : memref<80x128xf32, #tpu.memory_space<vmem>>) offsets(%dma_start3A_44 : memref<80xi32, #tpu.memory_space<vmem>>) semaphore(%arg12 : memref<!tpu.dma_semaphore, #tpu.memory_space<semaphore_mem>>)
    %dma_wait3A_48 = arith.constant 0 : i32
    %dma_wait3A_49 = arith.constant 0 : i32
    %dma_wait3A_50 = tpu.memref_slice %arg4[%dma_wait3A_48, %dma_wait3A_49] : memref<10240x128xf32, #tpu.memory_space<hbm>> -> memref<80x128xf32, #tpu.memory_space<hbm>>
    %dma_wait3A_51 = arith.constant 0 : i32
    %dma_wait3A_52 = arith.constant 0 : i32
    %dma_wait3A_53 = tpu.memref_slice %arg4[%dma_wait3A_51, %dma_wait3A_52] : memref<10240x128xf32, #tpu.memory_space<hbm>> -> memref<80x128xf32, #tpu.memory_space<hbm>>
    tpu.wait_dma2 semaphore(%arg13 : memref<!tpu.dma_semaphore, #tpu.memory_space<semaphore_mem>>) src(%dma_wait3A_53 : memref<80x128xf32, #tpu.memory_space<hbm>>) dst(%arg10 : memref<80x128xf32, #tpu.memory_space<vmem>>)
    %run_scoped3A_54 = arith.constant 22 : i32
    "tpu.region"() ({
      %run_scoped3A_326 = tpu.sem_alloc : memref<!tpu.dma_semaphore, #tpu.memory_space<semaphore_mem>>
      %dma_start3A_327 = arith.constant 0 : i32
      %dma_start3A_328 = tpu.memref_slice %arg8[%run_scoped3A_54, %dma_start3A_327] : memref<25x80xi32, #tpu.memory_space<vmem>> -> memref<1x80xi32, #tpu.memory_space<vmem>>
      %dma_start3A_329 = tpu.memref_squeeze %dma_start3A_328 : memref<1x80xi32, #tpu.memory_space<vmem>> -> memref<80xi32, #tpu.memory_space<vmem>>
      %dma_start3A_330 = arith.constant 0 : i32
      %dma_start3A_331 = arith.constant 0 : i32
      %dma_start3A_332 = tpu.memref_slice %arg15[%dma_start3A_330, %dma_start3A_331] : memref<10240x128xf32, #tpu.memory_space<vmem_shared>> -> memref<10240x128xf32, #tpu.memory_space<vmem_shared>>
      tpu.enqueue_indirect_dma source(%arg10 : memref<80x128xf32, #tpu.memory_space<vmem>>) target(%dma_start3A_332 : memref<10240x128xf32, #tpu.memory_space<vmem_shared>>) offsets(%dma_start3A_329 : memref<80xi32, #tpu.memory_space<vmem>>) semaphore(%run_scoped3A_326 : memref<!tpu.dma_semaphore, #tpu.memory_space<semaphore_mem>>) {add = true}
      %dma_wait3A_333 = arith.constant 0 : i32
      %dma_wait3A_334 = tpu.memref_slice %arg8[%run_scoped3A_54, %dma_wait3A_333] : memref<25x80xi32, #tpu.memory_space<vmem>> -> memref<1x80xi32, #tpu.memory_space<vmem>>
      %dma_wait3A_335 = tpu.memref_squeeze %dma_wait3A_334 : memref<1x80xi32, #tpu.memory_space<vmem>> -> memref<80xi32, #tpu.memory_space<vmem>>
      %dma_wait3A_336 = arith.constant 0 : i32
      %dma_wait3A_337 = arith.constant 0 : i32
      %dma_wait3A_338 = tpu.memref_slice %arg15[%dma_wait3A_336, %dma_wait3A_337] : memref<10240x128xf32, #tpu.memory_space<vmem_shared>> -> memref<10240x128xf32, #tpu.memory_space<vmem_shared>>
      tpu.wait_indirect_dma semaphore(%run_scoped3A_326 : memref<!tpu.dma_semaphore, #tpu.memory_space<semaphore_mem>>) src(%arg10 : memref<80x128xf32, #tpu.memory_space<vmem>>) dst(%dma_wait3A_338 : memref<10240x128xf32, #tpu.memory_space<vmem_shared>>)
      tpu.yield
    }) : () -> ()
    %dma_wait3A_55 = arith.constant 0 : i32
    %dma_wait3A_56 = arith.constant 0 : i32
    %dma_wait3A_57 = tpu.memref_slice %arg4[%dma_wait3A_55, %dma_wait3A_56] : memref<10240x128xf32, #tpu.memory_space<hbm>> -> memref<80x128xf32, #tpu.memory_space<hbm>>
    %dma_wait3A_58 = arith.constant 0 : i32
    %dma_wait3A_59 = arith.constant 0 : i32
    %dma_wait3A_60 = tpu.memref_slice %arg4[%dma_wait3A_58, %dma_wait3A_59] : memref<10240x128xf32, #tpu.memory_space<hbm>> -> memref<80x128xf32, #tpu.memory_space<hbm>>
    tpu.wait_dma2 semaphore(%arg14 : memref<!tpu.dma_semaphore, #tpu.memory_space<semaphore_mem>>) src(%dma_wait3A_60 : memref<80x128xf32, #tpu.memory_space<hbm>>) dst(%arg11 : memref<80x128xf32, #tpu.memory_space<vmem>>)
    %run_scoped3A_61 = arith.constant 23 : i32
    "tpu.region"() ({
      %run_scoped3A_326 = tpu.sem_alloc : memref<!tpu.dma_semaphore, #tpu.memory_space<semaphore_mem>>
      %dma_start3A_327 = arith.constant 0 : i32
      %dma_start3A_328 = tpu.memref_slice %arg8[%run_scoped3A_61, %dma_start3A_327] : memref<25x80xi32, #tpu.memory_space<vmem>> -> memref<1x80xi32, #tpu.memory_space<vmem>>
      %dma_start3A_329 = tpu.memref_squeeze %dma_start3A_328 : memref<1x80xi32, #tpu.memory_space<vmem>> -> memref<80xi32, #tpu.memory_space<vmem>>
      %dma_start3A_330 = arith.constant 0 : i32
      %dma_start3A_331 = arith.constant 0 : i32
      %dma_start3A_332 = tpu.memref_slice %arg15[%dma_start3A_330, %dma_start3A_331] : memref<10240x128xf32, #tpu.memory_space<vmem_shared>> -> memref<10240x128xf32, #tpu.memory_space<vmem_shared>>
      tpu.enqueue_indirect_dma source(%arg11 : memref<80x128xf32, #tpu.memory_space<vmem>>) target(%dma_start3A_332 : memref<10240x128xf32, #tpu.memory_space<vmem_shared>>) offsets(%dma_start3A_329 : memref<80xi32, #tpu.memory_space<vmem>>) semaphore(%run_scoped3A_326 : memref<!tpu.dma_semaphore, #tpu.memory_space<semaphore_mem>>) {add = true}
      %dma_wait3A_333 = arith.constant 0 : i32
      %dma_wait3A_334 = tpu.memref_slice %arg8[%run_scoped3A_61, %dma_wait3A_333] : memref<25x80xi32, #tpu.memory_space<vmem>> -> memref<1x80xi32, #tpu.memory_space<vmem>>
      %dma_wait3A_335 = tpu.memref_squeeze %dma_wait3A_334 : memref<1x80xi32, #tpu.memory_space<vmem>> -> memref<80xi32, #tpu.memory_space<vmem>>
      %dma_wait3A_336 = arith.constant 0 : i32
      %dma_wait3A_337 = arith.constant 0 : i32
      %dma_wait3A_338 = tpu.memref_slice %arg15[%dma_wait3A_336, %dma_wait3A_337] : memref<10240x128xf32, #tpu.memory_space<vmem_shared>> -> memref<10240x128xf32, #tpu.memory_space<vmem_shared>>
      tpu.wait_indirect_dma semaphore(%run_scoped3A_326 : memref<!tpu.dma_semaphore, #tpu.memory_space<semaphore_mem>>) src(%arg11 : memref<80x128xf32, #tpu.memory_space<vmem>>) dst(%dma_wait3A_338 : memref<10240x128xf32, #tpu.memory_space<vmem_shared>>)
      tpu.yield
    }) : () -> ()
    %dma_wait3A_62 = arith.constant 0 : i32
    %dma_wait3A_63 = arith.constant 0 : i32
    %dma_wait3A_64 = tpu.memref_slice %arg4[%dma_wait3A_62, %dma_wait3A_63] : memref<10240x128xf32, #tpu.memory_space<hbm>> -> memref<80x128xf32, #tpu.memory_space<hbm>>
    %dma_wait3A_65 = arith.constant 0 : i32
    %dma_wait3A_66 = arith.constant 0 : i32
    %dma_wait3A_67 = tpu.memref_slice %arg4[%dma_wait3A_65, %dma_wait3A_66] : memref<10240x128xf32, #tpu.memory_space<hbm>> -> memref<80x128xf32, #tpu.memory_space<hbm>>
    tpu.wait_dma2 semaphore(%arg12 : memref<!tpu.dma_semaphore, #tpu.memory_space<semaphore_mem>>) src(%dma_wait3A_67 : memref<80x128xf32, #tpu.memory_space<hbm>>) dst(%arg9 : memref<80x128xf32, #tpu.memory_space<vmem>>)
    %run_scoped3A_68 = arith.constant 24 : i32
    "tpu.region"() ({
      %run_scoped3A_326 = tpu.sem_alloc : memref<!tpu.dma_semaphore, #tpu.memory_space<semaphore_mem>>
      %dma_start3A_327 = arith.constant 0 : i32
      %dma_start3A_328 = tpu.memref_slice %arg8[%run_scoped3A_68, %dma_start3A_327] : memref<25x80xi32, #tpu.memory_space<vmem>> -> memref<1x80xi32, #tpu.memory_space<vmem>>
      %dma_start3A_329 = tpu.memref_squeeze %dma_start3A_328 : memref<1x80xi32, #tpu.memory_space<vmem>> -> memref<80xi32, #tpu.memory_space<vmem>>
      %dma_start3A_330 = arith.constant 0 : i32
      %dma_start3A_331 = arith.constant 0 : i32
      %dma_start3A_332 = tpu.memref_slice %arg15[%dma_start3A_330, %dma_start3A_331] : memref<10240x128xf32, #tpu.memory_space<vmem_shared>> -> memref<10240x128xf32, #tpu.memory_space<vmem_shared>>
      tpu.enqueue_indirect_dma source(%arg9 : memref<80x128xf32, #tpu.memory_space<vmem>>) target(%dma_start3A_332 : memref<10240x128xf32, #tpu.memory_space<vmem_shared>>) offsets(%dma_start3A_329 : memref<80xi32, #tpu.memory_space<vmem>>) semaphore(%run_scoped3A_326 : memref<!tpu.dma_semaphore, #tpu.memory_space<semaphore_mem>>) {add = true}
      %dma_wait3A_333 = arith.constant 0 : i32
      %dma_wait3A_334 = tpu.memref_slice %arg8[%run_scoped3A_68, %dma_wait3A_333] : memref<25x80xi32, #tpu.memory_space<vmem>> -> memref<1x80xi32, #tpu.memory_space<vmem>>
      %dma_wait3A_335 = tpu.memref_squeeze %dma_wait3A_334 : memref<1x80xi32, #tpu.memory_space<vmem>> -> memref<80xi32, #tpu.memory_space<vmem>>
      %dma_wait3A_336 = arith.constant 0 : i32
      %dma_wait3A_337 = arith.constant 0 : i32
      %dma_wait3A_338 = tpu.memref_slice %arg15[%dma_wait3A_336, %dma_wait3A_337] : memref<10240x128xf32, #tpu.memory_space<vmem_shared>> -> memref<10240x128xf32, #tpu.memory_space<vmem_shared>>
      tpu.wait_indirect_dma semaphore(%run_scoped3A_326 : memref<!tpu.dma_semaphore, #tpu.memory_space<semaphore_mem>>) src(%arg9 : memref<80x128xf32, #tpu.memory_space<vmem>>) dst(%dma_wait3A_338 : memref<10240x128xf32, #tpu.memory_space<vmem_shared>>)
      tpu.yield
    }) : () -> ()
    %run_scoped3A_69 = arith.constant 1 : i32
    "tpu.region"() ({
      %run_scoped3A_326 = tpu.sem_alloc : memref<!tpu.dma_semaphore, #tpu.memory_space<semaphore_mem>>
      %dma_start3A_327 = arith.constant 0 : i32
      %dma_start3A_328 = arith.constant 0 : i32
      %dma_start3A_329 = tpu.memref_slice %arg2[%add3A, %run_scoped3A_69, %dma_start3A_327, %dma_start3A_328] : memref<32x5x25x80xi32, #tpu.memory_space<hbm>> -> memref<1x1x25x80xi32, #tpu.memory_space<hbm>>
      %dma_start3A_330 = tpu.memref_squeeze %dma_start3A_329 : memref<1x1x25x80xi32, #tpu.memory_space<hbm>> -> memref<25x80xi32, #tpu.memory_space<hbm>>
      %dma_start3A_331 = arith.constant 0 : i32
      %dma_start3A_332 = arith.constant 0 : i32
      %dma_start3A_333 = tpu.memref_slice %arg2[%add3A, %run_scoped3A_69, %dma_start3A_331, %dma_start3A_332] : memref<32x5x25x80xi32, #tpu.memory_space<hbm>> -> memref<1x1x25x80xi32, #tpu.memory_space<hbm>>
      %dma_start3A_334 = tpu.memref_squeeze %dma_start3A_333 : memref<1x1x25x80xi32, #tpu.memory_space<hbm>> -> memref<25x80xi32, #tpu.memory_space<hbm>>
      tpu.enqueue_dma source(%dma_start3A_334 : memref<25x80xi32, #tpu.memory_space<hbm>>) target(%arg7 : memref<25x80xi32, #tpu.memory_space<vmem>>) target_semaphore(%run_scoped3A_326 : memref<!tpu.dma_semaphore, #tpu.memory_space<semaphore_mem>>)
      %dma_wait3A_335 = arith.constant 0 : i32
      %dma_wait3A_336 = arith.constant 0 : i32
      %dma_wait3A_337 = tpu.memref_slice %arg2[%add3A, %run_scoped3A_69, %dma_wait3A_335, %dma_wait3A_336] : memref<32x5x25x80xi32, #tpu.memory_space<hbm>> -> memref<1x1x25x80xi32, #tpu.memory_space<hbm>>
      %dma_wait3A_338 = tpu.memref_squeeze %dma_wait3A_337 : memref<1x1x25x80xi32, #tpu.memory_space<hbm>> -> memref<25x80xi32, #tpu.memory_space<hbm>>
      %dma_wait3A_339 = arith.constant 0 : i32
      %dma_wait3A_340 = arith.constant 0 : i32
      %dma_wait3A_341 = tpu.memref_slice %arg2[%add3A, %run_scoped3A_69, %dma_wait3A_339, %dma_wait3A_340] : memref<32x5x25x80xi32, #tpu.memory_space<hbm>> -> memref<1x1x25x80xi32, #tpu.memory_space<hbm>>
      %dma_wait3A_342 = tpu.memref_squeeze %dma_wait3A_341 : memref<1x1x25x80xi32, #tpu.memory_space<hbm>> -> memref<25x80xi32, #tpu.memory_space<hbm>>
      tpu.wait_dma2 semaphore(%run_scoped3A_326 : memref<!tpu.dma_semaphore, #tpu.memory_space<semaphore_mem>>) src(%dma_wait3A_342 : memref<25x80xi32, #tpu.memory_space<hbm>>) dst(%arg7 : memref<25x80xi32, #tpu.memory_space<vmem>>)
      tpu.yield
    }) : () -> ()
    %run_scoped3A_70 = arith.constant 1 : i32
    "tpu.region"() ({
      %run_scoped3A_326 = tpu.sem_alloc : memref<!tpu.dma_semaphore, #tpu.memory_space<semaphore_mem>>
      %dma_start3A_327 = arith.constant 0 : i32
      %dma_start3A_328 = arith.constant 0 : i32
      %dma_start3A_329 = tpu.memref_slice %arg3[%add3A, %run_scoped3A_70, %dma_start3A_327, %dma_start3A_328] : memref<32x5x25x80xi32, #tpu.memory_space<hbm>> -> memref<1x1x25x80xi32, #tpu.memory_space<hbm>>
      %dma_start3A_330 = tpu.memref_squeeze %dma_start3A_329 : memref<1x1x25x80xi32, #tpu.memory_space<hbm>> -> memref<25x80xi32, #tpu.memory_space<hbm>>
      %dma_start3A_331 = arith.constant 0 : i32
      %dma_start3A_332 = arith.constant 0 : i32
      %dma_start3A_333 = tpu.memref_slice %arg3[%add3A, %run_scoped3A_70, %dma_start3A_331, %dma_start3A_332] : memref<32x5x25x80xi32, #tpu.memory_space<hbm>> -> memref<1x1x25x80xi32, #tpu.memory_space<hbm>>
      %dma_start3A_334 = tpu.memref_squeeze %dma_start3A_333 : memref<1x1x25x80xi32, #tpu.memory_space<hbm>> -> memref<25x80xi32, #tpu.memory_space<hbm>>
      tpu.enqueue_dma source(%dma_start3A_334 : memref<25x80xi32, #tpu.memory_space<hbm>>) target(%arg8 : memref<25x80xi32, #tpu.memory_space<vmem>>) target_semaphore(%run_scoped3A_326 : memref<!tpu.dma_semaphore, #tpu.memory_space<semaphore_mem>>)
      %dma_wait3A_335 = arith.constant 0 : i32
      %dma_wait3A_336 = arith.constant 0 : i32
      %dma_wait3A_337 = tpu.memref_slice %arg3[%add3A, %run_scoped3A_70, %dma_wait3A_335, %dma_wait3A_336] : memref<32x5x25x80xi32, #tpu.memory_space<hbm>> -> memref<1x1x25x80xi32, #tpu.memory_space<hbm>>
      %dma_wait3A_338 = tpu.memref_squeeze %dma_wait3A_337 : memref<1x1x25x80xi32, #tpu.memory_space<hbm>> -> memref<25x80xi32, #tpu.memory_space<hbm>>
      %dma_wait3A_339 = arith.constant 0 : i32
      %dma_wait3A_340 = arith.constant 0 : i32
      %dma_wait3A_341 = tpu.memref_slice %arg3[%add3A, %run_scoped3A_70, %dma_wait3A_339, %dma_wait3A_340] : memref<32x5x25x80xi32, #tpu.memory_space<hbm>> -> memref<1x1x25x80xi32, #tpu.memory_space<hbm>>
      %dma_wait3A_342 = tpu.memref_squeeze %dma_wait3A_341 : memref<1x1x25x80xi32, #tpu.memory_space<hbm>> -> memref<25x80xi32, #tpu.memory_space<hbm>>
      tpu.wait_dma2 semaphore(%run_scoped3A_326 : memref<!tpu.dma_semaphore, #tpu.memory_space<semaphore_mem>>) src(%dma_wait3A_342 : memref<25x80xi32, #tpu.memory_space<hbm>>) dst(%arg8 : memref<25x80xi32, #tpu.memory_space<vmem>>)
      tpu.yield
    }) : () -> ()
    %dma_start3A_71 = arith.constant 0 : i32
    %dma_start3A_72 = arith.constant 0 : i32
    %dma_start3A_73 = tpu.memref_slice %arg7[%dma_start3A_71, %dma_start3A_72] : memref<25x80xi32, #tpu.memory_space<vmem>> -> memref<1x80xi32, #tpu.memory_space<vmem>>
    %dma_start3A_74 = tpu.memref_squeeze %dma_start3A_73 : memref<1x80xi32, #tpu.memory_space<vmem>> -> memref<80xi32, #tpu.memory_space<vmem>>
    %dma_start3A_75 = arith.constant 0 : i32
    %dma_start3A_76 = arith.constant 0 : i32
    %dma_start3A_77 = tpu.memref_slice %arg4[%dma_start3A_75, %dma_start3A_76] : memref<10240x128xf32, #tpu.memory_space<hbm>> -> memref<10240x128xf32, #tpu.memory_space<hbm>>
    tpu.enqueue_indirect_dma source(%dma_start3A_77 : memref<10240x128xf32, #tpu.memory_space<hbm>>) target(%arg9 : memref<80x128xf32, #tpu.memory_space<vmem>>) offsets(%dma_start3A_74 : memref<80xi32, #tpu.memory_space<vmem>>) semaphore(%arg12 : memref<!tpu.dma_semaphore, #tpu.memory_space<semaphore_mem>>)
    %dma_start3A_78 = arith.constant 1 : i32
    %dma_start3A_79 = arith.constant 0 : i32
    %dma_start3A_80 = tpu.memref_slice %arg7[%dma_start3A_78, %dma_start3A_79] : memref<25x80xi32, #tpu.memory_space<vmem>> -> memref<1x80xi32, #tpu.memory_space<vmem>>
    %dma_start3A_81 = tpu.memref_squeeze %dma_start3A_80 : memref<1x80xi32, #tpu.memory_space<vmem>> -> memref<80xi32, #tpu.memory_space<vmem>>
    %dma_start3A_82 = arith.constant 0 : i32
    %dma_start3A_83 = arith.constant 0 : i32
    %dma_start3A_84 = tpu.memref_slice %arg4[%dma_start3A_82, %dma_start3A_83] : memref<10240x128xf32, #tpu.memory_space<hbm>> -> memref<10240x128xf32, #tpu.memory_space<hbm>>
    tpu.enqueue_indirect_dma source(%dma_start3A_84 : memref<10240x128xf32, #tpu.memory_space<hbm>>) target(%arg10 : memref<80x128xf32, #tpu.memory_space<vmem>>) offsets(%dma_start3A_81 : memref<80xi32, #tpu.memory_space<vmem>>) semaphore(%arg13 : memref<!tpu.dma_semaphore, #tpu.memory_space<semaphore_mem>>)
    %scan3A_85 = arith.constant 0 : i32
    %scan3A_86 = arith.constant 0 : i32
    %scan3A_87 = arith.constant 7 : i32
    %scan3A_88 = arith.addi %scan3A_86, %scan3A_87 : i32
    %scan3A_89 = arith.constant 1 : i32
    scf.for %scan3A_326 = %scan3A_86 to %scan3A_88 step %scan3A_89  : i32 {
      %mul3A_327 = arith.constant 3 : i32
      %mul3A_328 = arith.muli %mul3A_327, %scan3A_326 : i32
      %add3A_329 = arith.constant 0 : i32
      %add3A_330 = arith.addi %mul3A_328, %add3A_329 : i32
      %add3A_331 = arith.constant 2 : i32
      %add3A_332 = arith.addi %add3A_330, %add3A_331 : i32
      %dma_start3A_333 = arith.constant 0 : i32
      %dma_start3A_334 = tpu.memref_slice %arg7[%add3A_332, %dma_start3A_333] : memref<25x80xi32, #tpu.memory_space<vmem>> -> memref<1x80xi32, #tpu.memory_space<vmem>>
      %dma_start3A_335 = tpu.memref_squeeze %dma_start3A_334 : memref<1x80xi32, #tpu.memory_space<vmem>> -> memref<80xi32, #tpu.memory_space<vmem>>
      %dma_start3A_336 = arith.constant 0 : i32
      %dma_start3A_337 = arith.constant 0 : i32
      %dma_start3A_338 = tpu.memref_slice %arg4[%dma_start3A_336, %dma_start3A_337] : memref<10240x128xf32, #tpu.memory_space<hbm>> -> memref<10240x128xf32, #tpu.memory_space<hbm>>
      tpu.enqueue_indirect_dma source(%dma_start3A_338 : memref<10240x128xf32, #tpu.memory_space<hbm>>) target(%arg11 : memref<80x128xf32, #tpu.memory_space<vmem>>) offsets(%dma_start3A_335 : memref<80xi32, #tpu.memory_space<vmem>>) semaphore(%arg14 : memref<!tpu.dma_semaphore, #tpu.memory_space<semaphore_mem>>)
      %dma_wait3A_339 = arith.constant 0 : i32
      %dma_wait3A_340 = arith.constant 0 : i32
      %dma_wait3A_341 = tpu.memref_slice %arg4[%dma_wait3A_339, %dma_wait3A_340] : memref<10240x128xf32, #tpu.memory_space<hbm>> -> memref<80x128xf32, #tpu.memory_space<hbm>>
      %dma_wait3A_342 = arith.constant 0 : i32
      %dma_wait3A_343 = arith.constant 0 : i32
      %dma_wait3A_344 = tpu.memref_slice %arg4[%dma_wait3A_342, %dma_wait3A_343] : memref<10240x128xf32, #tpu.memory_space<hbm>> -> memref<80x128xf32, #tpu.memory_space<hbm>>
      tpu.wait_dma2 semaphore(%arg12 : memref<!tpu.dma_semaphore, #tpu.memory_space<semaphore_mem>>) src(%dma_wait3A_344 : memref<80x128xf32, #tpu.memory_space<hbm>>) dst(%arg9 : memref<80x128xf32, #tpu.memory_space<vmem>>)
      "tpu.region"() ({
        %run_scoped3A_381 = tpu.sem_alloc : memref<!tpu.dma_semaphore, #tpu.memory_space<semaphore_mem>>
        %dma_start3A_382 = arith.constant 0 : i32
        %dma_start3A_383 = tpu.memref_slice %arg8[%add3A_330, %dma_start3A_382] : memref<25x80xi32, #tpu.memory_space<vmem>> -> memref<1x80xi32, #tpu.memory_space<vmem>>
        %dma_start3A_384 = tpu.memref_squeeze %dma_start3A_383 : memref<1x80xi32, #tpu.memory_space<vmem>> -> memref<80xi32, #tpu.memory_space<vmem>>
        %dma_start3A_385 = arith.constant 0 : i32
        %dma_start3A_386 = arith.constant 0 : i32
        %dma_start3A_387 = tpu.memref_slice %arg15[%dma_start3A_385, %dma_start3A_386] : memref<10240x128xf32, #tpu.memory_space<vmem_shared>> -> memref<10240x128xf32, #tpu.memory_space<vmem_shared>>
        tpu.enqueue_indirect_dma source(%arg9 : memref<80x128xf32, #tpu.memory_space<vmem>>) target(%dma_start3A_387 : memref<10240x128xf32, #tpu.memory_space<vmem_shared>>) offsets(%dma_start3A_384 : memref<80xi32, #tpu.memory_space<vmem>>) semaphore(%run_scoped3A_381 : memref<!tpu.dma_semaphore, #tpu.memory_space<semaphore_mem>>) {add = true}
        %dma_wait3A_388 = arith.constant 0 : i32
        %dma_wait3A_389 = tpu.memref_slice %arg8[%add3A_330, %dma_wait3A_388] : memref<25x80xi32, #tpu.memory_space<vmem>> -> memref<1x80xi32, #tpu.memory_space<vmem>>
        %dma_wait3A_390 = tpu.memref_squeeze %dma_wait3A_389 : memref<1x80xi32, #tpu.memory_space<vmem>> -> memref<80xi32, #tpu.memory_space<vmem>>
        %dma_wait3A_391 = arith.constant 0 : i32
        %dma_wait3A_392 = arith.constant 0 : i32
        %dma_wait3A_393 = tpu.memref_slice %arg15[%dma_wait3A_391, %dma_wait3A_392] : memref<10240x128xf32, #tpu.memory_space<vmem_shared>> -> memref<10240x128xf32, #tpu.memory_space<vmem_shared>>
        tpu.wait_indirect_dma semaphore(%run_scoped3A_381 : memref<!tpu.dma_semaphore, #tpu.memory_space<semaphore_mem>>) src(%arg9 : memref<80x128xf32, #tpu.memory_space<vmem>>) dst(%dma_wait3A_393 : memref<10240x128xf32, #tpu.memory_space<vmem_shared>>)
        tpu.yield
      }) : () -> ()
      %mul3A_345 = arith.constant 3 : i32
      %mul3A_346 = arith.muli %mul3A_345, %scan3A_326 : i32
      %add3A_347 = arith.constant 1 : i32
      %add3A_348 = arith.addi %mul3A_346, %add3A_347 : i32
      %add3A_349 = arith.constant 2 : i32
      %add3A_350 = arith.addi %add3A_348, %add3A_349 : i32
      %dma_start3A_351 = arith.constant 0 : i32
      %dma_start3A_352 = tpu.memref_slice %arg7[%add3A_350, %dma_start3A_351] : memref<25x80xi32, #tpu.memory_space<vmem>> -> memref<1x80xi32, #tpu.memory_space<vmem>>
      %dma_start3A_353 = tpu.memref_squeeze %dma_start3A_352 : memref<1x80xi32, #tpu.memory_space<vmem>> -> memref<80xi32, #tpu.memory_space<vmem>>
      %dma_start3A_354 = arith.constant 0 : i32
      %dma_start3A_355 = arith.constant 0 : i32
      %dma_start3A_356 = tpu.memref_slice %arg4[%dma_start3A_354, %dma_start3A_355] : memref<10240x128xf32, #tpu.memory_space<hbm>> -> memref<10240x128xf32, #tpu.memory_space<hbm>>
      tpu.enqueue_indirect_dma source(%dma_start3A_356 : memref<10240x128xf32, #tpu.memory_space<hbm>>) target(%arg9 : memref<80x128xf32, #tpu.memory_space<vmem>>) offsets(%dma_start3A_353 : memref<80xi32, #tpu.memory_space<vmem>>) semaphore(%arg12 : memref<!tpu.dma_semaphore, #tpu.memory_space<semaphore_mem>>)
      %dma_wait3A_357 = arith.constant 0 : i32
      %dma_wait3A_358 = arith.constant 0 : i32
      %dma_wait3A_359 = tpu.memref_slice %arg4[%dma_wait3A_357, %dma_wait3A_358] : memref<10240x128xf32, #tpu.memory_space<hbm>> -> memref<80x128xf32, #tpu.memory_space<hbm>>
      %dma_wait3A_360 = arith.constant 0 : i32
      %dma_wait3A_361 = arith.constant 0 : i32
      %dma_wait3A_362 = tpu.memref_slice %arg4[%dma_wait3A_360, %dma_wait3A_361] : memref<10240x128xf32, #tpu.memory_space<hbm>> -> memref<80x128xf32, #tpu.memory_space<hbm>>
      tpu.wait_dma2 semaphore(%arg13 : memref<!tpu.dma_semaphore, #tpu.memory_space<semaphore_mem>>) src(%dma_wait3A_362 : memref<80x128xf32, #tpu.memory_space<hbm>>) dst(%arg10 : memref<80x128xf32, #tpu.memory_space<vmem>>)
      "tpu.region"() ({
        %run_scoped3A_381 = tpu.sem_alloc : memref<!tpu.dma_semaphore, #tpu.memory_space<semaphore_mem>>
        %dma_start3A_382 = arith.constant 0 : i32
        %dma_start3A_383 = tpu.memref_slice %arg8[%add3A_348, %dma_start3A_382] : memref<25x80xi32, #tpu.memory_space<vmem>> -> memref<1x80xi32, #tpu.memory_space<vmem>>
        %dma_start3A_384 = tpu.memref_squeeze %dma_start3A_383 : memref<1x80xi32, #tpu.memory_space<vmem>> -> memref<80xi32, #tpu.memory_space<vmem>>
        %dma_start3A_385 = arith.constant 0 : i32
        %dma_start3A_386 = arith.constant 0 : i32
        %dma_start3A_387 = tpu.memref_slice %arg15[%dma_start3A_385, %dma_start3A_386] : memref<10240x128xf32, #tpu.memory_space<vmem_shared>> -> memref<10240x128xf32, #tpu.memory_space<vmem_shared>>
        tpu.enqueue_indirect_dma source(%arg10 : memref<80x128xf32, #tpu.memory_space<vmem>>) target(%dma_start3A_387 : memref<10240x128xf32, #tpu.memory_space<vmem_shared>>) offsets(%dma_start3A_384 : memref<80xi32, #tpu.memory_space<vmem>>) semaphore(%run_scoped3A_381 : memref<!tpu.dma_semaphore, #tpu.memory_space<semaphore_mem>>) {add = true}
        %dma_wait3A_388 = arith.constant 0 : i32
        %dma_wait3A_389 = tpu.memref_slice %arg8[%add3A_348, %dma_wait3A_388] : memref<25x80xi32, #tpu.memory_space<vmem>> -> memref<1x80xi32, #tpu.memory_space<vmem>>
        %dma_wait3A_390 = tpu.memref_squeeze %dma_wait3A_389 : memref<1x80xi32, #tpu.memory_space<vmem>> -> memref<80xi32, #tpu.memory_space<vmem>>
        %dma_wait3A_391 = arith.constant 0 : i32
        %dma_wait3A_392 = arith.constant 0 : i32
        %dma_wait3A_393 = tpu.memref_slice %arg15[%dma_wait3A_391, %dma_wait3A_392] : memref<10240x128xf32, #tpu.memory_space<vmem_shared>> -> memref<10240x128xf32, #tpu.memory_space<vmem_shared>>
        tpu.wait_indirect_dma semaphore(%run_scoped3A_381 : memref<!tpu.dma_semaphore, #tpu.memory_space<semaphore_mem>>) src(%arg10 : memref<80x128xf32, #tpu.memory_space<vmem>>) dst(%dma_wait3A_393 : memref<10240x128xf32, #tpu.memory_space<vmem_shared>>)
        tpu.yield
      }) : () -> ()
      %mul3A_363 = arith.constant 3 : i32
      %mul3A_364 = arith.muli %mul3A_363, %scan3A_326 : i32
      %add3A_365 = arith.constant 2 : i32
      %add3A_366 = arith.addi %mul3A_364, %add3A_365 : i32
      %add3A_367 = arith.constant 2 : i32
      %add3A_368 = arith.addi %add3A_366, %add3A_367 : i32
      %dma_start3A_369 = arith.constant 0 : i32
      %dma_start3A_370 = tpu.memref_slice %arg7[%add3A_368, %dma_start3A_369] : memref<25x80xi32, #tpu.memory_space<vmem>> -> memref<1x80xi32, #tpu.memory_space<vmem>>
      %dma_start3A_371 = tpu.memref_squeeze %dma_start3A_370 : memref<1x80xi32, #tpu.memory_space<vmem>> -> memref<80xi32, #tpu.memory_space<vmem>>
      %dma_start3A_372 = arith.constant 0 : i32
      %dma_start3A_373 = arith.constant 0 : i32
      %dma_start3A_374 = tpu.memref_slice %arg4[%dma_start3A_372, %dma_start3A_373] : memref<10240x128xf32, #tpu.memory_space<hbm>> -> memref<10240x128xf32, #tpu.memory_space<hbm>>
      tpu.enqueue_indirect_dma source(%dma_start3A_374 : memref<10240x128xf32, #tpu.memory_space<hbm>>) target(%arg10 : memref<80x128xf32, #tpu.memory_space<vmem>>) offsets(%dma_start3A_371 : memref<80xi32, #tpu.memory_space<vmem>>) semaphore(%arg13 : memref<!tpu.dma_semaphore, #tpu.memory_space<semaphore_mem>>)
      %dma_wait3A_375 = arith.constant 0 : i32
      %dma_wait3A_376 = arith.constant 0 : i32
      %dma_wait3A_377 = tpu.memref_slice %arg4[%dma_wait3A_375, %dma_wait3A_376] : memref<10240x128xf32, #tpu.memory_space<hbm>> -> memref<80x128xf32, #tpu.memory_space<hbm>>
      %dma_wait3A_378 = arith.constant 0 : i32
      %dma_wait3A_379 = arith.constant 0 : i32
      %dma_wait3A_380 = tpu.memref_slice %arg4[%dma_wait3A_378, %dma_wait3A_379] : memref<10240x128xf32, #tpu.memory_space<hbm>> -> memref<80x128xf32, #tpu.memory_space<hbm>>
      tpu.wait_dma2 semaphore(%arg14 : memref<!tpu.dma_semaphore, #tpu.memory_space<semaphore_mem>>) src(%dma_wait3A_380 : memref<80x128xf32, #tpu.memory_space<hbm>>) dst(%arg11 : memref<80x128xf32, #tpu.memory_space<vmem>>)
      "tpu.region"() ({
        %run_scoped3A_381 = tpu.sem_alloc : memref<!tpu.dma_semaphore, #tpu.memory_space<semaphore_mem>>
        %dma_start3A_382 = arith.constant 0 : i32
        %dma_start3A_383 = tpu.memref_slice %arg8[%add3A_366, %dma_start3A_382] : memref<25x80xi32, #tpu.memory_space<vmem>> -> memref<1x80xi32, #tpu.memory_space<vmem>>
        %dma_start3A_384 = tpu.memref_squeeze %dma_start3A_383 : memref<1x80xi32, #tpu.memory_space<vmem>> -> memref<80xi32, #tpu.memory_space<vmem>>
        %dma_start3A_385 = arith.constant 0 : i32
        %dma_start3A_386 = arith.constant 0 : i32
        %dma_start3A_387 = tpu.memref_slice %arg15[%dma_start3A_385, %dma_start3A_386] : memref<10240x128xf32, #tpu.memory_space<vmem_shared>> -> memref<10240x128xf32, #tpu.memory_space<vmem_shared>>
        tpu.enqueue_indirect_dma source(%arg11 : memref<80x128xf32, #tpu.memory_space<vmem>>) target(%dma_start3A_387 : memref<10240x128xf32, #tpu.memory_space<vmem_shared>>) offsets(%dma_start3A_384 : memref<80xi32, #tpu.memory_space<vmem>>) semaphore(%run_scoped3A_381 : memref<!tpu.dma_semaphore, #tpu.memory_space<semaphore_mem>>) {add = true}
        %dma_wait3A_388 = arith.constant 0 : i32
        %dma_wait3A_389 = tpu.memref_slice %arg8[%add3A_366, %dma_wait3A_388] : memref<25x80xi32, #tpu.memory_space<vmem>> -> memref<1x80xi32, #tpu.memory_space<vmem>>
        %dma_wait3A_390 = tpu.memref_squeeze %dma_wait3A_389 : memref<1x80xi32, #tpu.memory_space<vmem>> -> memref<80xi32, #tpu.memory_space<vmem>>
        %dma_wait3A_391 = arith.constant 0 : i32
        %dma_wait3A_392 = arith.constant 0 : i32
        %dma_wait3A_393 = tpu.memref_slice %arg15[%dma_wait3A_391, %dma_wait3A_392] : memref<10240x128xf32, #tpu.memory_space<vmem_shared>> -> memref<10240x128xf32, #tpu.memory_space<vmem_shared>>
        tpu.wait_indirect_dma semaphore(%run_scoped3A_381 : memref<!tpu.dma_semaphore, #tpu.memory_space<semaphore_mem>>) src(%arg11 : memref<80x128xf32, #tpu.memory_space<vmem>>) dst(%dma_wait3A_393 : memref<10240x128xf32, #tpu.memory_space<vmem_shared>>)
        tpu.yield
      }) : () -> ()
    }
    %scan3A_90 = arith.constant 7 : i32
    %dma_start3A_91 = arith.constant 23 : i32
    %dma_start3A_92 = arith.constant 0 : i32
    %dma_start3A_93 = tpu.memref_slice %arg7[%dma_start3A_91, %dma_start3A_92] : memref<25x80xi32, #tpu.memory_space<vmem>> -> memref<1x80xi32, #tpu.memory_space<vmem>>
    %dma_start3A_94 = tpu.memref_squeeze %dma_start3A_93 : memref<1x80xi32, #tpu.memory_space<vmem>> -> memref<80xi32, #tpu.memory_space<vmem>>
    %dma_start3A_95 = arith.constant 0 : i32
    %dma_start3A_96 = arith.constant 0 : i32
    %dma_start3A_97 = tpu.memref_slice %arg4[%dma_start3A_95, %dma_start3A_96] : memref<10240x128xf32, #tpu.memory_space<hbm>> -> memref<10240x128xf32, #tpu.memory_space<hbm>>
    tpu.enqueue_indirect_dma source(%dma_start3A_97 : memref<10240x128xf32, #tpu.memory_space<hbm>>) target(%arg11 : memref<80x128xf32, #tpu.memory_space<vmem>>) offsets(%dma_start3A_94 : memref<80xi32, #tpu.memory_space<vmem>>) semaphore(%arg14 : memref<!tpu.dma_semaphore, #tpu.memory_space<semaphore_mem>>)
    %dma_wait3A_98 = arith.constant 0 : i32
    %dma_wait3A_99 = arith.constant 0 : i32
    %dma_wait3A_100 = tpu.memref_slice %arg4[%dma_wait3A_98, %dma_wait3A_99] : memref<10240x128xf32, #tpu.memory_space<hbm>> -> memref<80x128xf32, #tpu.memory_space<hbm>>
    %dma_wait3A_101 = arith.constant 0 : i32
    %dma_wait3A_102 = arith.constant 0 : i32
    %dma_wait3A_103 = tpu.memref_slice %arg4[%dma_wait3A_101, %dma_wait3A_102] : memref<10240x128xf32, #tpu.memory_space<hbm>> -> memref<80x128xf32, #tpu.memory_space<hbm>>
    tpu.wait_dma2 semaphore(%arg12 : memref<!tpu.dma_semaphore, #tpu.memory_space<semaphore_mem>>) src(%dma_wait3A_103 : memref<80x128xf32, #tpu.memory_space<hbm>>) dst(%arg9 : memref<80x128xf32, #tpu.memory_space<vmem>>)
    %run_scoped3A_104 = arith.constant 21 : i32
    "tpu.region"() ({
      %run_scoped3A_326 = tpu.sem_alloc : memref<!tpu.dma_semaphore, #tpu.memory_space<semaphore_mem>>
      %dma_start3A_327 = arith.constant 0 : i32
      %dma_start3A_328 = tpu.memref_slice %arg8[%run_scoped3A_104, %dma_start3A_327] : memref<25x80xi32, #tpu.memory_space<vmem>> -> memref<1x80xi32, #tpu.memory_space<vmem>>
      %dma_start3A_329 = tpu.memref_squeeze %dma_start3A_328 : memref<1x80xi32, #tpu.memory_space<vmem>> -> memref<80xi32, #tpu.memory_space<vmem>>
      %dma_start3A_330 = arith.constant 0 : i32
      %dma_start3A_331 = arith.constant 0 : i32
      %dma_start3A_332 = tpu.memref_slice %arg15[%dma_start3A_330, %dma_start3A_331] : memref<10240x128xf32, #tpu.memory_space<vmem_shared>> -> memref<10240x128xf32, #tpu.memory_space<vmem_shared>>
      tpu.enqueue_indirect_dma source(%arg9 : memref<80x128xf32, #tpu.memory_space<vmem>>) target(%dma_start3A_332 : memref<10240x128xf32, #tpu.memory_space<vmem_shared>>) offsets(%dma_start3A_329 : memref<80xi32, #tpu.memory_space<vmem>>) semaphore(%run_scoped3A_326 : memref<!tpu.dma_semaphore, #tpu.memory_space<semaphore_mem>>) {add = true}
      %dma_wait3A_333 = arith.constant 0 : i32
      %dma_wait3A_334 = tpu.memref_slice %arg8[%run_scoped3A_104, %dma_wait3A_333] : memref<25x80xi32, #tpu.memory_space<vmem>> -> memref<1x80xi32, #tpu.memory_space<vmem>>
      %dma_wait3A_335 = tpu.memref_squeeze %dma_wait3A_334 : memref<1x80xi32, #tpu.memory_space<vmem>> -> memref<80xi32, #tpu.memory_space<vmem>>
      %dma_wait3A_336 = arith.constant 0 : i32
      %dma_wait3A_337 = arith.constant 0 : i32
      %dma_wait3A_338 = tpu.memref_slice %arg15[%dma_wait3A_336, %dma_wait3A_337] : memref<10240x128xf32, #tpu.memory_space<vmem_shared>> -> memref<10240x128xf32, #tpu.memory_space<vmem_shared>>
      tpu.wait_indirect_dma semaphore(%run_scoped3A_326 : memref<!tpu.dma_semaphore, #tpu.memory_space<semaphore_mem>>) src(%arg9 : memref<80x128xf32, #tpu.memory_space<vmem>>) dst(%dma_wait3A_338 : memref<10240x128xf32, #tpu.memory_space<vmem_shared>>)
      tpu.yield
    }) : () -> ()
    %dma_start3A_105 = arith.constant 24 : i32
    %dma_start3A_106 = arith.constant 0 : i32
    %dma_start3A_107 = tpu.memref_slice %arg7[%dma_start3A_105, %dma_start3A_106] : memref<25x80xi32, #tpu.memory_space<vmem>> -> memref<1x80xi32, #tpu.memory_space<vmem>>
    %dma_start3A_108 = tpu.memref_squeeze %dma_start3A_107 : memref<1x80xi32, #tpu.memory_space<vmem>> -> memref<80xi32, #tpu.memory_space<vmem>>
    %dma_start3A_109 = arith.constant 0 : i32
    %dma_start3A_110 = arith.constant 0 : i32
    %dma_start3A_111 = tpu.memref_slice %arg4[%dma_start3A_109, %dma_start3A_110] : memref<10240x128xf32, #tpu.memory_space<hbm>> -> memref<10240x128xf32, #tpu.memory_space<hbm>>
    tpu.enqueue_indirect_dma source(%dma_start3A_111 : memref<10240x128xf32, #tpu.memory_space<hbm>>) target(%arg9 : memref<80x128xf32, #tpu.memory_space<vmem>>) offsets(%dma_start3A_108 : memref<80xi32, #tpu.memory_space<vmem>>) semaphore(%arg12 : memref<!tpu.dma_semaphore, #tpu.memory_space<semaphore_mem>>)
    %dma_wait3A_112 = arith.constant 0 : i32
    %dma_wait3A_113 = arith.constant 0 : i32
    %dma_wait3A_114 = tpu.memref_slice %arg4[%dma_wait3A_112, %dma_wait3A_113] : memref<10240x128xf32, #tpu.memory_space<hbm>> -> memref<80x128xf32, #tpu.memory_space<hbm>>
    %dma_wait3A_115 = arith.constant 0 : i32
    %dma_wait3A_116 = arith.constant 0 : i32
    %dma_wait3A_117 = tpu.memref_slice %arg4[%dma_wait3A_115, %dma_wait3A_116] : memref<10240x128xf32, #tpu.memory_space<hbm>> -> memref<80x128xf32, #tpu.memory_space<hbm>>
    tpu.wait_dma2 semaphore(%arg13 : memref<!tpu.dma_semaphore, #tpu.memory_space<semaphore_mem>>) src(%dma_wait3A_117 : memref<80x128xf32, #tpu.memory_space<hbm>>) dst(%arg10 : memref<80x128xf32, #tpu.memory_space<vmem>>)
    %run_scoped3A_118 = arith.constant 22 : i32
    "tpu.region"() ({
      %run_scoped3A_326 = tpu.sem_alloc : memref<!tpu.dma_semaphore, #tpu.memory_space<semaphore_mem>>
      %dma_start3A_327 = arith.constant 0 : i32
      %dma_start3A_328 = tpu.memref_slice %arg8[%run_scoped3A_118, %dma_start3A_327] : memref<25x80xi32, #tpu.memory_space<vmem>> -> memref<1x80xi32, #tpu.memory_space<vmem>>
      %dma_start3A_329 = tpu.memref_squeeze %dma_start3A_328 : memref<1x80xi32, #tpu.memory_space<vmem>> -> memref<80xi32, #tpu.memory_space<vmem>>
      %dma_start3A_330 = arith.constant 0 : i32
      %dma_start3A_331 = arith.constant 0 : i32
      %dma_start3A_332 = tpu.memref_slice %arg15[%dma_start3A_330, %dma_start3A_331] : memref<10240x128xf32, #tpu.memory_space<vmem_shared>> -> memref<10240x128xf32, #tpu.memory_space<vmem_shared>>
      tpu.enqueue_indirect_dma source(%arg10 : memref<80x128xf32, #tpu.memory_space<vmem>>) target(%dma_start3A_332 : memref<10240x128xf32, #tpu.memory_space<vmem_shared>>) offsets(%dma_start3A_329 : memref<80xi32, #tpu.memory_space<vmem>>) semaphore(%run_scoped3A_326 : memref<!tpu.dma_semaphore, #tpu.memory_space<semaphore_mem>>) {add = true}
      %dma_wait3A_333 = arith.constant 0 : i32
      %dma_wait3A_334 = tpu.memref_slice %arg8[%run_scoped3A_118, %dma_wait3A_333] : memref<25x80xi32, #tpu.memory_space<vmem>> -> memref<1x80xi32, #tpu.memory_space<vmem>>
      %dma_wait3A_335 = tpu.memref_squeeze %dma_wait3A_334 : memref<1x80xi32, #tpu.memory_space<vmem>> -> memref<80xi32, #tpu.memory_space<vmem>>
      %dma_wait3A_336 = arith.constant 0 : i32
      %dma_wait3A_337 = arith.constant 0 : i32
      %dma_wait3A_338 = tpu.memref_slice %arg15[%dma_wait3A_336, %dma_wait3A_337] : memref<10240x128xf32, #tpu.memory_space<vmem_shared>> -> memref<10240x128xf32, #tpu.memory_space<vmem_shared>>
      tpu.wait_indirect_dma semaphore(%run_scoped3A_326 : memref<!tpu.dma_semaphore, #tpu.memory_space<semaphore_mem>>) src(%arg10 : memref<80x128xf32, #tpu.memory_space<vmem>>) dst(%dma_wait3A_338 : memref<10240x128xf32, #tpu.memory_space<vmem_shared>>)
      tpu.yield
    }) : () -> ()
    %dma_wait3A_119 = arith.constant 0 : i32
    %dma_wait3A_120 = arith.constant 0 : i32
    %dma_wait3A_121 = tpu.memref_slice %arg4[%dma_wait3A_119, %dma_wait3A_120] : memref<10240x128xf32, #tpu.memory_space<hbm>> -> memref<80x128xf32, #tpu.memory_space<hbm>>
    %dma_wait3A_122 = arith.constant 0 : i32
    %dma_wait3A_123 = arith.constant 0 : i32
    %dma_wait3A_124 = tpu.memref_slice %arg4[%dma_wait3A_122, %dma_wait3A_123] : memref<10240x128xf32, #tpu.memory_space<hbm>> -> memref<80x128xf32, #tpu.memory_space<hbm>>
    tpu.wait_dma2 semaphore(%arg14 : memref<!tpu.dma_semaphore, #tpu.memory_space<semaphore_mem>>) src(%dma_wait3A_124 : memref<80x128xf32, #tpu.memory_space<hbm>>) dst(%arg11 : memref<80x128xf32, #tpu.memory_space<vmem>>)
    %run_scoped3A_125 = arith.constant 23 : i32
    "tpu.region"() ({
      %run_scoped3A_326 = tpu.sem_alloc : memref<!tpu.dma_semaphore, #tpu.memory_space<semaphore_mem>>
      %dma_start3A_327 = arith.constant 0 : i32
      %dma_start3A_328 = tpu.memref_slice %arg8[%run_scoped3A_125, %dma_start3A_327] : memref<25x80xi32, #tpu.memory_space<vmem>> -> memref<1x80xi32, #tpu.memory_space<vmem>>
      %dma_start3A_329 = tpu.memref_squeeze %dma_start3A_328 : memref<1x80xi32, #tpu.memory_space<vmem>> -> memref<80xi32, #tpu.memory_space<vmem>>
      %dma_start3A_330 = arith.constant 0 : i32
      %dma_start3A_331 = arith.constant 0 : i32
      %dma_start3A_332 = tpu.memref_slice %arg15[%dma_start3A_330, %dma_start3A_331] : memref<10240x128xf32, #tpu.memory_space<vmem_shared>> -> memref<10240x128xf32, #tpu.memory_space<vmem_shared>>
      tpu.enqueue_indirect_dma source(%arg11 : memref<80x128xf32, #tpu.memory_space<vmem>>) target(%dma_start3A_332 : memref<10240x128xf32, #tpu.memory_space<vmem_shared>>) offsets(%dma_start3A_329 : memref<80xi32, #tpu.memory_space<vmem>>) semaphore(%run_scoped3A_326 : memref<!tpu.dma_semaphore, #tpu.memory_space<semaphore_mem>>) {add = true}
      %dma_wait3A_333 = arith.constant 0 : i32
      %dma_wait3A_334 = tpu.memref_slice %arg8[%run_scoped3A_125, %dma_wait3A_333] : memref<25x80xi32, #tpu.memory_space<vmem>> -> memref<1x80xi32, #tpu.memory_space<vmem>>
      %dma_wait3A_335 = tpu.memref_squeeze %dma_wait3A_334 : memref<1x80xi32, #tpu.memory_space<vmem>> -> memref<80xi32, #tpu.memory_space<vmem>>
      %dma_wait3A_336 = arith.constant 0 : i32
      %dma_wait3A_337 = arith.constant 0 : i32
      %dma_wait3A_338 = tpu.memref_slice %arg15[%dma_wait3A_336, %dma_wait3A_337] : memref<10240x128xf32, #tpu.memory_space<vmem_shared>> -> memref<10240x128xf32, #tpu.memory_space<vmem_shared>>
      tpu.wait_indirect_dma semaphore(%run_scoped3A_326 : memref<!tpu.dma_semaphore, #tpu.memory_space<semaphore_mem>>) src(%arg11 : memref<80x128xf32, #tpu.memory_space<vmem>>) dst(%dma_wait3A_338 : memref<10240x128xf32, #tpu.memory_space<vmem_shared>>)
      tpu.yield
    }) : () -> ()
    %dma_wait3A_126 = arith.constant 0 : i32
    %dma_wait3A_127 = arith.constant 0 : i32
    %dma_wait3A_128 = tpu.memref_slice %arg4[%dma_wait3A_126, %dma_wait3A_127] : memref<10240x128xf32, #tpu.memory_space<hbm>> -> memref<80x128xf32, #tpu.memory_space<hbm>>
    %dma_wait3A_129 = arith.constant 0 : i32
    %dma_wait3A_130 = arith.constant 0 : i32
    %dma_wait3A_131 = tpu.memref_slice %arg4[%dma_wait3A_129, %dma_wait3A_130] : memref<10240x128xf32, #tpu.memory_space<hbm>> -> memref<80x128xf32, #tpu.memory_space<hbm>>
    tpu.wait_dma2 semaphore(%arg12 : memref<!tpu.dma_semaphore, #tpu.memory_space<semaphore_mem>>) src(%dma_wait3A_131 : memref<80x128xf32, #tpu.memory_space<hbm>>) dst(%arg9 : memref<80x128xf32, #tpu.memory_space<vmem>>)
    %run_scoped3A_132 = arith.constant 24 : i32
    "tpu.region"() ({
      %run_scoped3A_326 = tpu.sem_alloc : memref<!tpu.dma_semaphore, #tpu.memory_space<semaphore_mem>>
      %dma_start3A_327 = arith.constant 0 : i32
      %dma_start3A_328 = tpu.memref_slice %arg8[%run_scoped3A_132, %dma_start3A_327] : memref<25x80xi32, #tpu.memory_space<vmem>> -> memref<1x80xi32, #tpu.memory_space<vmem>>
      %dma_start3A_329 = tpu.memref_squeeze %dma_start3A_328 : memref<1x80xi32, #tpu.memory_space<vmem>> -> memref<80xi32, #tpu.memory_space<vmem>>
      %dma_start3A_330 = arith.constant 0 : i32
      %dma_start3A_331 = arith.constant 0 : i32
      %dma_start3A_332 = tpu.memref_slice %arg15[%dma_start3A_330, %dma_start3A_331] : memref<10240x128xf32, #tpu.memory_space<vmem_shared>> -> memref<10240x128xf32, #tpu.memory_space<vmem_shared>>
      tpu.enqueue_indirect_dma source(%arg9 : memref<80x128xf32, #tpu.memory_space<vmem>>) target(%dma_start3A_332 : memref<10240x128xf32, #tpu.memory_space<vmem_shared>>) offsets(%dma_start3A_329 : memref<80xi32, #tpu.memory_space<vmem>>) semaphore(%run_scoped3A_326 : memref<!tpu.dma_semaphore, #tpu.memory_space<semaphore_mem>>) {add = true}
      %dma_wait3A_333 = arith.constant 0 : i32
      %dma_wait3A_334 = tpu.memref_slice %arg8[%run_scoped3A_132, %dma_wait3A_333] : memref<25x80xi32, #tpu.memory_space<vmem>> -> memref<1x80xi32, #tpu.memory_space<vmem>>
      %dma_wait3A_335 = tpu.memref_squeeze %dma_wait3A_334 : memref<1x80xi32, #tpu.memory_space<vmem>> -> memref<80xi32, #tpu.memory_space<vmem>>
      %dma_wait3A_336 = arith.constant 0 : i32
      %dma_wait3A_337 = arith.constant 0 : i32
      %dma_wait3A_338 = tpu.memref_slice %arg15[%dma_wait3A_336, %dma_wait3A_337] : memref<10240x128xf32, #tpu.memory_space<vmem_shared>> -> memref<10240x128xf32, #tpu.memory_space<vmem_shared>>
      tpu.wait_indirect_dma semaphore(%run_scoped3A_326 : memref<!tpu.dma_semaphore, #tpu.memory_space<semaphore_mem>>) src(%arg9 : memref<80x128xf32, #tpu.memory_space<vmem>>) dst(%dma_wait3A_338 : memref<10240x128xf32, #tpu.memory_space<vmem_shared>>)
      tpu.yield
    }) : () -> ()
    %run_scoped3A_133 = arith.constant 2 : i32
    "tpu.region"() ({
      %run_scoped3A_326 = tpu.sem_alloc : memref<!tpu.dma_semaphore, #tpu.memory_space<semaphore_mem>>
      %dma_start3A_327 = arith.constant 0 : i32
      %dma_start3A_328 = arith.constant 0 : i32
      %dma_start3A_329 = tpu.memref_slice %arg2[%add3A, %run_scoped3A_133, %dma_start3A_327, %dma_start3A_328] : memref<32x5x25x80xi32, #tpu.memory_space<hbm>> -> memref<1x1x25x80xi32, #tpu.memory_space<hbm>>
      %dma_start3A_330 = tpu.memref_squeeze %dma_start3A_329 : memref<1x1x25x80xi32, #tpu.memory_space<hbm>> -> memref<25x80xi32, #tpu.memory_space<hbm>>
      %dma_start3A_331 = arith.constant 0 : i32
      %dma_start3A_332 = arith.constant 0 : i32
      %dma_start3A_333 = tpu.memref_slice %arg2[%add3A, %run_scoped3A_133, %dma_start3A_331, %dma_start3A_332] : memref<32x5x25x80xi32, #tpu.memory_space<hbm>> -> memref<1x1x25x80xi32, #tpu.memory_space<hbm>>
      %dma_start3A_334 = tpu.memref_squeeze %dma_start3A_333 : memref<1x1x25x80xi32, #tpu.memory_space<hbm>> -> memref<25x80xi32, #tpu.memory_space<hbm>>
      tpu.enqueue_dma source(%dma_start3A_334 : memref<25x80xi32, #tpu.memory_space<hbm>>) target(%arg7 : memref<25x80xi32, #tpu.memory_space<vmem>>) target_semaphore(%run_scoped3A_326 : memref<!tpu.dma_semaphore, #tpu.memory_space<semaphore_mem>>)
      %dma_wait3A_335 = arith.constant 0 : i32
      %dma_wait3A_336 = arith.constant 0 : i32
      %dma_wait3A_337 = tpu.memref_slice %arg2[%add3A, %run_scoped3A_133, %dma_wait3A_335, %dma_wait3A_336] : memref<32x5x25x80xi32, #tpu.memory_space<hbm>> -> memref<1x1x25x80xi32, #tpu.memory_space<hbm>>
      %dma_wait3A_338 = tpu.memref_squeeze %dma_wait3A_337 : memref<1x1x25x80xi32, #tpu.memory_space<hbm>> -> memref<25x80xi32, #tpu.memory_space<hbm>>
      %dma_wait3A_339 = arith.constant 0 : i32
      %dma_wait3A_340 = arith.constant 0 : i32
      %dma_wait3A_341 = tpu.memref_slice %arg2[%add3A, %run_scoped3A_133, %dma_wait3A_339, %dma_wait3A_340] : memref<32x5x25x80xi32, #tpu.memory_space<hbm>> -> memref<1x1x25x80xi32, #tpu.memory_space<hbm>>
      %dma_wait3A_342 = tpu.memref_squeeze %dma_wait3A_341 : memref<1x1x25x80xi32, #tpu.memory_space<hbm>> -> memref<25x80xi32, #tpu.memory_space<hbm>>
      tpu.wait_dma2 semaphore(%run_scoped3A_326 : memref<!tpu.dma_semaphore, #tpu.memory_space<semaphore_mem>>) src(%dma_wait3A_342 : memref<25x80xi32, #tpu.memory_space<hbm>>) dst(%arg7 : memref<25x80xi32, #tpu.memory_space<vmem>>)
      tpu.yield
    }) : () -> ()
    %run_scoped3A_134 = arith.constant 2 : i32
    "tpu.region"() ({
      %run_scoped3A_326 = tpu.sem_alloc : memref<!tpu.dma_semaphore, #tpu.memory_space<semaphore_mem>>
      %dma_start3A_327 = arith.constant 0 : i32
      %dma_start3A_328 = arith.constant 0 : i32
      %dma_start3A_329 = tpu.memref_slice %arg3[%add3A, %run_scoped3A_134, %dma_start3A_327, %dma_start3A_328] : memref<32x5x25x80xi32, #tpu.memory_space<hbm>> -> memref<1x1x25x80xi32, #tpu.memory_space<hbm>>
      %dma_start3A_330 = tpu.memref_squeeze %dma_start3A_329 : memref<1x1x25x80xi32, #tpu.memory_space<hbm>> -> memref<25x80xi32, #tpu.memory_space<hbm>>
      %dma_start3A_331 = arith.constant 0 : i32
      %dma_start3A_332 = arith.constant 0 : i32
      %dma_start3A_333 = tpu.memref_slice %arg3[%add3A, %run_scoped3A_134, %dma_start3A_331, %dma_start3A_332] : memref<32x5x25x80xi32, #tpu.memory_space<hbm>> -> memref<1x1x25x80xi32, #tpu.memory_space<hbm>>
      %dma_start3A_334 = tpu.memref_squeeze %dma_start3A_333 : memref<1x1x25x80xi32, #tpu.memory_space<hbm>> -> memref<25x80xi32, #tpu.memory_space<hbm>>
      tpu.enqueue_dma source(%dma_start3A_334 : memref<25x80xi32, #tpu.memory_space<hbm>>) target(%arg8 : memref<25x80xi32, #tpu.memory_space<vmem>>) target_semaphore(%run_scoped3A_326 : memref<!tpu.dma_semaphore, #tpu.memory_space<semaphore_mem>>)
      %dma_wait3A_335 = arith.constant 0 : i32
      %dma_wait3A_336 = arith.constant 0 : i32
      %dma_wait3A_337 = tpu.memref_slice %arg3[%add3A, %run_scoped3A_134, %dma_wait3A_335, %dma_wait3A_336] : memref<32x5x25x80xi32, #tpu.memory_space<hbm>> -> memref<1x1x25x80xi32, #tpu.memory_space<hbm>>
      %dma_wait3A_338 = tpu.memref_squeeze %dma_wait3A_337 : memref<1x1x25x80xi32, #tpu.memory_space<hbm>> -> memref<25x80xi32, #tpu.memory_space<hbm>>
      %dma_wait3A_339 = arith.constant 0 : i32
      %dma_wait3A_340 = arith.constant 0 : i32
      %dma_wait3A_341 = tpu.memref_slice %arg3[%add3A, %run_scoped3A_134, %dma_wait3A_339, %dma_wait3A_340] : memref<32x5x25x80xi32, #tpu.memory_space<hbm>> -> memref<1x1x25x80xi32, #tpu.memory_space<hbm>>
      %dma_wait3A_342 = tpu.memref_squeeze %dma_wait3A_341 : memref<1x1x25x80xi32, #tpu.memory_space<hbm>> -> memref<25x80xi32, #tpu.memory_space<hbm>>
      tpu.wait_dma2 semaphore(%run_scoped3A_326 : memref<!tpu.dma_semaphore, #tpu.memory_space<semaphore_mem>>) src(%dma_wait3A_342 : memref<25x80xi32, #tpu.memory_space<hbm>>) dst(%arg8 : memref<25x80xi32, #tpu.memory_space<vmem>>)
      tpu.yield
    }) : () -> ()
    %dma_start3A_135 = arith.constant 0 : i32
    %dma_start3A_136 = arith.constant 0 : i32
    %dma_start3A_137 = tpu.memref_slice %arg7[%dma_start3A_135, %dma_start3A_136] : memref<25x80xi32, #tpu.memory_space<vmem>> -> memref<1x80xi32, #tpu.memory_space<vmem>>
    %dma_start3A_138 = tpu.memref_squeeze %dma_start3A_137 : memref<1x80xi32, #tpu.memory_space<vmem>> -> memref<80xi32, #tpu.memory_space<vmem>>
    %dma_start3A_139 = arith.constant 0 : i32
    %dma_start3A_140 = arith.constant 0 : i32
    %dma_start3A_141 = tpu.memref_slice %arg4[%dma_start3A_139, %dma_start3A_140] : memref<10240x128xf32, #tpu.memory_space<hbm>> -> memref<10240x128xf32, #tpu.memory_space<hbm>>
    tpu.enqueue_indirect_dma source(%dma_start3A_141 : memref<10240x128xf32, #tpu.memory_space<hbm>>) target(%arg9 : memref<80x128xf32, #tpu.memory_space<vmem>>) offsets(%dma_start3A_138 : memref<80xi32, #tpu.memory_space<vmem>>) semaphore(%arg12 : memref<!tpu.dma_semaphore, #tpu.memory_space<semaphore_mem>>)
    %dma_start3A_142 = arith.constant 1 : i32
    %dma_start3A_143 = arith.constant 0 : i32
    %dma_start3A_144 = tpu.memref_slice %arg7[%dma_start3A_142, %dma_start3A_143] : memref<25x80xi32, #tpu.memory_space<vmem>> -> memref<1x80xi32, #tpu.memory_space<vmem>>
    %dma_start3A_145 = tpu.memref_squeeze %dma_start3A_144 : memref<1x80xi32, #tpu.memory_space<vmem>> -> memref<80xi32, #tpu.memory_space<vmem>>
    %dma_start3A_146 = arith.constant 0 : i32
    %dma_start3A_147 = arith.constant 0 : i32
    %dma_start3A_148 = tpu.memref_slice %arg4[%dma_start3A_146, %dma_start3A_147] : memref<10240x128xf32, #tpu.memory_space<hbm>> -> memref<10240x128xf32, #tpu.memory_space<hbm>>
    tpu.enqueue_indirect_dma source(%dma_start3A_148 : memref<10240x128xf32, #tpu.memory_space<hbm>>) target(%arg10 : memref<80x128xf32, #tpu.memory_space<vmem>>) offsets(%dma_start3A_145 : memref<80xi32, #tpu.memory_space<vmem>>) semaphore(%arg13 : memref<!tpu.dma_semaphore, #tpu.memory_space<semaphore_mem>>)
    %scan3A_149 = arith.constant 0 : i32
    %scan3A_150 = arith.constant 0 : i32
    %scan3A_151 = arith.constant 7 : i32
    %scan3A_152 = arith.addi %scan3A_150, %scan3A_151 : i32
    %scan3A_153 = arith.constant 1 : i32
    scf.for %scan3A_326 = %scan3A_150 to %scan3A_152 step %scan3A_153  : i32 {
      %mul3A_327 = arith.constant 3 : i32
      %mul3A_328 = arith.muli %mul3A_327, %scan3A_326 : i32
      %add3A_329 = arith.constant 0 : i32
      %add3A_330 = arith.addi %mul3A_328, %add3A_329 : i32
      %add3A_331 = arith.constant 2 : i32
      %add3A_332 = arith.addi %add3A_330, %add3A_331 : i32
      %dma_start3A_333 = arith.constant 0 : i32
      %dma_start3A_334 = tpu.memref_slice %arg7[%add3A_332, %dma_start3A_333] : memref<25x80xi32, #tpu.memory_space<vmem>> -> memref<1x80xi32, #tpu.memory_space<vmem>>
      %dma_start3A_335 = tpu.memref_squeeze %dma_start3A_334 : memref<1x80xi32, #tpu.memory_space<vmem>> -> memref<80xi32, #tpu.memory_space<vmem>>
      %dma_start3A_336 = arith.constant 0 : i32
      %dma_start3A_337 = arith.constant 0 : i32
      %dma_start3A_338 = tpu.memref_slice %arg4[%dma_start3A_336, %dma_start3A_337] : memref<10240x128xf32, #tpu.memory_space<hbm>> -> memref<10240x128xf32, #tpu.memory_space<hbm>>
      tpu.enqueue_indirect_dma source(%dma_start3A_338 : memref<10240x128xf32, #tpu.memory_space<hbm>>) target(%arg11 : memref<80x128xf32, #tpu.memory_space<vmem>>) offsets(%dma_start3A_335 : memref<80xi32, #tpu.memory_space<vmem>>) semaphore(%arg14 : memref<!tpu.dma_semaphore, #tpu.memory_space<semaphore_mem>>)
      %dma_wait3A_339 = arith.constant 0 : i32
      %dma_wait3A_340 = arith.constant 0 : i32
      %dma_wait3A_341 = tpu.memref_slice %arg4[%dma_wait3A_339, %dma_wait3A_340] : memref<10240x128xf32, #tpu.memory_space<hbm>> -> memref<80x128xf32, #tpu.memory_space<hbm>>
      %dma_wait3A_342 = arith.constant 0 : i32
      %dma_wait3A_343 = arith.constant 0 : i32
      %dma_wait3A_344 = tpu.memref_slice %arg4[%dma_wait3A_342, %dma_wait3A_343] : memref<10240x128xf32, #tpu.memory_space<hbm>> -> memref<80x128xf32, #tpu.memory_space<hbm>>
      tpu.wait_dma2 semaphore(%arg12 : memref<!tpu.dma_semaphore, #tpu.memory_space<semaphore_mem>>) src(%dma_wait3A_344 : memref<80x128xf32, #tpu.memory_space<hbm>>) dst(%arg9 : memref<80x128xf32, #tpu.memory_space<vmem>>)
      "tpu.region"() ({
        %run_scoped3A_381 = tpu.sem_alloc : memref<!tpu.dma_semaphore, #tpu.memory_space<semaphore_mem>>
        %dma_start3A_382 = arith.constant 0 : i32
        %dma_start3A_383 = tpu.memref_slice %arg8[%add3A_330, %dma_start3A_382] : memref<25x80xi32, #tpu.memory_space<vmem>> -> memref<1x80xi32, #tpu.memory_space<vmem>>
        %dma_start3A_384 = tpu.memref_squeeze %dma_start3A_383 : memref<1x80xi32, #tpu.memory_space<vmem>> -> memref<80xi32, #tpu.memory_space<vmem>>
        %dma_start3A_385 = arith.constant 0 : i32
        %dma_start3A_386 = arith.constant 0 : i32
        %dma_start3A_387 = tpu.memref_slice %arg15[%dma_start3A_385, %dma_start3A_386] : memref<10240x128xf32, #tpu.memory_space<vmem_shared>> -> memref<10240x128xf32, #tpu.memory_space<vmem_shared>>
        tpu.enqueue_indirect_dma source(%arg9 : memref<80x128xf32, #tpu.memory_space<vmem>>) target(%dma_start3A_387 : memref<10240x128xf32, #tpu.memory_space<vmem_shared>>) offsets(%dma_start3A_384 : memref<80xi32, #tpu.memory_space<vmem>>) semaphore(%run_scoped3A_381 : memref<!tpu.dma_semaphore, #tpu.memory_space<semaphore_mem>>) {add = true}
        %dma_wait3A_388 = arith.constant 0 : i32
        %dma_wait3A_389 = tpu.memref_slice %arg8[%add3A_330, %dma_wait3A_388] : memref<25x80xi32, #tpu.memory_space<vmem>> -> memref<1x80xi32, #tpu.memory_space<vmem>>
        %dma_wait3A_390 = tpu.memref_squeeze %dma_wait3A_389 : memref<1x80xi32, #tpu.memory_space<vmem>> -> memref<80xi32, #tpu.memory_space<vmem>>
        %dma_wait3A_391 = arith.constant 0 : i32
        %dma_wait3A_392 = arith.constant 0 : i32
        %dma_wait3A_393 = tpu.memref_slice %arg15[%dma_wait3A_391, %dma_wait3A_392] : memref<10240x128xf32, #tpu.memory_space<vmem_shared>> -> memref<10240x128xf32, #tpu.memory_space<vmem_shared>>
        tpu.wait_indirect_dma semaphore(%run_scoped3A_381 : memref<!tpu.dma_semaphore, #tpu.memory_space<semaphore_mem>>) src(%arg9 : memref<80x128xf32, #tpu.memory_space<vmem>>) dst(%dma_wait3A_393 : memref<10240x128xf32, #tpu.memory_space<vmem_shared>>)
        tpu.yield
      }) : () -> ()
      %mul3A_345 = arith.constant 3 : i32
      %mul3A_346 = arith.muli %mul3A_345, %scan3A_326 : i32
      %add3A_347 = arith.constant 1 : i32
      %add3A_348 = arith.addi %mul3A_346, %add3A_347 : i32
      %add3A_349 = arith.constant 2 : i32
      %add3A_350 = arith.addi %add3A_348, %add3A_349 : i32
      %dma_start3A_351 = arith.constant 0 : i32
      %dma_start3A_352 = tpu.memref_slice %arg7[%add3A_350, %dma_start3A_351] : memref<25x80xi32, #tpu.memory_space<vmem>> -> memref<1x80xi32, #tpu.memory_space<vmem>>
      %dma_start3A_353 = tpu.memref_squeeze %dma_start3A_352 : memref<1x80xi32, #tpu.memory_space<vmem>> -> memref<80xi32, #tpu.memory_space<vmem>>
      %dma_start3A_354 = arith.constant 0 : i32
      %dma_start3A_355 = arith.constant 0 : i32
      %dma_start3A_356 = tpu.memref_slice %arg4[%dma_start3A_354, %dma_start3A_355] : memref<10240x128xf32, #tpu.memory_space<hbm>> -> memref<10240x128xf32, #tpu.memory_space<hbm>>
      tpu.enqueue_indirect_dma source(%dma_start3A_356 : memref<10240x128xf32, #tpu.memory_space<hbm>>) target(%arg9 : memref<80x128xf32, #tpu.memory_space<vmem>>) offsets(%dma_start3A_353 : memref<80xi32, #tpu.memory_space<vmem>>) semaphore(%arg12 : memref<!tpu.dma_semaphore, #tpu.memory_space<semaphore_mem>>)
      %dma_wait3A_357 = arith.constant 0 : i32
      %dma_wait3A_358 = arith.constant 0 : i32
      %dma_wait3A_359 = tpu.memref_slice %arg4[%dma_wait3A_357, %dma_wait3A_358] : memref<10240x128xf32, #tpu.memory_space<hbm>> -> memref<80x128xf32, #tpu.memory_space<hbm>>
      %dma_wait3A_360 = arith.constant 0 : i32
      %dma_wait3A_361 = arith.constant 0 : i32
      %dma_wait3A_362 = tpu.memref_slice %arg4[%dma_wait3A_360, %dma_wait3A_361] : memref<10240x128xf32, #tpu.memory_space<hbm>> -> memref<80x128xf32, #tpu.memory_space<hbm>>
      tpu.wait_dma2 semaphore(%arg13 : memref<!tpu.dma_semaphore, #tpu.memory_space<semaphore_mem>>) src(%dma_wait3A_362 : memref<80x128xf32, #tpu.memory_space<hbm>>) dst(%arg10 : memref<80x128xf32, #tpu.memory_space<vmem>>)
      "tpu.region"() ({
        %run_scoped3A_381 = tpu.sem_alloc : memref<!tpu.dma_semaphore, #tpu.memory_space<semaphore_mem>>
        %dma_start3A_382 = arith.constant 0 : i32
        %dma_start3A_383 = tpu.memref_slice %arg8[%add3A_348, %dma_start3A_382] : memref<25x80xi32, #tpu.memory_space<vmem>> -> memref<1x80xi32, #tpu.memory_space<vmem>>
        %dma_start3A_384 = tpu.memref_squeeze %dma_start3A_383 : memref<1x80xi32, #tpu.memory_space<vmem>> -> memref<80xi32, #tpu.memory_space<vmem>>
        %dma_start3A_385 = arith.constant 0 : i32
        %dma_start3A_386 = arith.constant 0 : i32
        %dma_start3A_387 = tpu.memref_slice %arg15[%dma_start3A_385, %dma_start3A_386] : memref<10240x128xf32, #tpu.memory_space<vmem_shared>> -> memref<10240x128xf32, #tpu.memory_space<vmem_shared>>
        tpu.enqueue_indirect_dma source(%arg10 : memref<80x128xf32, #tpu.memory_space<vmem>>) target(%dma_start3A_387 : memref<10240x128xf32, #tpu.memory_space<vmem_shared>>) offsets(%dma_start3A_384 : memref<80xi32, #tpu.memory_space<vmem>>) semaphore(%run_scoped3A_381 : memref<!tpu.dma_semaphore, #tpu.memory_space<semaphore_mem>>) {add = true}
        %dma_wait3A_388 = arith.constant 0 : i32
        %dma_wait3A_389 = tpu.memref_slice %arg8[%add3A_348, %dma_wait3A_388] : memref<25x80xi32, #tpu.memory_space<vmem>> -> memref<1x80xi32, #tpu.memory_space<vmem>>
        %dma_wait3A_390 = tpu.memref_squeeze %dma_wait3A_389 : memref<1x80xi32, #tpu.memory_space<vmem>> -> memref<80xi32, #tpu.memory_space<vmem>>
        %dma_wait3A_391 = arith.constant 0 : i32
        %dma_wait3A_392 = arith.constant 0 : i32
        %dma_wait3A_393 = tpu.memref_slice %arg15[%dma_wait3A_391, %dma_wait3A_392] : memref<10240x128xf32, #tpu.memory_space<vmem_shared>> -> memref<10240x128xf32, #tpu.memory_space<vmem_shared>>
        tpu.wait_indirect_dma semaphore(%run_scoped3A_381 : memref<!tpu.dma_semaphore, #tpu.memory_space<semaphore_mem>>) src(%arg10 : memref<80x128xf32, #tpu.memory_space<vmem>>) dst(%dma_wait3A_393 : memref<10240x128xf32, #tpu.memory_space<vmem_shared>>)
        tpu.yield
      }) : () -> ()
      %mul3A_363 = arith.constant 3 : i32
      %mul3A_364 = arith.muli %mul3A_363, %scan3A_326 : i32
      %add3A_365 = arith.constant 2 : i32
      %add3A_366 = arith.addi %mul3A_364, %add3A_365 : i32
      %add3A_367 = arith.constant 2 : i32
      %add3A_368 = arith.addi %add3A_366, %add3A_367 : i32
      %dma_start3A_369 = arith.constant 0 : i32
      %dma_start3A_370 = tpu.memref_slice %arg7[%add3A_368, %dma_start3A_369] : memref<25x80xi32, #tpu.memory_space<vmem>> -> memref<1x80xi32, #tpu.memory_space<vmem>>
      %dma_start3A_371 = tpu.memref_squeeze %dma_start3A_370 : memref<1x80xi32, #tpu.memory_space<vmem>> -> memref<80xi32, #tpu.memory_space<vmem>>
      %dma_start3A_372 = arith.constant 0 : i32
      %dma_start3A_373 = arith.constant 0 : i32
      %dma_start3A_374 = tpu.memref_slice %arg4[%dma_start3A_372, %dma_start3A_373] : memref<10240x128xf32, #tpu.memory_space<hbm>> -> memref<10240x128xf32, #tpu.memory_space<hbm>>
      tpu.enqueue_indirect_dma source(%dma_start3A_374 : memref<10240x128xf32, #tpu.memory_space<hbm>>) target(%arg10 : memref<80x128xf32, #tpu.memory_space<vmem>>) offsets(%dma_start3A_371 : memref<80xi32, #tpu.memory_space<vmem>>) semaphore(%arg13 : memref<!tpu.dma_semaphore, #tpu.memory_space<semaphore_mem>>)
      %dma_wait3A_375 = arith.constant 0 : i32
      %dma_wait3A_376 = arith.constant 0 : i32
      %dma_wait3A_377 = tpu.memref_slice %arg4[%dma_wait3A_375, %dma_wait3A_376] : memref<10240x128xf32, #tpu.memory_space<hbm>> -> memref<80x128xf32, #tpu.memory_space<hbm>>
      %dma_wait3A_378 = arith.constant 0 : i32
      %dma_wait3A_379 = arith.constant 0 : i32
      %dma_wait3A_380 = tpu.memref_slice %arg4[%dma_wait3A_378, %dma_wait3A_379] : memref<10240x128xf32, #tpu.memory_space<hbm>> -> memref<80x128xf32, #tpu.memory_space<hbm>>
      tpu.wait_dma2 semaphore(%arg14 : memref<!tpu.dma_semaphore, #tpu.memory_space<semaphore_mem>>) src(%dma_wait3A_380 : memref<80x128xf32, #tpu.memory_space<hbm>>) dst(%arg11 : memref<80x128xf32, #tpu.memory_space<vmem>>)
      "tpu.region"() ({
        %run_scoped3A_381 = tpu.sem_alloc : memref<!tpu.dma_semaphore, #tpu.memory_space<semaphore_mem>>
        %dma_start3A_382 = arith.constant 0 : i32
        %dma_start3A_383 = tpu.memref_slice %arg8[%add3A_366, %dma_start3A_382] : memref<25x80xi32, #tpu.memory_space<vmem>> -> memref<1x80xi32, #tpu.memory_space<vmem>>
        %dma_start3A_384 = tpu.memref_squeeze %dma_start3A_383 : memref<1x80xi32, #tpu.memory_space<vmem>> -> memref<80xi32, #tpu.memory_space<vmem>>
        %dma_start3A_385 = arith.constant 0 : i32
        %dma_start3A_386 = arith.constant 0 : i32
        %dma_start3A_387 = tpu.memref_slice %arg15[%dma_start3A_385, %dma_start3A_386] : memref<10240x128xf32, #tpu.memory_space<vmem_shared>> -> memref<10240x128xf32, #tpu.memory_space<vmem_shared>>
        tpu.enqueue_indirect_dma source(%arg11 : memref<80x128xf32, #tpu.memory_space<vmem>>) target(%dma_start3A_387 : memref<10240x128xf32, #tpu.memory_space<vmem_shared>>) offsets(%dma_start3A_384 : memref<80xi32, #tpu.memory_space<vmem>>) semaphore(%run_scoped3A_381 : memref<!tpu.dma_semaphore, #tpu.memory_space<semaphore_mem>>) {add = true}
        %dma_wait3A_388 = arith.constant 0 : i32
        %dma_wait3A_389 = tpu.memref_slice %arg8[%add3A_366, %dma_wait3A_388] : memref<25x80xi32, #tpu.memory_space<vmem>> -> memref<1x80xi32, #tpu.memory_space<vmem>>
        %dma_wait3A_390 = tpu.memref_squeeze %dma_wait3A_389 : memref<1x80xi32, #tpu.memory_space<vmem>> -> memref<80xi32, #tpu.memory_space<vmem>>
        %dma_wait3A_391 = arith.constant 0 : i32
        %dma_wait3A_392 = arith.constant 0 : i32
        %dma_wait3A_393 = tpu.memref_slice %arg15[%dma_wait3A_391, %dma_wait3A_392] : memref<10240x128xf32, #tpu.memory_space<vmem_shared>> -> memref<10240x128xf32, #tpu.memory_space<vmem_shared>>
        tpu.wait_indirect_dma semaphore(%run_scoped3A_381 : memref<!tpu.dma_semaphore, #tpu.memory_space<semaphore_mem>>) src(%arg11 : memref<80x128xf32, #tpu.memory_space<vmem>>) dst(%dma_wait3A_393 : memref<10240x128xf32, #tpu.memory_space<vmem_shared>>)
        tpu.yield
      }) : () -> ()
    }
    %scan3A_154 = arith.constant 7 : i32
    %dma_start3A_155 = arith.constant 23 : i32
    %dma_start3A_156 = arith.constant 0 : i32
    %dma_start3A_157 = tpu.memref_slice %arg7[%dma_start3A_155, %dma_start3A_156] : memref<25x80xi32, #tpu.memory_space<vmem>> -> memref<1x80xi32, #tpu.memory_space<vmem>>
    %dma_start3A_158 = tpu.memref_squeeze %dma_start3A_157 : memref<1x80xi32, #tpu.memory_space<vmem>> -> memref<80xi32, #tpu.memory_space<vmem>>
    %dma_start3A_159 = arith.constant 0 : i32
    %dma_start3A_160 = arith.constant 0 : i32
    %dma_start3A_161 = tpu.memref_slice %arg4[%dma_start3A_159, %dma_start3A_160] : memref<10240x128xf32, #tpu.memory_space<hbm>> -> memref<10240x128xf32, #tpu.memory_space<hbm>>
    tpu.enqueue_indirect_dma source(%dma_start3A_161 : memref<10240x128xf32, #tpu.memory_space<hbm>>) target(%arg11 : memref<80x128xf32, #tpu.memory_space<vmem>>) offsets(%dma_start3A_158 : memref<80xi32, #tpu.memory_space<vmem>>) semaphore(%arg14 : memref<!tpu.dma_semaphore, #tpu.memory_space<semaphore_mem>>)
    %dma_wait3A_162 = arith.constant 0 : i32
    %dma_wait3A_163 = arith.constant 0 : i32
    %dma_wait3A_164 = tpu.memref_slice %arg4[%dma_wait3A_162, %dma_wait3A_163] : memref<10240x128xf32, #tpu.memory_space<hbm>> -> memref<80x128xf32, #tpu.memory_space<hbm>>
    %dma_wait3A_165 = arith.constant 0 : i32
    %dma_wait3A_166 = arith.constant 0 : i32
    %dma_wait3A_167 = tpu.memref_slice %arg4[%dma_wait3A_165, %dma_wait3A_166] : memref<10240x128xf32, #tpu.memory_space<hbm>> -> memref<80x128xf32, #tpu.memory_space<hbm>>
    tpu.wait_dma2 semaphore(%arg12 : memref<!tpu.dma_semaphore, #tpu.memory_space<semaphore_mem>>) src(%dma_wait3A_167 : memref<80x128xf32, #tpu.memory_space<hbm>>) dst(%arg9 : memref<80x128xf32, #tpu.memory_space<vmem>>)
    %run_scoped3A_168 = arith.constant 21 : i32
    "tpu.region"() ({
      %run_scoped3A_326 = tpu.sem_alloc : memref<!tpu.dma_semaphore, #tpu.memory_space<semaphore_mem>>
      %dma_start3A_327 = arith.constant 0 : i32
      %dma_start3A_328 = tpu.memref_slice %arg8[%run_scoped3A_168, %dma_start3A_327] : memref<25x80xi32, #tpu.memory_space<vmem>> -> memref<1x80xi32, #tpu.memory_space<vmem>>
      %dma_start3A_329 = tpu.memref_squeeze %dma_start3A_328 : memref<1x80xi32, #tpu.memory_space<vmem>> -> memref<80xi32, #tpu.memory_space<vmem>>
      %dma_start3A_330 = arith.constant 0 : i32
      %dma_start3A_331 = arith.constant 0 : i32
      %dma_start3A_332 = tpu.memref_slice %arg15[%dma_start3A_330, %dma_start3A_331] : memref<10240x128xf32, #tpu.memory_space<vmem_shared>> -> memref<10240x128xf32, #tpu.memory_space<vmem_shared>>
      tpu.enqueue_indirect_dma source(%arg9 : memref<80x128xf32, #tpu.memory_space<vmem>>) target(%dma_start3A_332 : memref<10240x128xf32, #tpu.memory_space<vmem_shared>>) offsets(%dma_start3A_329 : memref<80xi32, #tpu.memory_space<vmem>>) semaphore(%run_scoped3A_326 : memref<!tpu.dma_semaphore, #tpu.memory_space<semaphore_mem>>) {add = true}
      %dma_wait3A_333 = arith.constant 0 : i32
      %dma_wait3A_334 = tpu.memref_slice %arg8[%run_scoped3A_168, %dma_wait3A_333] : memref<25x80xi32, #tpu.memory_space<vmem>> -> memref<1x80xi32, #tpu.memory_space<vmem>>
      %dma_wait3A_335 = tpu.memref_squeeze %dma_wait3A_334 : memref<1x80xi32, #tpu.memory_space<vmem>> -> memref<80xi32, #tpu.memory_space<vmem>>
      %dma_wait3A_336 = arith.constant 0 : i32
      %dma_wait3A_337 = arith.constant 0 : i32
      %dma_wait3A_338 = tpu.memref_slice %arg15[%dma_wait3A_336, %dma_wait3A_337] : memref<10240x128xf32, #tpu.memory_space<vmem_shared>> -> memref<10240x128xf32, #tpu.memory_space<vmem_shared>>
      tpu.wait_indirect_dma semaphore(%run_scoped3A_326 : memref<!tpu.dma_semaphore, #tpu.memory_space<semaphore_mem>>) src(%arg9 : memref<80x128xf32, #tpu.memory_space<vmem>>) dst(%dma_wait3A_338 : memref<10240x128xf32, #tpu.memory_space<vmem_shared>>)
      tpu.yield
    }) : () -> ()
    %dma_start3A_169 = arith.constant 24 : i32
    %dma_start3A_170 = arith.constant 0 : i32
    %dma_start3A_171 = tpu.memref_slice %arg7[%dma_start3A_169, %dma_start3A_170] : memref<25x80xi32, #tpu.memory_space<vmem>> -> memref<1x80xi32, #tpu.memory_space<vmem>>
    %dma_start3A_172 = tpu.memref_squeeze %dma_start3A_171 : memref<1x80xi32, #tpu.memory_space<vmem>> -> memref<80xi32, #tpu.memory_space<vmem>>
    %dma_start3A_173 = arith.constant 0 : i32
    %dma_start3A_174 = arith.constant 0 : i32
    %dma_start3A_175 = tpu.memref_slice %arg4[%dma_start3A_173, %dma_start3A_174] : memref<10240x128xf32, #tpu.memory_space<hbm>> -> memref<10240x128xf32, #tpu.memory_space<hbm>>
    tpu.enqueue_indirect_dma source(%dma_start3A_175 : memref<10240x128xf32, #tpu.memory_space<hbm>>) target(%arg9 : memref<80x128xf32, #tpu.memory_space<vmem>>) offsets(%dma_start3A_172 : memref<80xi32, #tpu.memory_space<vmem>>) semaphore(%arg12 : memref<!tpu.dma_semaphore, #tpu.memory_space<semaphore_mem>>)
    %dma_wait3A_176 = arith.constant 0 : i32
    %dma_wait3A_177 = arith.constant 0 : i32
    %dma_wait3A_178 = tpu.memref_slice %arg4[%dma_wait3A_176, %dma_wait3A_177] : memref<10240x128xf32, #tpu.memory_space<hbm>> -> memref<80x128xf32, #tpu.memory_space<hbm>>
    %dma_wait3A_179 = arith.constant 0 : i32
    %dma_wait3A_180 = arith.constant 0 : i32
    %dma_wait3A_181 = tpu.memref_slice %arg4[%dma_wait3A_179, %dma_wait3A_180] : memref<10240x128xf32, #tpu.memory_space<hbm>> -> memref<80x128xf32, #tpu.memory_space<hbm>>
    tpu.wait_dma2 semaphore(%arg13 : memref<!tpu.dma_semaphore, #tpu.memory_space<semaphore_mem>>) src(%dma_wait3A_181 : memref<80x128xf32, #tpu.memory_space<hbm>>) dst(%arg10 : memref<80x128xf32, #tpu.memory_space<vmem>>)
    %run_scoped3A_182 = arith.constant 22 : i32
    "tpu.region"() ({
      %run_scoped3A_326 = tpu.sem_alloc : memref<!tpu.dma_semaphore, #tpu.memory_space<semaphore_mem>>
      %dma_start3A_327 = arith.constant 0 : i32
      %dma_start3A_328 = tpu.memref_slice %arg8[%run_scoped3A_182, %dma_start3A_327] : memref<25x80xi32, #tpu.memory_space<vmem>> -> memref<1x80xi32, #tpu.memory_space<vmem>>
      %dma_start3A_329 = tpu.memref_squeeze %dma_start3A_328 : memref<1x80xi32, #tpu.memory_space<vmem>> -> memref<80xi32, #tpu.memory_space<vmem>>
      %dma_start3A_330 = arith.constant 0 : i32
      %dma_start3A_331 = arith.constant 0 : i32
      %dma_start3A_332 = tpu.memref_slice %arg15[%dma_start3A_330, %dma_start3A_331] : memref<10240x128xf32, #tpu.memory_space<vmem_shared>> -> memref<10240x128xf32, #tpu.memory_space<vmem_shared>>
      tpu.enqueue_indirect_dma source(%arg10 : memref<80x128xf32, #tpu.memory_space<vmem>>) target(%dma_start3A_332 : memref<10240x128xf32, #tpu.memory_space<vmem_shared>>) offsets(%dma_start3A_329 : memref<80xi32, #tpu.memory_space<vmem>>) semaphore(%run_scoped3A_326 : memref<!tpu.dma_semaphore, #tpu.memory_space<semaphore_mem>>) {add = true}
      %dma_wait3A_333 = arith.constant 0 : i32
      %dma_wait3A_334 = tpu.memref_slice %arg8[%run_scoped3A_182, %dma_wait3A_333] : memref<25x80xi32, #tpu.memory_space<vmem>> -> memref<1x80xi32, #tpu.memory_space<vmem>>
      %dma_wait3A_335 = tpu.memref_squeeze %dma_wait3A_334 : memref<1x80xi32, #tpu.memory_space<vmem>> -> memref<80xi32, #tpu.memory_space<vmem>>
      %dma_wait3A_336 = arith.constant 0 : i32
      %dma_wait3A_337 = arith.constant 0 : i32
      %dma_wait3A_338 = tpu.memref_slice %arg15[%dma_wait3A_336, %dma_wait3A_337] : memref<10240x128xf32, #tpu.memory_space<vmem_shared>> -> memref<10240x128xf32, #tpu.memory_space<vmem_shared>>
      tpu.wait_indirect_dma semaphore(%run_scoped3A_326 : memref<!tpu.dma_semaphore, #tpu.memory_space<semaphore_mem>>) src(%arg10 : memref<80x128xf32, #tpu.memory_space<vmem>>) dst(%dma_wait3A_338 : memref<10240x128xf32, #tpu.memory_space<vmem_shared>>)
      tpu.yield
    }) : () -> ()
    %dma_wait3A_183 = arith.constant 0 : i32
    %dma_wait3A_184 = arith.constant 0 : i32
    %dma_wait3A_185 = tpu.memref_slice %arg4[%dma_wait3A_183, %dma_wait3A_184] : memref<10240x128xf32, #tpu.memory_space<hbm>> -> memref<80x128xf32, #tpu.memory_space<hbm>>
    %dma_wait3A_186 = arith.constant 0 : i32
    %dma_wait3A_187 = arith.constant 0 : i32
    %dma_wait3A_188 = tpu.memref_slice %arg4[%dma_wait3A_186, %dma_wait3A_187] : memref<10240x128xf32, #tpu.memory_space<hbm>> -> memref<80x128xf32, #tpu.memory_space<hbm>>
    tpu.wait_dma2 semaphore(%arg14 : memref<!tpu.dma_semaphore, #tpu.memory_space<semaphore_mem>>) src(%dma_wait3A_188 : memref<80x128xf32, #tpu.memory_space<hbm>>) dst(%arg11 : memref<80x128xf32, #tpu.memory_space<vmem>>)
    %run_scoped3A_189 = arith.constant 23 : i32
    "tpu.region"() ({
      %run_scoped3A_326 = tpu.sem_alloc : memref<!tpu.dma_semaphore, #tpu.memory_space<semaphore_mem>>
      %dma_start3A_327 = arith.constant 0 : i32
      %dma_start3A_328 = tpu.memref_slice %arg8[%run_scoped3A_189, %dma_start3A_327] : memref<25x80xi32, #tpu.memory_space<vmem>> -> memref<1x80xi32, #tpu.memory_space<vmem>>
      %dma_start3A_329 = tpu.memref_squeeze %dma_start3A_328 : memref<1x80xi32, #tpu.memory_space<vmem>> -> memref<80xi32, #tpu.memory_space<vmem>>
      %dma_start3A_330 = arith.constant 0 : i32
      %dma_start3A_331 = arith.constant 0 : i32
      %dma_start3A_332 = tpu.memref_slice %arg15[%dma_start3A_330, %dma_start3A_331] : memref<10240x128xf32, #tpu.memory_space<vmem_shared>> -> memref<10240x128xf32, #tpu.memory_space<vmem_shared>>
      tpu.enqueue_indirect_dma source(%arg11 : memref<80x128xf32, #tpu.memory_space<vmem>>) target(%dma_start3A_332 : memref<10240x128xf32, #tpu.memory_space<vmem_shared>>) offsets(%dma_start3A_329 : memref<80xi32, #tpu.memory_space<vmem>>) semaphore(%run_scoped3A_326 : memref<!tpu.dma_semaphore, #tpu.memory_space<semaphore_mem>>) {add = true}
      %dma_wait3A_333 = arith.constant 0 : i32
      %dma_wait3A_334 = tpu.memref_slice %arg8[%run_scoped3A_189, %dma_wait3A_333] : memref<25x80xi32, #tpu.memory_space<vmem>> -> memref<1x80xi32, #tpu.memory_space<vmem>>
      %dma_wait3A_335 = tpu.memref_squeeze %dma_wait3A_334 : memref<1x80xi32, #tpu.memory_space<vmem>> -> memref<80xi32, #tpu.memory_space<vmem>>
      %dma_wait3A_336 = arith.constant 0 : i32
      %dma_wait3A_337 = arith.constant 0 : i32
      %dma_wait3A_338 = tpu.memref_slice %arg15[%dma_wait3A_336, %dma_wait3A_337] : memref<10240x128xf32, #tpu.memory_space<vmem_shared>> -> memref<10240x128xf32, #tpu.memory_space<vmem_shared>>
      tpu.wait_indirect_dma semaphore(%run_scoped3A_326 : memref<!tpu.dma_semaphore, #tpu.memory_space<semaphore_mem>>) src(%arg11 : memref<80x128xf32, #tpu.memory_space<vmem>>) dst(%dma_wait3A_338 : memref<10240x128xf32, #tpu.memory_space<vmem_shared>>)
      tpu.yield
    }) : () -> ()
    %dma_wait3A_190 = arith.constant 0 : i32
    %dma_wait3A_191 = arith.constant 0 : i32
    %dma_wait3A_192 = tpu.memref_slice %arg4[%dma_wait3A_190, %dma_wait3A_191] : memref<10240x128xf32, #tpu.memory_space<hbm>> -> memref<80x128xf32, #tpu.memory_space<hbm>>
    %dma_wait3A_193 = arith.constant 0 : i32
    %dma_wait3A_194 = arith.constant 0 : i32
    %dma_wait3A_195 = tpu.memref_slice %arg4[%dma_wait3A_193, %dma_wait3A_194] : memref<10240x128xf32, #tpu.memory_space<hbm>> -> memref<80x128xf32, #tpu.memory_space<hbm>>
    tpu.wait_dma2 semaphore(%arg12 : memref<!tpu.dma_semaphore, #tpu.memory_space<semaphore_mem>>) src(%dma_wait3A_195 : memref<80x128xf32, #tpu.memory_space<hbm>>) dst(%arg9 : memref<80x128xf32, #tpu.memory_space<vmem>>)
    %run_scoped3A_196 = arith.constant 24 : i32
    "tpu.region"() ({
      %run_scoped3A_326 = tpu.sem_alloc : memref<!tpu.dma_semaphore, #tpu.memory_space<semaphore_mem>>
      %dma_start3A_327 = arith.constant 0 : i32
      %dma_start3A_328 = tpu.memref_slice %arg8[%run_scoped3A_196, %dma_start3A_327] : memref<25x80xi32, #tpu.memory_space<vmem>> -> memref<1x80xi32, #tpu.memory_space<vmem>>
      %dma_start3A_329 = tpu.memref_squeeze %dma_start3A_328 : memref<1x80xi32, #tpu.memory_space<vmem>> -> memref<80xi32, #tpu.memory_space<vmem>>
      %dma_start3A_330 = arith.constant 0 : i32
      %dma_start3A_331 = arith.constant 0 : i32
      %dma_start3A_332 = tpu.memref_slice %arg15[%dma_start3A_330, %dma_start3A_331] : memref<10240x128xf32, #tpu.memory_space<vmem_shared>> -> memref<10240x128xf32, #tpu.memory_space<vmem_shared>>
      tpu.enqueue_indirect_dma source(%arg9 : memref<80x128xf32, #tpu.memory_space<vmem>>) target(%dma_start3A_332 : memref<10240x128xf32, #tpu.memory_space<vmem_shared>>) offsets(%dma_start3A_329 : memref<80xi32, #tpu.memory_space<vmem>>) semaphore(%run_scoped3A_326 : memref<!tpu.dma_semaphore, #tpu.memory_space<semaphore_mem>>) {add = true}
      %dma_wait3A_333 = arith.constant 0 : i32
      %dma_wait3A_334 = tpu.memref_slice %arg8[%run_scoped3A_196, %dma_wait3A_333] : memref<25x80xi32, #tpu.memory_space<vmem>> -> memref<1x80xi32, #tpu.memory_space<vmem>>
      %dma_wait3A_335 = tpu.memref_squeeze %dma_wait3A_334 : memref<1x80xi32, #tpu.memory_space<vmem>> -> memref<80xi32, #tpu.memory_space<vmem>>
      %dma_wait3A_336 = arith.constant 0 : i32
      %dma_wait3A_337 = arith.constant 0 : i32
      %dma_wait3A_338 = tpu.memref_slice %arg15[%dma_wait3A_336, %dma_wait3A_337] : memref<10240x128xf32, #tpu.memory_space<vmem_shared>> -> memref<10240x128xf32, #tpu.memory_space<vmem_shared>>
      tpu.wait_indirect_dma semaphore(%run_scoped3A_326 : memref<!tpu.dma_semaphore, #tpu.memory_space<semaphore_mem>>) src(%arg9 : memref<80x128xf32, #tpu.memory_space<vmem>>) dst(%dma_wait3A_338 : memref<10240x128xf32, #tpu.memory_space<vmem_shared>>)
      tpu.yield
    }) : () -> ()
    %run_scoped3A_197 = arith.constant 3 : i32
    "tpu.region"() ({
      %run_scoped3A_326 = tpu.sem_alloc : memref<!tpu.dma_semaphore, #tpu.memory_space<semaphore_mem>>
      %dma_start3A_327 = arith.constant 0 : i32
      %dma_start3A_328 = arith.constant 0 : i32
      %dma_start3A_329 = tpu.memref_slice %arg2[%add3A, %run_scoped3A_197, %dma_start3A_327, %dma_start3A_328] : memref<32x5x25x80xi32, #tpu.memory_space<hbm>> -> memref<1x1x25x80xi32, #tpu.memory_space<hbm>>
      %dma_start3A_330 = tpu.memref_squeeze %dma_start3A_329 : memref<1x1x25x80xi32, #tpu.memory_space<hbm>> -> memref<25x80xi32, #tpu.memory_space<hbm>>
      %dma_start3A_331 = arith.constant 0 : i32
      %dma_start3A_332 = arith.constant 0 : i32
      %dma_start3A_333 = tpu.memref_slice %arg2[%add3A, %run_scoped3A_197, %dma_start3A_331, %dma_start3A_332] : memref<32x5x25x80xi32, #tpu.memory_space<hbm>> -> memref<1x1x25x80xi32, #tpu.memory_space<hbm>>
      %dma_start3A_334 = tpu.memref_squeeze %dma_start3A_333 : memref<1x1x25x80xi32, #tpu.memory_space<hbm>> -> memref<25x80xi32, #tpu.memory_space<hbm>>
      tpu.enqueue_dma source(%dma_start3A_334 : memref<25x80xi32, #tpu.memory_space<hbm>>) target(%arg7 : memref<25x80xi32, #tpu.memory_space<vmem>>) target_semaphore(%run_scoped3A_326 : memref<!tpu.dma_semaphore, #tpu.memory_space<semaphore_mem>>)
      %dma_wait3A_335 = arith.constant 0 : i32
      %dma_wait3A_336 = arith.constant 0 : i32
      %dma_wait3A_337 = tpu.memref_slice %arg2[%add3A, %run_scoped3A_197, %dma_wait3A_335, %dma_wait3A_336] : memref<32x5x25x80xi32, #tpu.memory_space<hbm>> -> memref<1x1x25x80xi32, #tpu.memory_space<hbm>>
      %dma_wait3A_338 = tpu.memref_squeeze %dma_wait3A_337 : memref<1x1x25x80xi32, #tpu.memory_space<hbm>> -> memref<25x80xi32, #tpu.memory_space<hbm>>
      %dma_wait3A_339 = arith.constant 0 : i32
      %dma_wait3A_340 = arith.constant 0 : i32
      %dma_wait3A_341 = tpu.memref_slice %arg2[%add3A, %run_scoped3A_197, %dma_wait3A_339, %dma_wait3A_340] : memref<32x5x25x80xi32, #tpu.memory_space<hbm>> -> memref<1x1x25x80xi32, #tpu.memory_space<hbm>>
      %dma_wait3A_342 = tpu.memref_squeeze %dma_wait3A_341 : memref<1x1x25x80xi32, #tpu.memory_space<hbm>> -> memref<25x80xi32, #tpu.memory_space<hbm>>
      tpu.wait_dma2 semaphore(%run_scoped3A_326 : memref<!tpu.dma_semaphore, #tpu.memory_space<semaphore_mem>>) src(%dma_wait3A_342 : memref<25x80xi32, #tpu.memory_space<hbm>>) dst(%arg7 : memref<25x80xi32, #tpu.memory_space<vmem>>)
      tpu.yield
    }) : () -> ()
    %run_scoped3A_198 = arith.constant 3 : i32
    "tpu.region"() ({
      %run_scoped3A_326 = tpu.sem_alloc : memref<!tpu.dma_semaphore, #tpu.memory_space<semaphore_mem>>
      %dma_start3A_327 = arith.constant 0 : i32
      %dma_start3A_328 = arith.constant 0 : i32
      %dma_start3A_329 = tpu.memref_slice %arg3[%add3A, %run_scoped3A_198, %dma_start3A_327, %dma_start3A_328] : memref<32x5x25x80xi32, #tpu.memory_space<hbm>> -> memref<1x1x25x80xi32, #tpu.memory_space<hbm>>
      %dma_start3A_330 = tpu.memref_squeeze %dma_start3A_329 : memref<1x1x25x80xi32, #tpu.memory_space<hbm>> -> memref<25x80xi32, #tpu.memory_space<hbm>>
      %dma_start3A_331 = arith.constant 0 : i32
      %dma_start3A_332 = arith.constant 0 : i32
      %dma_start3A_333 = tpu.memref_slice %arg3[%add3A, %run_scoped3A_198, %dma_start3A_331, %dma_start3A_332] : memref<32x5x25x80xi32, #tpu.memory_space<hbm>> -> memref<1x1x25x80xi32, #tpu.memory_space<hbm>>
      %dma_start3A_334 = tpu.memref_squeeze %dma_start3A_333 : memref<1x1x25x80xi32, #tpu.memory_space<hbm>> -> memref<25x80xi32, #tpu.memory_space<hbm>>
      tpu.enqueue_dma source(%dma_start3A_334 : memref<25x80xi32, #tpu.memory_space<hbm>>) target(%arg8 : memref<25x80xi32, #tpu.memory_space<vmem>>) target_semaphore(%run_scoped3A_326 : memref<!tpu.dma_semaphore, #tpu.memory_space<semaphore_mem>>)
      %dma_wait3A_335 = arith.constant 0 : i32
      %dma_wait3A_336 = arith.constant 0 : i32
      %dma_wait3A_337 = tpu.memref_slice %arg3[%add3A, %run_scoped3A_198, %dma_wait3A_335, %dma_wait3A_336] : memref<32x5x25x80xi32, #tpu.memory_space<hbm>> -> memref<1x1x25x80xi32, #tpu.memory_space<hbm>>
      %dma_wait3A_338 = tpu.memref_squeeze %dma_wait3A_337 : memref<1x1x25x80xi32, #tpu.memory_space<hbm>> -> memref<25x80xi32, #tpu.memory_space<hbm>>
      %dma_wait3A_339 = arith.constant 0 : i32
      %dma_wait3A_340 = arith.constant 0 : i32
      %dma_wait3A_341 = tpu.memref_slice %arg3[%add3A, %run_scoped3A_198, %dma_wait3A_339, %dma_wait3A_340] : memref<32x5x25x80xi32, #tpu.memory_space<hbm>> -> memref<1x1x25x80xi32, #tpu.memory_space<hbm>>
      %dma_wait3A_342 = tpu.memref_squeeze %dma_wait3A_341 : memref<1x1x25x80xi32, #tpu.memory_space<hbm>> -> memref<25x80xi32, #tpu.memory_space<hbm>>
      tpu.wait_dma2 semaphore(%run_scoped3A_326 : memref<!tpu.dma_semaphore, #tpu.memory_space<semaphore_mem>>) src(%dma_wait3A_342 : memref<25x80xi32, #tpu.memory_space<hbm>>) dst(%arg8 : memref<25x80xi32, #tpu.memory_space<vmem>>)
      tpu.yield
    }) : () -> ()
    %dma_start3A_199 = arith.constant 0 : i32
    %dma_start3A_200 = arith.constant 0 : i32
    %dma_start3A_201 = tpu.memref_slice %arg7[%dma_start3A_199, %dma_start3A_200] : memref<25x80xi32, #tpu.memory_space<vmem>> -> memref<1x80xi32, #tpu.memory_space<vmem>>
    %dma_start3A_202 = tpu.memref_squeeze %dma_start3A_201 : memref<1x80xi32, #tpu.memory_space<vmem>> -> memref<80xi32, #tpu.memory_space<vmem>>
    %dma_start3A_203 = arith.constant 0 : i32
    %dma_start3A_204 = arith.constant 0 : i32
    %dma_start3A_205 = tpu.memref_slice %arg4[%dma_start3A_203, %dma_start3A_204] : memref<10240x128xf32, #tpu.memory_space<hbm>> -> memref<10240x128xf32, #tpu.memory_space<hbm>>
    tpu.enqueue_indirect_dma source(%dma_start3A_205 : memref<10240x128xf32, #tpu.memory_space<hbm>>) target(%arg9 : memref<80x128xf32, #tpu.memory_space<vmem>>) offsets(%dma_start3A_202 : memref<80xi32, #tpu.memory_space<vmem>>) semaphore(%arg12 : memref<!tpu.dma_semaphore, #tpu.memory_space<semaphore_mem>>)
    %dma_start3A_206 = arith.constant 1 : i32
    %dma_start3A_207 = arith.constant 0 : i32
    %dma_start3A_208 = tpu.memref_slice %arg7[%dma_start3A_206, %dma_start3A_207] : memref<25x80xi32, #tpu.memory_space<vmem>> -> memref<1x80xi32, #tpu.memory_space<vmem>>
    %dma_start3A_209 = tpu.memref_squeeze %dma_start3A_208 : memref<1x80xi32, #tpu.memory_space<vmem>> -> memref<80xi32, #tpu.memory_space<vmem>>
    %dma_start3A_210 = arith.constant 0 : i32
    %dma_start3A_211 = arith.constant 0 : i32
    %dma_start3A_212 = tpu.memref_slice %arg4[%dma_start3A_210, %dma_start3A_211] : memref<10240x128xf32, #tpu.memory_space<hbm>> -> memref<10240x128xf32, #tpu.memory_space<hbm>>
    tpu.enqueue_indirect_dma source(%dma_start3A_212 : memref<10240x128xf32, #tpu.memory_space<hbm>>) target(%arg10 : memref<80x128xf32, #tpu.memory_space<vmem>>) offsets(%dma_start3A_209 : memref<80xi32, #tpu.memory_space<vmem>>) semaphore(%arg13 : memref<!tpu.dma_semaphore, #tpu.memory_space<semaphore_mem>>)
    %scan3A_213 = arith.constant 0 : i32
    %scan3A_214 = arith.constant 0 : i32
    %scan3A_215 = arith.constant 7 : i32
    %scan3A_216 = arith.addi %scan3A_214, %scan3A_215 : i32
    %scan3A_217 = arith.constant 1 : i32
    scf.for %scan3A_326 = %scan3A_214 to %scan3A_216 step %scan3A_217  : i32 {
      %mul3A_327 = arith.constant 3 : i32
      %mul3A_328 = arith.muli %mul3A_327, %scan3A_326 : i32
      %add3A_329 = arith.constant 0 : i32
      %add3A_330 = arith.addi %mul3A_328, %add3A_329 : i32
      %add3A_331 = arith.constant 2 : i32
      %add3A_332 = arith.addi %add3A_330, %add3A_331 : i32
      %dma_start3A_333 = arith.constant 0 : i32
      %dma_start3A_334 = tpu.memref_slice %arg7[%add3A_332, %dma_start3A_333] : memref<25x80xi32, #tpu.memory_space<vmem>> -> memref<1x80xi32, #tpu.memory_space<vmem>>
      %dma_start3A_335 = tpu.memref_squeeze %dma_start3A_334 : memref<1x80xi32, #tpu.memory_space<vmem>> -> memref<80xi32, #tpu.memory_space<vmem>>
      %dma_start3A_336 = arith.constant 0 : i32
      %dma_start3A_337 = arith.constant 0 : i32
      %dma_start3A_338 = tpu.memref_slice %arg4[%dma_start3A_336, %dma_start3A_337] : memref<10240x128xf32, #tpu.memory_space<hbm>> -> memref<10240x128xf32, #tpu.memory_space<hbm>>
      tpu.enqueue_indirect_dma source(%dma_start3A_338 : memref<10240x128xf32, #tpu.memory_space<hbm>>) target(%arg11 : memref<80x128xf32, #tpu.memory_space<vmem>>) offsets(%dma_start3A_335 : memref<80xi32, #tpu.memory_space<vmem>>) semaphore(%arg14 : memref<!tpu.dma_semaphore, #tpu.memory_space<semaphore_mem>>)
      %dma_wait3A_339 = arith.constant 0 : i32
      %dma_wait3A_340 = arith.constant 0 : i32
      %dma_wait3A_341 = tpu.memref_slice %arg4[%dma_wait3A_339, %dma_wait3A_340] : memref<10240x128xf32, #tpu.memory_space<hbm>> -> memref<80x128xf32, #tpu.memory_space<hbm>>
      %dma_wait3A_342 = arith.constant 0 : i32
      %dma_wait3A_343 = arith.constant 0 : i32
      %dma_wait3A_344 = tpu.memref_slice %arg4[%dma_wait3A_342, %dma_wait3A_343] : memref<10240x128xf32, #tpu.memory_space<hbm>> -> memref<80x128xf32, #tpu.memory_space<hbm>>
      tpu.wait_dma2 semaphore(%arg12 : memref<!tpu.dma_semaphore, #tpu.memory_space<semaphore_mem>>) src(%dma_wait3A_344 : memref<80x128xf32, #tpu.memory_space<hbm>>) dst(%arg9 : memref<80x128xf32, #tpu.memory_space<vmem>>)
      "tpu.region"() ({
        %run_scoped3A_381 = tpu.sem_alloc : memref<!tpu.dma_semaphore, #tpu.memory_space<semaphore_mem>>
        %dma_start3A_382 = arith.constant 0 : i32
        %dma_start3A_383 = tpu.memref_slice %arg8[%add3A_330, %dma_start3A_382] : memref<25x80xi32, #tpu.memory_space<vmem>> -> memref<1x80xi32, #tpu.memory_space<vmem>>
        %dma_start3A_384 = tpu.memref_squeeze %dma_start3A_383 : memref<1x80xi32, #tpu.memory_space<vmem>> -> memref<80xi32, #tpu.memory_space<vmem>>
        %dma_start3A_385 = arith.constant 0 : i32
        %dma_start3A_386 = arith.constant 0 : i32
        %dma_start3A_387 = tpu.memref_slice %arg15[%dma_start3A_385, %dma_start3A_386] : memref<10240x128xf32, #tpu.memory_space<vmem_shared>> -> memref<10240x128xf32, #tpu.memory_space<vmem_shared>>
        tpu.enqueue_indirect_dma source(%arg9 : memref<80x128xf32, #tpu.memory_space<vmem>>) target(%dma_start3A_387 : memref<10240x128xf32, #tpu.memory_space<vmem_shared>>) offsets(%dma_start3A_384 : memref<80xi32, #tpu.memory_space<vmem>>) semaphore(%run_scoped3A_381 : memref<!tpu.dma_semaphore, #tpu.memory_space<semaphore_mem>>) {add = true}
        %dma_wait3A_388 = arith.constant 0 : i32
        %dma_wait3A_389 = tpu.memref_slice %arg8[%add3A_330, %dma_wait3A_388] : memref<25x80xi32, #tpu.memory_space<vmem>> -> memref<1x80xi32, #tpu.memory_space<vmem>>
        %dma_wait3A_390 = tpu.memref_squeeze %dma_wait3A_389 : memref<1x80xi32, #tpu.memory_space<vmem>> -> memref<80xi32, #tpu.memory_space<vmem>>
        %dma_wait3A_391 = arith.constant 0 : i32
        %dma_wait3A_392 = arith.constant 0 : i32
        %dma_wait3A_393 = tpu.memref_slice %arg15[%dma_wait3A_391, %dma_wait3A_392] : memref<10240x128xf32, #tpu.memory_space<vmem_shared>> -> memref<10240x128xf32, #tpu.memory_space<vmem_shared>>
        tpu.wait_indirect_dma semaphore(%run_scoped3A_381 : memref<!tpu.dma_semaphore, #tpu.memory_space<semaphore_mem>>) src(%arg9 : memref<80x128xf32, #tpu.memory_space<vmem>>) dst(%dma_wait3A_393 : memref<10240x128xf32, #tpu.memory_space<vmem_shared>>)
        tpu.yield
      }) : () -> ()
      %mul3A_345 = arith.constant 3 : i32
      %mul3A_346 = arith.muli %mul3A_345, %scan3A_326 : i32
      %add3A_347 = arith.constant 1 : i32
      %add3A_348 = arith.addi %mul3A_346, %add3A_347 : i32
      %add3A_349 = arith.constant 2 : i32
      %add3A_350 = arith.addi %add3A_348, %add3A_349 : i32
      %dma_start3A_351 = arith.constant 0 : i32
      %dma_start3A_352 = tpu.memref_slice %arg7[%add3A_350, %dma_start3A_351] : memref<25x80xi32, #tpu.memory_space<vmem>> -> memref<1x80xi32, #tpu.memory_space<vmem>>
      %dma_start3A_353 = tpu.memref_squeeze %dma_start3A_352 : memref<1x80xi32, #tpu.memory_space<vmem>> -> memref<80xi32, #tpu.memory_space<vmem>>
      %dma_start3A_354 = arith.constant 0 : i32
      %dma_start3A_355 = arith.constant 0 : i32
      %dma_start3A_356 = tpu.memref_slice %arg4[%dma_start3A_354, %dma_start3A_355] : memref<10240x128xf32, #tpu.memory_space<hbm>> -> memref<10240x128xf32, #tpu.memory_space<hbm>>
      tpu.enqueue_indirect_dma source(%dma_start3A_356 : memref<10240x128xf32, #tpu.memory_space<hbm>>) target(%arg9 : memref<80x128xf32, #tpu.memory_space<vmem>>) offsets(%dma_start3A_353 : memref<80xi32, #tpu.memory_space<vmem>>) semaphore(%arg12 : memref<!tpu.dma_semaphore, #tpu.memory_space<semaphore_mem>>)
      %dma_wait3A_357 = arith.constant 0 : i32
      %dma_wait3A_358 = arith.constant 0 : i32
      %dma_wait3A_359 = tpu.memref_slice %arg4[%dma_wait3A_357, %dma_wait3A_358] : memref<10240x128xf32, #tpu.memory_space<hbm>> -> memref<80x128xf32, #tpu.memory_space<hbm>>
      %dma_wait3A_360 = arith.constant 0 : i32
      %dma_wait3A_361 = arith.constant 0 : i32
      %dma_wait3A_362 = tpu.memref_slice %arg4[%dma_wait3A_360, %dma_wait3A_361] : memref<10240x128xf32, #tpu.memory_space<hbm>> -> memref<80x128xf32, #tpu.memory_space<hbm>>
      tpu.wait_dma2 semaphore(%arg13 : memref<!tpu.dma_semaphore, #tpu.memory_space<semaphore_mem>>) src(%dma_wait3A_362 : memref<80x128xf32, #tpu.memory_space<hbm>>) dst(%arg10 : memref<80x128xf32, #tpu.memory_space<vmem>>)
      "tpu.region"() ({
        %run_scoped3A_381 = tpu.sem_alloc : memref<!tpu.dma_semaphore, #tpu.memory_space<semaphore_mem>>
        %dma_start3A_382 = arith.constant 0 : i32
        %dma_start3A_383 = tpu.memref_slice %arg8[%add3A_348, %dma_start3A_382] : memref<25x80xi32, #tpu.memory_space<vmem>> -> memref<1x80xi32, #tpu.memory_space<vmem>>
        %dma_start3A_384 = tpu.memref_squeeze %dma_start3A_383 : memref<1x80xi32, #tpu.memory_space<vmem>> -> memref<80xi32, #tpu.memory_space<vmem>>
        %dma_start3A_385 = arith.constant 0 : i32
        %dma_start3A_386 = arith.constant 0 : i32
        %dma_start3A_387 = tpu.memref_slice %arg15[%dma_start3A_385, %dma_start3A_386] : memref<10240x128xf32, #tpu.memory_space<vmem_shared>> -> memref<10240x128xf32, #tpu.memory_space<vmem_shared>>
        tpu.enqueue_indirect_dma source(%arg10 : memref<80x128xf32, #tpu.memory_space<vmem>>) target(%dma_start3A_387 : memref<10240x128xf32, #tpu.memory_space<vmem_shared>>) offsets(%dma_start3A_384 : memref<80xi32, #tpu.memory_space<vmem>>) semaphore(%run_scoped3A_381 : memref<!tpu.dma_semaphore, #tpu.memory_space<semaphore_mem>>) {add = true}
        %dma_wait3A_388 = arith.constant 0 : i32
        %dma_wait3A_389 = tpu.memref_slice %arg8[%add3A_348, %dma_wait3A_388] : memref<25x80xi32, #tpu.memory_space<vmem>> -> memref<1x80xi32, #tpu.memory_space<vmem>>
        %dma_wait3A_390 = tpu.memref_squeeze %dma_wait3A_389 : memref<1x80xi32, #tpu.memory_space<vmem>> -> memref<80xi32, #tpu.memory_space<vmem>>
        %dma_wait3A_391 = arith.constant 0 : i32
        %dma_wait3A_392 = arith.constant 0 : i32
        %dma_wait3A_393 = tpu.memref_slice %arg15[%dma_wait3A_391, %dma_wait3A_392] : memref<10240x128xf32, #tpu.memory_space<vmem_shared>> -> memref<10240x128xf32, #tpu.memory_space<vmem_shared>>
        tpu.wait_indirect_dma semaphore(%run_scoped3A_381 : memref<!tpu.dma_semaphore, #tpu.memory_space<semaphore_mem>>) src(%arg10 : memref<80x128xf32, #tpu.memory_space<vmem>>) dst(%dma_wait3A_393 : memref<10240x128xf32, #tpu.memory_space<vmem_shared>>)
        tpu.yield
      }) : () -> ()
      %mul3A_363 = arith.constant 3 : i32
      %mul3A_364 = arith.muli %mul3A_363, %scan3A_326 : i32
      %add3A_365 = arith.constant 2 : i32
      %add3A_366 = arith.addi %mul3A_364, %add3A_365 : i32
      %add3A_367 = arith.constant 2 : i32
      %add3A_368 = arith.addi %add3A_366, %add3A_367 : i32
      %dma_start3A_369 = arith.constant 0 : i32
      %dma_start3A_370 = tpu.memref_slice %arg7[%add3A_368, %dma_start3A_369] : memref<25x80xi32, #tpu.memory_space<vmem>> -> memref<1x80xi32, #tpu.memory_space<vmem>>
      %dma_start3A_371 = tpu.memref_squeeze %dma_start3A_370 : memref<1x80xi32, #tpu.memory_space<vmem>> -> memref<80xi32, #tpu.memory_space<vmem>>
      %dma_start3A_372 = arith.constant 0 : i32
      %dma_start3A_373 = arith.constant 0 : i32
      %dma_start3A_374 = tpu.memref_slice %arg4[%dma_start3A_372, %dma_start3A_373] : memref<10240x128xf32, #tpu.memory_space<hbm>> -> memref<10240x128xf32, #tpu.memory_space<hbm>>
      tpu.enqueue_indirect_dma source(%dma_start3A_374 : memref<10240x128xf32, #tpu.memory_space<hbm>>) target(%arg10 : memref<80x128xf32, #tpu.memory_space<vmem>>) offsets(%dma_start3A_371 : memref<80xi32, #tpu.memory_space<vmem>>) semaphore(%arg13 : memref<!tpu.dma_semaphore, #tpu.memory_space<semaphore_mem>>)
      %dma_wait3A_375 = arith.constant 0 : i32
      %dma_wait3A_376 = arith.constant 0 : i32
      %dma_wait3A_377 = tpu.memref_slice %arg4[%dma_wait3A_375, %dma_wait3A_376] : memref<10240x128xf32, #tpu.memory_space<hbm>> -> memref<80x128xf32, #tpu.memory_space<hbm>>
      %dma_wait3A_378 = arith.constant 0 : i32
      %dma_wait3A_379 = arith.constant 0 : i32
      %dma_wait3A_380 = tpu.memref_slice %arg4[%dma_wait3A_378, %dma_wait3A_379] : memref<10240x128xf32, #tpu.memory_space<hbm>> -> memref<80x128xf32, #tpu.memory_space<hbm>>
      tpu.wait_dma2 semaphore(%arg14 : memref<!tpu.dma_semaphore, #tpu.memory_space<semaphore_mem>>) src(%dma_wait3A_380 : memref<80x128xf32, #tpu.memory_space<hbm>>) dst(%arg11 : memref<80x128xf32, #tpu.memory_space<vmem>>)
      "tpu.region"() ({
        %run_scoped3A_381 = tpu.sem_alloc : memref<!tpu.dma_semaphore, #tpu.memory_space<semaphore_mem>>
        %dma_start3A_382 = arith.constant 0 : i32
        %dma_start3A_383 = tpu.memref_slice %arg8[%add3A_366, %dma_start3A_382] : memref<25x80xi32, #tpu.memory_space<vmem>> -> memref<1x80xi32, #tpu.memory_space<vmem>>
        %dma_start3A_384 = tpu.memref_squeeze %dma_start3A_383 : memref<1x80xi32, #tpu.memory_space<vmem>> -> memref<80xi32, #tpu.memory_space<vmem>>
        %dma_start3A_385 = arith.constant 0 : i32
        %dma_start3A_386 = arith.constant 0 : i32
        %dma_start3A_387 = tpu.memref_slice %arg15[%dma_start3A_385, %dma_start3A_386] : memref<10240x128xf32, #tpu.memory_space<vmem_shared>> -> memref<10240x128xf32, #tpu.memory_space<vmem_shared>>
        tpu.enqueue_indirect_dma source(%arg11 : memref<80x128xf32, #tpu.memory_space<vmem>>) target(%dma_start3A_387 : memref<10240x128xf32, #tpu.memory_space<vmem_shared>>) offsets(%dma_start3A_384 : memref<80xi32, #tpu.memory_space<vmem>>) semaphore(%run_scoped3A_381 : memref<!tpu.dma_semaphore, #tpu.memory_space<semaphore_mem>>) {add = true}
        %dma_wait3A_388 = arith.constant 0 : i32
        %dma_wait3A_389 = tpu.memref_slice %arg8[%add3A_366, %dma_wait3A_388] : memref<25x80xi32, #tpu.memory_space<vmem>> -> memref<1x80xi32, #tpu.memory_space<vmem>>
        %dma_wait3A_390 = tpu.memref_squeeze %dma_wait3A_389 : memref<1x80xi32, #tpu.memory_space<vmem>> -> memref<80xi32, #tpu.memory_space<vmem>>
        %dma_wait3A_391 = arith.constant 0 : i32
        %dma_wait3A_392 = arith.constant 0 : i32
        %dma_wait3A_393 = tpu.memref_slice %arg15[%dma_wait3A_391, %dma_wait3A_392] : memref<10240x128xf32, #tpu.memory_space<vmem_shared>> -> memref<10240x128xf32, #tpu.memory_space<vmem_shared>>
        tpu.wait_indirect_dma semaphore(%run_scoped3A_381 : memref<!tpu.dma_semaphore, #tpu.memory_space<semaphore_mem>>) src(%arg11 : memref<80x128xf32, #tpu.memory_space<vmem>>) dst(%dma_wait3A_393 : memref<10240x128xf32, #tpu.memory_space<vmem_shared>>)
        tpu.yield
      }) : () -> ()
    }
    %scan3A_218 = arith.constant 7 : i32
    %dma_start3A_219 = arith.constant 23 : i32
    %dma_start3A_220 = arith.constant 0 : i32
    %dma_start3A_221 = tpu.memref_slice %arg7[%dma_start3A_219, %dma_start3A_220] : memref<25x80xi32, #tpu.memory_space<vmem>> -> memref<1x80xi32, #tpu.memory_space<vmem>>
    %dma_start3A_222 = tpu.memref_squeeze %dma_start3A_221 : memref<1x80xi32, #tpu.memory_space<vmem>> -> memref<80xi32, #tpu.memory_space<vmem>>
    %dma_start3A_223 = arith.constant 0 : i32
    %dma_start3A_224 = arith.constant 0 : i32
    %dma_start3A_225 = tpu.memref_slice %arg4[%dma_start3A_223, %dma_start3A_224] : memref<10240x128xf32, #tpu.memory_space<hbm>> -> memref<10240x128xf32, #tpu.memory_space<hbm>>
    tpu.enqueue_indirect_dma source(%dma_start3A_225 : memref<10240x128xf32, #tpu.memory_space<hbm>>) target(%arg11 : memref<80x128xf32, #tpu.memory_space<vmem>>) offsets(%dma_start3A_222 : memref<80xi32, #tpu.memory_space<vmem>>) semaphore(%arg14 : memref<!tpu.dma_semaphore, #tpu.memory_space<semaphore_mem>>)
    %dma_wait3A_226 = arith.constant 0 : i32
    %dma_wait3A_227 = arith.constant 0 : i32
    %dma_wait3A_228 = tpu.memref_slice %arg4[%dma_wait3A_226, %dma_wait3A_227] : memref<10240x128xf32, #tpu.memory_space<hbm>> -> memref<80x128xf32, #tpu.memory_space<hbm>>
    %dma_wait3A_229 = arith.constant 0 : i32
    %dma_wait3A_230 = arith.constant 0 : i32
    %dma_wait3A_231 = tpu.memref_slice %arg4[%dma_wait3A_229, %dma_wait3A_230] : memref<10240x128xf32, #tpu.memory_space<hbm>> -> memref<80x128xf32, #tpu.memory_space<hbm>>
    tpu.wait_dma2 semaphore(%arg12 : memref<!tpu.dma_semaphore, #tpu.memory_space<semaphore_mem>>) src(%dma_wait3A_231 : memref<80x128xf32, #tpu.memory_space<hbm>>) dst(%arg9 : memref<80x128xf32, #tpu.memory_space<vmem>>)
    %run_scoped3A_232 = arith.constant 21 : i32
    "tpu.region"() ({
      %run_scoped3A_326 = tpu.sem_alloc : memref<!tpu.dma_semaphore, #tpu.memory_space<semaphore_mem>>
      %dma_start3A_327 = arith.constant 0 : i32
      %dma_start3A_328 = tpu.memref_slice %arg8[%run_scoped3A_232, %dma_start3A_327] : memref<25x80xi32, #tpu.memory_space<vmem>> -> memref<1x80xi32, #tpu.memory_space<vmem>>
      %dma_start3A_329 = tpu.memref_squeeze %dma_start3A_328 : memref<1x80xi32, #tpu.memory_space<vmem>> -> memref<80xi32, #tpu.memory_space<vmem>>
      %dma_start3A_330 = arith.constant 0 : i32
      %dma_start3A_331 = arith.constant 0 : i32
      %dma_start3A_332 = tpu.memref_slice %arg15[%dma_start3A_330, %dma_start3A_331] : memref<10240x128xf32, #tpu.memory_space<vmem_shared>> -> memref<10240x128xf32, #tpu.memory_space<vmem_shared>>
      tpu.enqueue_indirect_dma source(%arg9 : memref<80x128xf32, #tpu.memory_space<vmem>>) target(%dma_start3A_332 : memref<10240x128xf32, #tpu.memory_space<vmem_shared>>) offsets(%dma_start3A_329 : memref<80xi32, #tpu.memory_space<vmem>>) semaphore(%run_scoped3A_326 : memref<!tpu.dma_semaphore, #tpu.memory_space<semaphore_mem>>) {add = true}
      %dma_wait3A_333 = arith.constant 0 : i32
      %dma_wait3A_334 = tpu.memref_slice %arg8[%run_scoped3A_232, %dma_wait3A_333] : memref<25x80xi32, #tpu.memory_space<vmem>> -> memref<1x80xi32, #tpu.memory_space<vmem>>
      %dma_wait3A_335 = tpu.memref_squeeze %dma_wait3A_334 : memref<1x80xi32, #tpu.memory_space<vmem>> -> memref<80xi32, #tpu.memory_space<vmem>>
      %dma_wait3A_336 = arith.constant 0 : i32
      %dma_wait3A_337 = arith.constant 0 : i32
      %dma_wait3A_338 = tpu.memref_slice %arg15[%dma_wait3A_336, %dma_wait3A_337] : memref<10240x128xf32, #tpu.memory_space<vmem_shared>> -> memref<10240x128xf32, #tpu.memory_space<vmem_shared>>
      tpu.wait_indirect_dma semaphore(%run_scoped3A_326 : memref<!tpu.dma_semaphore, #tpu.memory_space<semaphore_mem>>) src(%arg9 : memref<80x128xf32, #tpu.memory_space<vmem>>) dst(%dma_wait3A_338 : memref<10240x128xf32, #tpu.memory_space<vmem_shared>>)
      tpu.yield
    }) : () -> ()
    %dma_start3A_233 = arith.constant 24 : i32
    %dma_start3A_234 = arith.constant 0 : i32
    %dma_start3A_235 = tpu.memref_slice %arg7[%dma_start3A_233, %dma_start3A_234] : memref<25x80xi32, #tpu.memory_space<vmem>> -> memref<1x80xi32, #tpu.memory_space<vmem>>
    %dma_start3A_236 = tpu.memref_squeeze %dma_start3A_235 : memref<1x80xi32, #tpu.memory_space<vmem>> -> memref<80xi32, #tpu.memory_space<vmem>>
    %dma_start3A_237 = arith.constant 0 : i32
    %dma_start3A_238 = arith.constant 0 : i32
    %dma_start3A_239 = tpu.memref_slice %arg4[%dma_start3A_237, %dma_start3A_238] : memref<10240x128xf32, #tpu.memory_space<hbm>> -> memref<10240x128xf32, #tpu.memory_space<hbm>>
    tpu.enqueue_indirect_dma source(%dma_start3A_239 : memref<10240x128xf32, #tpu.memory_space<hbm>>) target(%arg9 : memref<80x128xf32, #tpu.memory_space<vmem>>) offsets(%dma_start3A_236 : memref<80xi32, #tpu.memory_space<vmem>>) semaphore(%arg12 : memref<!tpu.dma_semaphore, #tpu.memory_space<semaphore_mem>>)
    %dma_wait3A_240 = arith.constant 0 : i32
    %dma_wait3A_241 = arith.constant 0 : i32
    %dma_wait3A_242 = tpu.memref_slice %arg4[%dma_wait3A_240, %dma_wait3A_241] : memref<10240x128xf32, #tpu.memory_space<hbm>> -> memref<80x128xf32, #tpu.memory_space<hbm>>
    %dma_wait3A_243 = arith.constant 0 : i32
    %dma_wait3A_244 = arith.constant 0 : i32
    %dma_wait3A_245 = tpu.memref_slice %arg4[%dma_wait3A_243, %dma_wait3A_244] : memref<10240x128xf32, #tpu.memory_space<hbm>> -> memref<80x128xf32, #tpu.memory_space<hbm>>
    tpu.wait_dma2 semaphore(%arg13 : memref<!tpu.dma_semaphore, #tpu.memory_space<semaphore_mem>>) src(%dma_wait3A_245 : memref<80x128xf32, #tpu.memory_space<hbm>>) dst(%arg10 : memref<80x128xf32, #tpu.memory_space<vmem>>)
    %run_scoped3A_246 = arith.constant 22 : i32
    "tpu.region"() ({
      %run_scoped3A_326 = tpu.sem_alloc : memref<!tpu.dma_semaphore, #tpu.memory_space<semaphore_mem>>
      %dma_start3A_327 = arith.constant 0 : i32
      %dma_start3A_328 = tpu.memref_slice %arg8[%run_scoped3A_246, %dma_start3A_327] : memref<25x80xi32, #tpu.memory_space<vmem>> -> memref<1x80xi32, #tpu.memory_space<vmem>>
      %dma_start3A_329 = tpu.memref_squeeze %dma_start3A_328 : memref<1x80xi32, #tpu.memory_space<vmem>> -> memref<80xi32, #tpu.memory_space<vmem>>
      %dma_start3A_330 = arith.constant 0 : i32
      %dma_start3A_331 = arith.constant 0 : i32
      %dma_start3A_332 = tpu.memref_slice %arg15[%dma_start3A_330, %dma_start3A_331] : memref<10240x128xf32, #tpu.memory_space<vmem_shared>> -> memref<10240x128xf32, #tpu.memory_space<vmem_shared>>
      tpu.enqueue_indirect_dma source(%arg10 : memref<80x128xf32, #tpu.memory_space<vmem>>) target(%dma_start3A_332 : memref<10240x128xf32, #tpu.memory_space<vmem_shared>>) offsets(%dma_start3A_329 : memref<80xi32, #tpu.memory_space<vmem>>) semaphore(%run_scoped3A_326 : memref<!tpu.dma_semaphore, #tpu.memory_space<semaphore_mem>>) {add = true}
      %dma_wait3A_333 = arith.constant 0 : i32
      %dma_wait3A_334 = tpu.memref_slice %arg8[%run_scoped3A_246, %dma_wait3A_333] : memref<25x80xi32, #tpu.memory_space<vmem>> -> memref<1x80xi32, #tpu.memory_space<vmem>>
      %dma_wait3A_335 = tpu.memref_squeeze %dma_wait3A_334 : memref<1x80xi32, #tpu.memory_space<vmem>> -> memref<80xi32, #tpu.memory_space<vmem>>
      %dma_wait3A_336 = arith.constant 0 : i32
      %dma_wait3A_337 = arith.constant 0 : i32
      %dma_wait3A_338 = tpu.memref_slice %arg15[%dma_wait3A_336, %dma_wait3A_337] : memref<10240x128xf32, #tpu.memory_space<vmem_shared>> -> memref<10240x128xf32, #tpu.memory_space<vmem_shared>>
      tpu.wait_indirect_dma semaphore(%run_scoped3A_326 : memref<!tpu.dma_semaphore, #tpu.memory_space<semaphore_mem>>) src(%arg10 : memref<80x128xf32, #tpu.memory_space<vmem>>) dst(%dma_wait3A_338 : memref<10240x128xf32, #tpu.memory_space<vmem_shared>>)
      tpu.yield
    }) : () -> ()
    %dma_wait3A_247 = arith.constant 0 : i32
    %dma_wait3A_248 = arith.constant 0 : i32
    %dma_wait3A_249 = tpu.memref_slice %arg4[%dma_wait3A_247, %dma_wait3A_248] : memref<10240x128xf32, #tpu.memory_space<hbm>> -> memref<80x128xf32, #tpu.memory_space<hbm>>
    %dma_wait3A_250 = arith.constant 0 : i32
    %dma_wait3A_251 = arith.constant 0 : i32
    %dma_wait3A_252 = tpu.memref_slice %arg4[%dma_wait3A_250, %dma_wait3A_251] : memref<10240x128xf32, #tpu.memory_space<hbm>> -> memref<80x128xf32, #tpu.memory_space<hbm>>
    tpu.wait_dma2 semaphore(%arg14 : memref<!tpu.dma_semaphore, #tpu.memory_space<semaphore_mem>>) src(%dma_wait3A_252 : memref<80x128xf32, #tpu.memory_space<hbm>>) dst(%arg11 : memref<80x128xf32, #tpu.memory_space<vmem>>)
    %run_scoped3A_253 = arith.constant 23 : i32
    "tpu.region"() ({
      %run_scoped3A_326 = tpu.sem_alloc : memref<!tpu.dma_semaphore, #tpu.memory_space<semaphore_mem>>
      %dma_start3A_327 = arith.constant 0 : i32
      %dma_start3A_328 = tpu.memref_slice %arg8[%run_scoped3A_253, %dma_start3A_327] : memref<25x80xi32, #tpu.memory_space<vmem>> -> memref<1x80xi32, #tpu.memory_space<vmem>>
      %dma_start3A_329 = tpu.memref_squeeze %dma_start3A_328 : memref<1x80xi32, #tpu.memory_space<vmem>> -> memref<80xi32, #tpu.memory_space<vmem>>
      %dma_start3A_330 = arith.constant 0 : i32
      %dma_start3A_331 = arith.constant 0 : i32
      %dma_start3A_332 = tpu.memref_slice %arg15[%dma_start3A_330, %dma_start3A_331] : memref<10240x128xf32, #tpu.memory_space<vmem_shared>> -> memref<10240x128xf32, #tpu.memory_space<vmem_shared>>
      tpu.enqueue_indirect_dma source(%arg11 : memref<80x128xf32, #tpu.memory_space<vmem>>) target(%dma_start3A_332 : memref<10240x128xf32, #tpu.memory_space<vmem_shared>>) offsets(%dma_start3A_329 : memref<80xi32, #tpu.memory_space<vmem>>) semaphore(%run_scoped3A_326 : memref<!tpu.dma_semaphore, #tpu.memory_space<semaphore_mem>>) {add = true}
      %dma_wait3A_333 = arith.constant 0 : i32
      %dma_wait3A_334 = tpu.memref_slice %arg8[%run_scoped3A_253, %dma_wait3A_333] : memref<25x80xi32, #tpu.memory_space<vmem>> -> memref<1x80xi32, #tpu.memory_space<vmem>>
      %dma_wait3A_335 = tpu.memref_squeeze %dma_wait3A_334 : memref<1x80xi32, #tpu.memory_space<vmem>> -> memref<80xi32, #tpu.memory_space<vmem>>
      %dma_wait3A_336 = arith.constant 0 : i32
      %dma_wait3A_337 = arith.constant 0 : i32
      %dma_wait3A_338 = tpu.memref_slice %arg15[%dma_wait3A_336, %dma_wait3A_337] : memref<10240x128xf32, #tpu.memory_space<vmem_shared>> -> memref<10240x128xf32, #tpu.memory_space<vmem_shared>>
      tpu.wait_indirect_dma semaphore(%run_scoped3A_326 : memref<!tpu.dma_semaphore, #tpu.memory_space<semaphore_mem>>) src(%arg11 : memref<80x128xf32, #tpu.memory_space<vmem>>) dst(%dma_wait3A_338 : memref<10240x128xf32, #tpu.memory_space<vmem_shared>>)
      tpu.yield
    }) : () -> ()
    %dma_wait3A_254 = arith.constant 0 : i32
    %dma_wait3A_255 = arith.constant 0 : i32
    %dma_wait3A_256 = tpu.memref_slice %arg4[%dma_wait3A_254, %dma_wait3A_255] : memref<10240x128xf32, #tpu.memory_space<hbm>> -> memref<80x128xf32, #tpu.memory_space<hbm>>
    %dma_wait3A_257 = arith.constant 0 : i32
    %dma_wait3A_258 = arith.constant 0 : i32
    %dma_wait3A_259 = tpu.memref_slice %arg4[%dma_wait3A_257, %dma_wait3A_258] : memref<10240x128xf32, #tpu.memory_space<hbm>> -> memref<80x128xf32, #tpu.memory_space<hbm>>
    tpu.wait_dma2 semaphore(%arg12 : memref<!tpu.dma_semaphore, #tpu.memory_space<semaphore_mem>>) src(%dma_wait3A_259 : memref<80x128xf32, #tpu.memory_space<hbm>>) dst(%arg9 : memref<80x128xf32, #tpu.memory_space<vmem>>)
    %run_scoped3A_260 = arith.constant 24 : i32
    "tpu.region"() ({
      %run_scoped3A_326 = tpu.sem_alloc : memref<!tpu.dma_semaphore, #tpu.memory_space<semaphore_mem>>
      %dma_start3A_327 = arith.constant 0 : i32
      %dma_start3A_328 = tpu.memref_slice %arg8[%run_scoped3A_260, %dma_start3A_327] : memref<25x80xi32, #tpu.memory_space<vmem>> -> memref<1x80xi32, #tpu.memory_space<vmem>>
      %dma_start3A_329 = tpu.memref_squeeze %dma_start3A_328 : memref<1x80xi32, #tpu.memory_space<vmem>> -> memref<80xi32, #tpu.memory_space<vmem>>
      %dma_start3A_330 = arith.constant 0 : i32
      %dma_start3A_331 = arith.constant 0 : i32
      %dma_start3A_332 = tpu.memref_slice %arg15[%dma_start3A_330, %dma_start3A_331] : memref<10240x128xf32, #tpu.memory_space<vmem_shared>> -> memref<10240x128xf32, #tpu.memory_space<vmem_shared>>
      tpu.enqueue_indirect_dma source(%arg9 : memref<80x128xf32, #tpu.memory_space<vmem>>) target(%dma_start3A_332 : memref<10240x128xf32, #tpu.memory_space<vmem_shared>>) offsets(%dma_start3A_329 : memref<80xi32, #tpu.memory_space<vmem>>) semaphore(%run_scoped3A_326 : memref<!tpu.dma_semaphore, #tpu.memory_space<semaphore_mem>>) {add = true}
      %dma_wait3A_333 = arith.constant 0 : i32
      %dma_wait3A_334 = tpu.memref_slice %arg8[%run_scoped3A_260, %dma_wait3A_333] : memref<25x80xi32, #tpu.memory_space<vmem>> -> memref<1x80xi32, #tpu.memory_space<vmem>>
      %dma_wait3A_335 = tpu.memref_squeeze %dma_wait3A_334 : memref<1x80xi32, #tpu.memory_space<vmem>> -> memref<80xi32, #tpu.memory_space<vmem>>
      %dma_wait3A_336 = arith.constant 0 : i32
      %dma_wait3A_337 = arith.constant 0 : i32
      %dma_wait3A_338 = tpu.memref_slice %arg15[%dma_wait3A_336, %dma_wait3A_337] : memref<10240x128xf32, #tpu.memory_space<vmem_shared>> -> memref<10240x128xf32, #tpu.memory_space<vmem_shared>>
      tpu.wait_indirect_dma semaphore(%run_scoped3A_326 : memref<!tpu.dma_semaphore, #tpu.memory_space<semaphore_mem>>) src(%arg9 : memref<80x128xf32, #tpu.memory_space<vmem>>) dst(%dma_wait3A_338 : memref<10240x128xf32, #tpu.memory_space<vmem_shared>>)
      tpu.yield
    }) : () -> ()
    %run_scoped3A_261 = arith.constant 4 : i32
    "tpu.region"() ({
      %run_scoped3A_326 = tpu.sem_alloc : memref<!tpu.dma_semaphore, #tpu.memory_space<semaphore_mem>>
      %dma_start3A_327 = arith.constant 0 : i32
      %dma_start3A_328 = arith.constant 0 : i32
      %dma_start3A_329 = tpu.memref_slice %arg2[%add3A, %run_scoped3A_261, %dma_start3A_327, %dma_start3A_328] : memref<32x5x25x80xi32, #tpu.memory_space<hbm>> -> memref<1x1x25x80xi32, #tpu.memory_space<hbm>>
      %dma_start3A_330 = tpu.memref_squeeze %dma_start3A_329 : memref<1x1x25x80xi32, #tpu.memory_space<hbm>> -> memref<25x80xi32, #tpu.memory_space<hbm>>
      %dma_start3A_331 = arith.constant 0 : i32
      %dma_start3A_332 = arith.constant 0 : i32
      %dma_start3A_333 = tpu.memref_slice %arg2[%add3A, %run_scoped3A_261, %dma_start3A_331, %dma_start3A_332] : memref<32x5x25x80xi32, #tpu.memory_space<hbm>> -> memref<1x1x25x80xi32, #tpu.memory_space<hbm>>
      %dma_start3A_334 = tpu.memref_squeeze %dma_start3A_333 : memref<1x1x25x80xi32, #tpu.memory_space<hbm>> -> memref<25x80xi32, #tpu.memory_space<hbm>>
      tpu.enqueue_dma source(%dma_start3A_334 : memref<25x80xi32, #tpu.memory_space<hbm>>) target(%arg7 : memref<25x80xi32, #tpu.memory_space<vmem>>) target_semaphore(%run_scoped3A_326 : memref<!tpu.dma_semaphore, #tpu.memory_space<semaphore_mem>>)
      %dma_wait3A_335 = arith.constant 0 : i32
      %dma_wait3A_336 = arith.constant 0 : i32
      %dma_wait3A_337 = tpu.memref_slice %arg2[%add3A, %run_scoped3A_261, %dma_wait3A_335, %dma_wait3A_336] : memref<32x5x25x80xi32, #tpu.memory_space<hbm>> -> memref<1x1x25x80xi32, #tpu.memory_space<hbm>>
      %dma_wait3A_338 = tpu.memref_squeeze %dma_wait3A_337 : memref<1x1x25x80xi32, #tpu.memory_space<hbm>> -> memref<25x80xi32, #tpu.memory_space<hbm>>
      %dma_wait3A_339 = arith.constant 0 : i32
      %dma_wait3A_340 = arith.constant 0 : i32
      %dma_wait3A_341 = tpu.memref_slice %arg2[%add3A, %run_scoped3A_261, %dma_wait3A_339, %dma_wait3A_340] : memref<32x5x25x80xi32, #tpu.memory_space<hbm>> -> memref<1x1x25x80xi32, #tpu.memory_space<hbm>>
      %dma_wait3A_342 = tpu.memref_squeeze %dma_wait3A_341 : memref<1x1x25x80xi32, #tpu.memory_space<hbm>> -> memref<25x80xi32, #tpu.memory_space<hbm>>
      tpu.wait_dma2 semaphore(%run_scoped3A_326 : memref<!tpu.dma_semaphore, #tpu.memory_space<semaphore_mem>>) src(%dma_wait3A_342 : memref<25x80xi32, #tpu.memory_space<hbm>>) dst(%arg7 : memref<25x80xi32, #tpu.memory_space<vmem>>)
      tpu.yield
    }) : () -> ()
    %run_scoped3A_262 = arith.constant 4 : i32
    "tpu.region"() ({
      %run_scoped3A_326 = tpu.sem_alloc : memref<!tpu.dma_semaphore, #tpu.memory_space<semaphore_mem>>
      %dma_start3A_327 = arith.constant 0 : i32
      %dma_start3A_328 = arith.constant 0 : i32
      %dma_start3A_329 = tpu.memref_slice %arg3[%add3A, %run_scoped3A_262, %dma_start3A_327, %dma_start3A_328] : memref<32x5x25x80xi32, #tpu.memory_space<hbm>> -> memref<1x1x25x80xi32, #tpu.memory_space<hbm>>
      %dma_start3A_330 = tpu.memref_squeeze %dma_start3A_329 : memref<1x1x25x80xi32, #tpu.memory_space<hbm>> -> memref<25x80xi32, #tpu.memory_space<hbm>>
      %dma_start3A_331 = arith.constant 0 : i32
      %dma_start3A_332 = arith.constant 0 : i32
      %dma_start3A_333 = tpu.memref_slice %arg3[%add3A, %run_scoped3A_262, %dma_start3A_331, %dma_start3A_332] : memref<32x5x25x80xi32, #tpu.memory_space<hbm>> -> memref<1x1x25x80xi32, #tpu.memory_space<hbm>>
      %dma_start3A_334 = tpu.memref_squeeze %dma_start3A_333 : memref<1x1x25x80xi32, #tpu.memory_space<hbm>> -> memref<25x80xi32, #tpu.memory_space<hbm>>
      tpu.enqueue_dma source(%dma_start3A_334 : memref<25x80xi32, #tpu.memory_space<hbm>>) target(%arg8 : memref<25x80xi32, #tpu.memory_space<vmem>>) target_semaphore(%run_scoped3A_326 : memref<!tpu.dma_semaphore, #tpu.memory_space<semaphore_mem>>)
      %dma_wait3A_335 = arith.constant 0 : i32
      %dma_wait3A_336 = arith.constant 0 : i32
      %dma_wait3A_337 = tpu.memref_slice %arg3[%add3A, %run_scoped3A_262, %dma_wait3A_335, %dma_wait3A_336] : memref<32x5x25x80xi32, #tpu.memory_space<hbm>> -> memref<1x1x25x80xi32, #tpu.memory_space<hbm>>
      %dma_wait3A_338 = tpu.memref_squeeze %dma_wait3A_337 : memref<1x1x25x80xi32, #tpu.memory_space<hbm>> -> memref<25x80xi32, #tpu.memory_space<hbm>>
      %dma_wait3A_339 = arith.constant 0 : i32
      %dma_wait3A_340 = arith.constant 0 : i32
      %dma_wait3A_341 = tpu.memref_slice %arg3[%add3A, %run_scoped3A_262, %dma_wait3A_339, %dma_wait3A_340] : memref<32x5x25x80xi32, #tpu.memory_space<hbm>> -> memref<1x1x25x80xi32, #tpu.memory_space<hbm>>
      %dma_wait3A_342 = tpu.memref_squeeze %dma_wait3A_341 : memref<1x1x25x80xi32, #tpu.memory_space<hbm>> -> memref<25x80xi32, #tpu.memory_space<hbm>>
      tpu.wait_dma2 semaphore(%run_scoped3A_326 : memref<!tpu.dma_semaphore, #tpu.memory_space<semaphore_mem>>) src(%dma_wait3A_342 : memref<25x80xi32, #tpu.memory_space<hbm>>) dst(%arg8 : memref<25x80xi32, #tpu.memory_space<vmem>>)
      tpu.yield
    }) : () -> ()
    %dma_start3A_263 = arith.constant 0 : i32
    %dma_start3A_264 = arith.constant 0 : i32
    %dma_start3A_265 = tpu.memref_slice %arg7[%dma_start3A_263, %dma_start3A_264] : memref<25x80xi32, #tpu.memory_space<vmem>> -> memref<1x80xi32, #tpu.memory_space<vmem>>
    %dma_start3A_266 = tpu.memref_squeeze %dma_start3A_265 : memref<1x80xi32, #tpu.memory_space<vmem>> -> memref<80xi32, #tpu.memory_space<vmem>>
    %dma_start3A_267 = arith.constant 0 : i32
    %dma_start3A_268 = arith.constant 0 : i32
    %dma_start3A_269 = tpu.memref_slice %arg4[%dma_start3A_267, %dma_start3A_268] : memref<10240x128xf32, #tpu.memory_space<hbm>> -> memref<10240x128xf32, #tpu.memory_space<hbm>>
    tpu.enqueue_indirect_dma source(%dma_start3A_269 : memref<10240x128xf32, #tpu.memory_space<hbm>>) target(%arg9 : memref<80x128xf32, #tpu.memory_space<vmem>>) offsets(%dma_start3A_266 : memref<80xi32, #tpu.memory_space<vmem>>) semaphore(%arg12 : memref<!tpu.dma_semaphore, #tpu.memory_space<semaphore_mem>>)
    %dma_start3A_270 = arith.constant 1 : i32
    %dma_start3A_271 = arith.constant 0 : i32
    %dma_start3A_272 = tpu.memref_slice %arg7[%dma_start3A_270, %dma_start3A_271] : memref<25x80xi32, #tpu.memory_space<vmem>> -> memref<1x80xi32, #tpu.memory_space<vmem>>
    %dma_start3A_273 = tpu.memref_squeeze %dma_start3A_272 : memref<1x80xi32, #tpu.memory_space<vmem>> -> memref<80xi32, #tpu.memory_space<vmem>>
    %dma_start3A_274 = arith.constant 0 : i32
    %dma_start3A_275 = arith.constant 0 : i32
    %dma_start3A_276 = tpu.memref_slice %arg4[%dma_start3A_274, %dma_start3A_275] : memref<10240x128xf32, #tpu.memory_space<hbm>> -> memref<10240x128xf32, #tpu.memory_space<hbm>>
    tpu.enqueue_indirect_dma source(%dma_start3A_276 : memref<10240x128xf32, #tpu.memory_space<hbm>>) target(%arg10 : memref<80x128xf32, #tpu.memory_space<vmem>>) offsets(%dma_start3A_273 : memref<80xi32, #tpu.memory_space<vmem>>) semaphore(%arg13 : memref<!tpu.dma_semaphore, #tpu.memory_space<semaphore_mem>>)
    %scan3A_277 = arith.constant 0 : i32
    %scan3A_278 = arith.constant 0 : i32
    %scan3A_279 = arith.constant 7 : i32
    %scan3A_280 = arith.addi %scan3A_278, %scan3A_279 : i32
    %scan3A_281 = arith.constant 1 : i32
    scf.for %scan3A_326 = %scan3A_278 to %scan3A_280 step %scan3A_281  : i32 {
      %mul3A_327 = arith.constant 3 : i32
      %mul3A_328 = arith.muli %mul3A_327, %scan3A_326 : i32
      %add3A_329 = arith.constant 0 : i32
      %add3A_330 = arith.addi %mul3A_328, %add3A_329 : i32
      %add3A_331 = arith.constant 2 : i32
      %add3A_332 = arith.addi %add3A_330, %add3A_331 : i32
      %dma_start3A_333 = arith.constant 0 : i32
      %dma_start3A_334 = tpu.memref_slice %arg7[%add3A_332, %dma_start3A_333] : memref<25x80xi32, #tpu.memory_space<vmem>> -> memref<1x80xi32, #tpu.memory_space<vmem>>
      %dma_start3A_335 = tpu.memref_squeeze %dma_start3A_334 : memref<1x80xi32, #tpu.memory_space<vmem>> -> memref<80xi32, #tpu.memory_space<vmem>>
      %dma_start3A_336 = arith.constant 0 : i32
      %dma_start3A_337 = arith.constant 0 : i32
      %dma_start3A_338 = tpu.memref_slice %arg4[%dma_start3A_336, %dma_start3A_337] : memref<10240x128xf32, #tpu.memory_space<hbm>> -> memref<10240x128xf32, #tpu.memory_space<hbm>>
      tpu.enqueue_indirect_dma source(%dma_start3A_338 : memref<10240x128xf32, #tpu.memory_space<hbm>>) target(%arg11 : memref<80x128xf32, #tpu.memory_space<vmem>>) offsets(%dma_start3A_335 : memref<80xi32, #tpu.memory_space<vmem>>) semaphore(%arg14 : memref<!tpu.dma_semaphore, #tpu.memory_space<semaphore_mem>>)
      %dma_wait3A_339 = arith.constant 0 : i32
      %dma_wait3A_340 = arith.constant 0 : i32
      %dma_wait3A_341 = tpu.memref_slice %arg4[%dma_wait3A_339, %dma_wait3A_340] : memref<10240x128xf32, #tpu.memory_space<hbm>> -> memref<80x128xf32, #tpu.memory_space<hbm>>
      %dma_wait3A_342 = arith.constant 0 : i32
      %dma_wait3A_343 = arith.constant 0 : i32
      %dma_wait3A_344 = tpu.memref_slice %arg4[%dma_wait3A_342, %dma_wait3A_343] : memref<10240x128xf32, #tpu.memory_space<hbm>> -> memref<80x128xf32, #tpu.memory_space<hbm>>
      tpu.wait_dma2 semaphore(%arg12 : memref<!tpu.dma_semaphore, #tpu.memory_space<semaphore_mem>>) src(%dma_wait3A_344 : memref<80x128xf32, #tpu.memory_space<hbm>>) dst(%arg9 : memref<80x128xf32, #tpu.memory_space<vmem>>)
      "tpu.region"() ({
        %run_scoped3A_381 = tpu.sem_alloc : memref<!tpu.dma_semaphore, #tpu.memory_space<semaphore_mem>>
        %dma_start3A_382 = arith.constant 0 : i32
        %dma_start3A_383 = tpu.memref_slice %arg8[%add3A_330, %dma_start3A_382] : memref<25x80xi32, #tpu.memory_space<vmem>> -> memref<1x80xi32, #tpu.memory_space<vmem>>
        %dma_start3A_384 = tpu.memref_squeeze %dma_start3A_383 : memref<1x80xi32, #tpu.memory_space<vmem>> -> memref<80xi32, #tpu.memory_space<vmem>>
        %dma_start3A_385 = arith.constant 0 : i32
        %dma_start3A_386 = arith.constant 0 : i32
        %dma_start3A_387 = tpu.memref_slice %arg15[%dma_start3A_385, %dma_start3A_386] : memref<10240x128xf32, #tpu.memory_space<vmem_shared>> -> memref<10240x128xf32, #tpu.memory_space<vmem_shared>>
        tpu.enqueue_indirect_dma source(%arg9 : memref<80x128xf32, #tpu.memory_space<vmem>>) target(%dma_start3A_387 : memref<10240x128xf32, #tpu.memory_space<vmem_shared>>) offsets(%dma_start3A_384 : memref<80xi32, #tpu.memory_space<vmem>>) semaphore(%run_scoped3A_381 : memref<!tpu.dma_semaphore, #tpu.memory_space<semaphore_mem>>) {add = true}
        %dma_wait3A_388 = arith.constant 0 : i32
        %dma_wait3A_389 = tpu.memref_slice %arg8[%add3A_330, %dma_wait3A_388] : memref<25x80xi32, #tpu.memory_space<vmem>> -> memref<1x80xi32, #tpu.memory_space<vmem>>
        %dma_wait3A_390 = tpu.memref_squeeze %dma_wait3A_389 : memref<1x80xi32, #tpu.memory_space<vmem>> -> memref<80xi32, #tpu.memory_space<vmem>>
        %dma_wait3A_391 = arith.constant 0 : i32
        %dma_wait3A_392 = arith.constant 0 : i32
        %dma_wait3A_393 = tpu.memref_slice %arg15[%dma_wait3A_391, %dma_wait3A_392] : memref<10240x128xf32, #tpu.memory_space<vmem_shared>> -> memref<10240x128xf32, #tpu.memory_space<vmem_shared>>
        tpu.wait_indirect_dma semaphore(%run_scoped3A_381 : memref<!tpu.dma_semaphore, #tpu.memory_space<semaphore_mem>>) src(%arg9 : memref<80x128xf32, #tpu.memory_space<vmem>>) dst(%dma_wait3A_393 : memref<10240x128xf32, #tpu.memory_space<vmem_shared>>)
        tpu.yield
      }) : () -> ()
      %mul3A_345 = arith.constant 3 : i32
      %mul3A_346 = arith.muli %mul3A_345, %scan3A_326 : i32
      %add3A_347 = arith.constant 1 : i32
      %add3A_348 = arith.addi %mul3A_346, %add3A_347 : i32
      %add3A_349 = arith.constant 2 : i32
      %add3A_350 = arith.addi %add3A_348, %add3A_349 : i32
      %dma_start3A_351 = arith.constant 0 : i32
      %dma_start3A_352 = tpu.memref_slice %arg7[%add3A_350, %dma_start3A_351] : memref<25x80xi32, #tpu.memory_space<vmem>> -> memref<1x80xi32, #tpu.memory_space<vmem>>
      %dma_start3A_353 = tpu.memref_squeeze %dma_start3A_352 : memref<1x80xi32, #tpu.memory_space<vmem>> -> memref<80xi32, #tpu.memory_space<vmem>>
      %dma_start3A_354 = arith.constant 0 : i32
      %dma_start3A_355 = arith.constant 0 : i32
      %dma_start3A_356 = tpu.memref_slice %arg4[%dma_start3A_354, %dma_start3A_355] : memref<10240x128xf32, #tpu.memory_space<hbm>> -> memref<10240x128xf32, #tpu.memory_space<hbm>>
      tpu.enqueue_indirect_dma source(%dma_start3A_356 : memref<10240x128xf32, #tpu.memory_space<hbm>>) target(%arg9 : memref<80x128xf32, #tpu.memory_space<vmem>>) offsets(%dma_start3A_353 : memref<80xi32, #tpu.memory_space<vmem>>) semaphore(%arg12 : memref<!tpu.dma_semaphore, #tpu.memory_space<semaphore_mem>>)
      %dma_wait3A_357 = arith.constant 0 : i32
      %dma_wait3A_358 = arith.constant 0 : i32
      %dma_wait3A_359 = tpu.memref_slice %arg4[%dma_wait3A_357, %dma_wait3A_358] : memref<10240x128xf32, #tpu.memory_space<hbm>> -> memref<80x128xf32, #tpu.memory_space<hbm>>
      %dma_wait3A_360 = arith.constant 0 : i32
      %dma_wait3A_361 = arith.constant 0 : i32
      %dma_wait3A_362 = tpu.memref_slice %arg4[%dma_wait3A_360, %dma_wait3A_361] : memref<10240x128xf32, #tpu.memory_space<hbm>> -> memref<80x128xf32, #tpu.memory_space<hbm>>
      tpu.wait_dma2 semaphore(%arg13 : memref<!tpu.dma_semaphore, #tpu.memory_space<semaphore_mem>>) src(%dma_wait3A_362 : memref<80x128xf32, #tpu.memory_space<hbm>>) dst(%arg10 : memref<80x128xf32, #tpu.memory_space<vmem>>)
      "tpu.region"() ({
        %run_scoped3A_381 = tpu.sem_alloc : memref<!tpu.dma_semaphore, #tpu.memory_space<semaphore_mem>>
        %dma_start3A_382 = arith.constant 0 : i32
        %dma_start3A_383 = tpu.memref_slice %arg8[%add3A_348, %dma_start3A_382] : memref<25x80xi32, #tpu.memory_space<vmem>> -> memref<1x80xi32, #tpu.memory_space<vmem>>
        %dma_start3A_384 = tpu.memref_squeeze %dma_start3A_383 : memref<1x80xi32, #tpu.memory_space<vmem>> -> memref<80xi32, #tpu.memory_space<vmem>>
        %dma_start3A_385 = arith.constant 0 : i32
        %dma_start3A_386 = arith.constant 0 : i32
        %dma_start3A_387 = tpu.memref_slice %arg15[%dma_start3A_385, %dma_start3A_386] : memref<10240x128xf32, #tpu.memory_space<vmem_shared>> -> memref<10240x128xf32, #tpu.memory_space<vmem_shared>>
        tpu.enqueue_indirect_dma source(%arg10 : memref<80x128xf32, #tpu.memory_space<vmem>>) target(%dma_start3A_387 : memref<10240x128xf32, #tpu.memory_space<vmem_shared>>) offsets(%dma_start3A_384 : memref<80xi32, #tpu.memory_space<vmem>>) semaphore(%run_scoped3A_381 : memref<!tpu.dma_semaphore, #tpu.memory_space<semaphore_mem>>) {add = true}
        %dma_wait3A_388 = arith.constant 0 : i32
        %dma_wait3A_389 = tpu.memref_slice %arg8[%add3A_348, %dma_wait3A_388] : memref<25x80xi32, #tpu.memory_space<vmem>> -> memref<1x80xi32, #tpu.memory_space<vmem>>
        %dma_wait3A_390 = tpu.memref_squeeze %dma_wait3A_389 : memref<1x80xi32, #tpu.memory_space<vmem>> -> memref<80xi32, #tpu.memory_space<vmem>>
        %dma_wait3A_391 = arith.constant 0 : i32
        %dma_wait3A_392 = arith.constant 0 : i32
        %dma_wait3A_393 = tpu.memref_slice %arg15[%dma_wait3A_391, %dma_wait3A_392] : memref<10240x128xf32, #tpu.memory_space<vmem_shared>> -> memref<10240x128xf32, #tpu.memory_space<vmem_shared>>
        tpu.wait_indirect_dma semaphore(%run_scoped3A_381 : memref<!tpu.dma_semaphore, #tpu.memory_space<semaphore_mem>>) src(%arg10 : memref<80x128xf32, #tpu.memory_space<vmem>>) dst(%dma_wait3A_393 : memref<10240x128xf32, #tpu.memory_space<vmem_shared>>)
        tpu.yield
      }) : () -> ()
      %mul3A_363 = arith.constant 3 : i32
      %mul3A_364 = arith.muli %mul3A_363, %scan3A_326 : i32
      %add3A_365 = arith.constant 2 : i32
      %add3A_366 = arith.addi %mul3A_364, %add3A_365 : i32
      %add3A_367 = arith.constant 2 : i32
      %add3A_368 = arith.addi %add3A_366, %add3A_367 : i32
      %dma_start3A_369 = arith.constant 0 : i32
      %dma_start3A_370 = tpu.memref_slice %arg7[%add3A_368, %dma_start3A_369] : memref<25x80xi32, #tpu.memory_space<vmem>> -> memref<1x80xi32, #tpu.memory_space<vmem>>
      %dma_start3A_371 = tpu.memref_squeeze %dma_start3A_370 : memref<1x80xi32, #tpu.memory_space<vmem>> -> memref<80xi32, #tpu.memory_space<vmem>>
      %dma_start3A_372 = arith.constant 0 : i32
      %dma_start3A_373 = arith.constant 0 : i32
      %dma_start3A_374 = tpu.memref_slice %arg4[%dma_start3A_372, %dma_start3A_373] : memref<10240x128xf32, #tpu.memory_space<hbm>> -> memref<10240x128xf32, #tpu.memory_space<hbm>>
      tpu.enqueue_indirect_dma source(%dma_start3A_374 : memref<10240x128xf32, #tpu.memory_space<hbm>>) target(%arg10 : memref<80x128xf32, #tpu.memory_space<vmem>>) offsets(%dma_start3A_371 : memref<80xi32, #tpu.memory_space<vmem>>) semaphore(%arg13 : memref<!tpu.dma_semaphore, #tpu.memory_space<semaphore_mem>>)
      %dma_wait3A_375 = arith.constant 0 : i32
      %dma_wait3A_376 = arith.constant 0 : i32
      %dma_wait3A_377 = tpu.memref_slice %arg4[%dma_wait3A_375, %dma_wait3A_376] : memref<10240x128xf32, #tpu.memory_space<hbm>> -> memref<80x128xf32, #tpu.memory_space<hbm>>
      %dma_wait3A_378 = arith.constant 0 : i32
      %dma_wait3A_379 = arith.constant 0 : i32
      %dma_wait3A_380 = tpu.memref_slice %arg4[%dma_wait3A_378, %dma_wait3A_379] : memref<10240x128xf32, #tpu.memory_space<hbm>> -> memref<80x128xf32, #tpu.memory_space<hbm>>
      tpu.wait_dma2 semaphore(%arg14 : memref<!tpu.dma_semaphore, #tpu.memory_space<semaphore_mem>>) src(%dma_wait3A_380 : memref<80x128xf32, #tpu.memory_space<hbm>>) dst(%arg11 : memref<80x128xf32, #tpu.memory_space<vmem>>)
      "tpu.region"() ({
        %run_scoped3A_381 = tpu.sem_alloc : memref<!tpu.dma_semaphore, #tpu.memory_space<semaphore_mem>>
        %dma_start3A_382 = arith.constant 0 : i32
        %dma_start3A_383 = tpu.memref_slice %arg8[%add3A_366, %dma_start3A_382] : memref<25x80xi32, #tpu.memory_space<vmem>> -> memref<1x80xi32, #tpu.memory_space<vmem>>
        %dma_start3A_384 = tpu.memref_squeeze %dma_start3A_383 : memref<1x80xi32, #tpu.memory_space<vmem>> -> memref<80xi32, #tpu.memory_space<vmem>>
        %dma_start3A_385 = arith.constant 0 : i32
        %dma_start3A_386 = arith.constant 0 : i32
        %dma_start3A_387 = tpu.memref_slice %arg15[%dma_start3A_385, %dma_start3A_386] : memref<10240x128xf32, #tpu.memory_space<vmem_shared>> -> memref<10240x128xf32, #tpu.memory_space<vmem_shared>>
        tpu.enqueue_indirect_dma source(%arg11 : memref<80x128xf32, #tpu.memory_space<vmem>>) target(%dma_start3A_387 : memref<10240x128xf32, #tpu.memory_space<vmem_shared>>) offsets(%dma_start3A_384 : memref<80xi32, #tpu.memory_space<vmem>>) semaphore(%run_scoped3A_381 : memref<!tpu.dma_semaphore, #tpu.memory_space<semaphore_mem>>) {add = true}
        %dma_wait3A_388 = arith.constant 0 : i32
        %dma_wait3A_389 = tpu.memref_slice %arg8[%add3A_366, %dma_wait3A_388] : memref<25x80xi32, #tpu.memory_space<vmem>> -> memref<1x80xi32, #tpu.memory_space<vmem>>
        %dma_wait3A_390 = tpu.memref_squeeze %dma_wait3A_389 : memref<1x80xi32, #tpu.memory_space<vmem>> -> memref<80xi32, #tpu.memory_space<vmem>>
        %dma_wait3A_391 = arith.constant 0 : i32
        %dma_wait3A_392 = arith.constant 0 : i32
        %dma_wait3A_393 = tpu.memref_slice %arg15[%dma_wait3A_391, %dma_wait3A_392] : memref<10240x128xf32, #tpu.memory_space<vmem_shared>> -> memref<10240x128xf32, #tpu.memory_space<vmem_shared>>
        tpu.wait_indirect_dma semaphore(%run_scoped3A_381 : memref<!tpu.dma_semaphore, #tpu.memory_space<semaphore_mem>>) src(%arg11 : memref<80x128xf32, #tpu.memory_space<vmem>>) dst(%dma_wait3A_393 : memref<10240x128xf32, #tpu.memory_space<vmem_shared>>)
        tpu.yield
      }) : () -> ()
    }
    %scan3A_282 = arith.constant 7 : i32
    %dma_start3A_283 = arith.constant 23 : i32
    %dma_start3A_284 = arith.constant 0 : i32
    %dma_start3A_285 = tpu.memref_slice %arg7[%dma_start3A_283, %dma_start3A_284] : memref<25x80xi32, #tpu.memory_space<vmem>> -> memref<1x80xi32, #tpu.memory_space<vmem>>
    %dma_start3A_286 = tpu.memref_squeeze %dma_start3A_285 : memref<1x80xi32, #tpu.memory_space<vmem>> -> memref<80xi32, #tpu.memory_space<vmem>>
    %dma_start3A_287 = arith.constant 0 : i32
    %dma_start3A_288 = arith.constant 0 : i32
    %dma_start3A_289 = tpu.memref_slice %arg4[%dma_start3A_287, %dma_start3A_288] : memref<10240x128xf32, #tpu.memory_space<hbm>> -> memref<10240x128xf32, #tpu.memory_space<hbm>>
    tpu.enqueue_indirect_dma source(%dma_start3A_289 : memref<10240x128xf32, #tpu.memory_space<hbm>>) target(%arg11 : memref<80x128xf32, #tpu.memory_space<vmem>>) offsets(%dma_start3A_286 : memref<80xi32, #tpu.memory_space<vmem>>) semaphore(%arg14 : memref<!tpu.dma_semaphore, #tpu.memory_space<semaphore_mem>>)
    %dma_wait3A_290 = arith.constant 0 : i32
    %dma_wait3A_291 = arith.constant 0 : i32
    %dma_wait3A_292 = tpu.memref_slice %arg4[%dma_wait3A_290, %dma_wait3A_291] : memref<10240x128xf32, #tpu.memory_space<hbm>> -> memref<80x128xf32, #tpu.memory_space<hbm>>
    %dma_wait3A_293 = arith.constant 0 : i32
    %dma_wait3A_294 = arith.constant 0 : i32
    %dma_wait3A_295 = tpu.memref_slice %arg4[%dma_wait3A_293, %dma_wait3A_294] : memref<10240x128xf32, #tpu.memory_space<hbm>> -> memref<80x128xf32, #tpu.memory_space<hbm>>
    tpu.wait_dma2 semaphore(%arg12 : memref<!tpu.dma_semaphore, #tpu.memory_space<semaphore_mem>>) src(%dma_wait3A_295 : memref<80x128xf32, #tpu.memory_space<hbm>>) dst(%arg9 : memref<80x128xf32, #tpu.memory_space<vmem>>)
    %run_scoped3A_296 = arith.constant 21 : i32
    "tpu.region"() ({
      %run_scoped3A_326 = tpu.sem_alloc : memref<!tpu.dma_semaphore, #tpu.memory_space<semaphore_mem>>
      %dma_start3A_327 = arith.constant 0 : i32
      %dma_start3A_328 = tpu.memref_slice %arg8[%run_scoped3A_296, %dma_start3A_327] : memref<25x80xi32, #tpu.memory_space<vmem>> -> memref<1x80xi32, #tpu.memory_space<vmem>>
      %dma_start3A_329 = tpu.memref_squeeze %dma_start3A_328 : memref<1x80xi32, #tpu.memory_space<vmem>> -> memref<80xi32, #tpu.memory_space<vmem>>
      %dma_start3A_330 = arith.constant 0 : i32
      %dma_start3A_331 = arith.constant 0 : i32
      %dma_start3A_332 = tpu.memref_slice %arg15[%dma_start3A_330, %dma_start3A_331] : memref<10240x128xf32, #tpu.memory_space<vmem_shared>> -> memref<10240x128xf32, #tpu.memory_space<vmem_shared>>
      tpu.enqueue_indirect_dma source(%arg9 : memref<80x128xf32, #tpu.memory_space<vmem>>) target(%dma_start3A_332 : memref<10240x128xf32, #tpu.memory_space<vmem_shared>>) offsets(%dma_start3A_329 : memref<80xi32, #tpu.memory_space<vmem>>) semaphore(%run_scoped3A_326 : memref<!tpu.dma_semaphore, #tpu.memory_space<semaphore_mem>>) {add = true}
      %dma_wait3A_333 = arith.constant 0 : i32
      %dma_wait3A_334 = tpu.memref_slice %arg8[%run_scoped3A_296, %dma_wait3A_333] : memref<25x80xi32, #tpu.memory_space<vmem>> -> memref<1x80xi32, #tpu.memory_space<vmem>>
      %dma_wait3A_335 = tpu.memref_squeeze %dma_wait3A_334 : memref<1x80xi32, #tpu.memory_space<vmem>> -> memref<80xi32, #tpu.memory_space<vmem>>
      %dma_wait3A_336 = arith.constant 0 : i32
      %dma_wait3A_337 = arith.constant 0 : i32
      %dma_wait3A_338 = tpu.memref_slice %arg15[%dma_wait3A_336, %dma_wait3A_337] : memref<10240x128xf32, #tpu.memory_space<vmem_shared>> -> memref<10240x128xf32, #tpu.memory_space<vmem_shared>>
      tpu.wait_indirect_dma semaphore(%run_scoped3A_326 : memref<!tpu.dma_semaphore, #tpu.memory_space<semaphore_mem>>) src(%arg9 : memref<80x128xf32, #tpu.memory_space<vmem>>) dst(%dma_wait3A_338 : memref<10240x128xf32, #tpu.memory_space<vmem_shared>>)
      tpu.yield
    }) : () -> ()
    %dma_start3A_297 = arith.constant 24 : i32
    %dma_start3A_298 = arith.constant 0 : i32
    %dma_start3A_299 = tpu.memref_slice %arg7[%dma_start3A_297, %dma_start3A_298] : memref<25x80xi32, #tpu.memory_space<vmem>> -> memref<1x80xi32, #tpu.memory_space<vmem>>
    %dma_start3A_300 = tpu.memref_squeeze %dma_start3A_299 : memref<1x80xi32, #tpu.memory_space<vmem>> -> memref<80xi32, #tpu.memory_space<vmem>>
    %dma_start3A_301 = arith.constant 0 : i32
    %dma_start3A_302 = arith.constant 0 : i32
    %dma_start3A_303 = tpu.memref_slice %arg4[%dma_start3A_301, %dma_start3A_302] : memref<10240x128xf32, #tpu.memory_space<hbm>> -> memref<10240x128xf32, #tpu.memory_space<hbm>>
    tpu.enqueue_indirect_dma source(%dma_start3A_303 : memref<10240x128xf32, #tpu.memory_space<hbm>>) target(%arg9 : memref<80x128xf32, #tpu.memory_space<vmem>>) offsets(%dma_start3A_300 : memref<80xi32, #tpu.memory_space<vmem>>) semaphore(%arg12 : memref<!tpu.dma_semaphore, #tpu.memory_space<semaphore_mem>>)
    %dma_wait3A_304 = arith.constant 0 : i32
    %dma_wait3A_305 = arith.constant 0 : i32
    %dma_wait3A_306 = tpu.memref_slice %arg4[%dma_wait3A_304, %dma_wait3A_305] : memref<10240x128xf32, #tpu.memory_space<hbm>> -> memref<80x128xf32, #tpu.memory_space<hbm>>
    %dma_wait3A_307 = arith.constant 0 : i32
    %dma_wait3A_308 = arith.constant 0 : i32
    %dma_wait3A_309 = tpu.memref_slice %arg4[%dma_wait3A_307, %dma_wait3A_308] : memref<10240x128xf32, #tpu.memory_space<hbm>> -> memref<80x128xf32, #tpu.memory_space<hbm>>
    tpu.wait_dma2 semaphore(%arg13 : memref<!tpu.dma_semaphore, #tpu.memory_space<semaphore_mem>>) src(%dma_wait3A_309 : memref<80x128xf32, #tpu.memory_space<hbm>>) dst(%arg10 : memref<80x128xf32, #tpu.memory_space<vmem>>)
    %run_scoped3A_310 = arith.constant 22 : i32
    "tpu.region"() ({
      %run_scoped3A_326 = tpu.sem_alloc : memref<!tpu.dma_semaphore, #tpu.memory_space<semaphore_mem>>
      %dma_start3A_327 = arith.constant 0 : i32
      %dma_start3A_328 = tpu.memref_slice %arg8[%run_scoped3A_310, %dma_start3A_327] : memref<25x80xi32, #tpu.memory_space<vmem>> -> memref<1x80xi32, #tpu.memory_space<vmem>>
      %dma_start3A_329 = tpu.memref_squeeze %dma_start3A_328 : memref<1x80xi32, #tpu.memory_space<vmem>> -> memref<80xi32, #tpu.memory_space<vmem>>
      %dma_start3A_330 = arith.constant 0 : i32
      %dma_start3A_331 = arith.constant 0 : i32
      %dma_start3A_332 = tpu.memref_slice %arg15[%dma_start3A_330, %dma_start3A_331] : memref<10240x128xf32, #tpu.memory_space<vmem_shared>> -> memref<10240x128xf32, #tpu.memory_space<vmem_shared>>
      tpu.enqueue_indirect_dma source(%arg10 : memref<80x128xf32, #tpu.memory_space<vmem>>) target(%dma_start3A_332 : memref<10240x128xf32, #tpu.memory_space<vmem_shared>>) offsets(%dma_start3A_329 : memref<80xi32, #tpu.memory_space<vmem>>) semaphore(%run_scoped3A_326 : memref<!tpu.dma_semaphore, #tpu.memory_space<semaphore_mem>>) {add = true}
      %dma_wait3A_333 = arith.constant 0 : i32
      %dma_wait3A_334 = tpu.memref_slice %arg8[%run_scoped3A_310, %dma_wait3A_333] : memref<25x80xi32, #tpu.memory_space<vmem>> -> memref<1x80xi32, #tpu.memory_space<vmem>>
      %dma_wait3A_335 = tpu.memref_squeeze %dma_wait3A_334 : memref<1x80xi32, #tpu.memory_space<vmem>> -> memref<80xi32, #tpu.memory_space<vmem>>
      %dma_wait3A_336 = arith.constant 0 : i32
      %dma_wait3A_337 = arith.constant 0 : i32
      %dma_wait3A_338 = tpu.memref_slice %arg15[%dma_wait3A_336, %dma_wait3A_337] : memref<10240x128xf32, #tpu.memory_space<vmem_shared>> -> memref<10240x128xf32, #tpu.memory_space<vmem_shared>>
      tpu.wait_indirect_dma semaphore(%run_scoped3A_326 : memref<!tpu.dma_semaphore, #tpu.memory_space<semaphore_mem>>) src(%arg10 : memref<80x128xf32, #tpu.memory_space<vmem>>) dst(%dma_wait3A_338 : memref<10240x128xf32, #tpu.memory_space<vmem_shared>>)
      tpu.yield
    }) : () -> ()
    %dma_wait3A_311 = arith.constant 0 : i32
    %dma_wait3A_312 = arith.constant 0 : i32
    %dma_wait3A_313 = tpu.memref_slice %arg4[%dma_wait3A_311, %dma_wait3A_312] : memref<10240x128xf32, #tpu.memory_space<hbm>> -> memref<80x128xf32, #tpu.memory_space<hbm>>
    %dma_wait3A_314 = arith.constant 0 : i32
    %dma_wait3A_315 = arith.constant 0 : i32
    %dma_wait3A_316 = tpu.memref_slice %arg4[%dma_wait3A_314, %dma_wait3A_315] : memref<10240x128xf32, #tpu.memory_space<hbm>> -> memref<80x128xf32, #tpu.memory_space<hbm>>
    tpu.wait_dma2 semaphore(%arg14 : memref<!tpu.dma_semaphore, #tpu.memory_space<semaphore_mem>>) src(%dma_wait3A_316 : memref<80x128xf32, #tpu.memory_space<hbm>>) dst(%arg11 : memref<80x128xf32, #tpu.memory_space<vmem>>)
    %run_scoped3A_317 = arith.constant 23 : i32
    "tpu.region"() ({
      %run_scoped3A_326 = tpu.sem_alloc : memref<!tpu.dma_semaphore, #tpu.memory_space<semaphore_mem>>
      %dma_start3A_327 = arith.constant 0 : i32
      %dma_start3A_328 = tpu.memref_slice %arg8[%run_scoped3A_317, %dma_start3A_327] : memref<25x80xi32, #tpu.memory_space<vmem>> -> memref<1x80xi32, #tpu.memory_space<vmem>>
      %dma_start3A_329 = tpu.memref_squeeze %dma_start3A_328 : memref<1x80xi32, #tpu.memory_space<vmem>> -> memref<80xi32, #tpu.memory_space<vmem>>
      %dma_start3A_330 = arith.constant 0 : i32
      %dma_start3A_331 = arith.constant 0 : i32
      %dma_start3A_332 = tpu.memref_slice %arg15[%dma_start3A_330, %dma_start3A_331] : memref<10240x128xf32, #tpu.memory_space<vmem_shared>> -> memref<10240x128xf32, #tpu.memory_space<vmem_shared>>
      tpu.enqueue_indirect_dma source(%arg11 : memref<80x128xf32, #tpu.memory_space<vmem>>) target(%dma_start3A_332 : memref<10240x128xf32, #tpu.memory_space<vmem_shared>>) offsets(%dma_start3A_329 : memref<80xi32, #tpu.memory_space<vmem>>) semaphore(%run_scoped3A_326 : memref<!tpu.dma_semaphore, #tpu.memory_space<semaphore_mem>>) {add = true}
      %dma_wait3A_333 = arith.constant 0 : i32
      %dma_wait3A_334 = tpu.memref_slice %arg8[%run_scoped3A_317, %dma_wait3A_333] : memref<25x80xi32, #tpu.memory_space<vmem>> -> memref<1x80xi32, #tpu.memory_space<vmem>>
      %dma_wait3A_335 = tpu.memref_squeeze %dma_wait3A_334 : memref<1x80xi32, #tpu.memory_space<vmem>> -> memref<80xi32, #tpu.memory_space<vmem>>
      %dma_wait3A_336 = arith.constant 0 : i32
      %dma_wait3A_337 = arith.constant 0 : i32
      %dma_wait3A_338 = tpu.memref_slice %arg15[%dma_wait3A_336, %dma_wait3A_337] : memref<10240x128xf32, #tpu.memory_space<vmem_shared>> -> memref<10240x128xf32, #tpu.memory_space<vmem_shared>>
      tpu.wait_indirect_dma semaphore(%run_scoped3A_326 : memref<!tpu.dma_semaphore, #tpu.memory_space<semaphore_mem>>) src(%arg11 : memref<80x128xf32, #tpu.memory_space<vmem>>) dst(%dma_wait3A_338 : memref<10240x128xf32, #tpu.memory_space<vmem_shared>>)
      tpu.yield
    }) : () -> ()
    %dma_wait3A_318 = arith.constant 0 : i32
    %dma_wait3A_319 = arith.constant 0 : i32
    %dma_wait3A_320 = tpu.memref_slice %arg4[%dma_wait3A_318, %dma_wait3A_319] : memref<10240x128xf32, #tpu.memory_space<hbm>> -> memref<80x128xf32, #tpu.memory_space<hbm>>
    %dma_wait3A_321 = arith.constant 0 : i32
    %dma_wait3A_322 = arith.constant 0 : i32
    %dma_wait3A_323 = tpu.memref_slice %arg4[%dma_wait3A_321, %dma_wait3A_322] : memref<10240x128xf32, #tpu.memory_space<hbm>> -> memref<80x128xf32, #tpu.memory_space<hbm>>
    tpu.wait_dma2 semaphore(%arg12 : memref<!tpu.dma_semaphore, #tpu.memory_space<semaphore_mem>>) src(%dma_wait3A_323 : memref<80x128xf32, #tpu.memory_space<hbm>>) dst(%arg9 : memref<80x128xf32, #tpu.memory_space<vmem>>)
    %run_scoped3A_324 = arith.constant 24 : i32
    "tpu.region"() ({
      %run_scoped3A_326 = tpu.sem_alloc : memref<!tpu.dma_semaphore, #tpu.memory_space<semaphore_mem>>
      %dma_start3A_327 = arith.constant 0 : i32
      %dma_start3A_328 = tpu.memref_slice %arg8[%run_scoped3A_324, %dma_start3A_327] : memref<25x80xi32, #tpu.memory_space<vmem>> -> memref<1x80xi32, #tpu.memory_space<vmem>>
      %dma_start3A_329 = tpu.memref_squeeze %dma_start3A_328 : memref<1x80xi32, #tpu.memory_space<vmem>> -> memref<80xi32, #tpu.memory_space<vmem>>
      %dma_start3A_330 = arith.constant 0 : i32
      %dma_start3A_331 = arith.constant 0 : i32
      %dma_start3A_332 = tpu.memref_slice %arg15[%dma_start3A_330, %dma_start3A_331] : memref<10240x128xf32, #tpu.memory_space<vmem_shared>> -> memref<10240x128xf32, #tpu.memory_space<vmem_shared>>
      tpu.enqueue_indirect_dma source(%arg9 : memref<80x128xf32, #tpu.memory_space<vmem>>) target(%dma_start3A_332 : memref<10240x128xf32, #tpu.memory_space<vmem_shared>>) offsets(%dma_start3A_329 : memref<80xi32, #tpu.memory_space<vmem>>) semaphore(%run_scoped3A_326 : memref<!tpu.dma_semaphore, #tpu.memory_space<semaphore_mem>>) {add = true}
      %dma_wait3A_333 = arith.constant 0 : i32
      %dma_wait3A_334 = tpu.memref_slice %arg8[%run_scoped3A_324, %dma_wait3A_333] : memref<25x80xi32, #tpu.memory_space<vmem>> -> memref<1x80xi32, #tpu.memory_space<vmem>>
      %dma_wait3A_335 = tpu.memref_squeeze %dma_wait3A_334 : memref<1x80xi32, #tpu.memory_space<vmem>> -> memref<80xi32, #tpu.memory_space<vmem>>
      %dma_wait3A_336 = arith.constant 0 : i32
      %dma_wait3A_337 = arith.constant 0 : i32
      %dma_wait3A_338 = tpu.memref_slice %arg15[%dma_wait3A_336, %dma_wait3A_337] : memref<10240x128xf32, #tpu.memory_space<vmem_shared>> -> memref<10240x128xf32, #tpu.memory_space<vmem_shared>>
      tpu.wait_indirect_dma semaphore(%run_scoped3A_326 : memref<!tpu.dma_semaphore, #tpu.memory_space<semaphore_mem>>) src(%arg9 : memref<80x128xf32, #tpu.memory_space<vmem>>) dst(%dma_wait3A_338 : memref<10240x128xf32, #tpu.memory_space<vmem_shared>>)
      tpu.yield
    }) : () -> ()
    %barrier3A_325 = arith.constant 0 : index
    tpu.barrier barrier_id(%barrier3A_325)
    "tpu.region"() ({
      %run_scoped3A_326 = tpu.sem_alloc : memref<!tpu.dma_semaphore, #tpu.memory_space<semaphore_mem>>
      %dma_start3A_327 = arith.constant 0 : i32
      %dma_start3A_328 = tpu.memref_slice %arg6[%arg0, %mul3A_2, %dma_start3A_327] : memref<2x10240x128xf32, #tpu.memory_space<hbm>> -> memref<1x640x128xf32, #tpu.memory_space<hbm>>
      %dma_start3A_329 = tpu.memref_squeeze %dma_start3A_328 : memref<1x640x128xf32, #tpu.memory_space<hbm>> -> memref<640x128xf32, #tpu.memory_space<hbm>>
      %dma_start3A_330 = arith.constant 0 : i32
      %dma_start3A_331 = tpu.memref_slice %arg15[%mul3A_2, %dma_start3A_330] : memref<10240x128xf32, #tpu.memory_space<vmem_shared>> -> memref<640x128xf32, #tpu.memory_space<vmem_shared>>
      tpu.enqueue_dma source(%dma_start3A_331 : memref<640x128xf32, #tpu.memory_space<vmem_shared>>) target(%dma_start3A_329 : memref<640x128xf32, #tpu.memory_space<hbm>>) target_semaphore(%run_scoped3A_326 : memref<!tpu.dma_semaphore, #tpu.memory_space<semaphore_mem>>)
      %dma_wait3A_332 = arith.constant 0 : i32
      %dma_wait3A_333 = tpu.memref_slice %arg6[%arg0, %mul3A_2, %dma_wait3A_332] : memref<2x10240x128xf32, #tpu.memory_space<hbm>> -> memref<1x640x128xf32, #tpu.memory_space<hbm>>
      %dma_wait3A_334 = tpu.memref_squeeze %dma_wait3A_333 : memref<1x640x128xf32, #tpu.memory_space<hbm>> -> memref<640x128xf32, #tpu.memory_space<hbm>>
      %dma_wait3A_335 = arith.constant 0 : i32
      %dma_wait3A_336 = tpu.memref_slice %arg15[%mul3A_2, %dma_wait3A_335] : memref<10240x128xf32, #tpu.memory_space<vmem_shared>> -> memref<640x128xf32, #tpu.memory_space<vmem_shared>>
      tpu.wait_dma2 semaphore(%run_scoped3A_326 : memref<!tpu.dma_semaphore, #tpu.memory_space<semaphore_mem>>) src(%dma_wait3A_336 : memref<640x128xf32, #tpu.memory_space<vmem_shared>>) dst(%dma_wait3A_334 : memref<640x128xf32, #tpu.memory_space<hbm>>)
      tpu.yield
    }) : () -> ()
    return
  }
}

#map = affine_map<(d0, d1) -> (0, 0, 0)>
#map1 = affine_map<(d0, d1) -> (0)>
#map2 = affine_map<(d0, d1) -> (0, 0)>
module attributes {stable_mosaic.version = 14 : i64} {
  func.func @_sc_degree(%arg0: i32, %arg1: i32, %arg2: memref<32x125x80xi32, #tpu.memory_space<hbm>>, %arg3: memref<10240xf32, #tpu.memory_space<hbm>>, %arg4: memref<32x10240xf32, #tpu.memory_space<hbm>>, %arg5: memref<125x80xi32, #tpu.memory_space<vmem>>, %arg6: memref<10240xf32, #tpu.memory_space<vmem>>) attributes {dimension_semantics = [#tpu.dimension_semantics<core_parallel>, #tpu.dimension_semantics<subcore_parallel>], iteration_bounds = array<i64: 2, 16>, scalar_prefetch = 0 : i64, scratch_operands = 2 : i64, tpu.core_type = #tpu.core_type<sc_vector_subcore>, window_params = [{transform_indices = #map}, {transform_indices = #map1}, {transform_indices = #map2}]} {
    %mul3A = arith.constant 2 : i32
    %mul3A_0 = arith.muli %arg1, %mul3A : i32
    %add3A = arith.addi %mul3A_0, %arg0 : i32
    "tpu.region"() ({
      %run_scoped3A = tpu.sem_alloc : memref<!tpu.dma_semaphore, #tpu.memory_space<semaphore_mem>>
      tpu.enqueue_dma source(%arg3 : memref<10240xf32, #tpu.memory_space<hbm>>) target(%arg6 : memref<10240xf32, #tpu.memory_space<vmem>>) target_semaphore(%run_scoped3A : memref<!tpu.dma_semaphore, #tpu.memory_space<semaphore_mem>>)
      tpu.wait_dma2 semaphore(%run_scoped3A : memref<!tpu.dma_semaphore, #tpu.memory_space<semaphore_mem>>) src(%arg3 : memref<10240xf32, #tpu.memory_space<hbm>>) dst(%arg6 : memref<10240xf32, #tpu.memory_space<vmem>>)
      tpu.yield
    }) : () -> ()
    "tpu.region"() ({
      %run_scoped3A = tpu.sem_alloc : memref<!tpu.dma_semaphore, #tpu.memory_space<semaphore_mem>>
      %dma_start3A = arith.constant 0 : i32
      %dma_start3A_7 = arith.constant 0 : i32
      %dma_start3A_8 = tpu.memref_slice %arg2[%add3A, %dma_start3A, %dma_start3A_7] : memref<32x125x80xi32, #tpu.memory_space<hbm>> -> memref<1x125x80xi32, #tpu.memory_space<hbm>>
      %dma_start3A_9 = tpu.memref_squeeze %dma_start3A_8 : memref<1x125x80xi32, #tpu.memory_space<hbm>> -> memref<125x80xi32, #tpu.memory_space<hbm>>
      %dma_start3A_10 = arith.constant 0 : i32
      %dma_start3A_11 = arith.constant 0 : i32
      %dma_start3A_12 = tpu.memref_slice %arg2[%add3A, %dma_start3A_10, %dma_start3A_11] : memref<32x125x80xi32, #tpu.memory_space<hbm>> -> memref<1x125x80xi32, #tpu.memory_space<hbm>>
      %dma_start3A_13 = tpu.memref_squeeze %dma_start3A_12 : memref<1x125x80xi32, #tpu.memory_space<hbm>> -> memref<125x80xi32, #tpu.memory_space<hbm>>
      tpu.enqueue_dma source(%dma_start3A_13 : memref<125x80xi32, #tpu.memory_space<hbm>>) target(%arg5 : memref<125x80xi32, #tpu.memory_space<vmem>>) target_semaphore(%run_scoped3A : memref<!tpu.dma_semaphore, #tpu.memory_space<semaphore_mem>>)
      %dma_wait3A = arith.constant 0 : i32
      %dma_wait3A_14 = arith.constant 0 : i32
      %dma_wait3A_15 = tpu.memref_slice %arg2[%add3A, %dma_wait3A, %dma_wait3A_14] : memref<32x125x80xi32, #tpu.memory_space<hbm>> -> memref<1x125x80xi32, #tpu.memory_space<hbm>>
      %dma_wait3A_16 = tpu.memref_squeeze %dma_wait3A_15 : memref<1x125x80xi32, #tpu.memory_space<hbm>> -> memref<125x80xi32, #tpu.memory_space<hbm>>
      %dma_wait3A_17 = arith.constant 0 : i32
      %dma_wait3A_18 = arith.constant 0 : i32
      %dma_wait3A_19 = tpu.memref_slice %arg2[%add3A, %dma_wait3A_17, %dma_wait3A_18] : memref<32x125x80xi32, #tpu.memory_space<hbm>> -> memref<1x125x80xi32, #tpu.memory_space<hbm>>
      %dma_wait3A_20 = tpu.memref_squeeze %dma_wait3A_19 : memref<1x125x80xi32, #tpu.memory_space<hbm>> -> memref<125x80xi32, #tpu.memory_space<hbm>>
      tpu.wait_dma2 semaphore(%run_scoped3A : memref<!tpu.dma_semaphore, #tpu.memory_space<semaphore_mem>>) src(%dma_wait3A_20 : memref<125x80xi32, #tpu.memory_space<hbm>>) dst(%arg5 : memref<125x80xi32, #tpu.memory_space<vmem>>)
      tpu.yield
    }) : () -> ()
    %broadcast_in_dim3A = arith.constant 1.000000e+00 : f32
    %broadcast_in_dim3A_1 = vector.broadcast %broadcast_in_dim3A : f32 to vector<16xf32>
    %scan3A = arith.constant 0 : i32
    %scan3A_2 = arith.constant 0 : i32
    %scan3A_3 = arith.constant 125 : i32
    %scan3A_4 = arith.addi %scan3A_2, %scan3A_3 : i32
    %scan3A_5 = arith.constant 1 : i32
    scf.for %scan3A_7 = %scan3A_2 to %scan3A_4 step %scan3A_5  : i32 {
      %get3A = arith.index_cast %scan3A_7 : i32 to index
      %get3A_8 = arith.constant 0 : index
      %get3A_9 = tpu.vector_load %arg5[%get3A, %get3A_8] {strides = array<i32>} : memref<125x80xi32, #tpu.memory_space<vmem>>, vector<16xi32>,
      tpu.vector_store_idx %arg6[%get3A_9], %broadcast_in_dim3A_1 {add = true} : memref<10240xf32, #tpu.memory_space<vmem>>[vector<16xi32>], vector<16xf32>,
      %get3A_10 = arith.index_cast %scan3A_7 : i32 to index
      %get3A_11 = arith.constant 16 : index
      %get3A_12 = tpu.vector_load %arg5[%get3A_10, %get3A_11] {strides = array<i32>} : memref<125x80xi32, #tpu.memory_space<vmem>>, vector<16xi32>,
      tpu.vector_store_idx %arg6[%get3A_12], %broadcast_in_dim3A_1 {add = true} : memref<10240xf32, #tpu.memory_space<vmem>>[vector<16xi32>], vector<16xf32>,
      %get3A_13 = arith.index_cast %scan3A_7 : i32 to index
      %get3A_14 = arith.constant 32 : index
      %get3A_15 = tpu.vector_load %arg5[%get3A_13, %get3A_14] {strides = array<i32>} : memref<125x80xi32, #tpu.memory_space<vmem>>, vector<16xi32>,
      tpu.vector_store_idx %arg6[%get3A_15], %broadcast_in_dim3A_1 {add = true} : memref<10240xf32, #tpu.memory_space<vmem>>[vector<16xi32>], vector<16xf32>,
      %get3A_16 = arith.index_cast %scan3A_7 : i32 to index
      %get3A_17 = arith.constant 48 : index
      %get3A_18 = tpu.vector_load %arg5[%get3A_16, %get3A_17] {strides = array<i32>} : memref<125x80xi32, #tpu.memory_space<vmem>>, vector<16xi32>,
      tpu.vector_store_idx %arg6[%get3A_18], %broadcast_in_dim3A_1 {add = true} : memref<10240xf32, #tpu.memory_space<vmem>>[vector<16xi32>], vector<16xf32>,
      %get3A_19 = arith.index_cast %scan3A_7 : i32 to index
      %get3A_20 = arith.constant 64 : index
      %get3A_21 = tpu.vector_load %arg5[%get3A_19, %get3A_20] {strides = array<i32>} : memref<125x80xi32, #tpu.memory_space<vmem>>, vector<16xi32>,
      tpu.vector_store_idx %arg6[%get3A_21], %broadcast_in_dim3A_1 {add = true} : memref<10240xf32, #tpu.memory_space<vmem>>[vector<16xi32>], vector<16xf32>,
    }
    %scan3A_6 = arith.constant 125 : i32
    "tpu.region"() ({
      %run_scoped3A = tpu.sem_alloc : memref<!tpu.dma_semaphore, #tpu.memory_space<semaphore_mem>>
      %dma_start3A = arith.constant 0 : i32
      %dma_start3A_7 = tpu.memref_slice %arg4[%add3A, %dma_start3A] : memref<32x10240xf32, #tpu.memory_space<hbm>> -> memref<1x10240xf32, #tpu.memory_space<hbm>>
      %dma_start3A_8 = tpu.memref_squeeze %dma_start3A_7 : memref<1x10240xf32, #tpu.memory_space<hbm>> -> memref<10240xf32, #tpu.memory_space<hbm>>
      %dma_start3A_9 = arith.constant 0 : i32
      %dma_start3A_10 = tpu.memref_slice %arg4[%add3A, %dma_start3A_9] : memref<32x10240xf32, #tpu.memory_space<hbm>> -> memref<1x10240xf32, #tpu.memory_space<hbm>>
      %dma_start3A_11 = tpu.memref_squeeze %dma_start3A_10 : memref<1x10240xf32, #tpu.memory_space<hbm>> -> memref<10240xf32, #tpu.memory_space<hbm>>
      tpu.enqueue_dma source(%arg6 : memref<10240xf32, #tpu.memory_space<vmem>>) target(%dma_start3A_11 : memref<10240xf32, #tpu.memory_space<hbm>>) target_semaphore(%run_scoped3A : memref<!tpu.dma_semaphore, #tpu.memory_space<semaphore_mem>>)
      %dma_wait3A = arith.constant 0 : i32
      %dma_wait3A_12 = tpu.memref_slice %arg4[%add3A, %dma_wait3A] : memref<32x10240xf32, #tpu.memory_space<hbm>> -> memref<1x10240xf32, #tpu.memory_space<hbm>>
      %dma_wait3A_13 = tpu.memref_squeeze %dma_wait3A_12 : memref<1x10240xf32, #tpu.memory_space<hbm>> -> memref<10240xf32, #tpu.memory_space<hbm>>
      %dma_wait3A_14 = arith.constant 0 : i32
      %dma_wait3A_15 = tpu.memref_slice %arg4[%add3A, %dma_wait3A_14] : memref<32x10240xf32, #tpu.memory_space<hbm>> -> memref<1x10240xf32, #tpu.memory_space<hbm>>
      %dma_wait3A_16 = tpu.memref_squeeze %dma_wait3A_15 : memref<1x10240xf32, #tpu.memory_space<hbm>> -> memref<10240xf32, #tpu.memory_space<hbm>>
      tpu.wait_dma2 semaphore(%run_scoped3A : memref<!tpu.dma_semaphore, #tpu.memory_space<semaphore_mem>>) src(%arg6 : memref<10240xf32, #tpu.memory_space<vmem>>) dst(%dma_wait3A_16 : memref<10240xf32, #tpu.memory_space<hbm>>)
      tpu.yield
    }) : () -> ()
    return
  }
}

#map = affine_map<(d0, d1) -> (0, 0, 0)>
#map1 = affine_map<(d0, d1) -> (0)>
#map2 = affine_map<(d0, d1) -> (0, 0)>
module attributes {stable_mosaic.version = 14 : i64} {
  func.func @_sc_prop_scalar(%arg0: i32, %arg1: i32, %arg2: memref<32x125x80xi32, #tpu.memory_space<hbm>>, %arg3: memref<32x125x80xi32, #tpu.memory_space<hbm>>, %arg4: memref<10240xf32, #tpu.memory_space<hbm>>, %arg5: memref<10240xf32, #tpu.memory_space<hbm>>, %arg6: memref<32x10240xf32, #tpu.memory_space<hbm>>, %arg7: memref<125x80xi32, #tpu.memory_space<vmem>>, %arg8: memref<125x80xi32, #tpu.memory_space<vmem>>, %arg9: memref<10240xf32, #tpu.memory_space<vmem>>, %arg10: memref<10240xf32, #tpu.memory_space<vmem>>) attributes {dimension_semantics = [#tpu.dimension_semantics<core_parallel>, #tpu.dimension_semantics<subcore_parallel>], iteration_bounds = array<i64: 2, 16>, scalar_prefetch = 0 : i64, scratch_operands = 4 : i64, tpu.core_type = #tpu.core_type<sc_vector_subcore>, window_params = [{transform_indices = #map}, {transform_indices = #map}, {transform_indices = #map1}, {transform_indices = #map1}, {transform_indices = #map2}]} {
    %mul3A = arith.constant 2 : i32
    %mul3A_0 = arith.muli %arg1, %mul3A : i32
    %add3A = arith.addi %mul3A_0, %arg0 : i32
    "tpu.region"() ({
      %run_scoped3A = tpu.sem_alloc : memref<!tpu.dma_semaphore, #tpu.memory_space<semaphore_mem>>
      tpu.enqueue_dma source(%arg5 : memref<10240xf32, #tpu.memory_space<hbm>>) target(%arg10 : memref<10240xf32, #tpu.memory_space<vmem>>) target_semaphore(%run_scoped3A : memref<!tpu.dma_semaphore, #tpu.memory_space<semaphore_mem>>)
      tpu.wait_dma2 semaphore(%run_scoped3A : memref<!tpu.dma_semaphore, #tpu.memory_space<semaphore_mem>>) src(%arg5 : memref<10240xf32, #tpu.memory_space<hbm>>) dst(%arg10 : memref<10240xf32, #tpu.memory_space<vmem>>)
      tpu.yield
    }) : () -> ()
    "tpu.region"() ({
      %run_scoped3A = tpu.sem_alloc : memref<!tpu.dma_semaphore, #tpu.memory_space<semaphore_mem>>
      tpu.enqueue_dma source(%arg4 : memref<10240xf32, #tpu.memory_space<hbm>>) target(%arg9 : memref<10240xf32, #tpu.memory_space<vmem>>) target_semaphore(%run_scoped3A : memref<!tpu.dma_semaphore, #tpu.memory_space<semaphore_mem>>)
      tpu.wait_dma2 semaphore(%run_scoped3A : memref<!tpu.dma_semaphore, #tpu.memory_space<semaphore_mem>>) src(%arg4 : memref<10240xf32, #tpu.memory_space<hbm>>) dst(%arg9 : memref<10240xf32, #tpu.memory_space<vmem>>)
      tpu.yield
    }) : () -> ()
    "tpu.region"() ({
      %run_scoped3A = tpu.sem_alloc : memref<!tpu.dma_semaphore, #tpu.memory_space<semaphore_mem>>
      %dma_start3A = arith.constant 0 : i32
      %dma_start3A_6 = arith.constant 0 : i32
      %dma_start3A_7 = tpu.memref_slice %arg2[%add3A, %dma_start3A, %dma_start3A_6] : memref<32x125x80xi32, #tpu.memory_space<hbm>> -> memref<1x125x80xi32, #tpu.memory_space<hbm>>
      %dma_start3A_8 = tpu.memref_squeeze %dma_start3A_7 : memref<1x125x80xi32, #tpu.memory_space<hbm>> -> memref<125x80xi32, #tpu.memory_space<hbm>>
      %dma_start3A_9 = arith.constant 0 : i32
      %dma_start3A_10 = arith.constant 0 : i32
      %dma_start3A_11 = tpu.memref_slice %arg2[%add3A, %dma_start3A_9, %dma_start3A_10] : memref<32x125x80xi32, #tpu.memory_space<hbm>> -> memref<1x125x80xi32, #tpu.memory_space<hbm>>
      %dma_start3A_12 = tpu.memref_squeeze %dma_start3A_11 : memref<1x125x80xi32, #tpu.memory_space<hbm>> -> memref<125x80xi32, #tpu.memory_space<hbm>>
      tpu.enqueue_dma source(%dma_start3A_12 : memref<125x80xi32, #tpu.memory_space<hbm>>) target(%arg7 : memref<125x80xi32, #tpu.memory_space<vmem>>) target_semaphore(%run_scoped3A : memref<!tpu.dma_semaphore, #tpu.memory_space<semaphore_mem>>)
      %dma_wait3A = arith.constant 0 : i32
      %dma_wait3A_13 = arith.constant 0 : i32
      %dma_wait3A_14 = tpu.memref_slice %arg2[%add3A, %dma_wait3A, %dma_wait3A_13] : memref<32x125x80xi32, #tpu.memory_space<hbm>> -> memref<1x125x80xi32, #tpu.memory_space<hbm>>
      %dma_wait3A_15 = tpu.memref_squeeze %dma_wait3A_14 : memref<1x125x80xi32, #tpu.memory_space<hbm>> -> memref<125x80xi32, #tpu.memory_space<hbm>>
      %dma_wait3A_16 = arith.constant 0 : i32
      %dma_wait3A_17 = arith.constant 0 : i32
      %dma_wait3A_18 = tpu.memref_slice %arg2[%add3A, %dma_wait3A_16, %dma_wait3A_17] : memref<32x125x80xi32, #tpu.memory_space<hbm>> -> memref<1x125x80xi32, #tpu.memory_space<hbm>>
      %dma_wait3A_19 = tpu.memref_squeeze %dma_wait3A_18 : memref<1x125x80xi32, #tpu.memory_space<hbm>> -> memref<125x80xi32, #tpu.memory_space<hbm>>
      tpu.wait_dma2 semaphore(%run_scoped3A : memref<!tpu.dma_semaphore, #tpu.memory_space<semaphore_mem>>) src(%dma_wait3A_19 : memref<125x80xi32, #tpu.memory_space<hbm>>) dst(%arg7 : memref<125x80xi32, #tpu.memory_space<vmem>>)
      tpu.yield
    }) : () -> ()
    "tpu.region"() ({
      %run_scoped3A = tpu.sem_alloc : memref<!tpu.dma_semaphore, #tpu.memory_space<semaphore_mem>>
      %dma_start3A = arith.constant 0 : i32
      %dma_start3A_6 = arith.constant 0 : i32
      %dma_start3A_7 = tpu.memref_slice %arg3[%add3A, %dma_start3A, %dma_start3A_6] : memref<32x125x80xi32, #tpu.memory_space<hbm>> -> memref<1x125x80xi32, #tpu.memory_space<hbm>>
      %dma_start3A_8 = tpu.memref_squeeze %dma_start3A_7 : memref<1x125x80xi32, #tpu.memory_space<hbm>> -> memref<125x80xi32, #tpu.memory_space<hbm>>
      %dma_start3A_9 = arith.constant 0 : i32
      %dma_start3A_10 = arith.constant 0 : i32
      %dma_start3A_11 = tpu.memref_slice %arg3[%add3A, %dma_start3A_9, %dma_start3A_10] : memref<32x125x80xi32, #tpu.memory_space<hbm>> -> memref<1x125x80xi32, #tpu.memory_space<hbm>>
      %dma_start3A_12 = tpu.memref_squeeze %dma_start3A_11 : memref<1x125x80xi32, #tpu.memory_space<hbm>> -> memref<125x80xi32, #tpu.memory_space<hbm>>
      tpu.enqueue_dma source(%dma_start3A_12 : memref<125x80xi32, #tpu.memory_space<hbm>>) target(%arg8 : memref<125x80xi32, #tpu.memory_space<vmem>>) target_semaphore(%run_scoped3A : memref<!tpu.dma_semaphore, #tpu.memory_space<semaphore_mem>>)
      %dma_wait3A = arith.constant 0 : i32
      %dma_wait3A_13 = arith.constant 0 : i32
      %dma_wait3A_14 = tpu.memref_slice %arg3[%add3A, %dma_wait3A, %dma_wait3A_13] : memref<32x125x80xi32, #tpu.memory_space<hbm>> -> memref<1x125x80xi32, #tpu.memory_space<hbm>>
      %dma_wait3A_15 = tpu.memref_squeeze %dma_wait3A_14 : memref<1x125x80xi32, #tpu.memory_space<hbm>> -> memref<125x80xi32, #tpu.memory_space<hbm>>
      %dma_wait3A_16 = arith.constant 0 : i32
      %dma_wait3A_17 = arith.constant 0 : i32
      %dma_wait3A_18 = tpu.memref_slice %arg3[%add3A, %dma_wait3A_16, %dma_wait3A_17] : memref<32x125x80xi32, #tpu.memory_space<hbm>> -> memref<1x125x80xi32, #tpu.memory_space<hbm>>
      %dma_wait3A_19 = tpu.memref_squeeze %dma_wait3A_18 : memref<1x125x80xi32, #tpu.memory_space<hbm>> -> memref<125x80xi32, #tpu.memory_space<hbm>>
      tpu.wait_dma2 semaphore(%run_scoped3A : memref<!tpu.dma_semaphore, #tpu.memory_space<semaphore_mem>>) src(%dma_wait3A_19 : memref<125x80xi32, #tpu.memory_space<hbm>>) dst(%arg8 : memref<125x80xi32, #tpu.memory_space<vmem>>)
      tpu.yield
    }) : () -> ()
    %scan3A = arith.constant 0 : i32
    %scan3A_1 = arith.constant 0 : i32
    %scan3A_2 = arith.constant 125 : i32
    %scan3A_3 = arith.addi %scan3A_1, %scan3A_2 : i32
    %scan3A_4 = arith.constant 1 : i32
    scf.for %scan3A_6 = %scan3A_1 to %scan3A_3 step %scan3A_4  : i32 {
      %get3A = arith.index_cast %scan3A_6 : i32 to index
      %get3A_7 = arith.constant 0 : index
      %get3A_8 = tpu.vector_load %arg7[%get3A, %get3A_7] {strides = array<i32>} : memref<125x80xi32, #tpu.memory_space<vmem>>, vector<16xi32>,
      %get3A_9 = arith.index_cast %scan3A_6 : i32 to index
      %get3A_10 = arith.constant 0 : index
      %get3A_11 = tpu.vector_load %arg8[%get3A_9, %get3A_10] {strides = array<i32>} : memref<125x80xi32, #tpu.memory_space<vmem>>, vector<16xi32>,
      %gather3A = tpu.vector_load_idx %arg9[%get3A_8] : memref<10240xf32, #tpu.memory_space<vmem>>[vector<16xi32>], vector<16xf32>,
      tpu.vector_store_idx %arg10[%get3A_11], %gather3A {add = true} : memref<10240xf32, #tpu.memory_space<vmem>>[vector<16xi32>], vector<16xf32>,
      %get3A_12 = arith.index_cast %scan3A_6 : i32 to index
      %get3A_13 = arith.constant 16 : index
      %get3A_14 = tpu.vector_load %arg7[%get3A_12, %get3A_13] {strides = array<i32>} : memref<125x80xi32, #tpu.memory_space<vmem>>, vector<16xi32>,
      %get3A_15 = arith.index_cast %scan3A_6 : i32 to index
      %get3A_16 = arith.constant 16 : index
      %get3A_17 = tpu.vector_load %arg8[%get3A_15, %get3A_16] {strides = array<i32>} : memref<125x80xi32, #tpu.memory_space<vmem>>, vector<16xi32>,
      %gather3A_18 = tpu.vector_load_idx %arg9[%get3A_14] : memref<10240xf32, #tpu.memory_space<vmem>>[vector<16xi32>], vector<16xf32>,
      tpu.vector_store_idx %arg10[%get3A_17], %gather3A_18 {add = true} : memref<10240xf32, #tpu.memory_space<vmem>>[vector<16xi32>], vector<16xf32>,
      %get3A_19 = arith.index_cast %scan3A_6 : i32 to index
      %get3A_20 = arith.constant 32 : index
      %get3A_21 = tpu.vector_load %arg7[%get3A_19, %get3A_20] {strides = array<i32>} : memref<125x80xi32, #tpu.memory_space<vmem>>, vector<16xi32>,
      %get3A_22 = arith.index_cast %scan3A_6 : i32 to index
      %get3A_23 = arith.constant 32 : index
      %get3A_24 = tpu.vector_load %arg8[%get3A_22, %get3A_23] {strides = array<i32>} : memref<125x80xi32, #tpu.memory_space<vmem>>, vector<16xi32>,
      %gather3A_25 = tpu.vector_load_idx %arg9[%get3A_21] : memref<10240xf32, #tpu.memory_space<vmem>>[vector<16xi32>], vector<16xf32>,
      tpu.vector_store_idx %arg10[%get3A_24], %gather3A_25 {add = true} : memref<10240xf32, #tpu.memory_space<vmem>>[vector<16xi32>], vector<16xf32>,
      %get3A_26 = arith.index_cast %scan3A_6 : i32 to index
      %get3A_27 = arith.constant 48 : index
      %get3A_28 = tpu.vector_load %arg7[%get3A_26, %get3A_27] {strides = array<i32>} : memref<125x80xi32, #tpu.memory_space<vmem>>, vector<16xi32>,
      %get3A_29 = arith.index_cast %scan3A_6 : i32 to index
      %get3A_30 = arith.constant 48 : index
      %get3A_31 = tpu.vector_load %arg8[%get3A_29, %get3A_30] {strides = array<i32>} : memref<125x80xi32, #tpu.memory_space<vmem>>, vector<16xi32>,
      %gather3A_32 = tpu.vector_load_idx %arg9[%get3A_28] : memref<10240xf32, #tpu.memory_space<vmem>>[vector<16xi32>], vector<16xf32>,
      tpu.vector_store_idx %arg10[%get3A_31], %gather3A_32 {add = true} : memref<10240xf32, #tpu.memory_space<vmem>>[vector<16xi32>], vector<16xf32>,
      %get3A_33 = arith.index_cast %scan3A_6 : i32 to index
      %get3A_34 = arith.constant 64 : index
      %get3A_35 = tpu.vector_load %arg7[%get3A_33, %get3A_34] {strides = array<i32>} : memref<125x80xi32, #tpu.memory_space<vmem>>, vector<16xi32>,
      %get3A_36 = arith.index_cast %scan3A_6 : i32 to index
      %get3A_37 = arith.constant 64 : index
      %get3A_38 = tpu.vector_load %arg8[%get3A_36, %get3A_37] {strides = array<i32>} : memref<125x80xi32, #tpu.memory_space<vmem>>, vector<16xi32>,
      %gather3A_39 = tpu.vector_load_idx %arg9[%get3A_35] : memref<10240xf32, #tpu.memory_space<vmem>>[vector<16xi32>], vector<16xf32>,
      tpu.vector_store_idx %arg10[%get3A_38], %gather3A_39 {add = true} : memref<10240xf32, #tpu.memory_space<vmem>>[vector<16xi32>], vector<16xf32>,
    }
    %scan3A_5 = arith.constant 125 : i32
    "tpu.region"() ({
      %run_scoped3A = tpu.sem_alloc : memref<!tpu.dma_semaphore, #tpu.memory_space<semaphore_mem>>
      %dma_start3A = arith.constant 0 : i32
      %dma_start3A_6 = tpu.memref_slice %arg6[%add3A, %dma_start3A] : memref<32x10240xf32, #tpu.memory_space<hbm>> -> memref<1x10240xf32, #tpu.memory_space<hbm>>
      %dma_start3A_7 = tpu.memref_squeeze %dma_start3A_6 : memref<1x10240xf32, #tpu.memory_space<hbm>> -> memref<10240xf32, #tpu.memory_space<hbm>>
      %dma_start3A_8 = arith.constant 0 : i32
      %dma_start3A_9 = tpu.memref_slice %arg6[%add3A, %dma_start3A_8] : memref<32x10240xf32, #tpu.memory_space<hbm>> -> memref<1x10240xf32, #tpu.memory_space<hbm>>
      %dma_start3A_10 = tpu.memref_squeeze %dma_start3A_9 : memref<1x10240xf32, #tpu.memory_space<hbm>> -> memref<10240xf32, #tpu.memory_space<hbm>>
      tpu.enqueue_dma source(%arg10 : memref<10240xf32, #tpu.memory_space<vmem>>) target(%dma_start3A_10 : memref<10240xf32, #tpu.memory_space<hbm>>) target_semaphore(%run_scoped3A : memref<!tpu.dma_semaphore, #tpu.memory_space<semaphore_mem>>)
      %dma_wait3A = arith.constant 0 : i32
      %dma_wait3A_11 = tpu.memref_slice %arg6[%add3A, %dma_wait3A] : memref<32x10240xf32, #tpu.memory_space<hbm>> -> memref<1x10240xf32, #tpu.memory_space<hbm>>
      %dma_wait3A_12 = tpu.memref_squeeze %dma_wait3A_11 : memref<1x10240xf32, #tpu.memory_space<hbm>> -> memref<10240xf32, #tpu.memory_space<hbm>>
      %dma_wait3A_13 = arith.constant 0 : i32
      %dma_wait3A_14 = tpu.memref_slice %arg6[%add3A, %dma_wait3A_13] : memref<32x10240xf32, #tpu.memory_space<hbm>> -> memref<1x10240xf32, #tpu.memory_space<hbm>>
      %dma_wait3A_15 = tpu.memref_squeeze %dma_wait3A_14 : memref<1x10240xf32, #tpu.memory_space<hbm>> -> memref<10240xf32, #tpu.memory_space<hbm>>
      tpu.wait_dma2 semaphore(%run_scoped3A : memref<!tpu.dma_semaphore, #tpu.memory_space<semaphore_mem>>) src(%arg10 : memref<10240xf32, #tpu.memory_space<vmem>>) dst(%dma_wait3A_15 : memref<10240xf32, #tpu.memory_space<hbm>>)
      tpu.yield
    }) : () -> ()
    return
  }
}

module attributes {stable_mosaic.version = 14 : i64} {
  func.func @_tc_mm1(%arg0: i32, %arg1: memref<512x128xf32, #tpu.memory_space<vmem>>, %arg2: memref<128x128xf32, #tpu.memory_space<vmem>>, %arg3: memref<32x512xf32, #tpu.memory_space<vmem>>, %arg4: memref<512x128xf32, #tpu.memory_space<vmem>>, %arg5: memref<512x1xf32, #tpu.memory_space<vmem>>) attributes {dimension_semantics = [#tpu.dimension_semantics<arbitrary>], iteration_bounds = array<i64: 20>, scalar_prefetch = 0 : i64, scratch_operands = 0 : i64, tpu.core_type = #tpu.core_type<tc>, window_params = [{transform_indices = @transform_0, window_bounds = array<i64: 512, 128>}, {pipeline_mode = #tpu.pipeline_mode<synchronous>, transform_indices = @transform_1, window_bounds = array<i64: 128, 128>}, {transform_indices = @transform_2, window_bounds = array<i64: 32, 512>}, {transform_indices = @transform_3, window_bounds = array<i64: 512, 128>}, {transform_indices = @transform_4, window_bounds = array<i64: 512, 1>}]} {
    %get3A = arith.constant 0 : index
    %get3A_0 = arith.constant 0 : index
    %get3A_1 = vector.load %arg3[%get3A, %get3A_0] : memref<32x512xf32, #tpu.memory_space<vmem>>, vector<32x512xf32>
    %broadcast_in_dim3A = arith.constant 1.000000e+00 : f32
    %broadcast_in_dim3A_2 = vector.broadcast %broadcast_in_dim3A : f32 to vector<32x1xf32>
    %dot_general3A = arith.constant dense<0.000000e+00> : vector<512x1xf32>
    %dot_general3A_3 = tpu.matmul %get3A_1, %broadcast_in_dim3A_2, %dot_general3A {dimension_numbers = #tpu.dot_dimension_numbers<[0], [0], [1], [1], [0, 1, 1, 1], [], []>, transpose_lhs_hint = false} : vector<32x512xf32>, vector<32x1xf32>, vector<512x1xf32> -> vector<512x1xf32>
    %add3A = arith.constant 1.000000e+00 : f32
    %add3A_4 = vector.broadcast %add3A : f32 to vector<512x1xf32>
    %add3A_5 = arith.addf %dot_general3A_3, %add3A_4 : vector<512x1xf32>
    %rsqrt3A = math.rsqrt %add3A_5 : vector<512x1xf32>
    %get3A_6 = arith.constant 0 : index
    %get3A_7 = arith.constant 0 : index
    %get3A_8 = vector.load %arg1[%get3A_6, %get3A_7] : memref<512x128xf32, #tpu.memory_space<vmem>>, vector<512x128xf32>
    %get3A_9 = arith.constant 0 : index
    %get3A_10 = arith.constant 0 : index
    %get3A_11 = vector.load %arg2[%get3A_9, %get3A_10] : memref<128x128xf32, #tpu.memory_space<vmem>>, vector<128x128xf32>
    %dot_general3A_12 = arith.constant dense<0.000000e+00> : vector<512x128xf32>
    %dot_general3A_13 = tpu.matmul %get3A_8, %get3A_11, %dot_general3A_12 {dimension_numbers = #tpu.dot_dimension_numbers<[1], [0], [0], [1], [0, 0, 1, 1], [], []>, transpose_lhs_hint = false} : vector<512x128xf32>, vector<128x128xf32>, vector<512x128xf32> -> vector<512x128xf32>
    %mul3A = vector.broadcast %rsqrt3A : vector<512x1xf32> to vector<512x128xf32>
    %mul3A_14 = arith.mulf %dot_general3A_13, %mul3A : vector<512x128xf32>
    %swap3A = arith.constant 0 : index
    %swap3A_15 = arith.constant 0 : index
    %swap3A_16 = vector.load %arg4[%swap3A, %swap3A_15] : memref<512x128xf32, #tpu.memory_space<vmem>>, vector<512x128xf32>
    tpu.vector_store %arg4[%swap3A, %swap3A_15], %mul3A_14 {strides = array<i32>} : memref<512x128xf32, #tpu.memory_space<vmem>>, vector<512x128xf32>,
    %swap3A_17 = arith.constant 0 : index
    %swap3A_18 = arith.constant 0 : index
    %swap3A_19 = vector.load %arg5[%swap3A_17, %swap3A_18] : memref<512x1xf32, #tpu.memory_space<vmem>>, vector<512x1xf32>
    tpu.vector_store %arg5[%swap3A_17, %swap3A_18], %rsqrt3A {strides = array<i32>} : memref<512x1xf32, #tpu.memory_space<vmem>>, vector<512x1xf32>,
    return
  }
  func.func @transform_0(%arg0: i32) -> (i32, i32) {
    %c0_i32 = arith.constant 0 : i32
    %c0_i32_0 = arith.constant 0 : i32
    return %arg0, %c0_i32 : i32, i32
  }
  func.func @transform_1(%arg0: i32) -> (i32, i32) {
    %c0_i32 = arith.constant 0 : i32
    %c0_i32_0 = arith.constant 0 : i32
    %c0_i32_1 = arith.constant 0 : i32
    return %c0_i32, %c0_i32_0 : i32, i32
  }
  func.func @transform_2(%arg0: i32) -> (i32, i32) {
    %c0_i32 = arith.constant 0 : i32
    %c0_i32_0 = arith.constant 0 : i32
    return %c0_i32, %arg0 : i32, i32
  }
  func.func @transform_3(%arg0: i32) -> (i32, i32) {
    %c0_i32 = arith.constant 0 : i32
    %c0_i32_0 = arith.constant 0 : i32
    return %arg0, %c0_i32 : i32, i32
  }
  func.func @transform_4(%arg0: i32) -> (i32, i32) {
    %c0_i32 = arith.constant 0 : i32
    %c0_i32_0 = arith.constant 0 : i32
    return %arg0, %c0_i32 : i32, i32
  }
}

module attributes {stable_mosaic.version = 14 : i64} {
  func.func @_tc_mid(%arg0: i32, %arg1: memref<2x512x128xf32, #tpu.memory_space<vmem>>, %arg2: memref<512x1xf32, #tpu.memory_space<vmem>>, %arg3: memref<128xf32, #tpu.memory_space<vmem>>, %arg4: memref<128x1xf32, #tpu.memory_space<vmem>>, %arg5: memref<512x1xf32, #tpu.memory_space<vmem>>) attributes {dimension_semantics = [#tpu.dimension_semantics<arbitrary>], iteration_bounds = array<i64: 20>, scalar_prefetch = 0 : i64, scratch_operands = 0 : i64, tpu.core_type = #tpu.core_type<tc>, window_params = [{transform_indices = @transform_0, window_bounds = array<i64: 2, 512, 128>}, {transform_indices = @transform_1, window_bounds = array<i64: 512, 1>}, {pipeline_mode = #tpu.pipeline_mode<synchronous>, transform_indices = @transform_2, window_bounds = array<i64: 128>}, {pipeline_mode = #tpu.pipeline_mode<synchronous>, transform_indices = @transform_3, window_bounds = array<i64: 128, 1>}, {transform_indices = @transform_4, window_bounds = array<i64: 512, 1>}]} {
    %get3A = arith.constant 0 : index
    %get3A_0 = arith.constant 0 : index
    %get3A_1 = arith.constant 0 : index
    %get3A_2 = vector.load %arg1[%get3A, %get3A_0, %get3A_1] : memref<2x512x128xf32, #tpu.memory_space<vmem>>, vector<1x512x128xf32>
    %get3A_3 = vector.shape_cast %get3A_2 : vector<1x512x128xf32> to vector<512x128xf32>
    %get3A_4 = arith.constant 1 : index
    %get3A_5 = arith.constant 0 : index
    %get3A_6 = arith.constant 0 : index
    %get3A_7 = vector.load %arg1[%get3A_4, %get3A_5, %get3A_6] : memref<2x512x128xf32, #tpu.memory_space<vmem>>, vector<1x512x128xf32>
    %get3A_8 = vector.shape_cast %get3A_7 : vector<1x512x128xf32> to vector<512x128xf32>
    %add3A = arith.addf %get3A_3, %get3A_8 : vector<512x128xf32>
    %get3A_9 = arith.constant 0 : index
    %get3A_10 = arith.constant 0 : index
    %get3A_11 = vector.load %arg2[%get3A_9, %get3A_10] : memref<512x1xf32, #tpu.memory_space<vmem>>, vector<512x1xf32>
    %mul3A = vector.broadcast %get3A_11 : vector<512x1xf32> to vector<512x128xf32>
    %mul3A_12 = arith.mulf %add3A, %mul3A : vector<512x128xf32>
    %get3A_13 = arith.constant 0 : index
    %get3A_14 = vector.load %arg3[%get3A_13] : memref<128xf32, #tpu.memory_space<vmem>>, vector<128xf32>
    %broadcast_in_dim3A = vector.shape_cast %get3A_14 : vector<128xf32> to vector<1x128xf32>
    %add3A_15 = vector.broadcast %broadcast_in_dim3A : vector<1x128xf32> to vector<512x128xf32>
    %add3A_16 = arith.addf %mul3A_12, %add3A_15 : vector<512x128xf32>
    %max3A = arith.constant 0.000000e+00 : f32
    %max3A_17 = vector.broadcast %max3A : f32 to vector<512x128xf32>
    %max3A_18 = arith.maximumf %add3A_16, %max3A_17 : vector<512x128xf32>
    %get3A_19 = arith.constant 0 : index
    %get3A_20 = arith.constant 0 : index
    %get3A_21 = vector.load %arg4[%get3A_19, %get3A_20] : memref<128x1xf32, #tpu.memory_space<vmem>>, vector<128x1xf32>
    %dot_general3A = arith.constant dense<0.000000e+00> : vector<512x1xf32>
    %dot_general3A_22 = tpu.matmul %max3A_18, %get3A_21, %dot_general3A {dimension_numbers = #tpu.dot_dimension_numbers<[1], [0], [0], [1], [0, 0, 1, 1], [], []>, transpose_lhs_hint = false} : vector<512x128xf32>, vector<128x1xf32>, vector<512x1xf32> -> vector<512x1xf32>
    %get3A_23 = arith.constant 0 : index
    %get3A_24 = arith.constant 0 : index
    %get3A_25 = vector.load %arg2[%get3A_23, %get3A_24] : memref<512x1xf32, #tpu.memory_space<vmem>>, vector<512x1xf32>
    %mul3A_26 = arith.mulf %dot_general3A_22, %get3A_25 : vector<512x1xf32>
    %swap3A = arith.constant 0 : index
    %swap3A_27 = arith.constant 0 : index
    %swap3A_28 = vector.load %arg5[%swap3A, %swap3A_27] : memref<512x1xf32, #tpu.memory_space<vmem>>, vector<512x1xf32>
    tpu.vector_store %arg5[%swap3A, %swap3A_27], %mul3A_26 {strides = array<i32>} : memref<512x1xf32, #tpu.memory_space<vmem>>, vector<512x1xf32>,
    return
  }
  func.func @transform_0(%arg0: i32) -> (i32, i32, i32) {
    %c0_i32 = arith.constant 0 : i32
    %c0_i32_0 = arith.constant 0 : i32
    %c0_i32_1 = arith.constant 0 : i32
    return %c0_i32, %arg0, %c0_i32_0 : i32, i32, i32
  }
  func.func @transform_1(%arg0: i32) -> (i32, i32) {
    %c0_i32 = arith.constant 0 : i32
    %c0_i32_0 = arith.constant 0 : i32
    return %arg0, %c0_i32 : i32, i32
  }
  func.func @transform_2(%arg0: i32) -> i32 {
    %c0_i32 = arith.constant 0 : i32
    %c0_i32_0 = arith.constant 0 : i32
    return %c0_i32 : i32
  }
  func.func @transform_3(%arg0: i32) -> (i32, i32) {
    %c0_i32 = arith.constant 0 : i32
    %c0_i32_0 = arith.constant 0 : i32
    %c0_i32_1 = arith.constant 0 : i32
    return %c0_i32, %c0_i32_0 : i32, i32
  }
  func.func @transform_4(%arg0: i32) -> (i32, i32) {
    %c0_i32 = arith.constant 0 : i32
    %c0_i32_0 = arith.constant 0 : i32
    return %arg0, %c0_i32 : i32, i32
  }
}

module attributes {stable_mosaic.version = 14 : i64} {
  func.func @_tc_out(%arg0: i32, %arg1: memref<32x512xf32, #tpu.memory_space<vmem>>, %arg2: memref<512x1xf32, #tpu.memory_space<vmem>>, %arg3: memref<512x1xf32, #tpu.memory_space<vmem>>, %arg4: memref<1xf32, #tpu.memory_space<vmem>>, %arg5: memref<512x1xf32, #tpu.memory_space<vmem>>) attributes {dimension_semantics = [#tpu.dimension_semantics<arbitrary>], iteration_bounds = array<i64: 20>, scalar_prefetch = 0 : i64, scratch_operands = 0 : i64, tpu.core_type = #tpu.core_type<tc>, window_params = [{transform_indices = @transform_0, window_bounds = array<i64: 32, 512>}, {transform_indices = @transform_1, window_bounds = array<i64: 512, 1>}, {transform_indices = @transform_2, window_bounds = array<i64: 512, 1>}, {pipeline_mode = #tpu.pipeline_mode<synchronous>, transform_indices = @transform_3, window_bounds = array<i64: 1>}, {transform_indices = @transform_4, window_bounds = array<i64: 512, 1>}]} {
    %get3A = arith.constant 0 : index
    %get3A_0 = arith.constant 0 : index
    %get3A_1 = vector.load %arg1[%get3A, %get3A_0] : memref<32x512xf32, #tpu.memory_space<vmem>>, vector<32x512xf32>
    %broadcast_in_dim3A = arith.constant 1.000000e+00 : f32
    %broadcast_in_dim3A_2 = vector.broadcast %broadcast_in_dim3A : f32 to vector<32x1xf32>
    %dot_general3A = arith.constant dense<0.000000e+00> : vector<512x1xf32>
    %dot_general3A_3 = tpu.matmul %get3A_1, %broadcast_in_dim3A_2, %dot_general3A {dimension_numbers = #tpu.dot_dimension_numbers<[0], [0], [1], [1], [0, 1, 1, 1], [], []>, transpose_lhs_hint = false} : vector<32x512xf32>, vector<32x1xf32>, vector<512x1xf32> -> vector<512x1xf32>
    %get3A_4 = arith.constant 0 : index
    %get3A_5 = arith.constant 0 : index
    %get3A_6 = vector.load %arg2[%get3A_4, %get3A_5] : memref<512x1xf32, #tpu.memory_space<vmem>>, vector<512x1xf32>
    %add3A = arith.addf %dot_general3A_3, %get3A_6 : vector<512x1xf32>
    %get3A_7 = arith.constant 0 : index
    %get3A_8 = arith.constant 0 : index
    %get3A_9 = vector.load %arg3[%get3A_7, %get3A_8] : memref<512x1xf32, #tpu.memory_space<vmem>>, vector<512x1xf32>
    %mul3A = arith.mulf %add3A, %get3A_9 : vector<512x1xf32>
    %get3A_10 = arith.constant 0 : index
    %get3A_11 = vector.load %arg4[%get3A_10] : memref<1xf32, #tpu.memory_space<vmem>>, vector<1xf32>
    %broadcast_in_dim3A_12 = vector.shape_cast %get3A_11 : vector<1xf32> to vector<1x1xf32>
    %add3A_13 = vector.broadcast %broadcast_in_dim3A_12 : vector<1x1xf32> to vector<512x1xf32>
    %add3A_14 = arith.addf %mul3A, %add3A_13 : vector<512x1xf32>
    %logistic3A = arith.negf %add3A_14 : vector<512x1xf32>
    %logistic3A_15 = math.exp %logistic3A : vector<512x1xf32>
    %logistic3A_16 = arith.constant 1.000000e+00 : f32
    %logistic3A_17 = vector.broadcast %logistic3A_16 : f32 to vector<512x1xf32>
    %logistic3A_18 = arith.addf %logistic3A_17, %logistic3A_15 : vector<512x1xf32>
    %logistic3A_19 = arith.divf %logistic3A_17, %logistic3A_18 : vector<512x1xf32>
    %swap3A = arith.constant 0 : index
    %swap3A_20 = arith.constant 0 : index
    %swap3A_21 = vector.load %arg5[%swap3A, %swap3A_20] : memref<512x1xf32, #tpu.memory_space<vmem>>, vector<512x1xf32>
    tpu.vector_store %arg5[%swap3A, %swap3A_20], %logistic3A_19 {strides = array<i32>} : memref<512x1xf32, #tpu.memory_space<vmem>>, vector<512x1xf32>,
    return
  }
  func.func @transform_0(%arg0: i32) -> (i32, i32) {
    %c0_i32 = arith.constant 0 : i32
    %c0_i32_0 = arith.constant 0 : i32
    return %c0_i32, %arg0 : i32, i32
  }
  func.func @transform_1(%arg0: i32) -> (i32, i32) {
    %c0_i32 = arith.constant 0 : i32
    %c0_i32_0 = arith.constant 0 : i32
    return %arg0, %c0_i32 : i32, i32
  }
  func.func @transform_2(%arg0: i32) -> (i32, i32) {
    %c0_i32 = arith.constant 0 : i32
    %c0_i32_0 = arith.constant 0 : i32
    return %arg0, %c0_i32 : i32, i32
  }
  func.func @transform_3(%arg0: i32) -> i32 {
    %c0_i32 = arith.constant 0 : i32
    %c0_i32_0 = arith.constant 0 : i32
    return %c0_i32 : i32
  }
  func.func @transform_4(%arg0: i32) -> (i32, i32) {
    %c0_i32 = arith.constant 0 : i32
    %c0_i32_0 = arith.constant 0 : i32
    return %arg0, %c0_i32 : i32, i32
  }
}

</mosaic_0001>

<sc_bundles>
// kernel: kernel.11.cloned.1.call-start
scs
__scs_entry_jumppad:
0x0: {  	(pc) =	sbr.rel $0x88, $3  }
0x1: {  	(tag) =	ssettag $0x0;
	lr =	simm.s32 $0x1  }
0x2: {  	[smem:$0x3F9B] =	sst lr;
	_ =	strace $0xD0000000  }
0x3: {  	_ = 	snop  }
0x4: {  	_ = 	snop  }
0x5: {  	_ = 	snop  }
0x6: {  	_ = 	snop  }
0x7: {  	_ = 	snop  }
__scs_overlays_trampoline_lowered:
0x8: {  	[smem:$0x3FAA] =	sst s0  }
0x9: {  	[smem:$0x3FAB] =	sst s1  }
0xa: {  	[smem:$0x3FAC] =	sst s2  }
0xb: {  	[smem:$0x3FAD] =	sst s3  }
0xc: {  	[smem:$0x3FAE] =	sst s4  }
0xd: {  	[smem:$0x3FAF] =	sst s5  }
0xe: {  	[smem:$0x3FB0] =	sst s6  }
0xf: {  	[smem:$0x3FB1] =	sst s7  }
0x10: {  	[smem:$0x3FB2] =	sst s8  }
0x11: {  	[smem:$0x3FB3] =	sst s9;
	s0 =	simm.s32 @!p0 $0x0  }
0x12: {  	s1 =	sld [smem:$0x3F99];
	s0 =	simm.s32 @p0 $0x1  }
0x13: {  	[smem:$0x3FB4] =	sst s0;
	s0 =	simm.s32 @!p1 $0x0  }
0x14: {  	s2 =	sld [smem:$0x3F98];
	s0 =	simm.s32 @p1 $0x1  }
0x15: {  	[smem:$0x3FB5] =	sst s0;
	s0 =	simm.s32 @!p2 $0x0  }
0x16: {  	s3 =	sld [smem:$0x3FDB];
	s0 =	simm.s32 @p2 $0x1  }
0x17: {  	s4 =	simm.s32 $0x1BF5;
	[smem:$0x3FB7] =	sst s0  }
0x18: {  	s0 =	sld [smem:$0x3F9A];
	_ =	swait.ge [sflag:s4], $0x0  }
0x19: {  	s7 =	sld [smem:$0x3F9B]  }
0x1a: {  	s8 =	sadd.s32 $0xFFFFE003, lr  }
0x1b: {  	s9 =	sadd.s32 $0xFFFFFEF7, lr;
	s5 =	simm.s32 $0xFFFFFFFF;
	p2 =	slt.u32 s8, $0xFFFFF086  }
0x1c: {  	p1 =	slt.u32 s9, $0xF7A;
	s5 =	simm.s32 @!p2 $0x0  }
0x1d: {  	s5 =	simm.s32 @p1 $0x1;
	p0 =	seq.s32 s7, s2  }
0x1e: {  	s7 =	smul.u32 @!p0 $0xF7A, s2;
	p2 =	seq.s32 @!p0 s5, $0x0  }
0x1f: {  	s9 =	smul.u32 $0xF7A, s1;
	s8 =	simm.s32 @!p0 $0x1BF5;
	p2 =	por !p2, p0  }
0x20: {  	[sflag:s8] =	ssyncset.s32 @!p0 $0xFFFFF086;
	s6 =	sadd.s32 @!p0 s3, s7;
	s7 =	simm.s32 @!p0 $0x108  }
0x21: {  	s3 =	sadd.s32 s3, s9;
	s6 =	sadd.s32 @!p0 $0x88, s6;
	s7 =	simm.s32 @p2 $0x1082  }
0x22: {  	[simem:s7], [sflag:s8] =	dma.local @!p0 [hbm:s6], $0xF7A  }
0x23: {  	s9 =	sor.u32 $0xD0000000, s2;
	s6 =	simm.s32 $0x108;
	_ =	swait.ge @!p0 [sflag:s8], $0x0  }
0x24: {  	s3 =	sadd.s32 $0x88, s3;
	s6 =	simm.s32 @!p1 $0x1082;
	[sflag:s4] =	ssyncset.s32 $0xFFFFF086  }
0x25: {  	[simem:s6], [sflag:s4] =	dma.local [hbm:s3], $0xF7A  }
0x26: {  	[smem:$0x3F9B] =	sst s1;
	(tag) =	ssettag s2;
	_ =	strace s9  }
0x27: {  	s1 =	sld [smem:$0x3FAB]  }
0x28: {  	s2 =	sld [smem:$0x3FAC]  }
0x29: {  	s4 =	sld [smem:$0x3FAE]  }
0x2a: {  	p0 =	seq.s32 s5, $0x0;
	s5 =	sld [smem:$0x3FAF]  }
0x2b: {  	s6 =	sld [smem:$0x3FB0]  }
0x2c: {  	s7 =	sld [smem:$0x3FB1]  }
0x2d: {  	s3 =	simm.s32 $0x108;
	s8 =	sld [smem:$0x3FB2]  }
0x2e: {  	s3 =	simm.s32 @!p0 $0x1082;
	s9 =	sld [smem:$0x3FB3]  }
0x2f: {  	lr =	sadd.s32 s0, s3;
	s0 =	sld [smem:$0x3FAA]  }
0x30: {  	s3 =	sld [smem:$0x3FAD]  }
0x31: {  	[smem:$0x3FB6] =	sst s10  }
0x32: {  	s10 =	sld [smem:$0x3FB4];
	_ =	sdelay $0x3  }
0x33: {  	p0 =	seq.s32 s10, $0x1;
	s10 =	sld [smem:$0x3FB6];
	_ =	sdelay $0x3  }
0x34: {  	[smem:$0x3FB6] =	sst s10  }
0x35: {  	s10 =	sld [smem:$0x3FB5];
	_ =	sdelay $0x3  }
0x36: {  	p1 =	seq.s32 s10, $0x1;
	s10 =	sld [smem:$0x3FB6];
	_ =	sdelay $0x3  }
0x37: {  	[smem:$0x3FB6] =	sst s10  }
0x38: {  	s10 =	sld [smem:$0x3FB7]  }
0x39: {  	_ = 	snop;
	(pc) =	sbr.ind lr, $3  }
0x3a: {  	_ = 	snop  }
0x3b: {  	_ = 	snop  }
0x3c: {  	p2 =	seq.s32 s10, $0x1;
	s10 =	sld [smem:$0x3FB6]  }
0x3d: {  	_ =	shalt  }
0x3e: {  	_ =	shalt  }
0x3f: {  	_ =	shalt  }
0x40: {  	_ =	shalt  }
0x41: {  	_ =	shalt  }
0x42: {  	_ =	shalt  }
0x43: {  	_ =	shalt  }
0x44: {  	_ =	shalt  }
0x45: {  	_ =	shalt  }
0x46: {  	_ =	shalt  }
0x47: {  	_ =	shalt  }
0x48: {  	_ =	shalt  }
0x49: {  	_ =	shalt  }
0x4a: {  	_ =	shalt  }
0x4b: {  	_ =	shalt  }
0x4c: {  	_ =	shalt  }
0x4d: {  	_ =	shalt  }
0x4e: {  	_ =	shalt  }
0x4f: {  	_ =	shalt  }
0x50: {  	_ =	shalt  }
0x51: {  	_ =	shalt  }
0x52: {  	_ =	shalt  }
0x53: {  	_ =	shalt  }
0x54: {  	_ =	shalt  }
0x55: {  	_ =	shalt  }
0x56: {  	_ =	shalt  }
0x57: {  	_ =	shalt  }
0x58: {  	_ =	shalt  }
0x59: {  	_ =	shalt  }
0x5a: {  	_ =	shalt  }
0x5b: {  	_ =	shalt  }
0x5c: {  	_ =	shalt  }
0x5d: {  	_ =	shalt  }
0x5e: {  	_ =	shalt  }
0x5f: {  	_ =	shalt  }
0x60: {  	_ =	shalt  }
0x61: {  	_ =	shalt  }
0x62: {  	_ =	shalt  }
0x63: {  	_ =	shalt  }
0x64: {  	_ =	shalt  }
0x65: {  	_ =	shalt  }
0x66: {  	_ =	shalt  }
0x67: {  	_ =	shalt  }
0x68: {  	_ =	shalt  }
0x69: {  	_ =	shalt  }
0x6a: {  	_ =	shalt  }
0x6b: {  	_ =	shalt  }
0x6c: {  	_ =	shalt  }
0x6d: {  	_ =	shalt  }
0x6e: {  	_ =	shalt  }
0x6f: {  	_ =	shalt  }
0x70: {  	_ =	shalt  }
0x71: {  	_ =	shalt  }
0x72: {  	_ =	shalt  }
0x73: {  	_ =	shalt  }
0x74: {  	_ =	shalt  }
0x75: {  	_ =	shalt  }
0x76: {  	_ =	shalt  }
0x77: {  	_ =	shalt  }
0x78: {  	_ =	shalt  }
0x79: {  	_ =	shalt  }
0x7a: {  	_ =	shalt  }
0x7b: {  	_ =	shalt  }
0x7c: {  	_ =	shalt  }
0x7d: {  	_ =	shalt  }
0x7e: {  	_ =	shalt  }
0x7f: {  	_ =	shalt  }
0x80: {  	_ =	shalt  }
0x81: {  	_ =	shalt  }
0x82: {  	_ =	shalt  }
0x83: {  	_ =	shalt  }
0x84: {  	_ =	shalt  }
0x85: {  	_ =	shalt  }
0x86: {  	_ =	shalt  }
0x87: {  	_ =	shalt  }
.Lfunc_end0:
.L_simem_size_0:
called_computation.1_lowered:
.L_overlay_start_0:
0x88: {  	s2 =	sld [smem:$0x3FD9]  }
0x89: {  	s3 =	sld [smem:$0x3FFE];
	_ =	sdelay $0x1  }
0x8a: {  	s1 =	srdreg.scid  }
0x8b: {  	s0 =	sand.u32 $0x1, s1  }
0x8c: {  	s16 =	sshll.u32 s0, $0xA;
	s2 =	sadd.s32 s3, s2  }
0x8d: {  	s2 =	sadd.s32 s2, s16  }
0x8e: {  	[smem:$0x3FC2] =	sst s2  }
0x8f: {  	_ = 	snop  }
0x90: {  	(tm) =	ssettm $0x1  }
0x91: {  	s17 =	sld [smem:$0x3FFB];
	_ =	sdelay $0x3  }
0x92: {  	_ =	strace s17  }
0x93: {  	s2 =	sld [smem:$0x3FFC];
	_ =	sdelay $0x3  }
0x94: {  	_ =	strace s2  }
0x95: {  	s2 =	sld [smem:$0x3FFD];
	_ =	sdelay $0x3  }
0x96: {  	_ =	strace s2  }
0x97: {  	_ =	strace $0x8FFFFFFF  }
0x98: {  	s18 =	sld [smem:$0x3FDB];
	_ =	sdelay $0x1  }
0x99: {  	s19 =	simm.s32 $_scs_section_size  }
0x9a: {  	s4 =	simm.s32 $_size__tile_overlayer_lowered;
	s5 =	simm.s32 $_tile_overlayer_lowered  }
0x9b: {  	s22 =	simm.s32 $0x1BFF;
	s21 =	sshll.u32 s5, $0x1;
	s2 =	sadd.s32 s19, s18  }
0x9c: {  	s6 =	simm.s32 $0x0;
	s20 =	sshll.u32 s4, $0x1;
	s4 =	sadd.s32 s21, s2  }
0x9d: {  	[timem:s6], [sflag:s22] =	dma.local [hbm:s4], s20  }
0x9e: {  	_ =	swait.ge [sflag:s22], s20  }
0x9f: {  	s3 =	ssub.s32 $0x0, s20;
	[sflag:s22] =	ssyncset.done $0x0  }
0xa0: {  	[sflag:s22] =	ssyncadd.s32 s3;
	_ =	sdelay $0x1  }
0xa1: {  	s23 =	simm.s32 $0x1B8B  }
0xa2: {  	_ =	swait.ge [sflag:s23], $0x1  }
0xa3: {  	[sflag:s23] =	ssyncset.done $0x0  }
0xa4: {  	s25 =	simm.s32 $0x1B8E;
	s24 =	sld [smem:$0x3FFE];
	[sflag:s23] =	ssyncadd.s32 $0xFFFFFFFF  }
0xa5: {  	s26 =	simm.s32 $execute0_lowered;
	[smem:$0x3FD2] =	sst s25  }
0xa6: {  	s4 =	sshll.u32 s26, $0x1;
	_ =	strace $0x80000049;
	[dreg:$0x1] =	wrdreg $0xFFFFFFFF  }
0xa7: {  	s28 =	simm.s32 $_size_execute0_lowered;
	s2 =	sadd.s32 s2, s4;
	[dreg:$0x0] =	wrdreg $0x0  }
0xa8: {  	s4 =	sshll.u32 s28, $0x1;
	[dreg:$0x2] =	wrdreg s2  }
0xa9: {  	[dreg:$0x3] =	wrdreg s4  }
0xaa: {  	[dreg:$0x4] =	wrdreg $0xC0  }
0xab: {  	_ =	task [dreg:s6], $0x5FFFF  }
0xac: {  	[dreg:$0x1] =	wrdreg $0xFFFFFFFF  }
0xad: {  	[dreg:$0x0] =	wrdreg $0x60  }
0xae: {  	[dreg:$0x2] =	wrdreg s24  }
0xaf: {  	[dreg:$0x3] =	wrdreg $0x98000  }
0xb0: {  	[dreg:$0x4] =	wrdreg $0x9  }
0xb1: {  	_ =	task.clear_ibuf [dreg:s6], $0x5FFFF;
	_ =	strace $0x90000049  }
0xb2: {  	s29 =	simm.s32 $0x9;
	_ =	strace $0x8000004B  }
0xb3: {  	_ =	swait.ge [sflag:s29], $0x1  }
0xb4: {  	[sflag:s29] =	ssyncadd.s32 $0xFFFFFFFF  }
0xb5: {  	_ =	strace $0x9000004B  }
0xb6: {  	_ =	sfence  }
0xb7: {  	s30 =	sld [smem:$0x0];
	_ =	sdelay $0x2  }
0xb8: {  	s31 =	sshll.u32 s1, $0xD;
	s1 =	sshrl.u32 s1, $0x2  }
0xb9: {  	s3 =	sand.u32 $0x4000, s31;
	s1 =	sadd.s32 s1, s30  }
0xba: {  	s0 =	sor.u32 s3, s0;
	s1 =	sshll.u32 s1, $0x11  }
0xbb: {  	s0 =	sor.u32 s1, s0  }
0xbc: {  	s0 =	sadd.s32 $0x8F2B, s0  }
0xbd: {  	[sflag:s0] =	ssyncadd.remote.s32 $0x1  }
0xbe: {  	_ =	sfence.sel $0xFFFF  }
0xbf: {  	[dreg:$0x0] =	wrdreg $0xFFFFFFFF;
	(pc) =	sbr.abs _section_cstart, $3  }
0xc0: {  	[dreg:$0x1] =	wrdreg $0xFFFFFFFF  }
0xc1: {  	_ =	task.clear_ibuf [dreg:s6], $0x2FFFF;
	_ =	strace $0x9FFFFFFF  }
0xc2: {  	(tm) =	ssettm $0x7FFFFFFF  }
0xc3: {  	_ =	shalt  }
tec
execute0_lowered:
.L_overlay_start_1:
0x0: {  	(tag) =	ssettag $0x1  }
0x1: {  	s0 =	rddreg [dreg:$0x0]  }
0x2: {  	s2 =	rddreg [dreg:$0x1]  }
0x3: {  	s1 =	srdreg.scid;
	s13 =	stileid.u32  }
0x4: {  	s3 =	simm.s32 $0x0;
	s28 =	simm.s32 $0x1000;
	s1 =	sand.u32 $0x1, s1  }
0x5: {  	s4 =	sshll.u32 s13, $0x1;
	[smem:$0x7FF] =	sst s3;
	s6 =	smul.u32 $0x14000, s13  }
0x6: {  	s7 =	sadd.s32 $0x2FC00, s0;
	s9 =	sadd.s32 $0x1BC00, s0;
	s21 =	smul.u32 $0x50000, s13  }
0x7: {  	s25 =	smul.u32 $0x2800, s13;
	s30 =	sshll.u32 s13, $0x6;
	s13 =	simm.s32 $0x4800  }
0x8: {  	s5 =	smul.u32 $0x140000, s1;
	s4 =	sor.u32 s1, s4;
	_ =	strace $0x8000004A  }
0x9: {  	s31 =	ssub.s32 $0x2, s1;
	s8 =	smul.u32 $0x5000, s4;
	s4 =	sadd.s32 $0x43C00, s0  }
0xa: {  	s12 =	sshrl.u32 s31, $0x1;
	s24 =	sshrl.u32 s21, $0x2;
	s5 =	sadd.s32 s6, s5  }
0xb: {  	s6 =	sadd.s32 $0x11C00, s0;
	s5 =	sshrl.u32 s5, $0x3;
	s8 =	sshrl.u32 s8, $0x3  }
0xc: {  	s29 =	sadd.s32 s24, s2;
	s0 =	sadd.s32 s5, s0;
	s10 =	sadd.s32 s7, s8  }
0xd: {  	s14 =	sadd.s32 s9, s8;
	s11 =	sadd.s32 $0x200, s8;
	[dreg:$0x3] =	wrdreg s10  }
0xe: {  	s5 =	ssub.s32 s31, s12;
	s31 =	sshrl.u32 s29, $0x3;
	[dreg:$0x4] =	wrdreg s14  }
0xf: {  	p0 =	sne.s32 s1, $0x0;
	s15 =	sadd.s32 s7, s11;
	[dreg:$0x10] =	wrdreg s31  }
0x10: {  	s17 =	sadd.s32 $0x400, s8;
	s16 =	sadd.s32 s9, s11;
	[dreg:$0x5] =	wrdreg s15  }
0x11: {  	s21 =	simm.s32 $0x3;
	s18 =	sadd.s32 s7, s17;
	[dreg:$0x6] =	wrdreg s16  }
0x12: {  	s20 =	sadd.s32 $0x600, s8;
	s19 =	sadd.s32 s9, s17;
	[dreg:$0x7] =	wrdreg s18  }
0x13: {  	s8 =	sadd.s32 $0x800, s8;
	s22 =	sadd.s32 s7, s20;
	[dreg:$0x8] =	wrdreg s19  }
0x14: {  	s23 =	sadd.s32 s9, s20;
	s7 =	sadd.s32 s7, s8;
	[dreg:$0x9] =	wrdreg s22  }
0x15: {  	s26 =	sadd.s32 s9, s8;
	s0 =	sadd.s32 $0x6BC00, s0;
	[dreg:$0xa] =	wrdreg s23  }
0x16: {  	s5 =	smax.u32 s5, $0x1;
	s8 =	simm.s32 $0x4;
	[dreg:$0xb] =	wrdreg s7  }
0x17: {  	s10 =	simm.s32 $0x50;
	s11 =	simm.s32 $0x2000;
	[dreg:$0xc] =	wrdreg s26  }
0x18: {  	s7 =	sadd.s32 s4, s25;
	[dreg:$0xd] =	wrdreg s0;
	s0 =	sor.u32 $0x1C04, s30  }
0x19: {  	s15 =	simm.s32 $0x7000;
	s7 =	smov.u32 @p0 s6;
	[dreg:$0xf] =	wrdreg s0  }
0x1a: {  	s16 =	simm.s32 $0x1;
	s18 =	simm.s32 $0x2;
	[dreg:$0xe] =	wrdreg s7  }
.LBB2_1:
0x1b: {  	s30 =	rddreg [dreg:$0xe]  }
0x1c: {  	s0 =	rddreg [dreg:$0xf]  }
0x1d: {  	s1 =	rddreg [dreg:$0x10]  }
0x1e: {  	[spmem:s1], [sflag:s0] =	dma.local [hbm:s30], $0x2800  }
0x1f: {  	_ =	swait.ge [sflag:s8], $0x2800  }
0x20: {  	[sflag:s8] =	ssyncset.done $0x0  }
0x21: {  	[sflag:s8] =	ssyncadd.s32 $0xFFFFD800  }
0x22: {  	[bflag:$0x0] =	sbarrier.arrive $0xFFFF  }
0x23: {  	s20 =	rddreg [dreg:$0x3]  }
0x24: {  	[tilespmem:s3], [sflag:$0x4] =	stream.linear.gather [hbm4b:s20+s3], $0xC80, $0x38;
	[tilespmem:$0x1D800] =	vst v63  }
0x25: {  	_ =	swait.ge [sflag:s8], $0xC80  }
0x26: {  	[sflag:s8] =	ssyncset.done $0x0  }
0x27: {  	s22 =	rddreg [dreg:$0x4];
	[sflag:s8] =	ssyncadd.s32 $0xFFFFF380  }
0x28: {  	[tilespmem:s28], [sflag:$0x4] =	stream.linear.gather [hbm4b:s22+s3], $0xC80, $0x38;
	[tilespmem:$0x1D800] =	vst v63  }
0x29: {  	_ =	swait.ge [sflag:s8], $0xC80  }
0x2a: {  	[sflag:s8] =	ssyncset.done $0x0  }
0x2b: {  	[sflag:s8] =	ssyncadd.s32 $0xFFFFF380  }
0x2c: {  	[tilespmem:s11], [sflag:$0x1] =	stream.indirect.gather [hbm4b:s4+s10], $0x80, s3, s10, $0xb8;
	[tilespmem:$0x1D800] =	vst v63  }
0x2d: {  	s23 =	simm.s32 $0x80  }
0x2e: {  	[tilespmem:s13], [sflag:$0x2] =	stream.indirect.gather [hbm4b:s4+s10], $0x80, s23, s10, $0xb8;
	[tilespmem:$0x1D800] =	vst v63  }
0x2f: {  	s24 =	simm.s32 $0x100  }
0x30: {  	[tilespmem:s15], [sflag:$0x3] =	stream.indirect.gather [hbm4b:s4+s10], $0x80, s24, s10, $0xb8;
	[tilespmem:$0x1D800] =	vst v63  }
0x31: {  	_ =	swait.ge [sflag:s16], $0x2800  }
0x32: {  	[sflag:s16] =	ssyncset.done $0x0  }
0x33: {  	[sflag:s16] =	ssyncadd.s32 $0xFFFFD800  }
0x34: {  	[spmem:s2] =	stream.indirect.scatter.add.f32 [tilespmem:s11], [sflag:$0x4], $0x80, s28, s10, $0xb8;
	[tilespmem:$0x1D800] =	vst v63  }
0x35: {  	_ =	swait.ge [sflag:s8], $0x2800  }
0x36: {  	[sflag:s8] =	ssyncset.done $0x0  }
0x37: {  	s25 =	simm.s32 $0x180;
	[sflag:s8] =	ssyncadd.s32 $0xFFFFD800  }
0x38: {  	[tilespmem:s11], [sflag:$0x1] =	stream.indirect.gather [hbm4b:s4+s10], $0x80, s25, s10, $0xb8;
	[tilespmem:$0x1D800] =	vst v63  }
0x39: {  	_ =	swait.ge [sflag:s18], $0x2800  }
0x3a: {  	[sflag:s18] =	ssyncset.done $0x0  }
0x3b: {  	s26 =	simm.s32 $0x1080;
	[sflag:s18] =	ssyncadd.s32 $0xFFFFD800  }
0x3c: {  	[spmem:s2] =	stream.indirect.scatter.add.f32 [tilespmem:s13], [sflag:$0x4], $0x80, s26, s10, $0xb8;
	[tilespmem:$0x1D800] =	vst v63  }
0x3d: {  	_ =	swait.ge [sflag:s8], $0x2800  }
0x3e: {  	[sflag:s8] =	ssyncset.done $0x0  }
0x3f: {  	s29 =	simm.s32 $0x200;
	[sflag:s8] =	ssyncadd.s32 $0xFFFFD800  }
0x40: {  	[tilespmem:s13], [sflag:$0x2] =	stream.indirect.gather [hbm4b:s4+s10], $0x80, s29, s10, $0xb8;
	[tilespmem:$0x1D800] =	vst v63  }
0x41: {  	_ =	swait.ge [sflag:s21], $0x2800  }
0x42: {  	[sflag:s21] =	ssyncset.done $0x0  }
0x43: {  	s30 =	simm.s32 $0x1100;
	[sflag:s21] =	ssyncadd.s32 $0xFFFFD800  }
0x44: {  	[spmem:s2] =	stream.indirect.scatter.add.f32 [tilespmem:s15], [sflag:$0x4], $0x80, s30, s10, $0xb8;
	[tilespmem:$0x1D800] =	vst v63  }
0x45: {  	_ =	swait.ge [sflag:s8], $0x2800  }
0x46: {  	[sflag:s8] =	ssyncset.done $0x0  }
0x47: {  	s31 =	simm.s32 $0x280;
	[sflag:s8] =	ssyncadd.s32 $0xFFFFD800  }
0x48: {  	[tilespmem:s15], [sflag:$0x3] =	stream.indirect.gather [hbm4b:s4+s10], $0x80, s31, s10, $0xb8;
	[tilespmem:$0x1D800] =	vst v63  }
0x49: {  	_ =	swait.ge [sflag:s16], $0x2800  }
0x4a: {  	[sflag:s16] =	ssyncset.done $0x0  }
0x4b: {  	s6 =	simm.s32 $0x1180;
	[sflag:s16] =	ssyncadd.s32 $0xFFFFD800  }
0x4c: {  	[spmem:s2] =	stream.indirect.scatter.add.f32 [tilespmem:s11], [sflag:$0x4], $0x80, s6, s10, $0xb8;
	[tilespmem:$0x1D800] =	vst v63  }
0x4d: {  	_ =	swait.ge [sflag:s8], $0x2800  }
0x4e: {  	[sflag:s8] =	ssyncset.done $0x0  }
0x4f: {  	s7 =	simm.s32 $0x300;
	[sflag:s8] =	ssyncadd.s32 $0xFFFFD800  }
0x50: {  	[tilespmem:s11], [sflag:$0x1] =	stream.indirect.gather [hbm4b:s4+s10], $0x80, s7, s10, $0xb8;
	[tilespmem:$0x1D800] =	vst v63  }
0x51: {  	_ =	swait.ge [sflag:s18], $0x2800  }
0x52: {  	[sflag:s18] =	ssyncset.done $0x0  }
0x53: {  	s9 =	simm.s32 $0x1200;
	[sflag:s18] =	ssyncadd.s32 $0xFFFFD800  }
0x54: {  	[spmem:s2] =	stream.indirect.scatter.add.f32 [tilespmem:s13], [sflag:$0x4], $0x80, s9, s10, $0xb8;
	[tilespmem:$0x1D800] =	vst v63  }
0x55: {  	_ =	swait.ge [sflag:s8], $0x2800  }
0x56: {  	[sflag:s8] =	ssyncset.done $0x0  }
0x57: {  	s12 =	simm.s32 $0x380;
	[sflag:s8] =	ssyncadd.s32 $0xFFFFD800  }
0x58: {  	[tilespmem:s13], [sflag:$0x2] =	stream.indirect.gather [hbm4b:s4+s10], $0x80, s12, s10, $0xb8;
	[tilespmem:$0x1D800] =	vst v63  }
0x59: {  	_ =	swait.ge [sflag:s21], $0x2800  }
0x5a: {  	[sflag:s21] =	ssyncset.done $0x0  }
0x5b: {  	s14 =	simm.s32 $0x1280;
	[sflag:s21] =	ssyncadd.s32 $0xFFFFD800  }
0x5c: {  	[spmem:s2] =	stream.indirect.scatter.add.f32 [tilespmem:s15], [sflag:$0x4], $0x80, s14, s10, $0xb8;
	[tilespmem:$0x1D800] =	vst v63  }
0x5d: {  	_ =	swait.ge [sflag:s8], $0x2800  }
0x5e: {  	[sflag:s8] =	ssyncset.done $0x0  }
0x5f: {  	s17 =	simm.s32 $0x400;
	[sflag:s8] =	ssyncadd.s32 $0xFFFFD800  }
0x60: {  	[tilespmem:s15], [sflag:$0x3] =	stream.indirect.gather [hbm4b:s4+s10], $0x80, s17, s10, $0xb8;
	[tilespmem:$0x1D800] =	vst v63  }
0x61: {  	_ =	swait.ge [sflag:s16], $0x2800  }
0x62: {  	[sflag:s16] =	ssyncset.done $0x0  }
0x63: {  	s19 =	simm.s32 $0x1300;
	[sflag:s16] =	ssyncadd.s32 $0xFFFFD800  }
0x64: {  	[spmem:s2] =	stream.indirect.scatter.add.f32 [tilespmem:s11], [sflag:$0x4], $0x80, s19, s10, $0xb8;
	[tilespmem:$0x1D800] =	vst v63  }
0x65: {  	_ =	swait.ge [sflag:s8], $0x2800  }
0x66: {  	[sflag:s8] =	ssyncset.done $0x0  }
0x67: {  	s20 =	simm.s32 $0x480;
	[sflag:s8] =	ssyncadd.s32 $0xFFFFD800  }
0x68: {  	[tilespmem:s11], [sflag:$0x1] =	stream.indirect.gather [hbm4b:s4+s10], $0x80, s20, s10, $0xb8;
	[tilespmem:$0x1D800] =	vst v63  }
0x69: {  	_ =	swait.ge [sflag:s18], $0x2800  }
0x6a: {  	[sflag:s18] =	ssyncset.done $0x0  }
0x6b: {  	s22 =	simm.s32 $0x1380;
	[sflag:s18] =	ssyncadd.s32 $0xFFFFD800  }
0x6c: {  	[spmem:s2] =	stream.indirect.scatter.add.f32 [tilespmem:s13], [sflag:$0x4], $0x80, s22, s10, $0xb8;
	[tilespmem:$0x1D800] =	vst v63  }
0x6d: {  	_ =	swait.ge [sflag:s8], $0x2800  }
0x6e: {  	[sflag:s8] =	ssyncset.done $0x0  }
0x6f: {  	s23 =	simm.s32 $0x500;
	[sflag:s8] =	ssyncadd.s32 $0xFFFFD800  }
0x70: {  	[tilespmem:s13], [sflag:$0x2] =	stream.indirect.gather [hbm4b:s4+s10], $0x80, s23, s10, $0xb8;
	[tilespmem:$0x1D800] =	vst v63  }
0x71: {  	_ =	swait.ge [sflag:s21], $0x2800  }
0x72: {  	[sflag:s21] =	ssyncset.done $0x0  }
0x73: {  	s24 =	simm.s32 $0x1400;
	[sflag:s21] =	ssyncadd.s32 $0xFFFFD800  }
0x74: {  	[spmem:s2] =	stream.indirect.scatter.add.f32 [tilespmem:s15], [sflag:$0x4], $0x80, s24, s10, $0xb8;
	[tilespmem:$0x1D800] =	vst v63  }
0x75: {  	_ =	swait.ge [sflag:s8], $0x2800  }
0x76: {  	[sflag:s8] =	ssyncset.done $0x0  }
0x77: {  	s25 =	simm.s32 $0x580;
	[sflag:s8] =	ssyncadd.s32 $0xFFFFD800  }
0x78: {  	[tilespmem:s15], [sflag:$0x3] =	stream.indirect.gather [hbm4b:s4+s10], $0x80, s25, s10, $0xb8;
	[tilespmem:$0x1D800] =	vst v63  }
0x79: {  	_ =	swait.ge [sflag:s16], $0x2800  }
0x7a: {  	[sflag:s16] =	ssyncset.done $0x0  }
0x7b: {  	s26 =	simm.s32 $0x1480;
	[sflag:s16] =	ssyncadd.s32 $0xFFFFD800  }
0x7c: {  	[spmem:s2] =	stream.indirect.scatter.add.f32 [tilespmem:s11], [sflag:$0x4], $0x80, s26, s10, $0xb8;
	[tilespmem:$0x1D800] =	vst v63  }
0x7d: {  	_ =	swait.ge [sflag:s8], $0x2800  }
0x7e: {  	[sflag:s8] =	ssyncset.done $0x0  }
0x7f: {  	s29 =	simm.s32 $0x600;
	[sflag:s8] =	ssyncadd.s32 $0xFFFFD800  }
0x80: {  	[tilespmem:s11], [sflag:$0x1] =	stream.indirect.gather [hbm4b:s4+s10], $0x80, s29, s10, $0xb8;
	[tilespmem:$0x1D800] =	vst v63  }
0x81: {  	_ =	swait.ge [sflag:s18], $0x2800  }
0x82: {  	[sflag:s18] =	ssyncset.done $0x0  }
0x83: {  	s31 =	simm.s32 $0x1500;
	[sflag:s18] =	ssyncadd.s32 $0xFFFFD800  }
0x84: {  	[spmem:s2] =	stream.indirect.scatter.add.f32 [tilespmem:s13], [sflag:$0x4], $0x80, s31, s10, $0xb8;
	[tilespmem:$0x1D800] =	vst v63  }
0x85: {  	_ =	swait.ge [sflag:s8], $0x2800  }
0x86: {  	[sflag:s8] =	ssyncset.done $0x0  }
0x87: {  	s0 =	simm.s32 $0x680;
	[sflag:s8] =	ssyncadd.s32 $0xFFFFD800  }
0x88: {  	[tilespmem:s13], [sflag:$0x2] =	stream.indirect.gather [hbm4b:s4+s10], $0x80, s0, s10, $0xb8;
	[tilespmem:$0x1D800] =	vst v63  }
0x89: {  	_ =	swait.ge [sflag:s21], $0x2800  }
0x8a: {  	[sflag:s21] =	ssyncset.done $0x0  }
0x8b: {  	s6 =	simm.s32 $0x1580;
	[sflag:s21] =	ssyncadd.s32 $0xFFFFD800  }
0x8c: {  	[spmem:s2] =	stream.indirect.scatter.add.f32 [tilespmem:s15], [sflag:$0x4], $0x80, s6, s10, $0xb8;
	[tilespmem:$0x1D800] =	vst v63  }
0x8d: {  	_ =	swait.ge [sflag:s8], $0x2800  }
0x8e: {  	[sflag:s8] =	ssyncset.done $0x0  }
0x8f: {  	s7 =	simm.s32 $0x700;
	[sflag:s8] =	ssyncadd.s32 $0xFFFFD800  }
0x90: {  	[tilespmem:s15], [sflag:$0x3] =	stream.indirect.gather [hbm4b:s4+s10], $0x80, s7, s10, $0xb8;
	[tilespmem:$0x1D800] =	vst v63  }
0x91: {  	_ =	swait.ge [sflag:s16], $0x2800  }
0x92: {  	[sflag:s16] =	ssyncset.done $0x0  }
0x93: {  	s9 =	simm.s32 $0x1600;
	[sflag:s16] =	ssyncadd.s32 $0xFFFFD800  }
0x94: {  	[spmem:s2] =	stream.indirect.scatter.add.f32 [tilespmem:s11], [sflag:$0x4], $0x80, s9, s10, $0xb8;
	[tilespmem:$0x1D800] =	vst v63  }
0x95: {  	_ =	swait.ge [sflag:s8], $0x2800  }
0x96: {  	[sflag:s8] =	ssyncset.done $0x0  }
0x97: {  	s12 =	simm.s32 $0x780;
	[sflag:s8] =	ssyncadd.s32 $0xFFFFD800  }
0x98: {  	[tilespmem:s11], [sflag:$0x1] =	stream.indirect.gather [hbm4b:s4+s10], $0x80, s12, s10, $0xb8;
	[tilespmem:$0x1D800] =	vst v63  }
0x99: {  	_ =	swait.ge [sflag:s18], $0x2800  }
0x9a: {  	[sflag:s18] =	ssyncset.done $0x0  }
0x9b: {  	s14 =	simm.s32 $0x1680;
	[sflag:s18] =	ssyncadd.s32 $0xFFFFD800  }
0x9c: {  	[spmem:s2] =	stream.indirect.scatter.add.f32 [tilespmem:s13], [sflag:$0x4], $0x80, s14, s10, $0xb8;
	[tilespmem:$0x1D800] =	vst v63  }
0x9d: {  	_ =	swait.ge [sflag:s8], $0x2800  }
0x9e: {  	[sflag:s8] =	ssyncset.done $0x0  }
0x9f: {  	s17 =	simm.s32 $0x800;
	[sflag:s8] =	ssyncadd.s32 $0xFFFFD800  }
0xa0: {  	[tilespmem:s13], [sflag:$0x2] =	stream.indirect.gather [hbm4b:s4+s10], $0x80, s17, s10, $0xb8;
	[tilespmem:$0x1D800] =	vst v63  }
0xa1: {  	_ =	swait.ge [sflag:s21], $0x2800  }
0xa2: {  	[sflag:s21] =	ssyncset.done $0x0  }
0xa3: {  	s19 =	simm.s32 $0x1700;
	[sflag:s21] =	ssyncadd.s32 $0xFFFFD800  }
0xa4: {  	[spmem:s2] =	stream.indirect.scatter.add.f32 [tilespmem:s15], [sflag:$0x4], $0x80, s19, s10, $0xb8;
	[tilespmem:$0x1D800] =	vst v63  }
0xa5: {  	_ =	swait.ge [sflag:s8], $0x2800  }
0xa6: {  	[sflag:s8] =	ssyncset.done $0x0  }
0xa7: {  	s20 =	simm.s32 $0x880;
	[sflag:s8] =	ssyncadd.s32 $0xFFFFD800  }
0xa8: {  	[tilespmem:s15], [sflag:$0x3] =	stream.indirect.gather [hbm4b:s4+s10], $0x80, s20, s10, $0xb8;
	[tilespmem:$0x1D800] =	vst v63  }
0xa9: {  	_ =	swait.ge [sflag:s16], $0x2800  }
0xaa: {  	[sflag:s16] =	ssyncset.done $0x0  }
0xab: {  	s22 =	simm.s32 $0x1780;
	[sflag:s16] =	ssyncadd.s32 $0xFFFFD800  }
0xac: {  	[spmem:s2] =	stream.indirect.scatter.add.f32 [tilespmem:s11], [sflag:$0x4], $0x80, s22, s10, $0xb8;
	[tilespmem:$0x1D800] =	vst v63  }
0xad: {  	_ =	swait.ge [sflag:s8], $0x2800  }
0xae: {  	[sflag:s8] =	ssyncset.done $0x0  }
0xaf: {  	s23 =	simm.s32 $0x900;
	[sflag:s8] =	ssyncadd.s32 $0xFFFFD800  }
0xb0: {  	[tilespmem:s11], [sflag:$0x1] =	stream.indirect.gather [hbm4b:s4+s10], $0x80, s23, s10, $0xb8;
	[tilespmem:$0x1D800] =	vst v63  }
0xb1: {  	_ =	swait.ge [sflag:s18], $0x2800  }
0xb2: {  	[sflag:s18] =	ssyncset.done $0x0  }
0xb3: {  	s24 =	simm.s32 $0x1800;
	[sflag:s18] =	ssyncadd.s32 $0xFFFFD800  }
0xb4: {  	[spmem:s2] =	stream.indirect.scatter.add.f32 [tilespmem:s13], [sflag:$0x4], $0x80, s24, s10, $0xb8;
	[tilespmem:$0x1D800] =	vst v63  }
0xb5: {  	_ =	swait.ge [sflag:s8], $0x2800  }
0xb6: {  	[sflag:s8] =	ssyncset.done $0x0  }
0xb7: {  	s25 =	simm.s32 $0x980;
	[sflag:s8] =	ssyncadd.s32 $0xFFFFD800  }
0xb8: {  	[tilespmem:s13], [sflag:$0x2] =	stream.indirect.gather [hbm4b:s4+s10], $0x80, s25, s10, $0xb8;
	[tilespmem:$0x1D800] =	vst v63  }
0xb9: {  	_ =	swait.ge [sflag:s21], $0x2800  }
0xba: {  	[sflag:s21] =	ssyncset.done $0x0  }
0xbb: {  	s26 =	simm.s32 $0x1880;
	[sflag:s21] =	ssyncadd.s32 $0xFFFFD800  }
0xbc: {  	[spmem:s2] =	stream.indirect.scatter.add.f32 [tilespmem:s15], [sflag:$0x4], $0x80, s26, s10, $0xb8;
	[tilespmem:$0x1D800] =	vst v63  }
0xbd: {  	_ =	swait.ge [sflag:s8], $0x2800  }
0xbe: {  	[sflag:s8] =	ssyncset.done $0x0  }
0xbf: {  	s0 =	simm.s32 $0xA00;
	[sflag:s8] =	ssyncadd.s32 $0xFFFFD800  }
0xc0: {  	[tilespmem:s15], [sflag:$0x3] =	stream.indirect.gather [hbm4b:s4+s10], $0x80, s0, s10, $0xb8;
	[tilespmem:$0x1D800] =	vst v63  }
0xc1: {  	_ =	swait.ge [sflag:s16], $0x2800  }
0xc2: {  	[sflag:s16] =	ssyncset.done $0x0  }
0xc3: {  	s6 =	simm.s32 $0x1900;
	[sflag:s16] =	ssyncadd.s32 $0xFFFFD800  }
0xc4: {  	[spmem:s2] =	stream.indirect.scatter.add.f32 [tilespmem:s11], [sflag:$0x4], $0x80, s6, s10, $0xb8;
	[tilespmem:$0x1D800] =	vst v63  }
0xc5: {  	_ =	swait.ge [sflag:s8], $0x2800  }
0xc6: {  	[sflag:s8] =	ssyncset.done $0x0  }
0xc7: {  	s7 =	simm.s32 $0xA80;
	[sflag:s8] =	ssyncadd.s32 $0xFFFFD800  }
0xc8: {  	[tilespmem:s11], [sflag:$0x1] =	stream.indirect.gather [hbm4b:s4+s10], $0x80, s7, s10, $0xb8;
	[tilespmem:$0x1D800] =	vst v63  }
0xc9: {  	_ =	swait.ge [sflag:s18], $0x2800  }
0xca: {  	[sflag:s18] =	ssyncset.done $0x0  }
0xcb: {  	s9 =	simm.s32 $0x1980;
	[sflag:s18] =	ssyncadd.s32 $0xFFFFD800  }
0xcc: {  	[spmem:s2] =	stream.indirect.scatter.add.f32 [tilespmem:s13], [sflag:$0x4], $0x80, s9, s10, $0xb8;
	[tilespmem:$0x1D800] =	vst v63  }
0xcd: {  	_ =	swait.ge [sflag:s8], $0x2800  }
0xce: {  	[sflag:s8] =	ssyncset.done $0x0  }
0xcf: {  	s12 =	simm.s32 $0xB00;
	[sflag:s8] =	ssyncadd.s32 $0xFFFFD800  }
0xd0: {  	[tilespmem:s13], [sflag:$0x2] =	stream.indirect.gather [hbm4b:s4+s10], $0x80, s12, s10, $0xb8;
	[tilespmem:$0x1D800] =	vst v63  }
0xd1: {  	_ =	swait.ge [sflag:s21], $0x2800  }
0xd2: {  	[sflag:s21] =	ssyncset.done $0x0  }
0xd3: {  	s14 =	simm.s32 $0x1A00;
	[sflag:s21] =	ssyncadd.s32 $0xFFFFD800  }
0xd4: {  	[spmem:s2] =	stream.indirect.scatter.add.f32 [tilespmem:s15], [sflag:$0x4], $0x80, s14, s10, $0xb8;
	[tilespmem:$0x1D800] =	vst v63  }
0xd5: {  	_ =	swait.ge [sflag:s8], $0x2800  }
0xd6: {  	[sflag:s8] =	ssyncset.done $0x0  }
0xd7: {  	s17 =	simm.s32 $0xB80;
	[sflag:s8] =	ssyncadd.s32 $0xFFFFD800  }
0xd8: {  	[tilespmem:s15], [sflag:$0x3] =	stream.indirect.gather [hbm4b:s4+s10], $0x80, s17, s10, $0xb8;
	[tilespmem:$0x1D800] =	vst v63  }
0xd9: {  	_ =	swait.ge [sflag:s16], $0x2800  }
0xda: {  	[sflag:s16] =	ssyncset.done $0x0  }
0xdb: {  	s19 =	simm.s32 $0x1A80;
	[sflag:s16] =	ssyncadd.s32 $0xFFFFD800  }
0xdc: {  	[spmem:s2] =	stream.indirect.scatter.add.f32 [tilespmem:s11], [sflag:$0x4], $0x80, s19, s10, $0xb8;
	[tilespmem:$0x1D800] =	vst v63  }
0xdd: {  	_ =	swait.ge [sflag:s8], $0x2800  }
0xde: {  	[sflag:s8] =	ssyncset.done $0x0  }
0xdf: {  	s20 =	simm.s32 $0xC00;
	[sflag:s8] =	ssyncadd.s32 $0xFFFFD800  }
0xe0: {  	[tilespmem:s11], [sflag:$0x1] =	stream.indirect.gather [hbm4b:s4+s10], $0x80, s20, s10, $0xb8;
	[tilespmem:$0x1D800] =	vst v63  }
0xe1: {  	_ =	swait.ge [sflag:s18], $0x2800  }
0xe2: {  	[sflag:s18] =	ssyncset.done $0x0  }
0xe3: {  	s22 =	simm.s32 $0x1B00;
	[sflag:s18] =	ssyncadd.s32 $0xFFFFD800  }
0xe4: {  	[spmem:s2] =	stream.indirect.scatter.add.f32 [tilespmem:s13], [sflag:$0x4], $0x80, s22, s10, $0xb8;
	[tilespmem:$0x1D800] =	vst v63  }
0xe5: {  	_ =	swait.ge [sflag:s8], $0x2800  }
0xe6: {  	[sflag:s8] =	ssyncset.done $0x0  }
0xe7: {  	[sflag:s8] =	ssyncadd.s32 $0xFFFFD800  }
0xe8: {  	_ =	swait.ge [sflag:s21], $0x2800  }
0xe9: {  	[sflag:s21] =	ssyncset.done $0x0  }
0xea: {  	s23 =	simm.s32 $0x1B80;
	[sflag:s21] =	ssyncadd.s32 $0xFFFFD800  }
0xeb: {  	[spmem:s2] =	stream.indirect.scatter.add.f32 [tilespmem:s15], [sflag:$0x4], $0x80, s23, s10, $0xb8;
	[tilespmem:$0x1D800] =	vst v63  }
0xec: {  	_ =	swait.ge [sflag:s8], $0x2800  }
0xed: {  	[sflag:s8] =	ssyncset.done $0x0  }
0xee: {  	[sflag:s8] =	ssyncadd.s32 $0xFFFFD800  }
0xef: {  	_ =	swait.ge [sflag:s16], $0x2800  }
0xf0: {  	[sflag:s16] =	ssyncset.done $0x0  }
0xf1: {  	s24 =	simm.s32 $0x1C00;
	[sflag:s16] =	ssyncadd.s32 $0xFFFFD800  }
0xf2: {  	[spmem:s2] =	stream.indirect.scatter.add.f32 [tilespmem:s11], [sflag:$0x4], $0x80, s24, s10, $0xb8;
	[tilespmem:$0x1D800] =	vst v63  }
0xf3: {  	_ =	swait.ge [sflag:s8], $0x2800  }
0xf4: {  	[sflag:s8] =	ssyncset.done $0x0  }
0xf5: {  	s25 =	rddreg [dreg:$0x5];
	[sflag:s8] =	ssyncadd.s32 $0xFFFFD800  }
0xf6: {  	[tilespmem:s3], [sflag:$0x4] =	stream.linear.gather [hbm4b:s25+s3], $0xC80, $0x38;
	[tilespmem:$0x1D800] =	vst v63  }
0xf7: {  	_ =	swait.ge [sflag:s8], $0xC80  }
0xf8: {  	[sflag:s8] =	ssyncset.done $0x0  }
0xf9: {  	s26 =	rddreg [dreg:$0x6];
	[sflag:s8] =	ssyncadd.s32 $0xFFFFF380  }
0xfa: {  	[tilespmem:s28], [sflag:$0x4] =	stream.linear.gather [hbm4b:s26+s3], $0xC80, $0x38;
	[tilespmem:$0x1D800] =	vst v63  }
0xfb: {  	_ =	swait.ge [sflag:s8], $0xC80  }
0xfc: {  	[sflag:s8] =	ssyncset.done $0x0  }
0xfd: {  	[sflag:s8] =	ssyncadd.s32 $0xFFFFF380  }
0xfe: {  	[tilespmem:s11], [sflag:$0x1] =	stream.indirect.gather [hbm4b:s4+s10], $0x80, s3, s10, $0xb8;
	[tilespmem:$0x1D800] =	vst v63  }
0xff: {  	s0 =	simm.s32 $0x80  }
0x100: {  	[tilespmem:s13], [sflag:$0x2] =	stream.indirect.gather [hbm4b:s4+s10], $0x80, s0, s10, $0xb8;
	[tilespmem:$0x1D800] =	vst v63  }
0x101: {  	s1 =	simm.s32 $0x100  }
0x102: {  	[tilespmem:s15], [sflag:$0x3] =	stream.indirect.gather [hbm4b:s4+s10], $0x80, s1, s10, $0xb8;
	[tilespmem:$0x1D800] =	vst v63  }
0x103: {  	_ =	swait.ge [sflag:s16], $0x2800  }
0x104: {  	[sflag:s16] =	ssyncset.done $0x0  }
0x105: {  	[sflag:s16] =	ssyncadd.s32 $0xFFFFD800  }
0x106: {  	[spmem:s2] =	stream.indirect.scatter.add.f32 [tilespmem:s11], [sflag:$0x4], $0x80, s28, s10, $0xb8;
	[tilespmem:$0x1D800] =	vst v63  }
0x107: {  	_ =	swait.ge [sflag:s8], $0x2800  }
0x108: {  	[sflag:s8] =	ssyncset.done $0x0  }
0x109: {  	s9 =	simm.s32 $0x180;
	[sflag:s8] =	ssyncadd.s32 $0xFFFFD800  }
0x10a: {  	[tilespmem:s11], [sflag:$0x1] =	stream.indirect.gather [hbm4b:s4+s10], $0x80, s9, s10, $0xb8;
	[tilespmem:$0x1D800] =	vst v63  }
0x10b: {  	_ =	swait.ge [sflag:s18], $0x2800  }
0x10c: {  	[sflag:s18] =	ssyncset.done $0x0  }
0x10d: {  	s6 =	simm.s32 $0x1080;
	[sflag:s18] =	ssyncadd.s32 $0xFFFFD800  }
0x10e: {  	[spmem:s2] =	stream.indirect.scatter.add.f32 [tilespmem:s13], [sflag:$0x4], $0x80, s6, s10, $0xb8;
	[tilespmem:$0x1D800] =	vst v63  }
0x10f: {  	_ =	swait.ge [sflag:s8], $0x2800  }
0x110: {  	[sflag:s8] =	ssyncset.done $0x0  }
0x111: {  	s7 =	simm.s32 $0x200;
	[sflag:s8] =	ssyncadd.s32 $0xFFFFD800  }
0x112: {  	[tilespmem:s13], [sflag:$0x2] =	stream.indirect.gather [hbm4b:s4+s10], $0x80, s7, s10, $0xb8;
	[tilespmem:$0x1D800] =	vst v63  }
0x113: {  	_ =	swait.ge [sflag:s21], $0x2800  }
0x114: {  	[sflag:s21] =	ssyncset.done $0x0  }
0x115: {  	s12 =	simm.s32 $0x1100;
	[sflag:s21] =	ssyncadd.s32 $0xFFFFD800  }
0x116: {  	[spmem:s2] =	stream.indirect.scatter.add.f32 [tilespmem:s15], [sflag:$0x4], $0x80, s12, s10, $0xb8;
	[tilespmem:$0x1D800] =	vst v63  }
0x117: {  	_ =	swait.ge [sflag:s8], $0x2800  }
0x118: {  	[sflag:s8] =	ssyncset.done $0x0  }
0x119: {  	s14 =	simm.s32 $0x280;
	[sflag:s8] =	ssyncadd.s32 $0xFFFFD800  }
0x11a: {  	[tilespmem:s15], [sflag:$0x3] =	stream.indirect.gather [hbm4b:s4+s10], $0x80, s14, s10, $0xb8;
	[tilespmem:$0x1D800] =	vst v63  }
0x11b: {  	_ =	swait.ge [sflag:s16], $0x2800  }
0x11c: {  	[sflag:s16] =	ssyncset.done $0x0  }
0x11d: {  	s17 =	simm.s32 $0x1180;
	[sflag:s16] =	ssyncadd.s32 $0xFFFFD800  }
0x11e: {  	[spmem:s2] =	stream.indirect.scatter.add.f32 [tilespmem:s11], [sflag:$0x4], $0x80, s17, s10, $0xb8;
	[tilespmem:$0x1D800] =	vst v63  }
0x11f: {  	_ =	swait.ge [sflag:s8], $0x2800  }
0x120: {  	[sflag:s8] =	ssyncset.done $0x0  }
0x121: {  	s19 =	simm.s32 $0x300;
	[sflag:s8] =	ssyncadd.s32 $0xFFFFD800  }
0x122: {  	[tilespmem:s11], [sflag:$0x1] =	stream.indirect.gather [hbm4b:s4+s10], $0x80, s19, s10, $0xb8;
	[tilespmem:$0x1D800] =	vst v63  }
0x123: {  	_ =	swait.ge [sflag:s18], $0x2800  }
0x124: {  	[sflag:s18] =	ssyncset.done $0x0  }
0x125: {  	s20 =	simm.s32 $0x1200;
	[sflag:s18] =	ssyncadd.s32 $0xFFFFD800  }
0x126: {  	[spmem:s2] =	stream.indirect.scatter.add.f32 [tilespmem:s13], [sflag:$0x4], $0x80, s20, s10, $0xb8;
	[tilespmem:$0x1D800] =	vst v63  }
0x127: {  	_ =	swait.ge [sflag:s8], $0x2800  }
0x128: {  	[sflag:s8] =	ssyncset.done $0x0  }
0x129: {  	s22 =	simm.s32 $0x380;
	[sflag:s8] =	ssyncadd.s32 $0xFFFFD800  }
0x12a: {  	[tilespmem:s13], [sflag:$0x2] =	stream.indirect.gather [hbm4b:s4+s10], $0x80, s22, s10, $0xb8;
	[tilespmem:$0x1D800] =	vst v63  }
0x12b: {  	_ =	swait.ge [sflag:s21], $0x2800  }
0x12c: {  	[sflag:s21] =	ssyncset.done $0x0  }
0x12d: {  	s23 =	simm.s32 $0x1280;
	[sflag:s21] =	ssyncadd.s32 $0xFFFFD800  }
0x12e: {  	[spmem:s2] =	stream.indirect.scatter.add.f32 [tilespmem:s15], [sflag:$0x4], $0x80, s23, s10, $0xb8;
	[tilespmem:$0x1D800] =	vst v63  }
0x12f: {  	_ =	swait.ge [sflag:s8], $0x2800  }
0x130: {  	[sflag:s8] =	ssyncset.done $0x0  }
0x131: {  	s24 =	simm.s32 $0x400;
	[sflag:s8] =	ssyncadd.s32 $0xFFFFD800  }
0x132: {  	[tilespmem:s15], [sflag:$0x3] =	stream.indirect.gather [hbm4b:s4+s10], $0x80, s24, s10, $0xb8;
	[tilespmem:$0x1D800] =	vst v63  }
0x133: {  	_ =	swait.ge [sflag:s16], $0x2800  }
0x134: {  	[sflag:s16] =	ssyncset.done $0x0  }
0x135: {  	s25 =	simm.s32 $0x1300;
	[sflag:s16] =	ssyncadd.s32 $0xFFFFD800  }
0x136: {  	[spmem:s2] =	stream.indirect.scatter.add.f32 [tilespmem:s11], [sflag:$0x4], $0x80, s25, s10, $0xb8;
	[tilespmem:$0x1D800] =	vst v63  }
0x137: {  	_ =	swait.ge [sflag:s8], $0x2800  }
0x138: {  	[sflag:s8] =	ssyncset.done $0x0  }
0x139: {  	s26 =	simm.s32 $0x480;
	[sflag:s8] =	ssyncadd.s32 $0xFFFFD800  }
0x13a: {  	[tilespmem:s11], [sflag:$0x1] =	stream.indirect.gather [hbm4b:s4+s10], $0x80, s26, s10, $0xb8;
	[tilespmem:$0x1D800] =	vst v63  }
0x13b: {  	_ =	swait.ge [sflag:s18], $0x2800  }
0x13c: {  	[sflag:s18] =	ssyncset.done $0x0  }
0x13d: {  	s1 =	simm.s32 $0x1380;
	[sflag:s18] =	ssyncadd.s32 $0xFFFFD800  }
0x13e: {  	[spmem:s2] =	stream.indirect.scatter.add.f32 [tilespmem:s13], [sflag:$0x4], $0x80, s1, s10, $0xb8;
	[tilespmem:$0x1D800] =	vst v63  }
0x13f: {  	_ =	swait.ge [sflag:s8], $0x2800  }
0x140: {  	[sflag:s8] =	ssyncset.done $0x0  }
0x141: {  	s30 =	simm.s32 $0x500;
	[sflag:s8] =	ssyncadd.s32 $0xFFFFD800  }
0x142: {  	[tilespmem:s13], [sflag:$0x2] =	stream.indirect.gather [hbm4b:s4+s10], $0x80, s30, s10, $0xb8;
	[tilespmem:$0x1D800] =	vst v63  }
0x143: {  	_ =	swait.ge [sflag:s21], $0x2800  }
0x144: {  	[sflag:s21] =	ssyncset.done $0x0  }
0x145: {  	s30 =	simm.s32 $0x1400;
	[sflag:s21] =	ssyncadd.s32 $0xFFFFD800  }
0x146: {  	[spmem:s2] =	stream.indirect.scatter.add.f32 [tilespmem:s15], [sflag:$0x4], $0x80, s30, s10, $0xb8;
	[tilespmem:$0x1D800] =	vst v63  }
0x147: {  	_ =	swait.ge [sflag:s8], $0x2800  }
0x148: {  	[sflag:s8] =	ssyncset.done $0x0  }
0x149: {  	s30 =	simm.s32 $0x580;
	[sflag:s8] =	ssyncadd.s32 $0xFFFFD800  }
0x14a: {  	[tilespmem:s15], [sflag:$0x3] =	stream.indirect.gather [hbm4b:s4+s10], $0x80, s30, s10, $0xb8;
	[tilespmem:$0x1D800] =	vst v63  }
0x14b: {  	_ =	swait.ge [sflag:s16], $0x2800  }
0x14c: {  	[sflag:s16] =	ssyncset.done $0x0  }
0x14d: {  	s30 =	simm.s32 $0x1480;
	[sflag:s16] =	ssyncadd.s32 $0xFFFFD800  }
0x14e: {  	[spmem:s2] =	stream.indirect.scatter.add.f32 [tilespmem:s11], [sflag:$0x4], $0x80, s30, s10, $0xb8;
	[tilespmem:$0x1D800] =	vst v63  }
0x14f: {  	_ =	swait.ge [sflag:s8], $0x2800  }
0x150: {  	[sflag:s8] =	ssyncset.done $0x0  }
0x151: {  	s30 =	simm.s32 $0x600;
	[sflag:s8] =	ssyncadd.s32 $0xFFFFD800  }
0x152: {  	[tilespmem:s11], [sflag:$0x1] =	stream.indirect.gather [hbm4b:s4+s10], $0x80, s30, s10, $0xb8;
	[tilespmem:$0x1D800] =	vst v63  }
0x153: {  	_ =	swait.ge [sflag:s18], $0x2800  }
0x154: {  	[sflag:s18] =	ssyncset.done $0x0  }
0x155: {  	s30 =	simm.s32 $0x1500;
	[sflag:s18] =	ssyncadd.s32 $0xFFFFD800  }
0x156: {  	[spmem:s2] =	stream.indirect.scatter.add.f32 [tilespmem:s13], [sflag:$0x4], $0x80, s30, s10, $0xb8;
	[tilespmem:$0x1D800] =	vst v63  }
0x157: {  	_ =	swait.ge [sflag:s8], $0x2800  }
0x158: {  	[sflag:s8] =	ssyncset.done $0x0  }
0x159: {  	s30 =	simm.s32 $0x680;
	[sflag:s8] =	ssyncadd.s32 $0xFFFFD800  }
0x15a: {  	[tilespmem:s13], [sflag:$0x2] =	stream.indirect.gather [hbm4b:s4+s10], $0x80, s30, s10, $0xb8;
	[tilespmem:$0x1D800] =	vst v63  }
0x15b: {  	_ =	swait.ge [sflag:s21], $0x2800  }
0x15c: {  	[sflag:s21] =	ssyncset.done $0x0  }
0x15d: {  	s30 =	simm.s32 $0x1580;
	[sflag:s21] =	ssyncadd.s32 $0xFFFFD800  }
0x15e: {  	[spmem:s2] =	stream.indirect.scatter.add.f32 [tilespmem:s15], [sflag:$0x4], $0x80, s30, s10, $0xb8;
	[tilespmem:$0x1D800] =	vst v63  }
0x15f: {  	_ =	swait.ge [sflag:s8], $0x2800  }
0x160: {  	[sflag:s8] =	ssyncset.done $0x0  }
0x161: {  	s30 =	simm.s32 $0x700;
	[sflag:s8] =	ssyncadd.s32 $0xFFFFD800  }
0x162: {  	[tilespmem:s15], [sflag:$0x3] =	stream.indirect.gather [hbm4b:s4+s10], $0x80, s30, s10, $0xb8;
	[tilespmem:$0x1D800] =	vst v63  }
0x163: {  	_ =	swait.ge [sflag:s16], $0x2800  }
0x164: {  	[sflag:s16] =	ssyncset.done $0x0  }
0x165: {  	s30 =	simm.s32 $0x1600;
	[sflag:s16] =	ssyncadd.s32 $0xFFFFD800  }
0x166: {  	[spmem:s2] =	stream.indirect.scatter.add.f32 [tilespmem:s11], [sflag:$0x4], $0x80, s30, s10, $0xb8;
	[tilespmem:$0x1D800] =	vst v63  }
0x167: {  	_ =	swait.ge [sflag:s8], $0x2800  }
0x168: {  	[sflag:s8] =	ssyncset.done $0x0  }
0x169: {  	s30 =	simm.s32 $0x780;
	[sflag:s8] =	ssyncadd.s32 $0xFFFFD800  }
0x16a: {  	[tilespmem:s11], [sflag:$0x1] =	stream.indirect.gather [hbm4b:s4+s10], $0x80, s30, s10, $0xb8;
	[tilespmem:$0x1D800] =	vst v63  }
0x16b: {  	_ =	swait.ge [sflag:s18], $0x2800  }
0x16c: {  	[sflag:s18] =	ssyncset.done $0x0  }
0x16d: {  	s30 =	simm.s32 $0x1680;
	[sflag:s18] =	ssyncadd.s32 $0xFFFFD800  }
0x16e: {  	[spmem:s2] =	stream.indirect.scatter.add.f32 [tilespmem:s13], [sflag:$0x4], $0x80, s30, s10, $0xb8;
	[tilespmem:$0x1D800] =	vst v63  }
0x16f: {  	_ =	swait.ge [sflag:s8], $0x2800  }
0x170: {  	[sflag:s8] =	ssyncset.done $0x0  }
0x171: {  	s30 =	simm.s32 $0x800;
	[sflag:s8] =	ssyncadd.s32 $0xFFFFD800  }
0x172: {  	[tilespmem:s13], [sflag:$0x2] =	stream.indirect.gather [hbm4b:s4+s10], $0x80, s30, s10, $0xb8;
	[tilespmem:$0x1D800] =	vst v63  }
0x173: {  	_ =	swait.ge [sflag:s21], $0x2800  }
0x174: {  	[sflag:s21] =	ssyncset.done $0x0  }
0x175: {  	s30 =	simm.s32 $0x1700;
	[sflag:s21] =	ssyncadd.s32 $0xFFFFD800  }
0x176: {  	[spmem:s2] =	stream.indirect.scatter.add.f32 [tilespmem:s15], [sflag:$0x4], $0x80, s30, s10, $0xb8;
	[tilespmem:$0x1D800] =	vst v63  }
0x177: {  	_ =	swait.ge [sflag:s8], $0x2800  }
0x178: {  	[sflag:s8] =	ssyncset.done $0x0  }
0x179: {  	s30 =	simm.s32 $0x880;
	[sflag:s8] =	ssyncadd.s32 $0xFFFFD800  }
0x17a: {  	[tilespmem:s15], [sflag:$0x3] =	stream.indirect.gather [hbm4b:s4+s10], $0x80, s30, s10, $0xb8;
	[tilespmem:$0x1D800] =	vst v63  }
0x17b: {  	_ =	swait.ge [sflag:s16], $0x2800  }
0x17c: {  	[sflag:s16] =	ssyncset.done $0x0  }
0x17d: {  	s29 =	simm.s32 $0x1780;
	[sflag:s16] =	ssyncadd.s32 $0xFFFFD800  }
0x17e: {  	[spmem:s2] =	stream.indirect.scatter.add.f32 [tilespmem:s11], [sflag:$0x4], $0x80, s29, s10, $0xb8;
	[tilespmem:$0x1D800] =	vst v63  }
0x17f: {  	_ =	swait.ge [sflag:s8], $0x2800  }
0x180: {  	[sflag:s8] =	ssyncset.done $0x0  }
0x181: {  	s31 =	simm.s32 $0x900;
	[sflag:s8] =	ssyncadd.s32 $0xFFFFD800  }
0x182: {  	[tilespmem:s11], [sflag:$0x1] =	stream.indirect.gather [hbm4b:s4+s10], $0x80, s31, s10, $0xb8;
	[tilespmem:$0x1D800] =	vst v63  }
0x183: {  	_ =	swait.ge [sflag:s18], $0x2800  }
0x184: {  	[sflag:s18] =	ssyncset.done $0x0  }
0x185: {  	s30 =	simm.s32 $0x1800;
	[sflag:s18] =	ssyncadd.s32 $0xFFFFD800  }
0x186: {  	[spmem:s2] =	stream.indirect.scatter.add.f32 [tilespmem:s13], [sflag:$0x4], $0x80, s30, s10, $0xb8;
	[tilespmem:$0x1D800] =	vst v63  }
0x187: {  	_ =	swait.ge [sflag:s8], $0x2800  }
0x188: {  	[sflag:s8] =	ssyncset.done $0x0  }
0x189: {  	s30 =	simm.s32 $0x980;
	[sflag:s8] =	ssyncadd.s32 $0xFFFFD800  }
0x18a: {  	[tilespmem:s13], [sflag:$0x2] =	stream.indirect.gather [hbm4b:s4+s10], $0x80, s30, s10, $0xb8;
	[tilespmem:$0x1D800] =	vst v63  }
0x18b: {  	_ =	swait.ge [sflag:s21], $0x2800  }
0x18c: {  	[sflag:s21] =	ssyncset.done $0x0  }
0x18d: {  	s30 =	simm.s32 $0x1880;
	[sflag:s21] =	ssyncadd.s32 $0xFFFFD800  }
0x18e: {  	[spmem:s2] =	stream.indirect.scatter.add.f32 [tilespmem:s15], [sflag:$0x4], $0x80, s30, s10, $0xb8;
	[tilespmem:$0x1D800] =	vst v63  }
0x18f: {  	_ =	swait.ge [sflag:s8], $0x2800  }
0x190: {  	[sflag:s8] =	ssyncset.done $0x0  }
0x191: {  	s30 =	simm.s32 $0xA00;
	[sflag:s8] =	ssyncadd.s32 $0xFFFFD800  }
0x192: {  	[tilespmem:s15], [sflag:$0x3] =	stream.indirect.gather [hbm4b:s4+s10], $0x80, s30, s10, $0xb8;
	[tilespmem:$0x1D800] =	vst v63  }
0x193: {  	_ =	swait.ge [sflag:s16], $0x2800  }
0x194: {  	[sflag:s16] =	ssyncset.done $0x0  }
0x195: {  	s30 =	simm.s32 $0x1900;
	[sflag:s16] =	ssyncadd.s32 $0xFFFFD800  }
0x196: {  	[spmem:s2] =	stream.indirect.scatter.add.f32 [tilespmem:s11], [sflag:$0x4], $0x80, s30, s10, $0xb8;
	[tilespmem:$0x1D800] =	vst v63  }
0x197: {  	_ =	swait.ge [sflag:s8], $0x2800  }
0x198: {  	[sflag:s8] =	ssyncset.done $0x0  }
0x199: {  	s30 =	simm.s32 $0xA80;
	[sflag:s8] =	ssyncadd.s32 $0xFFFFD800  }
0x19a: {  	[tilespmem:s11], [sflag:$0x1] =	stream.indirect.gather [hbm4b:s4+s10], $0x80, s30, s10, $0xb8;
	[tilespmem:$0x1D800] =	vst v63  }
0x19b: {  	_ =	swait.ge [sflag:s18], $0x2800  }
0x19c: {  	[sflag:s18] =	ssyncset.done $0x0  }
0x19d: {  	s30 =	simm.s32 $0x1980;
	[sflag:s18] =	ssyncadd.s32 $0xFFFFD800  }
0x19e: {  	[spmem:s2] =	stream.indirect.scatter.add.f32 [tilespmem:s13], [sflag:$0x4], $0x80, s30, s10, $0xb8;
	[tilespmem:$0x1D800] =	vst v63  }
0x19f: {  	_ =	swait.ge [sflag:s8], $0x2800  }
0x1a0: {  	[sflag:s8] =	ssyncset.done $0x0  }
0x1a1: {  	s30 =	simm.s32 $0xB00;
	[sflag:s8] =	ssyncadd.s32 $0xFFFFD800  }
0x1a2: {  	[tilespmem:s13], [sflag:$0x2] =	stream.indirect.gather [hbm4b:s4+s10], $0x80, s30, s10, $0xb8;
	[tilespmem:$0x1D800] =	vst v63  }
0x1a3: {  	_ =	swait.ge [sflag:s21], $0x2800  }
0x1a4: {  	[sflag:s21] =	ssyncset.done $0x0  }
0x1a5: {  	s30 =	simm.s32 $0x1A00;
	[sflag:s21] =	ssyncadd.s32 $0xFFFFD800  }
0x1a6: {  	[spmem:s2] =	stream.indirect.scatter.add.f32 [tilespmem:s15], [sflag:$0x4], $0x80, s30, s10, $0xb8;
	[tilespmem:$0x1D800] =	vst v63  }
0x1a7: {  	_ =	swait.ge [sflag:s8], $0x2800  }
0x1a8: {  	[sflag:s8] =	ssyncset.done $0x0  }
0x1a9: {  	s30 =	simm.s32 $0xB80;
	[sflag:s8] =	ssyncadd.s32 $0xFFFFD800  }
0x1aa: {  	[tilespmem:s15], [sflag:$0x3] =	stream.indirect.gather [hbm4b:s4+s10], $0x80, s30, s10, $0xb8;
	[tilespmem:$0x1D800] =	vst v63  }
0x1ab: {  	_ =	swait.ge [sflag:s16], $0x2800  }
0x1ac: {  	[sflag:s16] =	ssyncset.done $0x0  }
0x1ad: {  	s30 =	simm.s32 $0x1A80;
	[sflag:s16] =	ssyncadd.s32 $0xFFFFD800  }
0x1ae: {  	[spmem:s2] =	stream.indirect.scatter.add.f32 [tilespmem:s11], [sflag:$0x4], $0x80, s30, s10, $0xb8;
	[tilespmem:$0x1D800] =	vst v63  }
0x1af: {  	_ =	swait.ge [sflag:s8], $0x2800  }
0x1b0: {  	[sflag:s8] =	ssyncset.done $0x0  }
0x1b1: {  	s30 =	simm.s32 $0xC00;
	[sflag:s8] =	ssyncadd.s32 $0xFFFFD800  }
0x1b2: {  	[tilespmem:s11], [sflag:$0x1] =	stream.indirect.gather [hbm4b:s4+s10], $0x80, s30, s10, $0xb8;
	[tilespmem:$0x1D800] =	vst v63  }
0x1b3: {  	_ =	swait.ge [sflag:s18], $0x2800  }
0x1b4: {  	[sflag:s18] =	ssyncset.done $0x0  }
0x1b5: {  	s30 =	simm.s32 $0x1B00;
	[sflag:s18] =	ssyncadd.s32 $0xFFFFD800  }
0x1b6: {  	[spmem:s2] =	stream.indirect.scatter.add.f32 [tilespmem:s13], [sflag:$0x4], $0x80, s30, s10, $0xb8;
	[tilespmem:$0x1D800] =	vst v63  }
0x1b7: {  	_ =	swait.ge [sflag:s8], $0x2800  }
0x1b8: {  	[sflag:s8] =	ssyncset.done $0x0  }
0x1b9: {  	[sflag:s8] =	ssyncadd.s32 $0xFFFFD800  }
0x1ba: {  	_ =	swait.ge [sflag:s21], $0x2800  }
0x1bb: {  	[sflag:s21] =	ssyncset.done $0x0  }
0x1bc: {  	s30 =	simm.s32 $0x1B80;
	[sflag:s21] =	ssyncadd.s32 $0xFFFFD800  }
0x1bd: {  	[spmem:s2] =	stream.indirect.scatter.add.f32 [tilespmem:s15], [sflag:$0x4], $0x80, s30, s10, $0xb8;
	[tilespmem:$0x1D800] =	vst v63  }
0x1be: {  	_ =	swait.ge [sflag:s8], $0x2800  }
0x1bf: {  	[sflag:s8] =	ssyncset.done $0x0  }
0x1c0: {  	[sflag:s8] =	ssyncadd.s32 $0xFFFFD800  }
0x1c1: {  	_ =	swait.ge [sflag:s16], $0x2800  }
0x1c2: {  	[sflag:s16] =	ssyncset.done $0x0  }
0x1c3: {  	s30 =	simm.s32 $0x1C00;
	[sflag:s16] =	ssyncadd.s32 $0xFFFFD800  }
0x1c4: {  	[spmem:s2] =	stream.indirect.scatter.add.f32 [tilespmem:s11], [sflag:$0x4], $0x80, s30, s10, $0xb8;
	[tilespmem:$0x1D800] =	vst v63  }
0x1c5: {  	_ =	swait.ge [sflag:s8], $0x2800  }
0x1c6: {  	[sflag:s8] =	ssyncset.done $0x0  }
0x1c7: {  	s30 =	rddreg [dreg:$0x7];
	[sflag:s8] =	ssyncadd.s32 $0xFFFFD800  }
0x1c8: {  	[tilespmem:s3], [sflag:$0x4] =	stream.linear.gather [hbm4b:s30+s3], $0xC80, $0x38;
	[tilespmem:$0x1D800] =	vst v63  }
0x1c9: {  	_ =	swait.ge [sflag:s8], $0xC80  }
0x1ca: {  	[sflag:s8] =	ssyncset.done $0x0  }
0x1cb: {  	s30 =	rddreg [dreg:$0x8];
	[sflag:s8] =	ssyncadd.s32 $0xFFFFF380  }
0x1cc: {  	[tilespmem:s28], [sflag:$0x4] =	stream.linear.gather [hbm4b:s30+s3], $0xC80, $0x38;
	[tilespmem:$0x1D800] =	vst v63  }
0x1cd: {  	_ =	swait.ge [sflag:s8], $0xC80  }
0x1ce: {  	[sflag:s8] =	ssyncset.done $0x0  }
0x1cf: {  	[sflag:s8] =	ssyncadd.s32 $0xFFFFF380  }
0x1d0: {  	[tilespmem:s11], [sflag:$0x1] =	stream.indirect.gather [hbm4b:s4+s10], $0x80, s3, s10, $0xb8;
	[tilespmem:$0x1D800] =	vst v63  }
0x1d1: {  	_ = 	snop  }
0x1d2: {  	[tilespmem:s13], [sflag:$0x2] =	stream.indirect.gather [hbm4b:s4+s10], $0x80, s0, s10, $0xb8;
	[tilespmem:$0x1D800] =	vst v63  }
0x1d3: {  	s30 =	simm.s32 $0x100  }
0x1d4: {  	[tilespmem:s15], [sflag:$0x3] =	stream.indirect.gather [hbm4b:s4+s10], $0x80, s30, s10, $0xb8;
	[tilespmem:$0x1D800] =	vst v63  }
0x1d5: {  	_ =	swait.ge [sflag:s16], $0x2800  }
0x1d6: {  	[sflag:s16] =	ssyncset.done $0x0  }
0x1d7: {  	[sflag:s16] =	ssyncadd.s32 $0xFFFFD800  }
0x1d8: {  	[spmem:s2] =	stream.indirect.scatter.add.f32 [tilespmem:s11], [sflag:$0x4], $0x80, s28, s10, $0xb8;
	[tilespmem:$0x1D800] =	vst v63  }
0x1d9: {  	_ =	swait.ge [sflag:s8], $0x2800  }
0x1da: {  	[sflag:s8] =	ssyncset.done $0x0  }
0x1db: {  	[sflag:s8] =	ssyncadd.s32 $0xFFFFD800  }
0x1dc: {  	[tilespmem:s11], [sflag:$0x1] =	stream.indirect.gather [hbm4b:s4+s10], $0x80, s9, s10, $0xb8;
	[tilespmem:$0x1D800] =	vst v63  }
0x1dd: {  	_ =	swait.ge [sflag:s18], $0x2800  }
0x1de: {  	[sflag:s18] =	ssyncset.done $0x0  }
0x1df: {  	[sflag:s18] =	ssyncadd.s32 $0xFFFFD800  }
0x1e0: {  	[spmem:s2] =	stream.indirect.scatter.add.f32 [tilespmem:s13], [sflag:$0x4], $0x80, s6, s10, $0xb8;
	[tilespmem:$0x1D800] =	vst v63  }
0x1e1: {  	_ =	swait.ge [sflag:s8], $0x2800  }
0x1e2: {  	[sflag:s8] =	ssyncset.done $0x0  }
0x1e3: {  	[sflag:s8] =	ssyncadd.s32 $0xFFFFD800  }
0x1e4: {  	[tilespmem:s13], [sflag:$0x2] =	stream.indirect.gather [hbm4b:s4+s10], $0x80, s7, s10, $0xb8;
	[tilespmem:$0x1D800] =	vst v63  }
0x1e5: {  	_ =	swait.ge [sflag:s21], $0x2800  }
0x1e6: {  	[sflag:s21] =	ssyncset.done $0x0  }
0x1e7: {  	[sflag:s21] =	ssyncadd.s32 $0xFFFFD800  }
0x1e8: {  	[spmem:s2] =	stream.indirect.scatter.add.f32 [tilespmem:s15], [sflag:$0x4], $0x80, s12, s10, $0xb8;
	[tilespmem:$0x1D800] =	vst v63  }
0x1e9: {  	_ =	swait.ge [sflag:s8], $0x2800  }
0x1ea: {  	[sflag:s8] =	ssyncset.done $0x0  }
0x1eb: {  	[sflag:s8] =	ssyncadd.s32 $0xFFFFD800  }
0x1ec: {  	[tilespmem:s15], [sflag:$0x3] =	stream.indirect.gather [hbm4b:s4+s10], $0x80, s14, s10, $0xb8;
	[tilespmem:$0x1D800] =	vst v63  }
0x1ed: {  	_ =	swait.ge [sflag:s16], $0x2800  }
0x1ee: {  	[sflag:s16] =	ssyncset.done $0x0  }
0x1ef: {  	[sflag:s16] =	ssyncadd.s32 $0xFFFFD800  }
0x1f0: {  	[spmem:s2] =	stream.indirect.scatter.add.f32 [tilespmem:s11], [sflag:$0x4], $0x80, s17, s10, $0xb8;
	[tilespmem:$0x1D800] =	vst v63  }
0x1f1: {  	_ =	swait.ge [sflag:s8], $0x2800  }
0x1f2: {  	[sflag:s8] =	ssyncset.done $0x0  }
0x1f3: {  	[sflag:s8] =	ssyncadd.s32 $0xFFFFD800  }
0x1f4: {  	[tilespmem:s11], [sflag:$0x1] =	stream.indirect.gather [hbm4b:s4+s10], $0x80, s19, s10, $0xb8;
	[tilespmem:$0x1D800] =	vst v63  }
0x1f5: {  	_ =	swait.ge [sflag:s18], $0x2800  }
0x1f6: {  	[sflag:s18] =	ssyncset.done $0x0  }
0x1f7: {  	[sflag:s18] =	ssyncadd.s32 $0xFFFFD800  }
0x1f8: {  	[spmem:s2] =	stream.indirect.scatter.add.f32 [tilespmem:s13], [sflag:$0x4], $0x80, s20, s10, $0xb8;
	[tilespmem:$0x1D800] =	vst v63  }
0x1f9: {  	_ =	swait.ge [sflag:s8], $0x2800  }
0x1fa: {  	[sflag:s8] =	ssyncset.done $0x0  }
0x1fb: {  	[sflag:s8] =	ssyncadd.s32 $0xFFFFD800  }
0x1fc: {  	[tilespmem:s13], [sflag:$0x2] =	stream.indirect.gather [hbm4b:s4+s10], $0x80, s22, s10, $0xb8;
	[tilespmem:$0x1D800] =	vst v63  }
0x1fd: {  	_ =	swait.ge [sflag:s21], $0x2800  }
0x1fe: {  	[sflag:s21] =	ssyncset.done $0x0  }
0x1ff: {  	[sflag:s21] =	ssyncadd.s32 $0xFFFFD800  }
0x200: {  	[spmem:s2] =	stream.indirect.scatter.add.f32 [tilespmem:s15], [sflag:$0x4], $0x80, s23, s10, $0xb8;
	[tilespmem:$0x1D800] =	vst v63  }
0x201: {  	_ =	swait.ge [sflag:s8], $0x2800  }
0x202: {  	[sflag:s8] =	ssyncset.done $0x0  }
0x203: {  	[sflag:s8] =	ssyncadd.s32 $0xFFFFD800  }
0x204: {  	[tilespmem:s15], [sflag:$0x3] =	stream.indirect.gather [hbm4b:s4+s10], $0x80, s24, s10, $0xb8;
	[tilespmem:$0x1D800] =	vst v63  }
0x205: {  	_ =	swait.ge [sflag:s16], $0x2800  }
0x206: {  	[sflag:s16] =	ssyncset.done $0x0  }
0x207: {  	[sflag:s16] =	ssyncadd.s32 $0xFFFFD800  }
0x208: {  	[spmem:s2] =	stream.indirect.scatter.add.f32 [tilespmem:s11], [sflag:$0x4], $0x80, s25, s10, $0xb8;
	[tilespmem:$0x1D800] =	vst v63  }
0x209: {  	_ =	swait.ge [sflag:s8], $0x2800  }
0x20a: {  	[sflag:s8] =	ssyncset.done $0x0  }
0x20b: {  	[sflag:s8] =	ssyncadd.s32 $0xFFFFD800  }
0x20c: {  	[tilespmem:s11], [sflag:$0x1] =	stream.indirect.gather [hbm4b:s4+s10], $0x80, s26, s10, $0xb8;
	[tilespmem:$0x1D800] =	vst v63  }
0x20d: {  	_ =	swait.ge [sflag:s18], $0x2800  }
0x20e: {  	[sflag:s18] =	ssyncset.done $0x0  }
0x20f: {  	[sflag:s18] =	ssyncadd.s32 $0xFFFFD800  }
0x210: {  	[spmem:s2] =	stream.indirect.scatter.add.f32 [tilespmem:s13], [sflag:$0x4], $0x80, s1, s10, $0xb8;
	[tilespmem:$0x1D800] =	vst v63  }
0x211: {  	_ =	swait.ge [sflag:s8], $0x2800  }
0x212: {  	[sflag:s8] =	ssyncset.done $0x0  }
0x213: {  	s30 =	simm.s32 $0x500;
	[sflag:s8] =	ssyncadd.s32 $0xFFFFD800  }
0x214: {  	[tilespmem:s13], [sflag:$0x2] =	stream.indirect.gather [hbm4b:s4+s10], $0x80, s30, s10, $0xb8;
	[tilespmem:$0x1D800] =	vst v63  }
0x215: {  	_ =	swait.ge [sflag:s21], $0x2800  }
0x216: {  	[sflag:s21] =	ssyncset.done $0x0  }
0x217: {  	s30 =	simm.s32 $0x1400;
	[sflag:s21] =	ssyncadd.s32 $0xFFFFD800  }
0x218: {  	[spmem:s2] =	stream.indirect.scatter.add.f32 [tilespmem:s15], [sflag:$0x4], $0x80, s30, s10, $0xb8;
	[tilespmem:$0x1D800] =	vst v63  }
0x219: {  	_ =	swait.ge [sflag:s8], $0x2800  }
0x21a: {  	[sflag:s8] =	ssyncset.done $0x0  }
0x21b: {  	s30 =	simm.s32 $0x580;
	[sflag:s8] =	ssyncadd.s32 $0xFFFFD800  }
0x21c: {  	[tilespmem:s15], [sflag:$0x3] =	stream.indirect.gather [hbm4b:s4+s10], $0x80, s30, s10, $0xb8;
	[tilespmem:$0x1D800] =	vst v63  }
0x21d: {  	_ =	swait.ge [sflag:s16], $0x2800  }
0x21e: {  	[sflag:s16] =	ssyncset.done $0x0  }
0x21f: {  	s30 =	simm.s32 $0x1480;
	[sflag:s16] =	ssyncadd.s32 $0xFFFFD800  }
0x220: {  	[spmem:s2] =	stream.indirect.scatter.add.f32 [tilespmem:s11], [sflag:$0x4], $0x80, s30, s10, $0xb8;
	[tilespmem:$0x1D800] =	vst v63  }
0x221: {  	_ =	swait.ge [sflag:s8], $0x2800  }
0x222: {  	[sflag:s8] =	ssyncset.done $0x0  }
0x223: {  	s30 =	simm.s32 $0x600;
	[sflag:s8] =	ssyncadd.s32 $0xFFFFD800  }
0x224: {  	[tilespmem:s11], [sflag:$0x1] =	stream.indirect.gather [hbm4b:s4+s10], $0x80, s30, s10, $0xb8;
	[tilespmem:$0x1D800] =	vst v63  }
0x225: {  	_ =	swait.ge [sflag:s18], $0x2800  }
0x226: {  	[sflag:s18] =	ssyncset.done $0x0  }
0x227: {  	s30 =	simm.s32 $0x1500;
	[sflag:s18] =	ssyncadd.s32 $0xFFFFD800  }
0x228: {  	[spmem:s2] =	stream.indirect.scatter.add.f32 [tilespmem:s13], [sflag:$0x4], $0x80, s30, s10, $0xb8;
	[tilespmem:$0x1D800] =	vst v63  }
0x229: {  	_ =	swait.ge [sflag:s8], $0x2800  }
0x22a: {  	[sflag:s8] =	ssyncset.done $0x0  }
0x22b: {  	s30 =	simm.s32 $0x680;
	[sflag:s8] =	ssyncadd.s32 $0xFFFFD800  }
0x22c: {  	[tilespmem:s13], [sflag:$0x2] =	stream.indirect.gather [hbm4b:s4+s10], $0x80, s30, s10, $0xb8;
	[tilespmem:$0x1D800] =	vst v63  }
0x22d: {  	_ =	swait.ge [sflag:s21], $0x2800  }
0x22e: {  	[sflag:s21] =	ssyncset.done $0x0  }
0x22f: {  	s30 =	simm.s32 $0x1580;
	[sflag:s21] =	ssyncadd.s32 $0xFFFFD800  }
0x230: {  	[spmem:s2] =	stream.indirect.scatter.add.f32 [tilespmem:s15], [sflag:$0x4], $0x80, s30, s10, $0xb8;
	[tilespmem:$0x1D800] =	vst v63  }
0x231: {  	_ =	swait.ge [sflag:s8], $0x2800  }
0x232: {  	[sflag:s8] =	ssyncset.done $0x0  }
0x233: {  	s30 =	simm.s32 $0x700;
	[sflag:s8] =	ssyncadd.s32 $0xFFFFD800  }
0x234: {  	[tilespmem:s15], [sflag:$0x3] =	stream.indirect.gather [hbm4b:s4+s10], $0x80, s30, s10, $0xb8;
	[tilespmem:$0x1D800] =	vst v63  }
0x235: {  	_ =	swait.ge [sflag:s16], $0x2800  }
0x236: {  	[sflag:s16] =	ssyncset.done $0x0  }
0x237: {  	s30 =	simm.s32 $0x1600;
	[sflag:s16] =	ssyncadd.s32 $0xFFFFD800  }
0x238: {  	[spmem:s2] =	stream.indirect.scatter.add.f32 [tilespmem:s11], [sflag:$0x4], $0x80, s30, s10, $0xb8;
	[tilespmem:$0x1D800] =	vst v63  }
0x239: {  	_ =	swait.ge [sflag:s8], $0x2800  }
0x23a: {  	[sflag:s8] =	ssyncset.done $0x0  }
0x23b: {  	s30 =	simm.s32 $0x780;
	[sflag:s8] =	ssyncadd.s32 $0xFFFFD800  }
0x23c: {  	[tilespmem:s11], [sflag:$0x1] =	stream.indirect.gather [hbm4b:s4+s10], $0x80, s30, s10, $0xb8;
	[tilespmem:$0x1D800] =	vst v63  }
0x23d: {  	_ =	swait.ge [sflag:s18], $0x2800  }
0x23e: {  	[sflag:s18] =	ssyncset.done $0x0  }
0x23f: {  	s30 =	simm.s32 $0x1680;
	[sflag:s18] =	ssyncadd.s32 $0xFFFFD800  }
0x240: {  	[spmem:s2] =	stream.indirect.scatter.add.f32 [tilespmem:s13], [sflag:$0x4], $0x80, s30, s10, $0xb8;
	[tilespmem:$0x1D800] =	vst v63  }
0x241: {  	_ =	swait.ge [sflag:s8], $0x2800  }
0x242: {  	[sflag:s8] =	ssyncset.done $0x0  }
0x243: {  	s30 =	simm.s32 $0x800;
	[sflag:s8] =	ssyncadd.s32 $0xFFFFD800  }
0x244: {  	[tilespmem:s13], [sflag:$0x2] =	stream.indirect.gather [hbm4b:s4+s10], $0x80, s30, s10, $0xb8;
	[tilespmem:$0x1D800] =	vst v63  }
0x245: {  	_ =	swait.ge [sflag:s21], $0x2800  }
0x246: {  	[sflag:s21] =	ssyncset.done $0x0  }
0x247: {  	s30 =	simm.s32 $0x1700;
	[sflag:s21] =	ssyncadd.s32 $0xFFFFD800  }
0x248: {  	[spmem:s2] =	stream.indirect.scatter.add.f32 [tilespmem:s15], [sflag:$0x4], $0x80, s30, s10, $0xb8;
	[tilespmem:$0x1D800] =	vst v63  }
0x249: {  	_ =	swait.ge [sflag:s8], $0x2800  }
0x24a: {  	[sflag:s8] =	ssyncset.done $0x0  }
0x24b: {  	s30 =	simm.s32 $0x880;
	[sflag:s8] =	ssyncadd.s32 $0xFFFFD800  }
0x24c: {  	[tilespmem:s15], [sflag:$0x3] =	stream.indirect.gather [hbm4b:s4+s10], $0x80, s30, s10, $0xb8;
	[tilespmem:$0x1D800] =	vst v63  }
0x24d: {  	_ =	swait.ge [sflag:s16], $0x2800  }
0x24e: {  	[sflag:s16] =	ssyncset.done $0x0  }
0x24f: {  	s29 =	simm.s32 $0x1780;
	[sflag:s16] =	ssyncadd.s32 $0xFFFFD800  }
0x250: {  	[spmem:s2] =	stream.indirect.scatter.add.f32 [tilespmem:s11], [sflag:$0x4], $0x80, s29, s10, $0xb8;
	[tilespmem:$0x1D800] =	vst v63  }
0x251: {  	_ =	swait.ge [sflag:s8], $0x2800  }
0x252: {  	[sflag:s8] =	ssyncset.done $0x0  }
0x253: {  	s31 =	simm.s32 $0x900;
	[sflag:s8] =	ssyncadd.s32 $0xFFFFD800  }
0x254: {  	[tilespmem:s11], [sflag:$0x1] =	stream.indirect.gather [hbm4b:s4+s10], $0x80, s31, s10, $0xb8;
	[tilespmem:$0x1D800] =	vst v63  }
0x255: {  	_ =	swait.ge [sflag:s18], $0x2800  }
0x256: {  	[sflag:s18] =	ssyncset.done $0x0  }
0x257: {  	s31 =	simm.s32 $0x1800;
	[sflag:s18] =	ssyncadd.s32 $0xFFFFD800  }
0x258: {  	[spmem:s2] =	stream.indirect.scatter.add.f32 [tilespmem:s13], [sflag:$0x4], $0x80, s31, s10, $0xb8;
	[tilespmem:$0x1D800] =	vst v63  }
0x259: {  	_ =	swait.ge [sflag:s8], $0x2800  }
0x25a: {  	[sflag:s8] =	ssyncset.done $0x0  }
0x25b: {  	s29 =	simm.s32 $0x980;
	[sflag:s8] =	ssyncadd.s32 $0xFFFFD800  }
0x25c: {  	[tilespmem:s13], [sflag:$0x2] =	stream.indirect.gather [hbm4b:s4+s10], $0x80, s29, s10, $0xb8;
	[tilespmem:$0x1D800] =	vst v63  }
0x25d: {  	_ =	swait.ge [sflag:s21], $0x2800  }
0x25e: {  	[sflag:s21] =	ssyncset.done $0x0  }
0x25f: {  	s30 =	simm.s32 $0x1880;
	[sflag:s21] =	ssyncadd.s32 $0xFFFFD800  }
0x260: {  	[spmem:s2] =	stream.indirect.scatter.add.f32 [tilespmem:s15], [sflag:$0x4], $0x80, s30, s10, $0xb8;
	[tilespmem:$0x1D800] =	vst v63  }
0x261: {  	_ =	swait.ge [sflag:s8], $0x2800  }
0x262: {  	[sflag:s8] =	ssyncset.done $0x0  }
0x263: {  	s31 =	simm.s32 $0xA00;
	[sflag:s8] =	ssyncadd.s32 $0xFFFFD800  }
0x264: {  	[tilespmem:s15], [sflag:$0x3] =	stream.indirect.gather [hbm4b:s4+s10], $0x80, s31, s10, $0xb8;
	[tilespmem:$0x1D800] =	vst v63  }
0x265: {  	_ =	swait.ge [sflag:s16], $0x2800  }
0x266: {  	[sflag:s16] =	ssyncset.done $0x0  }
0x267: {  	s29 =	simm.s32 $0x1900;
	[sflag:s16] =	ssyncadd.s32 $0xFFFFD800  }
0x268: {  	[spmem:s2] =	stream.indirect.scatter.add.f32 [tilespmem:s11], [sflag:$0x4], $0x80, s29, s10, $0xb8;
	[tilespmem:$0x1D800] =	vst v63  }
0x269: {  	_ =	swait.ge [sflag:s8], $0x2800  }
0x26a: {  	[sflag:s8] =	ssyncset.done $0x0  }
0x26b: {  	s30 =	simm.s32 $0xA80;
	[sflag:s8] =	ssyncadd.s32 $0xFFFFD800  }
0x26c: {  	[tilespmem:s11], [sflag:$0x1] =	stream.indirect.gather [hbm4b:s4+s10], $0x80, s30, s10, $0xb8;
	[tilespmem:$0x1D800] =	vst v63  }
0x26d: {  	_ =	swait.ge [sflag:s18], $0x2800  }
0x26e: {  	[sflag:s18] =	ssyncset.done $0x0  }
0x26f: {  	s31 =	simm.s32 $0x1980;
	[sflag:s18] =	ssyncadd.s32 $0xFFFFD800  }
0x270: {  	[spmem:s2] =	stream.indirect.scatter.add.f32 [tilespmem:s13], [sflag:$0x4], $0x80, s31, s10, $0xb8;
	[tilespmem:$0x1D800] =	vst v63  }
0x271: {  	_ =	swait.ge [sflag:s8], $0x2800  }
0x272: {  	[sflag:s8] =	ssyncset.done $0x0  }
0x273: {  	s29 =	simm.s32 $0xB00;
	[sflag:s8] =	ssyncadd.s32 $0xFFFFD800  }
0x274: {  	[tilespmem:s13], [sflag:$0x2] =	stream.indirect.gather [hbm4b:s4+s10], $0x80, s29, s10, $0xb8;
	[tilespmem:$0x1D800] =	vst v63  }
0x275: {  	_ =	swait.ge [sflag:s21], $0x2800  }
0x276: {  	[sflag:s21] =	ssyncset.done $0x0  }
0x277: {  	s30 =	simm.s32 $0x1A00;
	[sflag:s21] =	ssyncadd.s32 $0xFFFFD800  }
0x278: {  	[spmem:s2] =	stream.indirect.scatter.add.f32 [tilespmem:s15], [sflag:$0x4], $0x80, s30, s10, $0xb8;
	[tilespmem:$0x1D800] =	vst v63  }
0x279: {  	_ =	swait.ge [sflag:s8], $0x2800  }
0x27a: {  	[sflag:s8] =	ssyncset.done $0x0  }
0x27b: {  	s31 =	simm.s32 $0xB80;
	[sflag:s8] =	ssyncadd.s32 $0xFFFFD800  }
0x27c: {  	[tilespmem:s15], [sflag:$0x3] =	stream.indirect.gather [hbm4b:s4+s10], $0x80, s31, s10, $0xb8;
	[tilespmem:$0x1D800] =	vst v63  }
0x27d: {  	_ =	swait.ge [sflag:s16], $0x2800  }
0x27e: {  	[sflag:s16] =	ssyncset.done $0x0  }
0x27f: {  	s29 =	simm.s32 $0x1A80;
	[sflag:s16] =	ssyncadd.s32 $0xFFFFD800  }
0x280: {  	[spmem:s2] =	stream.indirect.scatter.add.f32 [tilespmem:s11], [sflag:$0x4], $0x80, s29, s10, $0xb8;
	[tilespmem:$0x1D800] =	vst v63  }
0x281: {  	_ =	swait.ge [sflag:s8], $0x2800  }
0x282: {  	[sflag:s8] =	ssyncset.done $0x0  }
0x283: {  	s30 =	simm.s32 $0xC00;
	[sflag:s8] =	ssyncadd.s32 $0xFFFFD800  }
0x284: {  	[tilespmem:s11], [sflag:$0x1] =	stream.indirect.gather [hbm4b:s4+s10], $0x80, s30, s10, $0xb8;
	[tilespmem:$0x1D800] =	vst v63  }
0x285: {  	_ =	swait.ge [sflag:s18], $0x2800  }
0x286: {  	[sflag:s18] =	ssyncset.done $0x0  }
0x287: {  	s31 =	simm.s32 $0x1B00;
	[sflag:s18] =	ssyncadd.s32 $0xFFFFD800  }
0x288: {  	[spmem:s2] =	stream.indirect.scatter.add.f32 [tilespmem:s13], [sflag:$0x4], $0x80, s31, s10, $0xb8;
	[tilespmem:$0x1D800] =	vst v63  }
0x289: {  	_ =	swait.ge [sflag:s8], $0x2800  }
0x28a: {  	[sflag:s8] =	ssyncset.done $0x0  }
0x28b: {  	[sflag:s8] =	ssyncadd.s32 $0xFFFFD800  }
0x28c: {  	_ =	swait.ge [sflag:s21], $0x2800  }
0x28d: {  	[sflag:s21] =	ssyncset.done $0x0  }
0x28e: {  	s29 =	simm.s32 $0x1B80;
	[sflag:s21] =	ssyncadd.s32 $0xFFFFD800  }
0x28f: {  	[spmem:s2] =	stream.indirect.scatter.add.f32 [tilespmem:s15], [sflag:$0x4], $0x80, s29, s10, $0xb8;
	[tilespmem:$0x1D800] =	vst v63  }
0x290: {  	_ =	swait.ge [sflag:s8], $0x2800  }
0x291: {  	[sflag:s8] =	ssyncset.done $0x0  }
0x292: {  	[sflag:s8] =	ssyncadd.s32 $0xFFFFD800  }
0x293: {  	_ =	swait.ge [sflag:s16], $0x2800  }
0x294: {  	[sflag:s16] =	ssyncset.done $0x0  }
0x295: {  	s30 =	simm.s32 $0x1C00;
	[sflag:s16] =	ssyncadd.s32 $0xFFFFD800  }
0x296: {  	[spmem:s2] =	stream.indirect.scatter.add.f32 [tilespmem:s11], [sflag:$0x4], $0x80, s30, s10, $0xb8;
	[tilespmem:$0x1D800] =	vst v63  }
0x297: {  	_ =	swait.ge [sflag:s8], $0x2800  }
0x298: {  	[sflag:s8] =	ssyncset.done $0x0  }
0x299: {  	s31 =	rddreg [dreg:$0x9];
	[sflag:s8] =	ssyncadd.s32 $0xFFFFD800  }
0x29a: {  	[tilespmem:s3], [sflag:$0x4] =	stream.linear.gather [hbm4b:s31+s3], $0xC80, $0x38;
	[tilespmem:$0x1D800] =	vst v63  }
0x29b: {  	_ =	swait.ge [sflag:s8], $0xC80  }
0x29c: {  	[sflag:s8] =	ssyncset.done $0x0  }
0x29d: {  	s6 =	rddreg [dreg:$0xa];
	[sflag:s8] =	ssyncadd.s32 $0xFFFFF380  }
0x29e: {  	[tilespmem:s28], [sflag:$0x4] =	stream.linear.gather [hbm4b:s6+s3], $0xC80, $0x38;
	[tilespmem:$0x1D800] =	vst v63  }
0x29f: {  	_ =	swait.ge [sflag:s8], $0xC80  }
0x2a0: {  	[sflag:s8] =	ssyncset.done $0x0  }
0x2a1: {  	[sflag:s8] =	ssyncadd.s32 $0xFFFFF380  }
0x2a2: {  	[tilespmem:s11], [sflag:$0x1] =	stream.indirect.gather [hbm4b:s4+s10], $0x80, s3, s10, $0xb8;
	[tilespmem:$0x1D800] =	vst v63  }
0x2a3: {  	s0 =	simm.s32 $0x80  }
0x2a4: {  	[tilespmem:s13], [sflag:$0x2] =	stream.indirect.gather [hbm4b:s4+s10], $0x80, s0, s10, $0xb8;
	[tilespmem:$0x1D800] =	vst v63  }
0x2a5: {  	s29 =	simm.s32 $0x100  }
0x2a6: {  	[tilespmem:s15], [sflag:$0x3] =	stream.indirect.gather [hbm4b:s4+s10], $0x80, s29, s10, $0xb8;
	[tilespmem:$0x1D800] =	vst v63  }
0x2a7: {  	_ =	swait.ge [sflag:s16], $0x2800  }
0x2a8: {  	[sflag:s16] =	ssyncset.done $0x0  }
0x2a9: {  	[sflag:s16] =	ssyncadd.s32 $0xFFFFD800  }
0x2aa: {  	[spmem:s2] =	stream.indirect.scatter.add.f32 [tilespmem:s11], [sflag:$0x4], $0x80, s28, s10, $0xb8;
	[tilespmem:$0x1D800] =	vst v63  }
0x2ab: {  	_ =	swait.ge [sflag:s8], $0x2800  }
0x2ac: {  	[sflag:s8] =	ssyncset.done $0x0  }
0x2ad: {  	s9 =	simm.s32 $0x180;
	[sflag:s8] =	ssyncadd.s32 $0xFFFFD800  }
0x2ae: {  	[tilespmem:s11], [sflag:$0x1] =	stream.indirect.gather [hbm4b:s4+s10], $0x80, s9, s10, $0xb8;
	[tilespmem:$0x1D800] =	vst v63  }
0x2af: {  	_ =	swait.ge [sflag:s18], $0x2800  }
0x2b0: {  	[sflag:s18] =	ssyncset.done $0x0  }
0x2b1: {  	s30 =	simm.s32 $0x1080;
	[sflag:s18] =	ssyncadd.s32 $0xFFFFD800  }
0x2b2: {  	[spmem:s2] =	stream.indirect.scatter.add.f32 [tilespmem:s13], [sflag:$0x4], $0x80, s30, s10, $0xb8;
	[tilespmem:$0x1D800] =	vst v63  }
0x2b3: {  	_ =	swait.ge [sflag:s8], $0x2800  }
0x2b4: {  	[sflag:s8] =	ssyncset.done $0x0  }
0x2b5: {  	s7 =	simm.s32 $0x200;
	[sflag:s8] =	ssyncadd.s32 $0xFFFFD800  }
0x2b6: {  	[tilespmem:s13], [sflag:$0x2] =	stream.indirect.gather [hbm4b:s4+s10], $0x80, s7, s10, $0xb8;
	[tilespmem:$0x1D800] =	vst v63  }
0x2b7: {  	_ =	swait.ge [sflag:s21], $0x2800  }
0x2b8: {  	[sflag:s21] =	ssyncset.done $0x0  }
0x2b9: {  	s12 =	simm.s32 $0x1100;
	[sflag:s21] =	ssyncadd.s32 $0xFFFFD800  }
0x2ba: {  	[spmem:s2] =	stream.indirect.scatter.add.f32 [tilespmem:s15], [sflag:$0x4], $0x80, s12, s10, $0xb8;
	[tilespmem:$0x1D800] =	vst v63  }
0x2bb: {  	_ =	swait.ge [sflag:s8], $0x2800  }
0x2bc: {  	[sflag:s8] =	ssyncset.done $0x0  }
0x2bd: {  	s14 =	simm.s32 $0x280;
	[sflag:s8] =	ssyncadd.s32 $0xFFFFD800  }
0x2be: {  	[tilespmem:s15], [sflag:$0x3] =	stream.indirect.gather [hbm4b:s4+s10], $0x80, s14, s10, $0xb8;
	[tilespmem:$0x1D800] =	vst v63  }
0x2bf: {  	_ =	swait.ge [sflag:s16], $0x2800  }
0x2c0: {  	[sflag:s16] =	ssyncset.done $0x0  }
0x2c1: {  	s17 =	simm.s32 $0x1180;
	[sflag:s16] =	ssyncadd.s32 $0xFFFFD800  }
0x2c2: {  	[spmem:s2] =	stream.indirect.scatter.add.f32 [tilespmem:s11], [sflag:$0x4], $0x80, s17, s10, $0xb8;
	[tilespmem:$0x1D800] =	vst v63  }
0x2c3: {  	_ =	swait.ge [sflag:s8], $0x2800  }
0x2c4: {  	[sflag:s8] =	ssyncset.done $0x0  }
0x2c5: {  	s19 =	simm.s32 $0x300;
	[sflag:s8] =	ssyncadd.s32 $0xFFFFD800  }
0x2c6: {  	[tilespmem:s11], [sflag:$0x1] =	stream.indirect.gather [hbm4b:s4+s10], $0x80, s19, s10, $0xb8;
	[tilespmem:$0x1D800] =	vst v63  }
0x2c7: {  	_ =	swait.ge [sflag:s18], $0x2800  }
0x2c8: {  	[sflag:s18] =	ssyncset.done $0x0  }
0x2c9: {  	s20 =	simm.s32 $0x1200;
	[sflag:s18] =	ssyncadd.s32 $0xFFFFD800  }
0x2ca: {  	[spmem:s2] =	stream.indirect.scatter.add.f32 [tilespmem:s13], [sflag:$0x4], $0x80, s20, s10, $0xb8;
	[tilespmem:$0x1D800] =	vst v63  }
0x2cb: {  	_ =	swait.ge [sflag:s8], $0x2800  }
0x2cc: {  	[sflag:s8] =	ssyncset.done $0x0  }
0x2cd: {  	s22 =	simm.s32 $0x380;
	[sflag:s8] =	ssyncadd.s32 $0xFFFFD800  }
0x2ce: {  	[tilespmem:s13], [sflag:$0x2] =	stream.indirect.gather [hbm4b:s4+s10], $0x80, s22, s10, $0xb8;
	[tilespmem:$0x1D800] =	vst v63  }
0x2cf: {  	_ =	swait.ge [sflag:s21], $0x2800  }
0x2d0: {  	[sflag:s21] =	ssyncset.done $0x0  }
0x2d1: {  	s23 =	simm.s32 $0x1280;
	[sflag:s21] =	ssyncadd.s32 $0xFFFFD800  }
0x2d2: {  	[spmem:s2] =	stream.indirect.scatter.add.f32 [tilespmem:s15], [sflag:$0x4], $0x80, s23, s10, $0xb8;
	[tilespmem:$0x1D800] =	vst v63  }
0x2d3: {  	_ =	swait.ge [sflag:s8], $0x2800  }
0x2d4: {  	[sflag:s8] =	ssyncset.done $0x0  }
0x2d5: {  	s24 =	simm.s32 $0x400;
	[sflag:s8] =	ssyncadd.s32 $0xFFFFD800  }
0x2d6: {  	[tilespmem:s15], [sflag:$0x3] =	stream.indirect.gather [hbm4b:s4+s10], $0x80, s24, s10, $0xb8;
	[tilespmem:$0x1D800] =	vst v63  }
0x2d7: {  	_ =	swait.ge [sflag:s16], $0x2800  }
0x2d8: {  	[sflag:s16] =	ssyncset.done $0x0  }
0x2d9: {  	s25 =	simm.s32 $0x1300;
	[sflag:s16] =	ssyncadd.s32 $0xFFFFD800  }
0x2da: {  	[spmem:s2] =	stream.indirect.scatter.add.f32 [tilespmem:s11], [sflag:$0x4], $0x80, s25, s10, $0xb8;
	[tilespmem:$0x1D800] =	vst v63  }
0x2db: {  	_ =	swait.ge [sflag:s8], $0x2800  }
0x2dc: {  	[sflag:s8] =	ssyncset.done $0x0  }
0x2dd: {  	s26 =	simm.s32 $0x480;
	[sflag:s8] =	ssyncadd.s32 $0xFFFFD800  }
0x2de: {  	[tilespmem:s11], [sflag:$0x1] =	stream.indirect.gather [hbm4b:s4+s10], $0x80, s26, s10, $0xb8;
	[tilespmem:$0x1D800] =	vst v63  }
0x2df: {  	_ =	swait.ge [sflag:s18], $0x2800  }
0x2e0: {  	[sflag:s18] =	ssyncset.done $0x0  }
0x2e1: {  	s1 =	simm.s32 $0x1380;
	[sflag:s18] =	ssyncadd.s32 $0xFFFFD800  }
0x2e2: {  	[spmem:s2] =	stream.indirect.scatter.add.f32 [tilespmem:s13], [sflag:$0x4], $0x80, s1, s10, $0xb8;
	[tilespmem:$0x1D800] =	vst v63  }
0x2e3: {  	_ =	swait.ge [sflag:s8], $0x2800  }
0x2e4: {  	[sflag:s8] =	ssyncset.done $0x0  }
0x2e5: {  	s31 =	simm.s32 $0x500;
	[sflag:s8] =	ssyncadd.s32 $0xFFFFD800  }
0x2e6: {  	[tilespmem:s13], [sflag:$0x2] =	stream.indirect.gather [hbm4b:s4+s10], $0x80, s31, s10, $0xb8;
	[tilespmem:$0x1D800] =	vst v63  }
0x2e7: {  	_ =	swait.ge [sflag:s21], $0x2800  }
0x2e8: {  	[sflag:s21] =	ssyncset.done $0x0  }
0x2e9: {  	s30 =	simm.s32 $0x1400;
	[sflag:s21] =	ssyncadd.s32 $0xFFFFD800  }
0x2ea: {  	[spmem:s2] =	stream.indirect.scatter.add.f32 [tilespmem:s15], [sflag:$0x4], $0x80, s30, s10, $0xb8;
	[tilespmem:$0x1D800] =	vst v63  }
0x2eb: {  	_ =	swait.ge [sflag:s8], $0x2800  }
0x2ec: {  	[sflag:s8] =	ssyncset.done $0x0  }
0x2ed: {  	s31 =	simm.s32 $0x580;
	[sflag:s8] =	ssyncadd.s32 $0xFFFFD800  }
0x2ee: {  	[tilespmem:s15], [sflag:$0x3] =	stream.indirect.gather [hbm4b:s4+s10], $0x80, s31, s10, $0xb8;
	[tilespmem:$0x1D800] =	vst v63  }
0x2ef: {  	_ =	swait.ge [sflag:s16], $0x2800  }
0x2f0: {  	[sflag:s16] =	ssyncset.done $0x0  }
0x2f1: {  	s30 =	simm.s32 $0x1480;
	[sflag:s16] =	ssyncadd.s32 $0xFFFFD800  }
0x2f2: {  	[spmem:s2] =	stream.indirect.scatter.add.f32 [tilespmem:s11], [sflag:$0x4], $0x80, s30, s10, $0xb8;
	[tilespmem:$0x1D800] =	vst v63  }
0x2f3: {  	_ =	swait.ge [sflag:s8], $0x2800  }
0x2f4: {  	[sflag:s8] =	ssyncset.done $0x0  }
0x2f5: {  	s30 =	simm.s32 $0x600;
	[sflag:s8] =	ssyncadd.s32 $0xFFFFD800  }
0x2f6: {  	[tilespmem:s11], [sflag:$0x1] =	stream.indirect.gather [hbm4b:s4+s10], $0x80, s30, s10, $0xb8;
	[tilespmem:$0x1D800] =	vst v63  }
0x2f7: {  	_ =	swait.ge [sflag:s18], $0x2800  }
0x2f8: {  	[sflag:s18] =	ssyncset.done $0x0  }
0x2f9: {  	s30 =	simm.s32 $0x1500;
	[sflag:s18] =	ssyncadd.s32 $0xFFFFD800  }
0x2fa: {  	[spmem:s2] =	stream.indirect.scatter.add.f32 [tilespmem:s13], [sflag:$0x4], $0x80, s30, s10, $0xb8;
	[tilespmem:$0x1D800] =	vst v63  }
0x2fb: {  	_ =	swait.ge [sflag:s8], $0x2800  }
0x2fc: {  	[sflag:s8] =	ssyncset.done $0x0  }
0x2fd: {  	s30 =	simm.s32 $0x680;
	[sflag:s8] =	ssyncadd.s32 $0xFFFFD800  }
0x2fe: {  	[tilespmem:s13], [sflag:$0x2] =	stream.indirect.gather [hbm4b:s4+s10], $0x80, s30, s10, $0xb8;
	[tilespmem:$0x1D800] =	vst v63  }
0x2ff: {  	_ =	swait.ge [sflag:s21], $0x2800  }
0x300: {  	[sflag:s21] =	ssyncset.done $0x0  }
0x301: {  	s30 =	simm.s32 $0x1580;
	[sflag:s21] =	ssyncadd.s32 $0xFFFFD800  }
0x302: {  	[spmem:s2] =	stream.indirect.scatter.add.f32 [tilespmem:s15], [sflag:$0x4], $0x80, s30, s10, $0xb8;
	[tilespmem:$0x1D800] =	vst v63  }
0x303: {  	_ =	swait.ge [sflag:s8], $0x2800  }
0x304: {  	[sflag:s8] =	ssyncset.done $0x0  }
0x305: {  	s30 =	simm.s32 $0x700;
	[sflag:s8] =	ssyncadd.s32 $0xFFFFD800  }
0x306: {  	[tilespmem:s15], [sflag:$0x3] =	stream.indirect.gather [hbm4b:s4+s10], $0x80, s30, s10, $0xb8;
	[tilespmem:$0x1D800] =	vst v63  }
0x307: {  	_ =	swait.ge [sflag:s16], $0x2800  }
0x308: {  	[sflag:s16] =	ssyncset.done $0x0  }
0x309: {  	s30 =	simm.s32 $0x1600;
	[sflag:s16] =	ssyncadd.s32 $0xFFFFD800  }
0x30a: {  	[spmem:s2] =	stream.indirect.scatter.add.f32 [tilespmem:s11], [sflag:$0x4], $0x80, s30, s10, $0xb8;
	[tilespmem:$0x1D800] =	vst v63  }
0x30b: {  	_ =	swait.ge [sflag:s8], $0x2800  }
0x30c: {  	[sflag:s8] =	ssyncset.done $0x0  }
0x30d: {  	s30 =	simm.s32 $0x780;
	[sflag:s8] =	ssyncadd.s32 $0xFFFFD800  }
0x30e: {  	[tilespmem:s11], [sflag:$0x1] =	stream.indirect.gather [hbm4b:s4+s10], $0x80, s30, s10, $0xb8;
	[tilespmem:$0x1D800] =	vst v63  }
0x30f: {  	_ =	swait.ge [sflag:s18], $0x2800  }
0x310: {  	[sflag:s18] =	ssyncset.done $0x0  }
0x311: {  	s30 =	simm.s32 $0x1680;
	[sflag:s18] =	ssyncadd.s32 $0xFFFFD800  }
0x312: {  	[spmem:s2] =	stream.indirect.scatter.add.f32 [tilespmem:s13], [sflag:$0x4], $0x80, s30, s10, $0xb8;
	[tilespmem:$0x1D800] =	vst v63  }
0x313: {  	_ =	swait.ge [sflag:s8], $0x2800  }
0x314: {  	[sflag:s8] =	ssyncset.done $0x0  }
0x315: {  	s30 =	simm.s32 $0x800;
	[sflag:s8] =	ssyncadd.s32 $0xFFFFD800  }
0x316: {  	[tilespmem:s13], [sflag:$0x2] =	stream.indirect.gather [hbm4b:s4+s10], $0x80, s30, s10, $0xb8;
	[tilespmem:$0x1D800] =	vst v63  }
0x317: {  	_ =	swait.ge [sflag:s21], $0x2800  }
0x318: {  	[sflag:s21] =	ssyncset.done $0x0  }
0x319: {  	s30 =	simm.s32 $0x1700;
	[sflag:s21] =	ssyncadd.s32 $0xFFFFD800  }
0x31a: {  	[spmem:s2] =	stream.indirect.scatter.add.f32 [tilespmem:s15], [sflag:$0x4], $0x80, s30, s10, $0xb8;
	[tilespmem:$0x1D800] =	vst v63  }
0x31b: {  	_ =	swait.ge [sflag:s8], $0x2800  }
0x31c: {  	[sflag:s8] =	ssyncset.done $0x0  }
0x31d: {  	s30 =	simm.s32 $0x880;
	[sflag:s8] =	ssyncadd.s32 $0xFFFFD800  }
0x31e: {  	[tilespmem:s15], [sflag:$0x3] =	stream.indirect.gather [hbm4b:s4+s10], $0x80, s30, s10, $0xb8;
	[tilespmem:$0x1D800] =	vst v63  }
0x31f: {  	_ =	swait.ge [sflag:s16], $0x2800  }
0x320: {  	[sflag:s16] =	ssyncset.done $0x0  }
0x321: {  	s30 =	simm.s32 $0x1780;
	[sflag:s16] =	ssyncadd.s32 $0xFFFFD800  }
0x322: {  	[spmem:s2] =	stream.indirect.scatter.add.f32 [tilespmem:s11], [sflag:$0x4], $0x80, s30, s10, $0xb8;
	[tilespmem:$0x1D800] =	vst v63  }
0x323: {  	_ =	swait.ge [sflag:s8], $0x2800  }
0x324: {  	[sflag:s8] =	ssyncset.done $0x0  }
0x325: {  	s30 =	simm.s32 $0x900;
	[sflag:s8] =	ssyncadd.s32 $0xFFFFD800  }
0x326: {  	[tilespmem:s11], [sflag:$0x1] =	stream.indirect.gather [hbm4b:s4+s10], $0x80, s30, s10, $0xb8;
	[tilespmem:$0x1D800] =	vst v63  }
0x327: {  	_ =	swait.ge [sflag:s18], $0x2800  }
0x328: {  	[sflag:s18] =	ssyncset.done $0x0  }
0x329: {  	s30 =	simm.s32 $0x1800;
	[sflag:s18] =	ssyncadd.s32 $0xFFFFD800  }
0x32a: {  	[spmem:s2] =	stream.indirect.scatter.add.f32 [tilespmem:s13], [sflag:$0x4], $0x80, s30, s10, $0xb8;
	[tilespmem:$0x1D800] =	vst v63  }
0x32b: {  	_ =	swait.ge [sflag:s8], $0x2800  }
0x32c: {  	[sflag:s8] =	ssyncset.done $0x0  }
0x32d: {  	s30 =	simm.s32 $0x980;
	[sflag:s8] =	ssyncadd.s32 $0xFFFFD800  }
0x32e: {  	[tilespmem:s13], [sflag:$0x2] =	stream.indirect.gather [hbm4b:s4+s10], $0x80, s30, s10, $0xb8;
	[tilespmem:$0x1D800] =	vst v63  }
0x32f: {  	_ =	swait.ge [sflag:s21], $0x2800  }
0x330: {  	[sflag:s21] =	ssyncset.done $0x0  }
0x331: {  	s30 =	simm.s32 $0x1880;
	[sflag:s21] =	ssyncadd.s32 $0xFFFFD800  }
0x332: {  	[spmem:s2] =	stream.indirect.scatter.add.f32 [tilespmem:s15], [sflag:$0x4], $0x80, s30, s10, $0xb8;
	[tilespmem:$0x1D800] =	vst v63  }
0x333: {  	_ =	swait.ge [sflag:s8], $0x2800  }
0x334: {  	[sflag:s8] =	ssyncset.done $0x0  }
0x335: {  	s30 =	simm.s32 $0xA00;
	[sflag:s8] =	ssyncadd.s32 $0xFFFFD800  }
0x336: {  	[tilespmem:s15], [sflag:$0x3] =	stream.indirect.gather [hbm4b:s4+s10], $0x80, s30, s10, $0xb8;
	[tilespmem:$0x1D800] =	vst v63  }
0x337: {  	_ =	swait.ge [sflag:s16], $0x2800  }
0x338: {  	[sflag:s16] =	ssyncset.done $0x0  }
0x339: {  	s30 =	simm.s32 $0x1900;
	[sflag:s16] =	ssyncadd.s32 $0xFFFFD800  }
0x33a: {  	[spmem:s2] =	stream.indirect.scatter.add.f32 [tilespmem:s11], [sflag:$0x4], $0x80, s30, s10, $0xb8;
	[tilespmem:$0x1D800] =	vst v63  }
0x33b: {  	_ =	swait.ge [sflag:s8], $0x2800  }
0x33c: {  	[sflag:s8] =	ssyncset.done $0x0  }
0x33d: {  	s30 =	simm.s32 $0xA80;
	[sflag:s8] =	ssyncadd.s32 $0xFFFFD800  }
0x33e: {  	[tilespmem:s11], [sflag:$0x1] =	stream.indirect.gather [hbm4b:s4+s10], $0x80, s30, s10, $0xb8;
	[tilespmem:$0x1D800] =	vst v63  }
0x33f: {  	_ =	swait.ge [sflag:s18], $0x2800  }
0x340: {  	[sflag:s18] =	ssyncset.done $0x0  }
0x341: {  	s30 =	simm.s32 $0x1980;
	[sflag:s18] =	ssyncadd.s32 $0xFFFFD800  }
0x342: {  	[spmem:s2] =	stream.indirect.scatter.add.f32 [tilespmem:s13], [sflag:$0x4], $0x80, s30, s10, $0xb8;
	[tilespmem:$0x1D800] =	vst v63  }
0x343: {  	_ =	swait.ge [sflag:s8], $0x2800  }
0x344: {  	[sflag:s8] =	ssyncset.done $0x0  }
0x345: {  	s30 =	simm.s32 $0xB00;
	[sflag:s8] =	ssyncadd.s32 $0xFFFFD800  }
0x346: {  	[tilespmem:s13], [sflag:$0x2] =	stream.indirect.gather [hbm4b:s4+s10], $0x80, s30, s10, $0xb8;
	[tilespmem:$0x1D800] =	vst v63  }
0x347: {  	_ =	swait.ge [sflag:s21], $0x2800  }
0x348: {  	[sflag:s21] =	ssyncset.done $0x0  }
0x349: {  	s30 =	simm.s32 $0x1A00;
	[sflag:s21] =	ssyncadd.s32 $0xFFFFD800  }
0x34a: {  	[spmem:s2] =	stream.indirect.scatter.add.f32 [tilespmem:s15], [sflag:$0x4], $0x80, s30, s10, $0xb8;
	[tilespmem:$0x1D800] =	vst v63  }
0x34b: {  	_ =	swait.ge [sflag:s8], $0x2800  }
0x34c: {  	[sflag:s8] =	ssyncset.done $0x0  }
0x34d: {  	s30 =	simm.s32 $0xB80;
	[sflag:s8] =	ssyncadd.s32 $0xFFFFD800  }
0x34e: {  	[tilespmem:s15], [sflag:$0x3] =	stream.indirect.gather [hbm4b:s4+s10], $0x80, s30, s10, $0xb8;
	[tilespmem:$0x1D800] =	vst v63  }
0x34f: {  	_ =	swait.ge [sflag:s16], $0x2800  }
0x350: {  	[sflag:s16] =	ssyncset.done $0x0  }
0x351: {  	s30 =	simm.s32 $0x1A80;
	[sflag:s16] =	ssyncadd.s32 $0xFFFFD800  }
0x352: {  	[spmem:s2] =	stream.indirect.scatter.add.f32 [tilespmem:s11], [sflag:$0x4], $0x80, s30, s10, $0xb8;
	[tilespmem:$0x1D800] =	vst v63  }
0x353: {  	_ =	swait.ge [sflag:s8], $0x2800  }
0x354: {  	[sflag:s8] =	ssyncset.done $0x0  }
0x355: {  	s30 =	simm.s32 $0xC00;
	[sflag:s8] =	ssyncadd.s32 $0xFFFFD800  }
0x356: {  	[tilespmem:s11], [sflag:$0x1] =	stream.indirect.gather [hbm4b:s4+s10], $0x80, s30, s10, $0xb8;
	[tilespmem:$0x1D800] =	vst v63  }
0x357: {  	_ =	swait.ge [sflag:s18], $0x2800  }
0x358: {  	[sflag:s18] =	ssyncset.done $0x0  }
0x359: {  	s30 =	simm.s32 $0x1B00;
	[sflag:s18] =	ssyncadd.s32 $0xFFFFD800  }
0x35a: {  	[spmem:s2] =	stream.indirect.scatter.add.f32 [tilespmem:s13], [sflag:$0x4], $0x80, s30, s10, $0xb8;
	[tilespmem:$0x1D800] =	vst v63  }
0x35b: {  	_ =	swait.ge [sflag:s8], $0x2800  }
0x35c: {  	[sflag:s8] =	ssyncset.done $0x0  }
0x35d: {  	[sflag:s8] =	ssyncadd.s32 $0xFFFFD800  }
0x35e: {  	_ =	swait.ge [sflag:s21], $0x2800  }
0x35f: {  	[sflag:s21] =	ssyncset.done $0x0  }
0x360: {  	s30 =	simm.s32 $0x1B80;
	[sflag:s21] =	ssyncadd.s32 $0xFFFFD800  }
0x361: {  	[spmem:s2] =	stream.indirect.scatter.add.f32 [tilespmem:s15], [sflag:$0x4], $0x80, s30, s10, $0xb8;
	[tilespmem:$0x1D800] =	vst v63  }
0x362: {  	_ =	swait.ge [sflag:s8], $0x2800  }
0x363: {  	[sflag:s8] =	ssyncset.done $0x0  }
0x364: {  	[sflag:s8] =	ssyncadd.s32 $0xFFFFD800  }
0x365: {  	_ =	swait.ge [sflag:s16], $0x2800  }
0x366: {  	[sflag:s16] =	ssyncset.done $0x0  }
0x367: {  	s30 =	simm.s32 $0x1C00;
	[sflag:s16] =	ssyncadd.s32 $0xFFFFD800  }
0x368: {  	[spmem:s2] =	stream.indirect.scatter.add.f32 [tilespmem:s11], [sflag:$0x4], $0x80, s30, s10, $0xb8;
	[tilespmem:$0x1D800] =	vst v63  }
0x369: {  	_ =	swait.ge [sflag:s8], $0x2800  }
0x36a: {  	[sflag:s8] =	ssyncset.done $0x0  }
0x36b: {  	s30 =	rddreg [dreg:$0xb];
	[sflag:s8] =	ssyncadd.s32 $0xFFFFD800  }
0x36c: {  	[tilespmem:s3], [sflag:$0x4] =	stream.linear.gather [hbm4b:s30+s3], $0xC80, $0x38;
	[tilespmem:$0x1D800] =	vst v63  }
0x36d: {  	_ =	swait.ge [sflag:s8], $0xC80  }
0x36e: {  	[sflag:s8] =	ssyncset.done $0x0  }
0x36f: {  	s30 =	rddreg [dreg:$0xc];
	[sflag:s8] =	ssyncadd.s32 $0xFFFFF380  }
0x370: {  	[tilespmem:s28], [sflag:$0x4] =	stream.linear.gather [hbm4b:s30+s3], $0xC80, $0x38;
	[tilespmem:$0x1D800] =	vst v63  }
0x371: {  	_ =	swait.ge [sflag:s8], $0xC80  }
0x372: {  	[sflag:s8] =	ssyncset.done $0x0  }
0x373: {  	[sflag:s8] =	ssyncadd.s32 $0xFFFFF380  }
0x374: {  	[tilespmem:s11], [sflag:$0x1] =	stream.indirect.gather [hbm4b:s4+s10], $0x80, s3, s10, $0xb8;
	[tilespmem:$0x1D800] =	vst v63  }
0x375: {  	s0 =	simm.s32 $0x80  }
0x376: {  	[tilespmem:s13], [sflag:$0x2] =	stream.indirect.gather [hbm4b:s4+s10], $0x80, s0, s10, $0xb8;
	[tilespmem:$0x1D800] =	vst v63  }
0x377: {  	s30 =	simm.s32 $0x100  }
0x378: {  	[tilespmem:s15], [sflag:$0x3] =	stream.indirect.gather [hbm4b:s4+s10], $0x80, s30, s10, $0xb8;
	[tilespmem:$0x1D800] =	vst v63  }
0x379: {  	_ =	swait.ge [sflag:s16], $0x2800  }
0x37a: {  	[sflag:s16] =	ssyncset.done $0x0  }
0x37b: {  	[sflag:s16] =	ssyncadd.s32 $0xFFFFD800  }
0x37c: {  	[spmem:s2] =	stream.indirect.scatter.add.f32 [tilespmem:s11], [sflag:$0x4], $0x80, s28, s10, $0xb8;
	[tilespmem:$0x1D800] =	vst v63  }
0x37d: {  	_ =	swait.ge [sflag:s8], $0x2800  }
0x37e: {  	[sflag:s8] =	ssyncset.done $0x0  }
0x37f: {  	s6 =	simm.s32 $0x180;
	[sflag:s8] =	ssyncadd.s32 $0xFFFFD800  }
0x380: {  	[tilespmem:s11], [sflag:$0x1] =	stream.indirect.gather [hbm4b:s4+s10], $0x80, s6, s10, $0xb8;
	[tilespmem:$0x1D800] =	vst v63  }
0x381: {  	_ =	swait.ge [sflag:s18], $0x2800  }
0x382: {  	[sflag:s18] =	ssyncset.done $0x0  }
0x383: {  	s9 =	simm.s32 $0x1080;
	[sflag:s18] =	ssyncadd.s32 $0xFFFFD800  }
0x384: {  	[spmem:s2] =	stream.indirect.scatter.add.f32 [tilespmem:s13], [sflag:$0x4], $0x80, s9, s10, $0xb8;
	[tilespmem:$0x1D800] =	vst v63  }
0x385: {  	_ =	swait.ge [sflag:s8], $0x2800  }
0x386: {  	[sflag:s8] =	ssyncset.done $0x0  }
0x387: {  	s7 =	simm.s32 $0x200;
	[sflag:s8] =	ssyncadd.s32 $0xFFFFD800  }
0x388: {  	[tilespmem:s13], [sflag:$0x2] =	stream.indirect.gather [hbm4b:s4+s10], $0x80, s7, s10, $0xb8;
	[tilespmem:$0x1D800] =	vst v63  }
0x389: {  	_ =	swait.ge [sflag:s21], $0x2800  }
0x38a: {  	[sflag:s21] =	ssyncset.done $0x0  }
0x38b: {  	s12 =	simm.s32 $0x1100;
	[sflag:s21] =	ssyncadd.s32 $0xFFFFD800  }
0x38c: {  	[spmem:s2] =	stream.indirect.scatter.add.f32 [tilespmem:s15], [sflag:$0x4], $0x80, s12, s10, $0xb8;
	[tilespmem:$0x1D800] =	vst v63  }
0x38d: {  	_ =	swait.ge [sflag:s8], $0x2800  }
0x38e: {  	[sflag:s8] =	ssyncset.done $0x0  }
0x38f: {  	s14 =	simm.s32 $0x280;
	[sflag:s8] =	ssyncadd.s32 $0xFFFFD800  }
0x390: {  	[tilespmem:s15], [sflag:$0x3] =	stream.indirect.gather [hbm4b:s4+s10], $0x80, s14, s10, $0xb8;
	[tilespmem:$0x1D800] =	vst v63  }
0x391: {  	_ =	swait.ge [sflag:s16], $0x2800  }
0x392: {  	[sflag:s16] =	ssyncset.done $0x0  }
0x393: {  	s17 =	simm.s32 $0x1180;
	[sflag:s16] =	ssyncadd.s32 $0xFFFFD800  }
0x394: {  	[spmem:s2] =	stream.indirect.scatter.add.f32 [tilespmem:s11], [sflag:$0x4], $0x80, s17, s10, $0xb8;
	[tilespmem:$0x1D800] =	vst v63  }
0x395: {  	_ =	swait.ge [sflag:s8], $0x2800  }
0x396: {  	[sflag:s8] =	ssyncset.done $0x0  }
0x397: {  	s19 =	simm.s32 $0x300;
	[sflag:s8] =	ssyncadd.s32 $0xFFFFD800  }
0x398: {  	[tilespmem:s11], [sflag:$0x1] =	stream.indirect.gather [hbm4b:s4+s10], $0x80, s19, s10, $0xb8;
	[tilespmem:$0x1D800] =	vst v63  }
0x399: {  	_ =	swait.ge [sflag:s18], $0x2800  }
0x39a: {  	[sflag:s18] =	ssyncset.done $0x0  }
0x39b: {  	s20 =	simm.s32 $0x1200;
	[sflag:s18] =	ssyncadd.s32 $0xFFFFD800  }
0x39c: {  	[spmem:s2] =	stream.indirect.scatter.add.f32 [tilespmem:s13], [sflag:$0x4], $0x80, s20, s10, $0xb8;
	[tilespmem:$0x1D800] =	vst v63  }
0x39d: {  	_ =	swait.ge [sflag:s8], $0x2800  }
0x39e: {  	[sflag:s8] =	ssyncset.done $0x0  }
0x39f: {  	s22 =	simm.s32 $0x380;
	[sflag:s8] =	ssyncadd.s32 $0xFFFFD800  }
0x3a0: {  	[tilespmem:s13], [sflag:$0x2] =	stream.indirect.gather [hbm4b:s4+s10], $0x80, s22, s10, $0xb8;
	[tilespmem:$0x1D800] =	vst v63  }
0x3a1: {  	_ =	swait.ge [sflag:s21], $0x2800  }
0x3a2: {  	[sflag:s21] =	ssyncset.done $0x0  }
0x3a3: {  	s23 =	simm.s32 $0x1280;
	[sflag:s21] =	ssyncadd.s32 $0xFFFFD800  }
0x3a4: {  	[spmem:s2] =	stream.indirect.scatter.add.f32 [tilespmem:s15], [sflag:$0x4], $0x80, s23, s10, $0xb8;
	[tilespmem:$0x1D800] =	vst v63  }
0x3a5: {  	_ =	swait.ge [sflag:s8], $0x2800  }
0x3a6: {  	[sflag:s8] =	ssyncset.done $0x0  }
0x3a7: {  	s24 =	simm.s32 $0x400;
	[sflag:s8] =	ssyncadd.s32 $0xFFFFD800  }
0x3a8: {  	[tilespmem:s15], [sflag:$0x3] =	stream.indirect.gather [hbm4b:s4+s10], $0x80, s24, s10, $0xb8;
	[tilespmem:$0x1D800] =	vst v63  }
0x3a9: {  	_ =	swait.ge [sflag:s16], $0x2800  }
0x3aa: {  	[sflag:s16] =	ssyncset.done $0x0  }
0x3ab: {  	s25 =	simm.s32 $0x1300;
	[sflag:s16] =	ssyncadd.s32 $0xFFFFD800  }
0x3ac: {  	[spmem:s2] =	stream.indirect.scatter.add.f32 [tilespmem:s11], [sflag:$0x4], $0x80, s25, s10, $0xb8;
	[tilespmem:$0x1D800] =	vst v63  }
0x3ad: {  	_ =	swait.ge [sflag:s8], $0x2800  }
0x3ae: {  	[sflag:s8] =	ssyncset.done $0x0  }
0x3af: {  	s26 =	simm.s32 $0x480;
	[sflag:s8] =	ssyncadd.s32 $0xFFFFD800  }
0x3b0: {  	[tilespmem:s11], [sflag:$0x1] =	stream.indirect.gather [hbm4b:s4+s10], $0x80, s26, s10, $0xb8;
	[tilespmem:$0x1D800] =	vst v63  }
0x3b1: {  	_ =	swait.ge [sflag:s18], $0x2800  }
0x3b2: {  	[sflag:s18] =	ssyncset.done $0x0  }
0x3b3: {  	s1 =	simm.s32 $0x1380;
	[sflag:s18] =	ssyncadd.s32 $0xFFFFD800  }
0x3b4: {  	[spmem:s2] =	stream.indirect.scatter.add.f32 [tilespmem:s13], [sflag:$0x4], $0x80, s1, s10, $0xb8;
	[tilespmem:$0x1D800] =	vst v63  }
0x3b5: {  	_ =	swait.ge [sflag:s8], $0x2800  }
0x3b6: {  	[sflag:s8] =	ssyncset.done $0x0  }
0x3b7: {  	s1 =	simm.s32 $0x500;
	[sflag:s8] =	ssyncadd.s32 $0xFFFFD800  }
0x3b8: {  	[tilespmem:s13], [sflag:$0x2] =	stream.indirect.gather [hbm4b:s4+s10], $0x80, s1, s10, $0xb8;
	[tilespmem:$0x1D800] =	vst v63  }
0x3b9: {  	_ =	swait.ge [sflag:s21], $0x2800  }
0x3ba: {  	[sflag:s21] =	ssyncset.done $0x0  }
0x3bb: {  	s29 =	simm.s32 $0x1400;
	[sflag:s21] =	ssyncadd.s32 $0xFFFFD800  }
0x3bc: {  	[spmem:s2] =	stream.indirect.scatter.add.f32 [tilespmem:s15], [sflag:$0x4], $0x80, s29, s10, $0xb8;
	[tilespmem:$0x1D800] =	vst v63  }
0x3bd: {  	_ =	swait.ge [sflag:s8], $0x2800  }
0x3be: {  	[sflag:s8] =	ssyncset.done $0x0  }
0x3bf: {  	s31 =	simm.s32 $0x580;
	[sflag:s8] =	ssyncadd.s32 $0xFFFFD800  }
0x3c0: {  	[tilespmem:s15], [sflag:$0x3] =	stream.indirect.gather [hbm4b:s4+s10], $0x80, s31, s10, $0xb8;
	[tilespmem:$0x1D800] =	vst v63  }
0x3c1: {  	_ =	swait.ge [sflag:s16], $0x2800  }
0x3c2: {  	[sflag:s16] =	ssyncset.done $0x0  }
0x3c3: {  	s6 =	simm.s32 $0x1480;
	[sflag:s16] =	ssyncadd.s32 $0xFFFFD800  }
0x3c4: {  	[spmem:s2] =	stream.indirect.scatter.add.f32 [tilespmem:s11], [sflag:$0x4], $0x80, s6, s10, $0xb8;
	[tilespmem:$0x1D800] =	vst v63  }
0x3c5: {  	_ =	swait.ge [sflag:s8], $0x2800  }
0x3c6: {  	[sflag:s8] =	ssyncset.done $0x0  }
0x3c7: {  	s7 =	simm.s32 $0x600;
	[sflag:s8] =	ssyncadd.s32 $0xFFFFD800  }
0x3c8: {  	[tilespmem:s11], [sflag:$0x1] =	stream.indirect.gather [hbm4b:s4+s10], $0x80, s7, s10, $0xb8;
	[tilespmem:$0x1D800] =	vst v63  }
0x3c9: {  	_ =	swait.ge [sflag:s18], $0x2800  }
0x3ca: {  	[sflag:s18] =	ssyncset.done $0x0  }
0x3cb: {  	s9 =	simm.s32 $0x1500;
	[sflag:s18] =	ssyncadd.s32 $0xFFFFD800  }
0x3cc: {  	[spmem:s2] =	stream.indirect.scatter.add.f32 [tilespmem:s13], [sflag:$0x4], $0x80, s9, s10, $0xb8;
	[tilespmem:$0x1D800] =	vst v63  }
0x3cd: {  	_ =	swait.ge [sflag:s8], $0x2800  }
0x3ce: {  	[sflag:s8] =	ssyncset.done $0x0  }
0x3cf: {  	s12 =	simm.s32 $0x680;
	[sflag:s8] =	ssyncadd.s32 $0xFFFFD800  }
0x3d0: {  	[tilespmem:s13], [sflag:$0x2] =	stream.indirect.gather [hbm4b:s4+s10], $0x80, s12, s10, $0xb8;
	[tilespmem:$0x1D800] =	vst v63  }
0x3d1: {  	_ =	swait.ge [sflag:s21], $0x2800  }
0x3d2: {  	[sflag:s21] =	ssyncset.done $0x0  }
0x3d3: {  	s14 =	simm.s32 $0x1580;
	[sflag:s21] =	ssyncadd.s32 $0xFFFFD800  }
0x3d4: {  	[spmem:s2] =	stream.indirect.scatter.add.f32 [tilespmem:s15], [sflag:$0x4], $0x80, s14, s10, $0xb8;
	[tilespmem:$0x1D800] =	vst v63  }
0x3d5: {  	_ =	swait.ge [sflag:s8], $0x2800  }
0x3d6: {  	[sflag:s8] =	ssyncset.done $0x0  }
0x3d7: {  	s17 =	simm.s32 $0x700;
	[sflag:s8] =	ssyncadd.s32 $0xFFFFD800  }
0x3d8: {  	[tilespmem:s15], [sflag:$0x3] =	stream.indirect.gather [hbm4b:s4+s10], $0x80, s17, s10, $0xb8;
	[tilespmem:$0x1D800] =	vst v63  }
0x3d9: {  	_ =	swait.ge [sflag:s16], $0x2800  }
0x3da: {  	[sflag:s16] =	ssyncset.done $0x0  }
0x3db: {  	s19 =	simm.s32 $0x1600;
	[sflag:s16] =	ssyncadd.s32 $0xFFFFD800  }
0x3dc: {  	[spmem:s2] =	stream.indirect.scatter.add.f32 [tilespmem:s11], [sflag:$0x4], $0x80, s19, s10, $0xb8;
	[tilespmem:$0x1D800] =	vst v63  }
0x3dd: {  	_ =	swait.ge [sflag:s8], $0x2800  }
0x3de: {  	[sflag:s8] =	ssyncset.done $0x0  }
0x3df: {  	s20 =	simm.s32 $0x780;
	[sflag:s8] =	ssyncadd.s32 $0xFFFFD800  }
0x3e0: {  	[tilespmem:s11], [sflag:$0x1] =	stream.indirect.gather [hbm4b:s4+s10], $0x80, s20, s10, $0xb8;
	[tilespmem:$0x1D800] =	vst v63  }
0x3e1: {  	_ =	swait.ge [sflag:s18], $0x2800  }
0x3e2: {  	[sflag:s18] =	ssyncset.done $0x0  }
0x3e3: {  	s22 =	simm.s32 $0x1680;
	[sflag:s18] =	ssyncadd.s32 $0xFFFFD800  }
0x3e4: {  	[spmem:s2] =	stream.indirect.scatter.add.f32 [tilespmem:s13], [sflag:$0x4], $0x80, s22, s10, $0xb8;
	[tilespmem:$0x1D800] =	vst v63  }
0x3e5: {  	_ =	swait.ge [sflag:s8], $0x2800  }
0x3e6: {  	[sflag:s8] =	ssyncset.done $0x0  }
0x3e7: {  	s23 =	simm.s32 $0x800;
	[sflag:s8] =	ssyncadd.s32 $0xFFFFD800  }
0x3e8: {  	[tilespmem:s13], [sflag:$0x2] =	stream.indirect.gather [hbm4b:s4+s10], $0x80, s23, s10, $0xb8;
	[tilespmem:$0x1D800] =	vst v63  }
0x3e9: {  	_ =	swait.ge [sflag:s21], $0x2800  }
0x3ea: {  	[sflag:s21] =	ssyncset.done $0x0  }
0x3eb: {  	s24 =	simm.s32 $0x1700;
	[sflag:s21] =	ssyncadd.s32 $0xFFFFD800  }
0x3ec: {  	[spmem:s2] =	stream.indirect.scatter.add.f32 [tilespmem:s15], [sflag:$0x4], $0x80, s24, s10, $0xb8;
	[tilespmem:$0x1D800] =	vst v63  }
0x3ed: {  	_ =	swait.ge [sflag:s8], $0x2800  }
0x3ee: {  	[sflag:s8] =	ssyncset.done $0x0  }
0x3ef: {  	s25 =	simm.s32 $0x880;
	[sflag:s8] =	ssyncadd.s32 $0xFFFFD800  }
0x3f0: {  	[tilespmem:s15], [sflag:$0x3] =	stream.indirect.gather [hbm4b:s4+s10], $0x80, s25, s10, $0xb8;
	[tilespmem:$0x1D800] =	vst v63  }
0x3f1: {  	_ =	swait.ge [sflag:s16], $0x2800  }
0x3f2: {  	[sflag:s16] =	ssyncset.done $0x0  }
0x3f3: {  	s26 =	simm.s32 $0x1780;
	[sflag:s16] =	ssyncadd.s32 $0xFFFFD800  }
0x3f4: {  	[spmem:s2] =	stream.indirect.scatter.add.f32 [tilespmem:s11], [sflag:$0x4], $0x80, s26, s10, $0xb8;
	[tilespmem:$0x1D800] =	vst v63  }
0x3f5: {  	_ =	swait.ge [sflag:s8], $0x2800  }
0x3f6: {  	[sflag:s8] =	ssyncset.done $0x0  }
0x3f7: {  	s29 =	simm.s32 $0x900;
	[sflag:s8] =	ssyncadd.s32 $0xFFFFD800  }
0x3f8: {  	[tilespmem:s11], [sflag:$0x1] =	stream.indirect.gather [hbm4b:s4+s10], $0x80, s29, s10, $0xb8;
	[tilespmem:$0x1D800] =	vst v63  }
0x3f9: {  	_ =	swait.ge [sflag:s18], $0x2800  }
0x3fa: {  	[sflag:s18] =	ssyncset.done $0x0  }
0x3fb: {  	s30 =	simm.s32 $0x1800;
	[sflag:s18] =	ssyncadd.s32 $0xFFFFD800  }
0x3fc: {  	[spmem:s2] =	stream.indirect.scatter.add.f32 [tilespmem:s13], [sflag:$0x4], $0x80, s30, s10, $0xb8;
	[tilespmem:$0x1D800] =	vst v63  }
0x3fd: {  	_ =	swait.ge [sflag:s8], $0x2800  }
0x3fe: {  	[sflag:s8] =	ssyncset.done $0x0  }
0x3ff: {  	s31 =	simm.s32 $0x980;
	[sflag:s8] =	ssyncadd.s32 $0xFFFFD800  }
0x400: {  	[tilespmem:s13], [sflag:$0x2] =	stream.indirect.gather [hbm4b:s4+s10], $0x80, s31, s10, $0xb8;
	[tilespmem:$0x1D800] =	vst v63  }
0x401: {  	_ =	swait.ge [sflag:s21], $0x2800  }
0x402: {  	[sflag:s21] =	ssyncset.done $0x0  }
0x403: {  	s1 =	simm.s32 $0x1880;
	[sflag:s21] =	ssyncadd.s32 $0xFFFFD800  }
0x404: {  	[spmem:s2] =	stream.indirect.scatter.add.f32 [tilespmem:s15], [sflag:$0x4], $0x80, s1, s10, $0xb8;
	[tilespmem:$0x1D800] =	vst v63  }
0x405: {  	_ =	swait.ge [sflag:s8], $0x2800  }
0x406: {  	[sflag:s8] =	ssyncset.done $0x0  }
0x407: {  	s6 =	simm.s32 $0xA00;
	[sflag:s8] =	ssyncadd.s32 $0xFFFFD800  }
0x408: {  	[tilespmem:s15], [sflag:$0x3] =	stream.indirect.gather [hbm4b:s4+s10], $0x80, s6, s10, $0xb8;
	[tilespmem:$0x1D800] =	vst v63  }
0x409: {  	_ =	swait.ge [sflag:s16], $0x2800  }
0x40a: {  	[sflag:s16] =	ssyncset.done $0x0  }
0x40b: {  	s7 =	simm.s32 $0x1900;
	[sflag:s16] =	ssyncadd.s32 $0xFFFFD800  }
0x40c: {  	[spmem:s2] =	stream.indirect.scatter.add.f32 [tilespmem:s11], [sflag:$0x4], $0x80, s7, s10, $0xb8;
	[tilespmem:$0x1D800] =	vst v63  }
0x40d: {  	_ =	swait.ge [sflag:s8], $0x2800  }
0x40e: {  	[sflag:s8] =	ssyncset.done $0x0  }
0x40f: {  	s9 =	simm.s32 $0xA80;
	[sflag:s8] =	ssyncadd.s32 $0xFFFFD800  }
0x410: {  	[tilespmem:s11], [sflag:$0x1] =	stream.indirect.gather [hbm4b:s4+s10], $0x80, s9, s10, $0xb8;
	[tilespmem:$0x1D800] =	vst v63  }
0x411: {  	_ =	swait.ge [sflag:s18], $0x2800  }
0x412: {  	[sflag:s18] =	ssyncset.done $0x0  }
0x413: {  	s12 =	simm.s32 $0x1980;
	[sflag:s18] =	ssyncadd.s32 $0xFFFFD800  }
0x414: {  	[spmem:s2] =	stream.indirect.scatter.add.f32 [tilespmem:s13], [sflag:$0x4], $0x80, s12, s10, $0xb8;
	[tilespmem:$0x1D800] =	vst v63  }
0x415: {  	_ =	swait.ge [sflag:s8], $0x2800  }
0x416: {  	[sflag:s8] =	ssyncset.done $0x0  }
0x417: {  	s14 =	simm.s32 $0xB00;
	[sflag:s8] =	ssyncadd.s32 $0xFFFFD800  }
0x418: {  	[tilespmem:s13], [sflag:$0x2] =	stream.indirect.gather [hbm4b:s4+s10], $0x80, s14, s10, $0xb8;
	[tilespmem:$0x1D800] =	vst v63  }
0x419: {  	_ =	swait.ge [sflag:s21], $0x2800  }
0x41a: {  	[sflag:s21] =	ssyncset.done $0x0  }
0x41b: {  	s17 =	simm.s32 $0x1A00;
	[sflag:s21] =	ssyncadd.s32 $0xFFFFD800  }
0x41c: {  	[spmem:s2] =	stream.indirect.scatter.add.f32 [tilespmem:s15], [sflag:$0x4], $0x80, s17, s10, $0xb8;
	[tilespmem:$0x1D800] =	vst v63  }
0x41d: {  	_ =	swait.ge [sflag:s8], $0x2800  }
0x41e: {  	[sflag:s8] =	ssyncset.done $0x0  }
0x41f: {  	s19 =	simm.s32 $0xB80;
	[sflag:s8] =	ssyncadd.s32 $0xFFFFD800  }
0x420: {  	[tilespmem:s15], [sflag:$0x3] =	stream.indirect.gather [hbm4b:s4+s10], $0x80, s19, s10, $0xb8;
	[tilespmem:$0x1D800] =	vst v63  }
0x421: {  	_ =	swait.ge [sflag:s16], $0x2800  }
0x422: {  	[sflag:s16] =	ssyncset.done $0x0  }
0x423: {  	s20 =	simm.s32 $0x1A80;
	[sflag:s16] =	ssyncadd.s32 $0xFFFFD800  }
0x424: {  	[spmem:s2] =	stream.indirect.scatter.add.f32 [tilespmem:s11], [sflag:$0x4], $0x80, s20, s10, $0xb8;
	[tilespmem:$0x1D800] =	vst v63  }
0x425: {  	_ =	swait.ge [sflag:s8], $0x2800  }
0x426: {  	[sflag:s8] =	ssyncset.done $0x0  }
0x427: {  	s22 =	simm.s32 $0xC00;
	[sflag:s8] =	ssyncadd.s32 $0xFFFFD800  }
0x428: {  	[tilespmem:s11], [sflag:$0x1] =	stream.indirect.gather [hbm4b:s4+s10], $0x80, s22, s10, $0xb8;
	[tilespmem:$0x1D800] =	vst v63  }
0x429: {  	_ =	swait.ge [sflag:s18], $0x2800  }
0x42a: {  	[sflag:s18] =	ssyncset.done $0x0  }
0x42b: {  	s23 =	simm.s32 $0x1B00;
	[sflag:s18] =	ssyncadd.s32 $0xFFFFD800  }
0x42c: {  	[spmem:s2] =	stream.indirect.scatter.add.f32 [tilespmem:s13], [sflag:$0x4], $0x80, s23, s10, $0xb8;
	[tilespmem:$0x1D800] =	vst v63  }
0x42d: {  	_ =	swait.ge [sflag:s8], $0x2800  }
0x42e: {  	[sflag:s8] =	ssyncset.done $0x0  }
0x42f: {  	[sflag:s8] =	ssyncadd.s32 $0xFFFFD800  }
0x430: {  	_ =	swait.ge [sflag:s21], $0x2800  }
0x431: {  	[sflag:s21] =	ssyncset.done $0x0  }
0x432: {  	s24 =	simm.s32 $0x1B80;
	[sflag:s21] =	ssyncadd.s32 $0xFFFFD800  }
0x433: {  	[spmem:s2] =	stream.indirect.scatter.add.f32 [tilespmem:s15], [sflag:$0x4], $0x80, s24, s10, $0xb8;
	[tilespmem:$0x1D800] =	vst v63  }
0x434: {  	_ =	swait.ge [sflag:s8], $0x2800  }
0x435: {  	[sflag:s8] =	ssyncset.done $0x0  }
0x436: {  	[sflag:s8] =	ssyncadd.s32 $0xFFFFD800  }
0x437: {  	_ =	swait.ge [sflag:s16], $0x2800  }
0x438: {  	[sflag:s16] =	ssyncset.done $0x0  }
0x439: {  	s25 =	simm.s32 $0x1C00;
	[sflag:s16] =	ssyncadd.s32 $0xFFFFD800  }
0x43a: {  	[spmem:s2] =	stream.indirect.scatter.add.f32 [tilespmem:s11], [sflag:$0x4], $0x80, s25, s10, $0xb8;
	[tilespmem:$0x1D800] =	vst v63  }
0x43b: {  	_ =	swait.ge [sflag:s8], $0x2800  }
0x43c: {  	[sflag:s8] =	ssyncset.done $0x0  }
0x43d: {  	[sflag:s8] =	ssyncadd.s32 $0xFFFFD800  }
0x43e: {  	[bflag:$0x0] =	sbarrier.arrive $0xFFFF  }
0x43f: {  	s5 =	sadd.s32 $0xFFFFFFFF, s5;
	s26 =	rddreg [dreg:$0xd]  }
0x440: {  	p0 =	sne.s32 s5, $0x0;
	s29 =	rddreg [dreg:$0x10]  }
.Ltmp0:
0x441: {  	s31 =	rddreg [dreg:$0xf];
	(pc) =	sbr.rel @p0 .LBB2_1-.Ltmp0, $4  }
0x442: {  	[hbm:s26], [sflag:s31] =	dma.local [spmem:s29], $0x2800  }
0x443: {  	_ =	swait.ge [sflag:s8], $0x2800  }
0x444: {  	[sflag:s8] =	ssyncset.done $0x0  }
0x445: {  	[sflag:s8] =	ssyncadd.s32 $0xFFFFD800  }
0x446: {  	_ =	sfence.sel $0x180000  }
0x447: {  	[bflag:$0x0] =	sbarrier.arrive $0xFFFF  }
0x448: {  	_ =	strace $0x9000004A  }
0x449: {  	s0 =	stileid.u32;
	[bflag:$0x2] =	sbarrier.arrive $0xFFFF  }
0x44a: {  	p0 =	sne.s32 s0, $0x0;
	s0 =	rddreg [dreg:$0x2]  }
0x44b: {  	s0 =	sadd.s32 @!p0 $0x100000, s0  }
0x44c: {  	[sflag:s0] =	ssyncadd.tile.s32 @!p0 $0x1;
	_ =	shalt  }
.Lfunc_end2:
_tile_overlayer_lowered:
.L_overlay_start_2:
0x44d: {  	(tag) =	ssettag $0x2  }
0x44e: {  	s0 =	rddreg [dreg:$0x0];
	s2 =	stileid.u32  }
0x44f: {  	s1 =	rddreg [dreg:$0x1];
	p0 =	sne.s32 s2, $0x0  }
0x450: {  	s3 =	rddreg [dreg:$0x2];
	[bflag:$0x3] =	sbarrier.arrive $0xFFFF;
	s2 =	simm.s32 @!p0 $0x1C04  }
0x451: {  	[timem:s3], [sflag:s2] =	dma.local @!p0 [hbm:s0], s1  }
0x452: {  	s0 =	simm.s32 @!p0 $0x4  }
0x453: {  	_ =	swait.ge @!p0 [sflag:s0], s1  }
0x454: {  	s1 =	ssub.s32 @!p0 $0x0, s1;
	[sflag:s0] =	ssyncset.done @!p0 $0x0  }
0x455: {  	[sflag:s0] =	ssyncadd.s32 @!p0 s1  }
0x456: {  	[bflag:$0x3] =	sbarrier.arrive $0xFFFF  }
0x457: {  	_ =	shalt  }

// kernel: kernel.14.cloned.1.call-start
scs
__scs_entry_jumppad:
0x0: {  	(pc) =	sbr.rel $0x88, $3  }
0x1: {  	(tag) =	ssettag $0x0;
	lr =	simm.s32 $0x1  }
0x2: {  	[smem:$0x3F9B] =	sst lr;
	_ =	strace $0xD0000000  }
0x3: {  	_ = 	snop  }
0x4: {  	_ = 	snop  }
0x5: {  	_ = 	snop  }
0x6: {  	_ = 	snop  }
0x7: {  	_ = 	snop  }
__scs_overlays_trampoline_lowered:
0x8: {  	[smem:$0x3FAA] =	sst s0  }
0x9: {  	[smem:$0x3FAB] =	sst s1  }
0xa: {  	[smem:$0x3FAC] =	sst s2  }
0xb: {  	[smem:$0x3FAD] =	sst s3  }
0xc: {  	[smem:$0x3FAE] =	sst s4  }
0xd: {  	[smem:$0x3FAF] =	sst s5  }
0xe: {  	[smem:$0x3FB0] =	sst s6  }
0xf: {  	[smem:$0x3FB1] =	sst s7  }
0x10: {  	[smem:$0x3FB2] =	sst s8  }
0x11: {  	[smem:$0x3FB3] =	sst s9;
	s0 =	simm.s32 @!p0 $0x0  }
0x12: {  	s1 =	sld [smem:$0x3F99];
	s0 =	simm.s32 @p0 $0x1  }
0x13: {  	[smem:$0x3FB4] =	sst s0;
	s0 =	simm.s32 @!p1 $0x0  }
0x14: {  	s2 =	sld [smem:$0x3F98];
	s0 =	simm.s32 @p1 $0x1  }
0x15: {  	[smem:$0x3FB5] =	sst s0;
	s0 =	simm.s32 @!p2 $0x0  }
0x16: {  	s3 =	sld [smem:$0x3FDB];
	s0 =	simm.s32 @p2 $0x1  }
0x17: {  	s4 =	simm.s32 $0x1BF5;
	[smem:$0x3FB7] =	sst s0  }
0x18: {  	s0 =	sld [smem:$0x3F9A];
	_ =	swait.ge [sflag:s4], $0x0  }
0x19: {  	s7 =	sld [smem:$0x3F9B]  }
0x1a: {  	s8 =	sadd.s32 $0xFFFFE003, lr  }
0x1b: {  	s9 =	sadd.s32 $0xFFFFFEF7, lr;
	s5 =	simm.s32 $0xFFFFFFFF;
	p2 =	slt.u32 s8, $0xFFFFF086  }
0x1c: {  	p1 =	slt.u32 s9, $0xF7A;
	s5 =	simm.s32 @!p2 $0x0  }
0x1d: {  	s5 =	simm.s32 @p1 $0x1;
	p0 =	seq.s32 s7, s2  }
0x1e: {  	s7 =	smul.u32 @!p0 $0xF7A, s2;
	p2 =	seq.s32 @!p0 s5, $0x0  }
0x1f: {  	s9 =	smul.u32 $0xF7A, s1;
	s8 =	simm.s32 @!p0 $0x1BF5;
	p2 =	por !p2, p0  }
0x20: {  	[sflag:s8] =	ssyncset.s32 @!p0 $0xFFFFF086;
	s6 =	sadd.s32 @!p0 s3, s7;
	s7 =	simm.s32 @!p0 $0x108  }
0x21: {  	s3 =	sadd.s32 s3, s9;
	s6 =	sadd.s32 @!p0 $0x88, s6;
	s7 =	simm.s32 @p2 $0x1082  }
0x22: {  	[simem:s7], [sflag:s8] =	dma.local @!p0 [hbm:s6], $0xF7A  }
0x23: {  	s9 =	sor.u32 $0xD0000000, s2;
	s6 =	simm.s32 $0x108;
	_ =	swait.ge @!p0 [sflag:s8], $0x0  }
0x24: {  	s3 =	sadd.s32 $0x88, s3;
	s6 =	simm.s32 @!p1 $0x1082;
	[sflag:s4] =	ssyncset.s32 $0xFFFFF086  }
0x25: {  	[simem:s6], [sflag:s4] =	dma.local [hbm:s3], $0xF7A  }
0x26: {  	[smem:$0x3F9B] =	sst s1;
	(tag) =	ssettag s2;
	_ =	strace s9  }
0x27: {  	s1 =	sld [smem:$0x3FAB]  }
0x28: {  	s2 =	sld [smem:$0x3FAC]  }
0x29: {  	s4 =	sld [smem:$0x3FAE]  }
0x2a: {  	p0 =	seq.s32 s5, $0x0;
	s5 =	sld [smem:$0x3FAF]  }
0x2b: {  	s6 =	sld [smem:$0x3FB0]  }
0x2c: {  	s7 =	sld [smem:$0x3FB1]  }
0x2d: {  	s3 =	simm.s32 $0x108;
	s8 =	sld [smem:$0x3FB2]  }
0x2e: {  	s3 =	simm.s32 @!p0 $0x1082;
	s9 =	sld [smem:$0x3FB3]  }
0x2f: {  	lr =	sadd.s32 s0, s3;
	s0 =	sld [smem:$0x3FAA]  }
0x30: {  	s3 =	sld [smem:$0x3FAD]  }
0x31: {  	[smem:$0x3FB6] =	sst s10  }
0x32: {  	s10 =	sld [smem:$0x3FB4];
	_ =	sdelay $0x3  }
0x33: {  	p0 =	seq.s32 s10, $0x1;
	s10 =	sld [smem:$0x3FB6];
	_ =	sdelay $0x3  }
0x34: {  	[smem:$0x3FB6] =	sst s10  }
0x35: {  	s10 =	sld [smem:$0x3FB5];
	_ =	sdelay $0x3  }
0x36: {  	p1 =	seq.s32 s10, $0x1;
	s10 =	sld [smem:$0x3FB6];
	_ =	sdelay $0x3  }
0x37: {  	[smem:$0x3FB6] =	sst s10  }
0x38: {  	s10 =	sld [smem:$0x3FB7]  }
0x39: {  	_ = 	snop;
	(pc) =	sbr.ind lr, $3  }
0x3a: {  	_ = 	snop  }
0x3b: {  	_ = 	snop  }
0x3c: {  	p2 =	seq.s32 s10, $0x1;
	s10 =	sld [smem:$0x3FB6]  }
0x3d: {  	_ =	shalt  }
0x3e: {  	_ =	shalt  }
0x3f: {  	_ =	shalt  }
0x40: {  	_ =	shalt  }
0x41: {  	_ =	shalt  }
0x42: {  	_ =	shalt  }
0x43: {  	_ =	shalt  }
0x44: {  	_ =	shalt  }
0x45: {  	_ =	shalt  }
0x46: {  	_ =	shalt  }
0x47: {  	_ =	shalt  }
0x48: {  	_ =	shalt  }
0x49: {  	_ =	shalt  }
0x4a: {  	_ =	shalt  }
0x4b: {  	_ =	shalt  }
0x4c: {  	_ =	shalt  }
0x4d: {  	_ =	shalt  }
0x4e: {  	_ =	shalt  }
0x4f: {  	_ =	shalt  }
0x50: {  	_ =	shalt  }
0x51: {  	_ =	shalt  }
0x52: {  	_ =	shalt  }
0x53: {  	_ =	shalt  }
0x54: {  	_ =	shalt  }
0x55: {  	_ =	shalt  }
0x56: {  	_ =	shalt  }
0x57: {  	_ =	shalt  }
0x58: {  	_ =	shalt  }
0x59: {  	_ =	shalt  }
0x5a: {  	_ =	shalt  }
0x5b: {  	_ =	shalt  }
0x5c: {  	_ =	shalt  }
0x5d: {  	_ =	shalt  }
0x5e: {  	_ =	shalt  }
0x5f: {  	_ =	shalt  }
0x60: {  	_ =	shalt  }
0x61: {  	_ =	shalt  }
0x62: {  	_ =	shalt  }
0x63: {  	_ =	shalt  }
0x64: {  	_ =	shalt  }
0x65: {  	_ =	shalt  }
0x66: {  	_ =	shalt  }
0x67: {  	_ =	shalt  }
0x68: {  	_ =	shalt  }
0x69: {  	_ =	shalt  }
0x6a: {  	_ =	shalt  }
0x6b: {  	_ =	shalt  }
0x6c: {  	_ =	shalt  }
0x6d: {  	_ =	shalt  }
0x6e: {  	_ =	shalt  }
0x6f: {  	_ =	shalt  }
0x70: {  	_ =	shalt  }
0x71: {  	_ =	shalt  }
0x72: {  	_ =	shalt  }
0x73: {  	_ =	shalt  }
0x74: {  	_ =	shalt  }
0x75: {  	_ =	shalt  }
0x76: {  	_ =	shalt  }
0x77: {  	_ =	shalt  }
0x78: {  	_ =	shalt  }
0x79: {  	_ =	shalt  }
0x7a: {  	_ =	shalt  }
0x7b: {  	_ =	shalt  }
0x7c: {  	_ =	shalt  }
0x7d: {  	_ =	shalt  }
0x7e: {  	_ =	shalt  }
0x7f: {  	_ =	shalt  }
0x80: {  	_ =	shalt  }
0x81: {  	_ =	shalt  }
0x82: {  	_ =	shalt  }
0x83: {  	_ =	shalt  }
0x84: {  	_ =	shalt  }
0x85: {  	_ =	shalt  }
0x86: {  	_ =	shalt  }
0x87: {  	_ =	shalt  }
.Lfunc_end0:
.L_simem_size_0:
called_computation.2_lowered:
.L_overlay_start_0:
0x88: {  	s2 =	sld [smem:$0x3FD9]  }
0x89: {  	s3 =	sld [smem:$0x3FFE];
	_ =	sdelay $0x1  }
0x8a: {  	s1 =	srdreg.scid  }
0x8b: {  	s0 =	sand.u32 $0x1, s1  }
0x8c: {  	s16 =	sshll.u32 s0, $0xA;
	s2 =	sadd.s32 s3, s2  }
0x8d: {  	s2 =	sadd.s32 s2, s16  }
0x8e: {  	[smem:$0x3FC2] =	sst s2  }
0x8f: {  	_ = 	snop  }
0x90: {  	(tm) =	ssettm $0x1  }
0x91: {  	s17 =	sld [smem:$0x3FFB];
	_ =	sdelay $0x3  }
0x92: {  	_ =	strace s17  }
0x93: {  	s2 =	sld [smem:$0x3FFC];
	_ =	sdelay $0x3  }
0x94: {  	_ =	strace s2  }
0x95: {  	s2 =	sld [smem:$0x3FFD];
	_ =	sdelay $0x3  }
0x96: {  	_ =	strace s2  }
0x97: {  	_ =	strace $0x8FFFFFFF  }
0x98: {  	s18 =	sld [smem:$0x3FDB];
	_ =	sdelay $0x1  }
0x99: {  	s19 =	simm.s32 $_scs_section_size  }
0x9a: {  	s4 =	simm.s32 $_size__tile_overlayer_lowered;
	s5 =	simm.s32 $_tile_overlayer_lowered  }
0x9b: {  	s22 =	simm.s32 $0x1BFF;
	s21 =	sshll.u32 s5, $0x1;
	s2 =	sadd.s32 s19, s18  }
0x9c: {  	s6 =	simm.s32 $0x0;
	s20 =	sshll.u32 s4, $0x1;
	s4 =	sadd.s32 s21, s2  }
0x9d: {  	[timem:s6], [sflag:s22] =	dma.local [hbm:s4], s20  }
0x9e: {  	_ =	swait.ge [sflag:s22], s20  }
0x9f: {  	s3 =	ssub.s32 $0x0, s20;
	[sflag:s22] =	ssyncset.done $0x0  }
0xa0: {  	[sflag:s22] =	ssyncadd.s32 s3;
	_ =	sdelay $0x1  }
0xa1: {  	s23 =	simm.s32 $0x1B8B  }
0xa2: {  	_ =	swait.ge [sflag:s23], $0x1  }
0xa3: {  	[sflag:s23] =	ssyncset.done $0x0  }
0xa4: {  	s25 =	simm.s32 $0x1B8E;
	s24 =	sld [smem:$0x3FFE];
	[sflag:s23] =	ssyncadd.s32 $0xFFFFFFFF  }
0xa5: {  	s26 =	simm.s32 $execute0_lowered;
	[smem:$0x3FD2] =	sst s25  }
0xa6: {  	s4 =	sshll.u32 s26, $0x1;
	_ =	strace $0x8000004C;
	[dreg:$0x1] =	wrdreg $0xFFFFFFFF  }
0xa7: {  	s28 =	simm.s32 $_size_execute0_lowered;
	s2 =	sadd.s32 s2, s4;
	[dreg:$0x0] =	wrdreg $0x0  }
0xa8: {  	s4 =	sshll.u32 s28, $0x1;
	[dreg:$0x2] =	wrdreg s2  }
0xa9: {  	[dreg:$0x3] =	wrdreg s4  }
0xaa: {  	[dreg:$0x4] =	wrdreg $0xC0  }
0xab: {  	_ =	task [dreg:s6], $0x5FFFF  }
0xac: {  	[dreg:$0x1] =	wrdreg $0xFFFFFFFF  }
0xad: {  	[dreg:$0x0] =	wrdreg $0x60  }
0xae: {  	[dreg:$0x2] =	wrdreg s24  }
0xaf: {  	[dreg:$0x3] =	wrdreg $0x9  }
0xb0: {  	_ =	task.clear_ibuf [dreg:s6], $0x4FFFF;
	_ =	strace $0x9000004C  }
0xb1: {  	s29 =	simm.s32 $0x9;
	_ =	strace $0x8000004E  }
0xb2: {  	_ =	swait.ge [sflag:s29], $0x1  }
0xb3: {  	[sflag:s29] =	ssyncadd.s32 $0xFFFFFFFF  }
0xb4: {  	_ =	strace $0x9000004E  }
0xb5: {  	_ =	sfence  }
0xb6: {  	s30 =	sld [smem:$0x0];
	_ =	sdelay $0x2  }
0xb7: {  	s31 =	sshll.u32 s1, $0xD;
	s1 =	sshrl.u32 s1, $0x2  }
0xb8: {  	s3 =	sand.u32 $0x4000, s31;
	s1 =	sadd.s32 s1, s30  }
0xb9: {  	s0 =	sor.u32 s3, s0;
	s1 =	sshll.u32 s1, $0x11  }
0xba: {  	s0 =	sor.u32 s1, s0  }
0xbb: {  	s0 =	sadd.s32 $0x8F2B, s0  }
0xbc: {  	[sflag:s0] =	ssyncadd.remote.s32 $0x1  }
0xbd: {  	_ =	sfence.sel $0xFFFF  }
0xbe: {  	[dreg:$0x0] =	wrdreg $0xFFFFFFFF;
	(pc) =	sbr.abs _section_cstart, $3  }
0xbf: {  	[dreg:$0x1] =	wrdreg $0xFFFFFFFF  }
0xc0: {  	_ =	task.clear_ibuf [dreg:s6], $0x2FFFF;
	_ =	strace $0x9FFFFFFF  }
0xc1: {  	(tm) =	ssettm $0x7FFFFFFF  }
tec
execute0_lowered:
.L_overlay_start_1:
0x0: {  	(tag) =	ssettag $0x1  }
0x1: {  	s1 =	srdreg.scid;
	s0 =	stileid.u32  }
0x2: {  	s5 =	rddreg [dreg:$0x0];
	s11 =	simm.s32 $0x8000;
	s12 =	simm.s32 $0x4000  }
0x3: {  	s13 =	simm.s32 $0x80;
	s14 =	simm.s32 $0x400;
	s15 =	simm.s32 $0x0  }
0x4: {  	s4 =	sand.u32 $0x1, s1;
	s2 =	sshll.u32 s0, $0x1;
	s1 =	rddreg [dreg:$0x1]  }
0x5: {  	s6 =	sshrl.u32 s0, $0x2;
	s3 =	sor.u32 s4, s2;
	s2 =	simm.s32 $0x0  }
0x6: {  	s6 =	smul.u32 $0x14000, s6;
	s30 =	ssub.s32 $0x2, s4;
	s7 =	sshll.u32 s3, $0x7  }
0x7: {  	s4 =	sadd.s32 $0x11600, s5;
	[smem:$0x7FF] =	sst s2;
	s7 =	sand.u32 $0x380, s7  }
0x8: {  	s3 =	sshll.u32 s3, $0xB;
	s31 =	sshrl.u32 s30, $0x1;
	s6 =	sor.u32 s6, s7  }
0x9: {  	_ =	strace $0x8000004D;
	s8 =	sadd.s32 s3, s5;
	s6 =	sshrl.u32 s6, $0x3  }
0xa: {  	s3 =	sadd.s32 $0x11C00, s5;
	s10 =	ssub.s32 s30, s31;
	s9 =	sadd.s32 s6, s5  }
0xb: {  	s5 =	sadd.s32 $0xBBC00, s8;
	s6 =	sadd.s32 $0x1600, s8;
	s8 =	smax.u32 s10, $0x1  }
0xc: {  	s10 =	simm.s32 $0x1;
	s7 =	sadd.s32 $0x12200, s9;
	s9 =	simm.s32 $0xA800  }
.LBB2_1:
0xd: {  	[tilespmem:s9], [sflag:$0x1] =	stream.linear.gather [hbm4b:s4+s2], $0x2800, $0x38;
	[tilespmem:$0xD000] =	vst v63  }
0xe: {  	_ =	swait.ge [sflag:s10], $0x2800  }
0xf: {  	[sflag:s10] =	ssyncset.done $0x0  }
0x10: {  	[sflag:s10] =	ssyncadd.s32 $0xFFFFD800  }
0x11: {  	[tilespmem:s11], [sflag:$0x1] =	stream.linear.gather [hbm4b:s3+s2], $0x2800, $0x38;
	[tilespmem:$0xD000] =	vst v63  }
0x12: {  	_ =	swait.ge [sflag:s10], $0x2800  }
0x13: {  	[sflag:s10] =	ssyncset.done $0x0  }
0x14: {  	[sflag:s10] =	ssyncadd.s32 $0xFFFFD800  }
0x15: {  	[tilespmem:s2], [sflag:$0x1] =	stream.linear.gather [hbm4b:s5+s2], $0x3E80, $0x38;
	[tilespmem:$0xD000] =	vst v63  }
0x16: {  	_ =	swait.ge [sflag:s10], $0x3E80  }
0x17: {  	[sflag:s10] =	ssyncset.done $0x0  }
0x18: {  	[sflag:s10] =	ssyncadd.s32 $0xFFFFC180  }
0x19: {  	[tilespmem:s12], [sflag:$0x1] =	stream.linear.gather [hbm4b:s6+s2], $0x3E80, $0x38;
	[tilespmem:$0xD000] =	vst v63  }
0x1a: {  	_ =	swait.ge [sflag:s10], $0x3E80  }
0x1b: {  	[sflag:s10] =	ssyncset.done $0x0  }
0x1c: {  	s16 =	simm.s32 $0x0;
	[sflag:s10] =	ssyncadd.s32 $0xFFFFC180  }
.LBB2_2:
0x1d: {  	s17 =	sshra.s32 s16, $0x2  }
0x1e: {  	v0 =	vld [tilespmem:s17+$0x0];
	_ =	sdelay $0x4  }
0x1f: {  	v1 =	vld [tilespmem:s17+$0x4000];
	_ =	sdelay $0x2  }
0x20: {  	v0 =	vld.idx.msk [tilespmem:v0+s11+$0x0], $0xffff;
	_ =	sdelay $0x4  }
0x21: {  	[tilespmem:v1+s9+$0x0] =	vst.idx.add.f32.msk $0xffff, v0  }
0x22: {  	v0 =	vld [tilespmem:s17+$0x10];
	_ =	sdelay $0x4  }
0x23: {  	v1 =	vld [tilespmem:s17+$0x4010];
	_ =	sdelay $0x2  }
0x24: {  	v0 =	vld.idx.msk [tilespmem:v0+s11+$0x0], $0xffff;
	_ =	sdelay $0x4  }
0x25: {  	[tilespmem:v1+s9+$0x0] =	vst.idx.add.f32.msk $0xffff, v0  }
0x26: {  	v0 =	vld [tilespmem:s17+$0x20];
	_ =	sdelay $0x4  }
0x27: {  	v1 =	vld [tilespmem:s17+$0x4020];
	_ =	sdelay $0x2  }
0x28: {  	v0 =	vld.idx.msk [tilespmem:v0+s11+$0x0], $0xffff;
	_ =	sdelay $0x4  }
0x29: {  	[tilespmem:v1+s9+$0x0] =	vst.idx.add.f32.msk $0xffff, v0  }
0x2a: {  	v0 =	vld [tilespmem:s17+$0x30];
	_ =	sdelay $0x4  }
0x2b: {  	v1 =	vld [tilespmem:s17+$0x4030];
	_ =	sdelay $0x2  }
0x2c: {  	v0 =	vld.idx.msk [tilespmem:v0+s11+$0x0], $0xffff;
	_ =	sdelay $0x4  }
0x2d: {  	[tilespmem:v1+s9+$0x0] =	vst.idx.add.f32.msk $0xffff, v0  }
0x2e: {  	v0 =	vld [tilespmem:s17+$0x40];
	_ =	sdelay $0x4  }
0x2f: {  	v1 =	vld [tilespmem:s17+$0x4040];
	_ =	sdelay $0x2  }
0x30: {  	p0 =	sne.s32 s16, $0xF800;
	v0 =	vld.idx.msk [tilespmem:v0+s11+$0x0], $0xffff  }
.Ltmp0:
0x31: {  	_ = 	snop;
	(pc) =	sbr.rel @p0 .LBB2_2-.Ltmp0, $2  }
0x32: {  	_ =	sdelay $0x2  }
0x33: {  	s16 =	sadd.s32 $0x200, s16;
	[tilespmem:v1+s9+$0x0] =	vst.idx.add.f32.msk $0xffff, v0  }
0x34: {  	s15 =	sadd.s32 $0x1, s15  }
0x35: {  	p0 =	sne.s32 s15, s8  }
.Ltmp1:
0x36: {  	_ = 	snop;
	(pc) =	sbr.rel @p0 .LBB2_1-.Ltmp1, $4  }
0x37: {  	[hbm4b:s7+s13] =	stream.strided.scatter [tilespmem:s9], [sflag:$0x1], $0x2800, s14, s13, $0x38;
	[tilespmem:$0xD000] =	vst v63  }
0x38: {  	_ =	swait.ge [sflag:s10], $0x2800  }
0x39: {  	[sflag:s10] =	ssyncset.done $0x0  }
0x3a: {  	[sflag:s10] =	ssyncadd.s32 $0xFFFFD800  }
0x3b: {  	_ =	sfence.sel $0x180000  }
0x3c: {  	[bflag:$0x0] =	sbarrier.arrive $0xFFFF  }
0x3d: {  	p0 =	sne.s32 s0, $0x0;
	_ =	strace $0x9000004D  }
0x3e: {  	s0 =	sadd.s32 @!p0 $0x100000, s1;
	[bflag:$0x2] =	sbarrier.arrive $0xFFFF  }
0x3f: {  	[sflag:s0] =	ssyncadd.tile.s32 @!p0 $0x1;
	_ =	shalt  }
.Lfunc_end2:
_tile_overlayer_lowered:
.L_overlay_start_2:
0x40: {  	(tag) =	ssettag $0x2  }
0x41: {  	s0 =	rddreg [dreg:$0x0];
	s2 =	stileid.u32  }
0x42: {  	s1 =	rddreg [dreg:$0x1];
	p0 =	sne.s32 s2, $0x0  }
0x43: {  	s3 =	rddreg [dreg:$0x2];
	[bflag:$0x3] =	sbarrier.arrive $0xFFFF;
	s2 =	simm.s32 @!p0 $0x1C01  }
0x44: {  	[timem:s3], [sflag:s2] =	dma.local @!p0 [hbm:s0], s1  }
0x45: {  	s0 =	simm.s32 @!p0 $0x1  }
0x46: {  	_ =	swait.ge @!p0 [sflag:s0], s1  }
0x47: {  	s1 =	ssub.s32 @!p0 $0x0, s1;
	[sflag:s0] =	ssyncset.done @!p0 $0x0  }
0x48: {  	[sflag:s0] =	ssyncadd.s32 @!p0 s1  }
0x49: {  	[bflag:$0x3] =	sbarrier.arrive $0xFFFF  }
0x4a: {  	_ =	shalt  }

// kernel: kernel.8.cloned.1.call-start
scs
__scs_entry_jumppad:
0x0: {  	(pc) =	sbr.rel $0x88, $3  }
0x1: {  	(tag) =	ssettag $0x0;
	lr =	simm.s32 $0x1  }
0x2: {  	[smem:$0x3F9B] =	sst lr;
	_ =	strace $0xD0000000  }
0x3: {  	_ = 	snop  }
0x4: {  	_ = 	snop  }
0x5: {  	_ = 	snop  }
0x6: {  	_ = 	snop  }
0x7: {  	_ = 	snop  }
__scs_overlays_trampoline_lowered:
0x8: {  	[smem:$0x3FAA] =	sst s0  }
0x9: {  	[smem:$0x3FAB] =	sst s1  }
0xa: {  	[smem:$0x3FAC] =	sst s2  }
0xb: {  	[smem:$0x3FAD] =	sst s3  }
0xc: {  	[smem:$0x3FAE] =	sst s4  }
0xd: {  	[smem:$0x3FAF] =	sst s5  }
0xe: {  	[smem:$0x3FB0] =	sst s6  }
0xf: {  	[smem:$0x3FB1] =	sst s7  }
0x10: {  	[smem:$0x3FB2] =	sst s8  }
0x11: {  	[smem:$0x3FB3] =	sst s9;
	s0 =	simm.s32 @!p0 $0x0  }
0x12: {  	s1 =	sld [smem:$0x3F99];
	s0 =	simm.s32 @p0 $0x1  }
0x13: {  	[smem:$0x3FB4] =	sst s0;
	s0 =	simm.s32 @!p1 $0x0  }
0x14: {  	s2 =	sld [smem:$0x3F98];
	s0 =	simm.s32 @p1 $0x1  }
0x15: {  	[smem:$0x3FB5] =	sst s0;
	s0 =	simm.s32 @!p2 $0x0  }
0x16: {  	s3 =	sld [smem:$0x3FDB];
	s0 =	simm.s32 @p2 $0x1  }
0x17: {  	s4 =	simm.s32 $0x1BF5;
	[smem:$0x3FB7] =	sst s0  }
0x18: {  	s0 =	sld [smem:$0x3F9A];
	_ =	swait.ge [sflag:s4], $0x0  }
0x19: {  	s7 =	sld [smem:$0x3F9B]  }
0x1a: {  	s8 =	sadd.s32 $0xFFFFE003, lr  }
0x1b: {  	s9 =	sadd.s32 $0xFFFFFEF7, lr;
	s5 =	simm.s32 $0xFFFFFFFF;
	p2 =	slt.u32 s8, $0xFFFFF086  }
0x1c: {  	p1 =	slt.u32 s9, $0xF7A;
	s5 =	simm.s32 @!p2 $0x0  }
0x1d: {  	s5 =	simm.s32 @p1 $0x1;
	p0 =	seq.s32 s7, s2  }
0x1e: {  	s7 =	smul.u32 @!p0 $0xF7A, s2;
	p2 =	seq.s32 @!p0 s5, $0x0  }
0x1f: {  	s9 =	smul.u32 $0xF7A, s1;
	s8 =	simm.s32 @!p0 $0x1BF5;
	p2 =	por !p2, p0  }
0x20: {  	[sflag:s8] =	ssyncset.s32 @!p0 $0xFFFFF086;
	s6 =	sadd.s32 @!p0 s3, s7;
	s7 =	simm.s32 @!p0 $0x108  }
0x21: {  	s3 =	sadd.s32 s3, s9;
	s6 =	sadd.s32 @!p0 $0x88, s6;
	s7 =	simm.s32 @p2 $0x1082  }
0x22: {  	[simem:s7], [sflag:s8] =	dma.local @!p0 [hbm:s6], $0xF7A  }
0x23: {  	s9 =	sor.u32 $0xD0000000, s2;
	s6 =	simm.s32 $0x108;
	_ =	swait.ge @!p0 [sflag:s8], $0x0  }
0x24: {  	s3 =	sadd.s32 $0x88, s3;
	s6 =	simm.s32 @!p1 $0x1082;
	[sflag:s4] =	ssyncset.s32 $0xFFFFF086  }
0x25: {  	[simem:s6], [sflag:s4] =	dma.local [hbm:s3], $0xF7A  }
0x26: {  	[smem:$0x3F9B] =	sst s1;
	(tag) =	ssettag s2;
	_ =	strace s9  }
0x27: {  	s1 =	sld [smem:$0x3FAB]  }
0x28: {  	s2 =	sld [smem:$0x3FAC]  }
0x29: {  	s4 =	sld [smem:$0x3FAE]  }
0x2a: {  	p0 =	seq.s32 s5, $0x0;
	s5 =	sld [smem:$0x3FAF]  }
0x2b: {  	s6 =	sld [smem:$0x3FB0]  }
0x2c: {  	s7 =	sld [smem:$0x3FB1]  }
0x2d: {  	s3 =	simm.s32 $0x108;
	s8 =	sld [smem:$0x3FB2]  }
0x2e: {  	s3 =	simm.s32 @!p0 $0x1082;
	s9 =	sld [smem:$0x3FB3]  }
0x2f: {  	lr =	sadd.s32 s0, s3;
	s0 =	sld [smem:$0x3FAA]  }
0x30: {  	s3 =	sld [smem:$0x3FAD]  }
0x31: {  	[smem:$0x3FB6] =	sst s10  }
0x32: {  	s10 =	sld [smem:$0x3FB4];
	_ =	sdelay $0x3  }
0x33: {  	p0 =	seq.s32 s10, $0x1;
	s10 =	sld [smem:$0x3FB6];
	_ =	sdelay $0x3  }
0x34: {  	[smem:$0x3FB6] =	sst s10  }
0x35: {  	s10 =	sld [smem:$0x3FB5];
	_ =	sdelay $0x3  }
0x36: {  	p1 =	seq.s32 s10, $0x1;
	s10 =	sld [smem:$0x3FB6];
	_ =	sdelay $0x3  }
0x37: {  	[smem:$0x3FB6] =	sst s10  }
0x38: {  	s10 =	sld [smem:$0x3FB7]  }
0x39: {  	_ = 	snop;
	(pc) =	sbr.ind lr, $3  }
0x3a: {  	_ = 	snop  }
0x3b: {  	_ = 	snop  }
0x3c: {  	p2 =	seq.s32 s10, $0x1;
	s10 =	sld [smem:$0x3FB6]  }
0x3d: {  	_ =	shalt  }
0x3e: {  	_ =	shalt  }
0x3f: {  	_ =	shalt  }
0x40: {  	_ =	shalt  }
0x41: {  	_ =	shalt  }
0x42: {  	_ =	shalt  }
0x43: {  	_ =	shalt  }
0x44: {  	_ =	shalt  }
0x45: {  	_ =	shalt  }
0x46: {  	_ =	shalt  }
0x47: {  	_ =	shalt  }
0x48: {  	_ =	shalt  }
0x49: {  	_ =	shalt  }
0x4a: {  	_ =	shalt  }
0x4b: {  	_ =	shalt  }
0x4c: {  	_ =	shalt  }
0x4d: {  	_ =	shalt  }
0x4e: {  	_ =	shalt  }
0x4f: {  	_ =	shalt  }
0x50: {  	_ =	shalt  }
0x51: {  	_ =	shalt  }
0x52: {  	_ =	shalt  }
0x53: {  	_ =	shalt  }
0x54: {  	_ =	shalt  }
0x55: {  	_ =	shalt  }
0x56: {  	_ =	shalt  }
0x57: {  	_ =	shalt  }
0x58: {  	_ =	shalt  }
0x59: {  	_ =	shalt  }
0x5a: {  	_ =	shalt  }
0x5b: {  	_ =	shalt  }
0x5c: {  	_ =	shalt  }
0x5d: {  	_ =	shalt  }
0x5e: {  	_ =	shalt  }
0x5f: {  	_ =	shalt  }
0x60: {  	_ =	shalt  }
0x61: {  	_ =	shalt  }
0x62: {  	_ =	shalt  }
0x63: {  	_ =	shalt  }
0x64: {  	_ =	shalt  }
0x65: {  	_ =	shalt  }
0x66: {  	_ =	shalt  }
0x67: {  	_ =	shalt  }
0x68: {  	_ =	shalt  }
0x69: {  	_ =	shalt  }
0x6a: {  	_ =	shalt  }
0x6b: {  	_ =	shalt  }
0x6c: {  	_ =	shalt  }
0x6d: {  	_ =	shalt  }
0x6e: {  	_ =	shalt  }
0x6f: {  	_ =	shalt  }
0x70: {  	_ =	shalt  }
0x71: {  	_ =	shalt  }
0x72: {  	_ =	shalt  }
0x73: {  	_ =	shalt  }
0x74: {  	_ =	shalt  }
0x75: {  	_ =	shalt  }
0x76: {  	_ =	shalt  }
0x77: {  	_ =	shalt  }
0x78: {  	_ =	shalt  }
0x79: {  	_ =	shalt  }
0x7a: {  	_ =	shalt  }
0x7b: {  	_ =	shalt  }
0x7c: {  	_ =	shalt  }
0x7d: {  	_ =	shalt  }
0x7e: {  	_ =	shalt  }
0x7f: {  	_ =	shalt  }
0x80: {  	_ =	shalt  }
0x81: {  	_ =	shalt  }
0x82: {  	_ =	shalt  }
0x83: {  	_ =	shalt  }
0x84: {  	_ =	shalt  }
0x85: {  	_ =	shalt  }
0x86: {  	_ =	shalt  }
0x87: {  	_ =	shalt  }
.Lfunc_end0:
.L_simem_size_0:
called_computation_lowered:
.L_overlay_start_0:
0x88: {  	s2 =	sld [smem:$0x3FD9]  }
0x89: {  	s3 =	sld [smem:$0x3FFE];
	_ =	sdelay $0x1  }
0x8a: {  	s1 =	srdreg.scid  }
0x8b: {  	s0 =	sand.u32 $0x1, s1  }
0x8c: {  	s16 =	sshll.u32 s0, $0xA;
	s2 =	sadd.s32 s3, s2  }
0x8d: {  	s2 =	sadd.s32 s2, s16  }
0x8e: {  	[smem:$0x3FC2] =	sst s2  }
0x8f: {  	_ = 	snop  }
0x90: {  	(tm) =	ssettm $0x1  }
0x91: {  	s17 =	sld [smem:$0x3FFB];
	_ =	sdelay $0x3  }
0x92: {  	_ =	strace s17  }
0x93: {  	s2 =	sld [smem:$0x3FFC];
	_ =	sdelay $0x3  }
0x94: {  	_ =	strace s2  }
0x95: {  	s2 =	sld [smem:$0x3FFD];
	_ =	sdelay $0x3  }
0x96: {  	_ =	strace s2  }
0x97: {  	_ =	strace $0x8FFFFFFF  }
0x98: {  	s18 =	sld [smem:$0x3FDB];
	_ =	sdelay $0x1  }
0x99: {  	s19 =	simm.s32 $_scs_section_size  }
0x9a: {  	s4 =	simm.s32 $_size__tile_overlayer_lowered;
	s5 =	simm.s32 $_tile_overlayer_lowered  }
0x9b: {  	s22 =	simm.s32 $0x1BFF;
	s21 =	sshll.u32 s5, $0x1;
	s2 =	sadd.s32 s19, s18  }
0x9c: {  	s6 =	simm.s32 $0x0;
	s20 =	sshll.u32 s4, $0x1;
	s4 =	sadd.s32 s21, s2  }
0x9d: {  	[timem:s6], [sflag:s22] =	dma.local [hbm:s4], s20  }
0x9e: {  	_ =	swait.ge [sflag:s22], s20  }
0x9f: {  	s3 =	ssub.s32 $0x0, s20;
	[sflag:s22] =	ssyncset.done $0x0  }
0xa0: {  	[sflag:s22] =	ssyncadd.s32 s3;
	_ =	sdelay $0x1  }
0xa1: {  	s23 =	simm.s32 $0x1B8B  }
0xa2: {  	_ =	swait.ge [sflag:s23], $0x1  }
0xa3: {  	[sflag:s23] =	ssyncset.done $0x0  }
0xa4: {  	s25 =	simm.s32 $0x1B8E;
	s24 =	sld [smem:$0x3FFE];
	[sflag:s23] =	ssyncadd.s32 $0xFFFFFFFF  }
0xa5: {  	s26 =	simm.s32 $execute0_lowered;
	[smem:$0x3FD2] =	sst s25  }
0xa6: {  	s4 =	sshll.u32 s26, $0x1;
	_ =	strace $0x80000046;
	[dreg:$0x1] =	wrdreg $0xFFFFFFFF  }
0xa7: {  	s28 =	simm.s32 $_size_execute0_lowered;
	s2 =	sadd.s32 s2, s4;
	[dreg:$0x0] =	wrdreg $0x0  }
0xa8: {  	s4 =	sshll.u32 s28, $0x1;
	[dreg:$0x2] =	wrdreg s2  }
0xa9: {  	[dreg:$0x3] =	wrdreg s4  }
0xaa: {  	[dreg:$0x4] =	wrdreg $0xC0  }
0xab: {  	_ =	task [dreg:s6], $0x5FFFF  }
0xac: {  	[dreg:$0x1] =	wrdreg $0xFFFFFFFF  }
0xad: {  	[dreg:$0x0] =	wrdreg $0x60  }
0xae: {  	[dreg:$0x2] =	wrdreg s24  }
0xaf: {  	[dreg:$0x3] =	wrdreg $0x9  }
0xb0: {  	_ =	task.clear_ibuf [dreg:s6], $0x4FFFF;
	_ =	strace $0x90000046  }
0xb1: {  	s29 =	simm.s32 $0x9;
	_ =	strace $0x80000048  }
0xb2: {  	_ =	swait.ge [sflag:s29], $0x1  }
0xb3: {  	[sflag:s29] =	ssyncadd.s32 $0xFFFFFFFF  }
0xb4: {  	_ =	strace $0x90000048  }
0xb5: {  	_ =	sfence  }
0xb6: {  	s30 =	sld [smem:$0x0];
	_ =	sdelay $0x2  }
0xb7: {  	s31 =	sshll.u32 s1, $0xD;
	s1 =	sshrl.u32 s1, $0x2  }
0xb8: {  	s3 =	sand.u32 $0x4000, s31;
	s1 =	sadd.s32 s1, s30  }
0xb9: {  	s0 =	sor.u32 s3, s0;
	s1 =	sshll.u32 s1, $0x11  }
0xba: {  	s0 =	sor.u32 s1, s0  }
0xbb: {  	s0 =	sadd.s32 $0x8F2B, s0  }
0xbc: {  	[sflag:s0] =	ssyncadd.remote.s32 $0x1  }
0xbd: {  	_ =	sfence.sel $0xFFFF  }
0xbe: {  	[dreg:$0x0] =	wrdreg $0xFFFFFFFF;
	(pc) =	sbr.abs _section_cstart, $3  }
0xbf: {  	[dreg:$0x1] =	wrdreg $0xFFFFFFFF  }
0xc0: {  	_ =	task.clear_ibuf [dreg:s6], $0x2FFFF;
	_ =	strace $0x9FFFFFFF  }
0xc1: {  	(tm) =	ssettm $0x7FFFFFFF  }
tec
execute0_lowered:
.L_overlay_start_1:
0x0: {  	(tag) =	ssettag $0x1  }
0x1: {  	s1 =	srdreg.scid  }
0x2: {  	s0 =	stileid.u32;
	s4 =	rddreg [dreg:$0x0];
	s8 =	simm.s32 $0x1  }
0x3: {  	s9 =	simm.s32 $0x80;
	s10 =	simm.s32 $0x400;
	s11 =	simm.s32 $0x0  }
0x4: {  	s3 =	sand.u32 $0x1, s1;
	s2 =	sshll.u32 s0, $0x1;
	s1 =	rddreg [dreg:$0x1]  }
0x5: {  	s6 =	sshrl.u32 s0, $0x2;
	s5 =	sor.u32 s3, s2;
	s2 =	simm.s32 $0x0  }
0x6: {  	s6 =	smul.u32 $0x14000, s6;
	s30 =	ssub.s32 $0x2, s3;
	s7 =	sshll.u32 s5, $0x7  }
0x7: {  	s3 =	sadd.s32 $0x11600, s4;
	[smem:$0x7FF] =	sst s2;
	s7 =	sand.u32 $0x380, s7  }
0x8: {  	s5 =	sshll.u32 s5, $0xB;
	s31 =	sshrl.u32 s30, $0x1;
	s6 =	sor.u32 s6, s7  }
0x9: {  	_ =	strace $0x80000047;
	s5 =	sadd.s32 s5, s4;
	s6 =	sshrl.u32 s6, $0x3  }
0xa: {  	s7 =	ssub.s32 s30, s31;
	s6 =	sadd.s32 s6, s4;
	s4 =	sadd.s32 $0x1600, s5  }
0xb: {  	v0 =	vimm.f32 $1.000000000e+00;
	s5 =	sadd.s32 $0x11C00, s6;
	s6 =	smax.u32 s7, $0x1;
	s7 =	simm.s32 $0x4000  }
.LBB2_1:
0xc: {  	[tilespmem:s7], [sflag:$0x1] =	stream.linear.gather [hbm4b:s3+s2], $0x2800, $0x38;
	[tilespmem:$0x6800] =	vst v63  }
0xd: {  	_ =	swait.ge [sflag:s8], $0x2800  }
0xe: {  	[sflag:s8] =	ssyncset.done $0x0  }
0xf: {  	[sflag:s8] =	ssyncadd.s32 $0xFFFFD800  }
0x10: {  	[tilespmem:s2], [sflag:$0x1] =	stream.linear.gather [hbm4b:s4+s2], $0x3E80, $0x38;
	[tilespmem:$0x6800] =	vst v63  }
0x11: {  	_ =	swait.ge [sflag:s8], $0x3E80  }
0x12: {  	[sflag:s8] =	ssyncset.done $0x0  }
0x13: {  	s12 =	simm.s32 $0x0;
	[sflag:s8] =	ssyncadd.s32 $0xFFFFC180  }
.LBB2_2:
0x14: {  	s13 =	sshra.s32 s12, $0x2  }
0x15: {  	v1 =	vld [tilespmem:s13+$0x0];
	_ =	sdelay $0x7  }
0x16: {  	[tilespmem:v1+s7+$0x0] =	vst.idx.add.f32.msk $0xffff, v0  }
0x17: {  	v1 =	vld [tilespmem:s13+$0x10];
	_ =	sdelay $0x7  }
0x18: {  	[tilespmem:v1+s7+$0x0] =	vst.idx.add.f32.msk $0xffff, v0  }
0x19: {  	v1 =	vld [tilespmem:s13+$0x20];
	_ =	sdelay $0x7  }
0x1a: {  	[tilespmem:v1+s7+$0x0] =	vst.idx.add.f32.msk $0xffff, v0  }
0x1b: {  	v1 =	vld [tilespmem:s13+$0x30];
	_ =	sdelay $0x7  }
0x1c: {  	[tilespmem:v1+s7+$0x0] =	vst.idx.add.f32.msk $0xffff, v0  }
0x1d: {  	v1 =	vld [tilespmem:s13+$0x40];
	_ =	sdelay $0x2  }
0x1e: {  	p0 =	sne.s32 s12, $0xF800  }
.Ltmp0:
0x1f: {  	_ = 	snop;
	(pc) =	sbr.rel @p0 .LBB2_2-.Ltmp0, $2  }
0x20: {  	_ =	sdelay $0x2  }
0x21: {  	s12 =	sadd.s32 $0x200, s12;
	[tilespmem:v1+s7+$0x0] =	vst.idx.add.f32.msk $0xffff, v0  }
0x22: {  	s11 =	sadd.s32 $0x1, s11  }
0x23: {  	p0 =	sne.s32 s11, s6  }
.Ltmp1:
0x24: {  	_ = 	snop;
	(pc) =	sbr.rel @p0 .LBB2_1-.Ltmp1, $4  }
0x25: {  	[hbm4b:s5+s9] =	stream.strided.scatter [tilespmem:s7], [sflag:$0x1], $0x2800, s10, s9, $0x38;
	[tilespmem:$0x6800] =	vst v63  }
0x26: {  	_ =	swait.ge [sflag:s8], $0x2800  }
0x27: {  	[sflag:s8] =	ssyncset.done $0x0  }
0x28: {  	[sflag:s8] =	ssyncadd.s32 $0xFFFFD800  }
0x29: {  	_ =	sfence.sel $0x180000  }
0x2a: {  	[bflag:$0x0] =	sbarrier.arrive $0xFFFF  }
0x2b: {  	p0 =	sne.s32 s0, $0x0;
	_ =	strace $0x90000047  }
0x2c: {  	s0 =	sadd.s32 @!p0 $0x100000, s1;
	[bflag:$0x2] =	sbarrier.arrive $0xFFFF  }
0x2d: {  	[sflag:s0] =	ssyncadd.tile.s32 @!p0 $0x1;
	_ =	shalt  }
.Lfunc_end2:
_tile_overlayer_lowered:
.L_overlay_start_2:
0x2e: {  	(tag) =	ssettag $0x2  }
0x2f: {  	s0 =	rddreg [dreg:$0x0];
	s2 =	stileid.u32  }
0x30: {  	s1 =	rddreg [dreg:$0x1];
	p0 =	sne.s32 s2, $0x0  }
0x31: {  	s3 =	rddreg [dreg:$0x2];
	[bflag:$0x3] =	sbarrier.arrive $0xFFFF;
	s2 =	simm.s32 @!p0 $0x1C01  }
0x32: {  	[timem:s3], [sflag:s2] =	dma.local @!p0 [hbm:s0], s1  }
0x33: {  	s0 =	simm.s32 @!p0 $0x1  }
0x34: {  	_ =	swait.ge @!p0 [sflag:s0], s1  }
0x35: {  	s1 =	ssub.s32 @!p0 $0x0, s1;
	[sflag:s0] =	ssyncset.done @!p0 $0x0  }
0x36: {  	[sflag:s0] =	ssyncadd.s32 @!p0 s1  }
0x37: {  	[bflag:$0x3] =	sbarrier.arrive $0xFFFF  }
0x38: {  	_ =	shalt  }

</sc_bundles>
